<compile_context>
chip_gen: v7x
topology: tpu7x:2x2x1
jax: 0.10.2.dev20260603
libtpu: 0.0.44.dev20260713+nightly
codegen_flags: <defaults>
</compile_context>

<pallas_src>
import functools

import numpy as np
import jax
import jax.numpy as jnp
from jax import lax
from jax.experimental import pallas as pl
from jax.experimental.pallas import tpu as pltpu
from jax.experimental.pallas import tpu_sc as plsc

_G = 64


def _make_sc_counts(N, E, G):
    info = plsc.get_sparse_core_info()
    NC, NS, L = info.num_cores, info.num_subcores, info.num_lanes
    assert NC == 2, NC
    assert E % (NC * NS * L) == 0, (E, NC, NS, L)
    assert G % NS == 0 and N % L == 0
    EPT = E // (NC * NS)
    NV = EPT // L
    ROWS = 8 * (-(-EPT // (128 * 8)))
    GN = G * N
    GPT = G // NS
    NP = -(-N // (NS * L)) * (NS * L)
    assert NP % 1024 == 0
    W = NP // NS
    WV = W // L
    mesh = plsc.VectorSubcoreMesh(core_axis_name="c", subcore_axis_name="s")

    DUMP = GN + N

    @functools.partial(
        pl.kernel,
        out_type=[
            jax.ShapeDtypeStruct((NC, G, NP), jnp.float32),
            jax.ShapeDtypeStruct((NC, NP), jnp.float32),
        ],
        mesh=mesh,
        compiler_params=pltpu.CompilerParams(needs_layout_passes=False),
        scratch_types=[
            pltpu.VMEM((N,), jnp.int32),
            pltpu.VMEM((EPT,), jnp.int32),
            pltpu.VMEM((EPT,), jnp.int32),
            pltpu.VMEM((ROWS, 128), jnp.int32),
            pltpu.VMEM((128,), jnp.float32),
            pltpu.VMEM((NP,), jnp.float32),
            pltpu.VMEM((NP,), jnp.float32),
            pltpu.VMEM_SHARED((GN + NP,), jnp.float32),
            pltpu.VMEM_SHARED((NS, NP), jnp.float32),
            pltpu.SemaphoreType.DMA,
            pltpu.SemaphoreType.DMA,
            pltpu.SemaphoreType.DMA,
            pltpu.SemaphoreType.DMA,
        ],
    )
    def sc_counts(edge_hbm, batch_hbm, out2_hbm, out1_hbm,
                  batch_v, src_v, dst_v, idx2_v, ones_v, row_v, c1_v,
                  acc_sh, stage_sh, sem_st, sem_sc, sem_rd, sem_wb):
        c = lax.axis_index("c")
        s = lax.axis_index("s")
        ebase = (c * NS + s) * EPT

        with jax.named_scope("stage_start"):
            h_b = pltpu.async_copy(batch_hbm, batch_v, sem_st)
            h_s = pltpu.async_copy(edge_hbm.at[pl.ds(ebase, EPT)], src_v, sem_st)
            h_d = pltpu.async_copy(edge_hbm.at[pl.ds(E + ebase, EPT)], dst_v, sem_st)

        with jax.named_scope("zero"):
            for i in range(8):
                ones_v[pl.ds(i * L, L)] = jnp.ones((L,), jnp.float32)

            def zfill(i, carry):
                row_v[pl.ds(i * L, L)] = jnp.zeros((L,), jnp.float32)
                return carry

            lax.fori_loop(0, N // L, zfill, 0)
            for r in range(GPT):
                pltpu.sync_copy(row_v.at[pl.ds(0, N)],
                                acc_sh.at[pl.ds((s * GPT + r) * N, N)])
            pltpu.sync_copy(acc_sh.at[pl.ds(s * GPT * N, NP)], c1_v)

        with jax.named_scope("stage_wait"):
            h_b.wait()
            h_s.wait()
            h_d.wait()

        with jax.named_scope("pad"):
            for t in range(NV, ROWS * 8):
                idx2_v[t // 8, pl.ds((t % 8) * L, L)] = jnp.full(
                    (L,), DUMP, jnp.int32)

        plsc.subcore_barrier()

        with jax.named_scope("build_scatter"):
            def body(i, carry):
                sv = src_v[pl.ds(i * L, L)]
                dv = dst_v[pl.ds(i * L, L)]
                gv = plsc.load_gather(batch_v, [sv])
                idx2_v[i // 8, pl.ds((i % 8) * L, L)] = gv * N + dv
                plsc.addupdate_scatter(c1_v, [sv], jnp.ones((L,), jnp.float32))
                return carry

            CR = 10
            K = ROWS // CR
            handles = {}
            for k in range(K):
                lax.fori_loop(k * CR * 8, min((k + 1) * CR * 8, NV), body, 0)
                if k - 2 in handles:
                    for h in handles.pop(k - 2):
                        h.wait()
                handles[k] = [
                    pltpu.async_copy(ones_v, acc_sh.at[idx2_v.at[r]], sem_sc,
                                     add=True)
                    for r in range(k * CR, (k + 1) * CR)
                ]

        with jax.named_scope("publish"):
            pltpu.sync_copy(c1_v, stage_sh.at[s])

        plsc.subcore_barrier()

        with jax.named_scope("reduce"):
            hs = [pltpu.async_copy(stage_sh.at[k, pl.ds(s * W, W)],
                                   c1_v.at[pl.ds(k * W, W)], sem_rd)
                  for k in range(NS)]
            for h in hs:
                h.wait()

            def rsum(v, carry):
                a = c1_v[pl.ds(v * L, L)]
                for k in range(1, NS):
                    a = a + c1_v[pl.ds(k * W + v * L, L)]
                row_v[pl.ds(v * L, L)] = a
                return carry

            lax.fori_loop(0, WV, rsum, 0)
            pltpu.sync_copy(row_v.at[pl.ds(0, W)],
                            acc_sh.at[pl.ds(GN + s * W, W)])

        with jax.named_scope("drain"):
            for k in sorted(handles):
                for h in handles[k]:
                    h.wait()

        plsc.subcore_barrier()

        with jax.named_scope("writeback"):
            bufs = [row_v, c1_v]
            pltpu.sync_copy(acc_sh.at[pl.ds(s * GPT * N, N)],
                            bufs[0].at[pl.ds(0, N)])
            for r in range(GPT):
                g = s * GPT + r
                if r + 1 < GPT:
                    h = pltpu.async_copy(acc_sh.at[pl.ds((g + 1) * N, N)],
                                         bufs[(r + 1) % 2].at[pl.ds(0, N)],
                                         sem_wb)
                pltpu.sync_copy(bufs[r % 2], out2_hbm.at[c, g])
                if r + 1 < GPT:
                    h.wait()

            @pl.when(s == 0)
            def _():
                pltpu.sync_copy(acc_sh.at[pl.ds(GN, NP)], row_v)
                pltpu.sync_copy(row_v, out1_hbm.at[c])

    return sc_counts, EPT, ROWS, NC


def _tc_dense(c2h, c1h, batch2d, x, W_phi, b_phi2d, W_mlp, b_mlp2d, G):
    N, D = x.shape

    def body(c2h_ref, c1h_ref, batch_ref, x_ref, wphi_ref, bphi_ref,
             wmlp_ref, bmlp_ref, o_ref):
        C2 = c2h_ref[0, :, :N] + c2h_ref[1, :, :N]
        c1 = c1h_ref[0:1, :N] + c1h_ref[1:2, :N]
        gids = lax.broadcasted_iota(jnp.int32, (G, N), 0)
        B1 = jnp.where(gids == batch_ref[...], 1.0, 0.0)
        M1 = B1 * c1
        R = jnp.concatenate([M1, C2], axis=0)
        P = jnp.dot(R, x_ref[...], preferred_element_type=jnp.float32)
        cnt = jnp.sum(C2, axis=1, keepdims=True)
        Pcat = jnp.concatenate([P[:G], P[G:]], axis=1)
        pooled = lax.dot_general(Pcat, wphi_ref[...],
                                 (((1,), (1,)), ((), ())),
                                 preferred_element_type=jnp.float32)
        pooled = pooled + cnt * bphi_ref[...]
        out = lax.dot_general(pooled, wmlp_ref[...],
                              (((1,), (1,)), ((), ())),
                              preferred_element_type=jnp.float32)
        o_ref[...] = out + bmlp_ref[...]

    return pl.pallas_call(
        body,
        out_shape=jax.ShapeDtypeStruct((G, D), jnp.float32),
    )(c2h, c1h, batch2d, x, W_phi, b_phi2d, W_mlp, b_mlp2d)


def kernel(x, edge_index, batch, W_phi, b_phi, W_mlp, b_mlp):
    N, D = x.shape
    E = edge_index.shape[1]
    G = _G
    sc_counts, EPT, ROWS, NC = _make_sc_counts(N, E, G)

    c2h, c1h = sc_counts(edge_index.reshape(-1), batch)
    return _tc_dense(c2h, c1h, batch.reshape(1, N), x, W_phi,
                     b_phi.reshape(1, D), W_mlp, b_mlp.reshape(1, D), G)

# --- scband reference (transcript-rebuilt; emitter-appended) ---
"""Pipeline reference for scband-graph-mpgnn-24550033064267 (READ-ONLY COPY).

The authoritative reference and input builder live on the scoring server;
editing this copy changes nothing except your own understanding.
"""

import jax, jax.numpy as jnp
import numpy as np

N = 10000
E = 320000
D = 128
G = 64


def setup_inputs(seed: int = 0) -> dict:
    key = jax.random.key(seed)
    k1, k2, k3, k4, k5 = jax.random.split(key, 5)
    x = jax.random.normal(k1, (N, D), dtype=jnp.float32)
    edge_index = jax.random.randint(k2, (2, E), 0, N, dtype=jnp.int32)
    batch = jnp.sort(jax.random.randint(k3, (N,), 0, G, dtype=jnp.int32))
    # phi: Linear(2*D -> D)
    W_phi = jax.random.normal(k4, (D, 2 * D), dtype=jnp.float32) * (1.0 / np.sqrt(2 * D))
    b_phi = jnp.zeros((D,), dtype=jnp.float32)
    # mlp: Linear(D -> D)
    W_mlp = jax.random.normal(k5, (D, D), dtype=jnp.float32) * (1.0 / np.sqrt(D))
    b_mlp = jnp.zeros((D,), dtype=jnp.float32)
    return {"x": x, "edge_index": edge_index, "batch": batch,
            "W_phi": W_phi, "b_phi": b_phi, "W_mlp": W_mlp, "b_mlp": b_mlp}


def reference(x, edge_index, batch, W_phi, b_phi, W_mlp, b_mlp):
    # PyG MessagePassing with flow='target_to_source':
    #   x_i = x[edge_index[0]], x_j = x[edge_index[1]], aggregate at edge_index[0]
    src = edge_index[0]
    dst = edge_index[1]
    x_i = jnp.take(x, src, axis=0)
    x_j = jnp.take(x, dst, axis=0)
    msg = jnp.concatenate([x_i, x_j], axis=-1) @ W_phi.T + b_phi  # phi(cat(x_i, x_j))
    node_out = jax.ops.segment_sum(msg, src, num_segments=N)      # aggr='add'
    pooled = jax.ops.segment_sum(node_out, batch, num_segments=G)  # global_add_pool
    out = pooled @ W_mlp.T + b_mlp                                 # mlp
    return out

if __name__ == "__main__":
    import jax
    _d = setup_inputs()
    print(jax.jit(kernel)(*tuple(_d.values())))

</pallas_src>

<mosaic_0001>
#map = affine_map<(d0, d1) -> (0)>
#map1 = affine_map<(d0, d1) -> (0, 0, 0)>
#map2 = affine_map<(d0, d1) -> (0, 0)>
module attributes {stable_mosaic.version = 14 : i64} {
  func.func @sc_counts(%arg0: i32, %arg1: i32, %arg2: memref<640000xi32, #tpu.memory_space<hbm>>, %arg3: memref<10000xi32, #tpu.memory_space<hbm>>, %arg4: memref<2x64x10240xf32, #tpu.memory_space<hbm>>, %arg5: memref<2x10240xf32, #tpu.memory_space<hbm>>, %arg6: memref<10000xi32, #tpu.memory_space<vmem>>, %arg7: memref<10000xi32, #tpu.memory_space<vmem>>, %arg8: memref<10000xi32, #tpu.memory_space<vmem>>, %arg9: memref<80x128xi32, #tpu.memory_space<vmem>>, %arg10: memref<128xf32, #tpu.memory_space<vmem>>, %arg11: memref<10240xf32, #tpu.memory_space<vmem>>, %arg12: memref<10240xf32, #tpu.memory_space<vmem>>, %arg13: memref<650240xf32, #tpu.memory_space<vmem_shared>>, %arg14: memref<16x10240xf32, #tpu.memory_space<vmem_shared>>, %arg15: memref<!tpu.dma_semaphore, #tpu.memory_space<semaphore_mem>>, %arg16: memref<!tpu.dma_semaphore, #tpu.memory_space<semaphore_mem>>, %arg17: memref<!tpu.dma_semaphore, #tpu.memory_space<semaphore_mem>>, %arg18: memref<!tpu.dma_semaphore, #tpu.memory_space<semaphore_mem>>) attributes {dimension_semantics = [#tpu.dimension_semantics<core_parallel>, #tpu.dimension_semantics<subcore_parallel>], iteration_bounds = array<i64: 2, 16>, scalar_prefetch = 0 : i64, scratch_operands = 13 : i64, tpu.core_type = #tpu.core_type<sc_vector_subcore>, window_params = [{transform_indices = #map}, {transform_indices = #map}, {transform_indices = #map1}, {transform_indices = #map2}]} {
    %mul3A = arith.constant 16 : i32
    %mul3A_0 = arith.muli %arg0, %mul3A : i32
    %add3A = arith.addi %mul3A_0, %arg1 : i32
    %mul3A_1 = arith.constant 10000 : i32
    %mul3A_2 = arith.muli %add3A, %mul3A_1 : i32
    "tpu.trace_start"() <{level = 10 : i32, message = "stage_start"}> : () -> ()
    tpu.enqueue_dma source(%arg3 : memref<10000xi32, #tpu.memory_space<hbm>>) target(%arg6 : memref<10000xi32, #tpu.memory_space<vmem>>) target_semaphore(%arg15 : memref<!tpu.dma_semaphore, #tpu.memory_space<semaphore_mem>>)
    %dma_start3A = tpu.memref_slice %arg2[%mul3A_2] : memref<640000xi32, #tpu.memory_space<hbm>> -> memref<10000xi32, #tpu.memory_space<hbm>>
    %dma_start3A_3 = tpu.memref_slice %arg2[%mul3A_2] : memref<640000xi32, #tpu.memory_space<hbm>> -> memref<10000xi32, #tpu.memory_space<hbm>>
    tpu.enqueue_dma source(%dma_start3A_3 : memref<10000xi32, #tpu.memory_space<hbm>>) target(%arg7 : memref<10000xi32, #tpu.memory_space<vmem>>) target_semaphore(%arg15 : memref<!tpu.dma_semaphore, #tpu.memory_space<semaphore_mem>>)
    %add3A_4 = arith.constant 320000 : i32
    %add3A_5 = arith.addi %add3A_4, %mul3A_2 : i32
    %dma_start3A_6 = tpu.memref_slice %arg2[%add3A_5] : memref<640000xi32, #tpu.memory_space<hbm>> -> memref<10000xi32, #tpu.memory_space<hbm>>
    %dma_start3A_7 = tpu.memref_slice %arg2[%add3A_5] : memref<640000xi32, #tpu.memory_space<hbm>> -> memref<10000xi32, #tpu.memory_space<hbm>>
    tpu.enqueue_dma source(%dma_start3A_7 : memref<10000xi32, #tpu.memory_space<hbm>>) target(%arg8 : memref<10000xi32, #tpu.memory_space<vmem>>) target_semaphore(%arg15 : memref<!tpu.dma_semaphore, #tpu.memory_space<semaphore_mem>>)
    %broadcast_in_dim3A = arith.constant 1.000000e+00 : f32
    "tpu.trace_stop"() : () -> ()
    "tpu.trace_start"() <{level = 10 : i32, message = "zero"}> : () -> ()
    %broadcast_in_dim3A_8 = vector.broadcast %broadcast_in_dim3A : f32 to vector<16xf32>
    %swap3A = arith.constant 0 : index
    %swap3A_9 = tpu.vector_load %arg10[%swap3A] {strides = array<i32>} : memref<128xf32, #tpu.memory_space<vmem>>, vector<16xf32>,
    tpu.vector_store %arg10[%swap3A], %broadcast_in_dim3A_8 {strides = array<i32>} : memref<128xf32, #tpu.memory_space<vmem>>, vector<16xf32>,
    %broadcast_in_dim3A_10 = arith.constant 1.000000e+00 : f32
    %broadcast_in_dim3A_11 = vector.broadcast %broadcast_in_dim3A_10 : f32 to vector<16xf32>
    %swap3A_12 = arith.constant 16 : index
    %swap3A_13 = tpu.vector_load %arg10[%swap3A_12] {strides = array<i32>} : memref<128xf32, #tpu.memory_space<vmem>>, vector<16xf32>,
    tpu.vector_store %arg10[%swap3A_12], %broadcast_in_dim3A_11 {strides = array<i32>} : memref<128xf32, #tpu.memory_space<vmem>>, vector<16xf32>,
    %broadcast_in_dim3A_14 = arith.constant 1.000000e+00 : f32
    %broadcast_in_dim3A_15 = vector.broadcast %broadcast_in_dim3A_14 : f32 to vector<16xf32>
    %swap3A_16 = arith.constant 32 : index
    %swap3A_17 = tpu.vector_load %arg10[%swap3A_16] {strides = array<i32>} : memref<128xf32, #tpu.memory_space<vmem>>, vector<16xf32>,
    tpu.vector_store %arg10[%swap3A_16], %broadcast_in_dim3A_15 {strides = array<i32>} : memref<128xf32, #tpu.memory_space<vmem>>, vector<16xf32>,
    %broadcast_in_dim3A_18 = arith.constant 1.000000e+00 : f32
    %broadcast_in_dim3A_19 = vector.broadcast %broadcast_in_dim3A_18 : f32 to vector<16xf32>
    %swap3A_20 = arith.constant 48 : index
    %swap3A_21 = tpu.vector_load %arg10[%swap3A_20] {strides = array<i32>} : memref<128xf32, #tpu.memory_space<vmem>>, vector<16xf32>,
    tpu.vector_store %arg10[%swap3A_20], %broadcast_in_dim3A_19 {strides = array<i32>} : memref<128xf32, #tpu.memory_space<vmem>>, vector<16xf32>,
    %broadcast_in_dim3A_22 = arith.constant 1.000000e+00 : f32
    %broadcast_in_dim3A_23 = vector.broadcast %broadcast_in_dim3A_22 : f32 to vector<16xf32>
    %swap3A_24 = arith.constant 64 : index
    %swap3A_25 = tpu.vector_load %arg10[%swap3A_24] {strides = array<i32>} : memref<128xf32, #tpu.memory_space<vmem>>, vector<16xf32>,
    tpu.vector_store %arg10[%swap3A_24], %broadcast_in_dim3A_23 {strides = array<i32>} : memref<128xf32, #tpu.memory_space<vmem>>, vector<16xf32>,
    %broadcast_in_dim3A_26 = arith.constant 1.000000e+00 : f32
    %broadcast_in_dim3A_27 = vector.broadcast %broadcast_in_dim3A_26 : f32 to vector<16xf32>
    %swap3A_28 = arith.constant 80 : index
    %swap3A_29 = tpu.vector_load %arg10[%swap3A_28] {strides = array<i32>} : memref<128xf32, #tpu.memory_space<vmem>>, vector<16xf32>,
    tpu.vector_store %arg10[%swap3A_28], %broadcast_in_dim3A_27 {strides = array<i32>} : memref<128xf32, #tpu.memory_space<vmem>>, vector<16xf32>,
    %broadcast_in_dim3A_30 = arith.constant 1.000000e+00 : f32
    %broadcast_in_dim3A_31 = vector.broadcast %broadcast_in_dim3A_30 : f32 to vector<16xf32>
    %swap3A_32 = arith.constant 96 : index
    %swap3A_33 = tpu.vector_load %arg10[%swap3A_32] {strides = array<i32>} : memref<128xf32, #tpu.memory_space<vmem>>, vector<16xf32>,
    tpu.vector_store %arg10[%swap3A_32], %broadcast_in_dim3A_31 {strides = array<i32>} : memref<128xf32, #tpu.memory_space<vmem>>, vector<16xf32>,
    %broadcast_in_dim3A_34 = arith.constant 1.000000e+00 : f32
    %broadcast_in_dim3A_35 = vector.broadcast %broadcast_in_dim3A_34 : f32 to vector<16xf32>
    %swap3A_36 = arith.constant 112 : index
    %swap3A_37 = tpu.vector_load %arg10[%swap3A_36] {strides = array<i32>} : memref<128xf32, #tpu.memory_space<vmem>>, vector<16xf32>,
    tpu.vector_store %arg10[%swap3A_36], %broadcast_in_dim3A_35 {strides = array<i32>} : memref<128xf32, #tpu.memory_space<vmem>>, vector<16xf32>,
    %scan3A = arith.constant 0 : i32
    %scan3A_38 = arith.constant 0 : i32
    %scan3A_39 = arith.constant 625 : i32
    %scan3A_40 = arith.addi %scan3A_38, %scan3A_39 : i32
    %scan3A_41 = arith.constant 1 : i32
    scf.for %scan3A_1574 = %scan3A_38 to %scan3A_40 step %scan3A_41  : i32 {
      %broadcast_in_dim3A_1575 = arith.constant 0.000000e+00 : f32
      %broadcast_in_dim3A_1576 = vector.broadcast %broadcast_in_dim3A_1575 : f32 to vector<16xf32>
      %mul3A_1577 = arith.constant 16 : i32
      %mul3A_1578 = arith.muli %scan3A_1574, %mul3A_1577 : i32
      %swap3A_1579 = arith.index_cast %mul3A_1578 : i32 to index
      %swap3A_1580 = tpu.vector_load %arg11[%swap3A_1579] {strides = array<i32>} : memref<10240xf32, #tpu.memory_space<vmem>>, vector<16xf32>,
      tpu.vector_store %arg11[%swap3A_1579], %broadcast_in_dim3A_1576 {strides = array<i32>} : memref<10240xf32, #tpu.memory_space<vmem>>, vector<16xf32>,
    }
    %scan3A_42 = arith.constant 625 : i32
    %mul3A_43 = arith.constant 4 : i32
    %mul3A_44 = arith.muli %arg1, %mul3A_43 : i32
    %add3A_45 = arith.constant 0 : i32
    %add3A_46 = arith.addi %mul3A_44, %add3A_45 : i32
    %mul3A_47 = arith.constant 10000 : i32
    %mul3A_48 = arith.muli %add3A_46, %mul3A_47 : i32
    "tpu.region"() ({
      %run_scoped3A = tpu.sem_alloc : memref<!tpu.dma_semaphore, #tpu.memory_space<semaphore_mem>>
      %dma_start3A_1574 = arith.constant 0 : i32
      %dma_start3A_1575 = tpu.memref_slice %arg11[%dma_start3A_1574] : memref<10240xf32, #tpu.memory_space<vmem>> -> memref<10000xf32, #tpu.memory_space<vmem>>
      %dma_start3A_1576 = tpu.memref_slice %arg13[%mul3A_48] : memref<650240xf32, #tpu.memory_space<vmem_shared>> -> memref<10000xf32, #tpu.memory_space<vmem_shared>>
      %dma_start3A_1577 = tpu.memref_slice %arg13[%mul3A_48] : memref<650240xf32, #tpu.memory_space<vmem_shared>> -> memref<10000xf32, #tpu.memory_space<vmem_shared>>
      %dma_start3A_1578 = arith.constant 0 : i32
      %dma_start3A_1579 = tpu.memref_slice %arg11[%dma_start3A_1578] : memref<10240xf32, #tpu.memory_space<vmem>> -> memref<10000xf32, #tpu.memory_space<vmem>>
      tpu.enqueue_dma source(%dma_start3A_1579 : memref<10000xf32, #tpu.memory_space<vmem>>) target(%dma_start3A_1577 : memref<10000xf32, #tpu.memory_space<vmem_shared>>) target_semaphore(%run_scoped3A : memref<!tpu.dma_semaphore, #tpu.memory_space<semaphore_mem>>)
      %dma_wait3A_1580 = arith.constant 0 : i32
      %dma_wait3A_1581 = tpu.memref_slice %arg11[%dma_wait3A_1580] : memref<10240xf32, #tpu.memory_space<vmem>> -> memref<10000xf32, #tpu.memory_space<vmem>>
      %dma_wait3A_1582 = tpu.memref_slice %arg13[%mul3A_48] : memref<650240xf32, #tpu.memory_space<vmem_shared>> -> memref<10000xf32, #tpu.memory_space<vmem_shared>>
      %dma_wait3A_1583 = tpu.memref_slice %arg13[%mul3A_48] : memref<650240xf32, #tpu.memory_space<vmem_shared>> -> memref<10000xf32, #tpu.memory_space<vmem_shared>>
      %dma_wait3A_1584 = arith.constant 0 : i32
      %dma_wait3A_1585 = tpu.memref_slice %arg11[%dma_wait3A_1584] : memref<10240xf32, #tpu.memory_space<vmem>> -> memref<10000xf32, #tpu.memory_space<vmem>>
      tpu.wait_dma2 semaphore(%run_scoped3A : memref<!tpu.dma_semaphore, #tpu.memory_space<semaphore_mem>>) src(%dma_wait3A_1585 : memref<10000xf32, #tpu.memory_space<vmem>>) dst(%dma_wait3A_1583 : memref<10000xf32, #tpu.memory_space<vmem_shared>>)
      tpu.yield
    }) : () -> ()
    %mul3A_49 = arith.constant 4 : i32
    %mul3A_50 = arith.muli %arg1, %mul3A_49 : i32
    %add3A_51 = arith.constant 1 : i32
    %add3A_52 = arith.addi %mul3A_50, %add3A_51 : i32
    %mul3A_53 = arith.constant 10000 : i32
    %mul3A_54 = arith.muli %add3A_52, %mul3A_53 : i32
    "tpu.region"() ({
      %run_scoped3A = tpu.sem_alloc : memref<!tpu.dma_semaphore, #tpu.memory_space<semaphore_mem>>
      %dma_start3A_1574 = arith.constant 0 : i32
      %dma_start3A_1575 = tpu.memref_slice %arg11[%dma_start3A_1574] : memref<10240xf32, #tpu.memory_space<vmem>> -> memref<10000xf32, #tpu.memory_space<vmem>>
      %dma_start3A_1576 = tpu.memref_slice %arg13[%mul3A_54] : memref<650240xf32, #tpu.memory_space<vmem_shared>> -> memref<10000xf32, #tpu.memory_space<vmem_shared>>
      %dma_start3A_1577 = tpu.memref_slice %arg13[%mul3A_54] : memref<650240xf32, #tpu.memory_space<vmem_shared>> -> memref<10000xf32, #tpu.memory_space<vmem_shared>>
      %dma_start3A_1578 = arith.constant 0 : i32
      %dma_start3A_1579 = tpu.memref_slice %arg11[%dma_start3A_1578] : memref<10240xf32, #tpu.memory_space<vmem>> -> memref<10000xf32, #tpu.memory_space<vmem>>
      tpu.enqueue_dma source(%dma_start3A_1579 : memref<10000xf32, #tpu.memory_space<vmem>>) target(%dma_start3A_1577 : memref<10000xf32, #tpu.memory_space<vmem_shared>>) target_semaphore(%run_scoped3A : memref<!tpu.dma_semaphore, #tpu.memory_space<semaphore_mem>>)
      %dma_wait3A_1580 = arith.constant 0 : i32
      %dma_wait3A_1581 = tpu.memref_slice %arg11[%dma_wait3A_1580] : memref<10240xf32, #tpu.memory_space<vmem>> -> memref<10000xf32, #tpu.memory_space<vmem>>
      %dma_wait3A_1582 = tpu.memref_slice %arg13[%mul3A_54] : memref<650240xf32, #tpu.memory_space<vmem_shared>> -> memref<10000xf32, #tpu.memory_space<vmem_shared>>
      %dma_wait3A_1583 = tpu.memref_slice %arg13[%mul3A_54] : memref<650240xf32, #tpu.memory_space<vmem_shared>> -> memref<10000xf32, #tpu.memory_space<vmem_shared>>
      %dma_wait3A_1584 = arith.constant 0 : i32
      %dma_wait3A_1585 = tpu.memref_slice %arg11[%dma_wait3A_1584] : memref<10240xf32, #tpu.memory_space<vmem>> -> memref<10000xf32, #tpu.memory_space<vmem>>
      tpu.wait_dma2 semaphore(%run_scoped3A : memref<!tpu.dma_semaphore, #tpu.memory_space<semaphore_mem>>) src(%dma_wait3A_1585 : memref<10000xf32, #tpu.memory_space<vmem>>) dst(%dma_wait3A_1583 : memref<10000xf32, #tpu.memory_space<vmem_shared>>)
      tpu.yield
    }) : () -> ()
    %mul3A_55 = arith.constant 4 : i32
    %mul3A_56 = arith.muli %arg1, %mul3A_55 : i32
    %add3A_57 = arith.constant 2 : i32
    %add3A_58 = arith.addi %mul3A_56, %add3A_57 : i32
    %mul3A_59 = arith.constant 10000 : i32
    %mul3A_60 = arith.muli %add3A_58, %mul3A_59 : i32
    "tpu.region"() ({
      %run_scoped3A = tpu.sem_alloc : memref<!tpu.dma_semaphore, #tpu.memory_space<semaphore_mem>>
      %dma_start3A_1574 = arith.constant 0 : i32
      %dma_start3A_1575 = tpu.memref_slice %arg11[%dma_start3A_1574] : memref<10240xf32, #tpu.memory_space<vmem>> -> memref<10000xf32, #tpu.memory_space<vmem>>
      %dma_start3A_1576 = tpu.memref_slice %arg13[%mul3A_60] : memref<650240xf32, #tpu.memory_space<vmem_shared>> -> memref<10000xf32, #tpu.memory_space<vmem_shared>>
      %dma_start3A_1577 = tpu.memref_slice %arg13[%mul3A_60] : memref<650240xf32, #tpu.memory_space<vmem_shared>> -> memref<10000xf32, #tpu.memory_space<vmem_shared>>
      %dma_start3A_1578 = arith.constant 0 : i32
      %dma_start3A_1579 = tpu.memref_slice %arg11[%dma_start3A_1578] : memref<10240xf32, #tpu.memory_space<vmem>> -> memref<10000xf32, #tpu.memory_space<vmem>>
      tpu.enqueue_dma source(%dma_start3A_1579 : memref<10000xf32, #tpu.memory_space<vmem>>) target(%dma_start3A_1577 : memref<10000xf32, #tpu.memory_space<vmem_shared>>) target_semaphore(%run_scoped3A : memref<!tpu.dma_semaphore, #tpu.memory_space<semaphore_mem>>)
      %dma_wait3A_1580 = arith.constant 0 : i32
      %dma_wait3A_1581 = tpu.memref_slice %arg11[%dma_wait3A_1580] : memref<10240xf32, #tpu.memory_space<vmem>> -> memref<10000xf32, #tpu.memory_space<vmem>>
      %dma_wait3A_1582 = tpu.memref_slice %arg13[%mul3A_60] : memref<650240xf32, #tpu.memory_space<vmem_shared>> -> memref<10000xf32, #tpu.memory_space<vmem_shared>>
      %dma_wait3A_1583 = tpu.memref_slice %arg13[%mul3A_60] : memref<650240xf32, #tpu.memory_space<vmem_shared>> -> memref<10000xf32, #tpu.memory_space<vmem_shared>>
      %dma_wait3A_1584 = arith.constant 0 : i32
      %dma_wait3A_1585 = tpu.memref_slice %arg11[%dma_wait3A_1584] : memref<10240xf32, #tpu.memory_space<vmem>> -> memref<10000xf32, #tpu.memory_space<vmem>>
      tpu.wait_dma2 semaphore(%run_scoped3A : memref<!tpu.dma_semaphore, #tpu.memory_space<semaphore_mem>>) src(%dma_wait3A_1585 : memref<10000xf32, #tpu.memory_space<vmem>>) dst(%dma_wait3A_1583 : memref<10000xf32, #tpu.memory_space<vmem_shared>>)
      tpu.yield
    }) : () -> ()
    %mul3A_61 = arith.constant 4 : i32
    %mul3A_62 = arith.muli %arg1, %mul3A_61 : i32
    %add3A_63 = arith.constant 3 : i32
    %add3A_64 = arith.addi %mul3A_62, %add3A_63 : i32
    %mul3A_65 = arith.constant 10000 : i32
    %mul3A_66 = arith.muli %add3A_64, %mul3A_65 : i32
    "tpu.region"() ({
      %run_scoped3A = tpu.sem_alloc : memref<!tpu.dma_semaphore, #tpu.memory_space<semaphore_mem>>
      %dma_start3A_1574 = arith.constant 0 : i32
      %dma_start3A_1575 = tpu.memref_slice %arg11[%dma_start3A_1574] : memref<10240xf32, #tpu.memory_space<vmem>> -> memref<10000xf32, #tpu.memory_space<vmem>>
      %dma_start3A_1576 = tpu.memref_slice %arg13[%mul3A_66] : memref<650240xf32, #tpu.memory_space<vmem_shared>> -> memref<10000xf32, #tpu.memory_space<vmem_shared>>
      %dma_start3A_1577 = tpu.memref_slice %arg13[%mul3A_66] : memref<650240xf32, #tpu.memory_space<vmem_shared>> -> memref<10000xf32, #tpu.memory_space<vmem_shared>>
      %dma_start3A_1578 = arith.constant 0 : i32
      %dma_start3A_1579 = tpu.memref_slice %arg11[%dma_start3A_1578] : memref<10240xf32, #tpu.memory_space<vmem>> -> memref<10000xf32, #tpu.memory_space<vmem>>
      tpu.enqueue_dma source(%dma_start3A_1579 : memref<10000xf32, #tpu.memory_space<vmem>>) target(%dma_start3A_1577 : memref<10000xf32, #tpu.memory_space<vmem_shared>>) target_semaphore(%run_scoped3A : memref<!tpu.dma_semaphore, #tpu.memory_space<semaphore_mem>>)
      %dma_wait3A_1580 = arith.constant 0 : i32
      %dma_wait3A_1581 = tpu.memref_slice %arg11[%dma_wait3A_1580] : memref<10240xf32, #tpu.memory_space<vmem>> -> memref<10000xf32, #tpu.memory_space<vmem>>
      %dma_wait3A_1582 = tpu.memref_slice %arg13[%mul3A_66] : memref<650240xf32, #tpu.memory_space<vmem_shared>> -> memref<10000xf32, #tpu.memory_space<vmem_shared>>
      %dma_wait3A_1583 = tpu.memref_slice %arg13[%mul3A_66] : memref<650240xf32, #tpu.memory_space<vmem_shared>> -> memref<10000xf32, #tpu.memory_space<vmem_shared>>
      %dma_wait3A_1584 = arith.constant 0 : i32
      %dma_wait3A_1585 = tpu.memref_slice %arg11[%dma_wait3A_1584] : memref<10240xf32, #tpu.memory_space<vmem>> -> memref<10000xf32, #tpu.memory_space<vmem>>
      tpu.wait_dma2 semaphore(%run_scoped3A : memref<!tpu.dma_semaphore, #tpu.memory_space<semaphore_mem>>) src(%dma_wait3A_1585 : memref<10000xf32, #tpu.memory_space<vmem>>) dst(%dma_wait3A_1583 : memref<10000xf32, #tpu.memory_space<vmem_shared>>)
      tpu.yield
    }) : () -> ()
    %mul3A_67 = arith.constant 4 : i32
    %mul3A_68 = arith.muli %arg1, %mul3A_67 : i32
    %mul3A_69 = arith.constant 10000 : i32
    %mul3A_70 = arith.muli %mul3A_68, %mul3A_69 : i32
    "tpu.region"() ({
      %run_scoped3A = tpu.sem_alloc : memref<!tpu.dma_semaphore, #tpu.memory_space<semaphore_mem>>
      %dma_start3A_1574 = tpu.memref_slice %arg13[%mul3A_70] : memref<650240xf32, #tpu.memory_space<vmem_shared>> -> memref<10240xf32, #tpu.memory_space<vmem_shared>>
      %dma_start3A_1575 = tpu.memref_slice %arg13[%mul3A_70] : memref<650240xf32, #tpu.memory_space<vmem_shared>> -> memref<10240xf32, #tpu.memory_space<vmem_shared>>
      tpu.enqueue_dma source(%dma_start3A_1575 : memref<10240xf32, #tpu.memory_space<vmem_shared>>) target(%arg12 : memref<10240xf32, #tpu.memory_space<vmem>>) target_semaphore(%run_scoped3A : memref<!tpu.dma_semaphore, #tpu.memory_space<semaphore_mem>>)
      %dma_wait3A_1576 = tpu.memref_slice %arg13[%mul3A_70] : memref<650240xf32, #tpu.memory_space<vmem_shared>> -> memref<10240xf32, #tpu.memory_space<vmem_shared>>
      %dma_wait3A_1577 = tpu.memref_slice %arg13[%mul3A_70] : memref<650240xf32, #tpu.memory_space<vmem_shared>> -> memref<10240xf32, #tpu.memory_space<vmem_shared>>
      tpu.wait_dma2 semaphore(%run_scoped3A : memref<!tpu.dma_semaphore, #tpu.memory_space<semaphore_mem>>) src(%dma_wait3A_1577 : memref<10240xf32, #tpu.memory_space<vmem_shared>>) dst(%arg12 : memref<10240xf32, #tpu.memory_space<vmem>>)
      tpu.yield
    }) : () -> ()
    "tpu.trace_stop"() : () -> ()
    "tpu.trace_start"() <{level = 10 : i32, message = "stage_wait"}> : () -> ()
    tpu.wait_dma2 semaphore(%arg15 : memref<!tpu.dma_semaphore, #tpu.memory_space<semaphore_mem>>) src(%arg3 : memref<10000xi32, #tpu.memory_space<hbm>>) dst(%arg6 : memref<10000xi32, #tpu.memory_space<vmem>>)
    %dma_wait3A = tpu.memref_slice %arg2[%mul3A_2] : memref<640000xi32, #tpu.memory_space<hbm>> -> memref<10000xi32, #tpu.memory_space<hbm>>
    %dma_wait3A_71 = tpu.memref_slice %arg2[%mul3A_2] : memref<640000xi32, #tpu.memory_space<hbm>> -> memref<10000xi32, #tpu.memory_space<hbm>>
    tpu.wait_dma2 semaphore(%arg15 : memref<!tpu.dma_semaphore, #tpu.memory_space<semaphore_mem>>) src(%dma_wait3A_71 : memref<10000xi32, #tpu.memory_space<hbm>>) dst(%arg7 : memref<10000xi32, #tpu.memory_space<vmem>>)
    %dma_wait3A_72 = tpu.memref_slice %arg2[%add3A_5] : memref<640000xi32, #tpu.memory_space<hbm>> -> memref<10000xi32, #tpu.memory_space<hbm>>
    %dma_wait3A_73 = tpu.memref_slice %arg2[%add3A_5] : memref<640000xi32, #tpu.memory_space<hbm>> -> memref<10000xi32, #tpu.memory_space<hbm>>
    tpu.wait_dma2 semaphore(%arg15 : memref<!tpu.dma_semaphore, #tpu.memory_space<semaphore_mem>>) src(%dma_wait3A_73 : memref<10000xi32, #tpu.memory_space<hbm>>) dst(%arg8 : memref<10000xi32, #tpu.memory_space<vmem>>)
    %broadcast_in_dim3A_74 = arith.constant 650000 : i32
    "tpu.trace_stop"() : () -> ()
    "tpu.trace_start"() <{level = 10 : i32, message = "pad"}> : () -> ()
    %broadcast_in_dim3A_75 = vector.broadcast %broadcast_in_dim3A_74 : i32 to vector<16xi32>
    %swap3A_76 = arith.constant 78 : i32
    %swap3A_77 = arith.index_cast %swap3A_76 : i32 to index
    %swap3A_78 = arith.constant 16 : index
    %swap3A_79 = tpu.vector_load %arg9[%swap3A_77, %swap3A_78] {strides = array<i32>} : memref<80x128xi32, #tpu.memory_space<vmem>>, vector<16xi32>,
    tpu.vector_store %arg9[%swap3A_77, %swap3A_78], %broadcast_in_dim3A_75 {strides = array<i32>} : memref<80x128xi32, #tpu.memory_space<vmem>>, vector<16xi32>,
    %broadcast_in_dim3A_80 = arith.constant 650000 : i32
    %broadcast_in_dim3A_81 = vector.broadcast %broadcast_in_dim3A_80 : i32 to vector<16xi32>
    %swap3A_82 = arith.constant 78 : i32
    %swap3A_83 = arith.index_cast %swap3A_82 : i32 to index
    %swap3A_84 = arith.constant 32 : index
    %swap3A_85 = tpu.vector_load %arg9[%swap3A_83, %swap3A_84] {strides = array<i32>} : memref<80x128xi32, #tpu.memory_space<vmem>>, vector<16xi32>,
    tpu.vector_store %arg9[%swap3A_83, %swap3A_84], %broadcast_in_dim3A_81 {strides = array<i32>} : memref<80x128xi32, #tpu.memory_space<vmem>>, vector<16xi32>,
    %broadcast_in_dim3A_86 = arith.constant 650000 : i32
    %broadcast_in_dim3A_87 = vector.broadcast %broadcast_in_dim3A_86 : i32 to vector<16xi32>
    %swap3A_88 = arith.constant 78 : i32
    %swap3A_89 = arith.index_cast %swap3A_88 : i32 to index
    %swap3A_90 = arith.constant 48 : index
    %swap3A_91 = tpu.vector_load %arg9[%swap3A_89, %swap3A_90] {strides = array<i32>} : memref<80x128xi32, #tpu.memory_space<vmem>>, vector<16xi32>,
    tpu.vector_store %arg9[%swap3A_89, %swap3A_90], %broadcast_in_dim3A_87 {strides = array<i32>} : memref<80x128xi32, #tpu.memory_space<vmem>>, vector<16xi32>,
    %broadcast_in_dim3A_92 = arith.constant 650000 : i32
    %broadcast_in_dim3A_93 = vector.broadcast %broadcast_in_dim3A_92 : i32 to vector<16xi32>
    %swap3A_94 = arith.constant 78 : i32
    %swap3A_95 = arith.index_cast %swap3A_94 : i32 to index
    %swap3A_96 = arith.constant 64 : index
    %swap3A_97 = tpu.vector_load %arg9[%swap3A_95, %swap3A_96] {strides = array<i32>} : memref<80x128xi32, #tpu.memory_space<vmem>>, vector<16xi32>,
    tpu.vector_store %arg9[%swap3A_95, %swap3A_96], %broadcast_in_dim3A_93 {strides = array<i32>} : memref<80x128xi32, #tpu.memory_space<vmem>>, vector<16xi32>,
    %broadcast_in_dim3A_98 = arith.constant 650000 : i32
    %broadcast_in_dim3A_99 = vector.broadcast %broadcast_in_dim3A_98 : i32 to vector<16xi32>
    %swap3A_100 = arith.constant 78 : i32
    %swap3A_101 = arith.index_cast %swap3A_100 : i32 to index
    %swap3A_102 = arith.constant 80 : index
    %swap3A_103 = tpu.vector_load %arg9[%swap3A_101, %swap3A_102] {strides = array<i32>} : memref<80x128xi32, #tpu.memory_space<vmem>>, vector<16xi32>,
    tpu.vector_store %arg9[%swap3A_101, %swap3A_102], %broadcast_in_dim3A_99 {strides = array<i32>} : memref<80x128xi32, #tpu.memory_space<vmem>>, vector<16xi32>,
    %broadcast_in_dim3A_104 = arith.constant 650000 : i32
    %broadcast_in_dim3A_105 = vector.broadcast %broadcast_in_dim3A_104 : i32 to vector<16xi32>
    %swap3A_106 = arith.constant 78 : i32
    %swap3A_107 = arith.index_cast %swap3A_106 : i32 to index
    %swap3A_108 = arith.constant 96 : index
    %swap3A_109 = tpu.vector_load %arg9[%swap3A_107, %swap3A_108] {strides = array<i32>} : memref<80x128xi32, #tpu.memory_space<vmem>>, vector<16xi32>,
    tpu.vector_store %arg9[%swap3A_107, %swap3A_108], %broadcast_in_dim3A_105 {strides = array<i32>} : memref<80x128xi32, #tpu.memory_space<vmem>>, vector<16xi32>,
    %broadcast_in_dim3A_110 = arith.constant 650000 : i32
    %broadcast_in_dim3A_111 = vector.broadcast %broadcast_in_dim3A_110 : i32 to vector<16xi32>
    %swap3A_112 = arith.constant 78 : i32
    %swap3A_113 = arith.index_cast %swap3A_112 : i32 to index
    %swap3A_114 = arith.constant 112 : index
    %swap3A_115 = tpu.vector_load %arg9[%swap3A_113, %swap3A_114] {strides = array<i32>} : memref<80x128xi32, #tpu.memory_space<vmem>>, vector<16xi32>,
    tpu.vector_store %arg9[%swap3A_113, %swap3A_114], %broadcast_in_dim3A_111 {strides = array<i32>} : memref<80x128xi32, #tpu.memory_space<vmem>>, vector<16xi32>,
    %broadcast_in_dim3A_116 = arith.constant 650000 : i32
    %broadcast_in_dim3A_117 = vector.broadcast %broadcast_in_dim3A_116 : i32 to vector<16xi32>
    %swap3A_118 = arith.constant 79 : i32
    %swap3A_119 = arith.index_cast %swap3A_118 : i32 to index
    %swap3A_120 = arith.constant 0 : index
    %swap3A_121 = tpu.vector_load %arg9[%swap3A_119, %swap3A_120] {strides = array<i32>} : memref<80x128xi32, #tpu.memory_space<vmem>>, vector<16xi32>,
    tpu.vector_store %arg9[%swap3A_119, %swap3A_120], %broadcast_in_dim3A_117 {strides = array<i32>} : memref<80x128xi32, #tpu.memory_space<vmem>>, vector<16xi32>,
    %broadcast_in_dim3A_122 = arith.constant 650000 : i32
    %broadcast_in_dim3A_123 = vector.broadcast %broadcast_in_dim3A_122 : i32 to vector<16xi32>
    %swap3A_124 = arith.constant 79 : i32
    %swap3A_125 = arith.index_cast %swap3A_124 : i32 to index
    %swap3A_126 = arith.constant 16 : index
    %swap3A_127 = tpu.vector_load %arg9[%swap3A_125, %swap3A_126] {strides = array<i32>} : memref<80x128xi32, #tpu.memory_space<vmem>>, vector<16xi32>,
    tpu.vector_store %arg9[%swap3A_125, %swap3A_126], %broadcast_in_dim3A_123 {strides = array<i32>} : memref<80x128xi32, #tpu.memory_space<vmem>>, vector<16xi32>,
    %broadcast_in_dim3A_128 = arith.constant 650000 : i32
    %broadcast_in_dim3A_129 = vector.broadcast %broadcast_in_dim3A_128 : i32 to vector<16xi32>
    %swap3A_130 = arith.constant 79 : i32
    %swap3A_131 = arith.index_cast %swap3A_130 : i32 to index
    %swap3A_132 = arith.constant 32 : index
    %swap3A_133 = tpu.vector_load %arg9[%swap3A_131, %swap3A_132] {strides = array<i32>} : memref<80x128xi32, #tpu.memory_space<vmem>>, vector<16xi32>,
    tpu.vector_store %arg9[%swap3A_131, %swap3A_132], %broadcast_in_dim3A_129 {strides = array<i32>} : memref<80x128xi32, #tpu.memory_space<vmem>>, vector<16xi32>,
    %broadcast_in_dim3A_134 = arith.constant 650000 : i32
    %broadcast_in_dim3A_135 = vector.broadcast %broadcast_in_dim3A_134 : i32 to vector<16xi32>
    %swap3A_136 = arith.constant 79 : i32
    %swap3A_137 = arith.index_cast %swap3A_136 : i32 to index
    %swap3A_138 = arith.constant 48 : index
    %swap3A_139 = tpu.vector_load %arg9[%swap3A_137, %swap3A_138] {strides = array<i32>} : memref<80x128xi32, #tpu.memory_space<vmem>>, vector<16xi32>,
    tpu.vector_store %arg9[%swap3A_137, %swap3A_138], %broadcast_in_dim3A_135 {strides = array<i32>} : memref<80x128xi32, #tpu.memory_space<vmem>>, vector<16xi32>,
    %broadcast_in_dim3A_140 = arith.constant 650000 : i32
    %broadcast_in_dim3A_141 = vector.broadcast %broadcast_in_dim3A_140 : i32 to vector<16xi32>
    %swap3A_142 = arith.constant 79 : i32
    %swap3A_143 = arith.index_cast %swap3A_142 : i32 to index
    %swap3A_144 = arith.constant 64 : index
    %swap3A_145 = tpu.vector_load %arg9[%swap3A_143, %swap3A_144] {strides = array<i32>} : memref<80x128xi32, #tpu.memory_space<vmem>>, vector<16xi32>,
    tpu.vector_store %arg9[%swap3A_143, %swap3A_144], %broadcast_in_dim3A_141 {strides = array<i32>} : memref<80x128xi32, #tpu.memory_space<vmem>>, vector<16xi32>,
    %broadcast_in_dim3A_146 = arith.constant 650000 : i32
    %broadcast_in_dim3A_147 = vector.broadcast %broadcast_in_dim3A_146 : i32 to vector<16xi32>
    %swap3A_148 = arith.constant 79 : i32
    %swap3A_149 = arith.index_cast %swap3A_148 : i32 to index
    %swap3A_150 = arith.constant 80 : index
    %swap3A_151 = tpu.vector_load %arg9[%swap3A_149, %swap3A_150] {strides = array<i32>} : memref<80x128xi32, #tpu.memory_space<vmem>>, vector<16xi32>,
    tpu.vector_store %arg9[%swap3A_149, %swap3A_150], %broadcast_in_dim3A_147 {strides = array<i32>} : memref<80x128xi32, #tpu.memory_space<vmem>>, vector<16xi32>,
    %broadcast_in_dim3A_152 = arith.constant 650000 : i32
    %broadcast_in_dim3A_153 = vector.broadcast %broadcast_in_dim3A_152 : i32 to vector<16xi32>
    %swap3A_154 = arith.constant 79 : i32
    %swap3A_155 = arith.index_cast %swap3A_154 : i32 to index
    %swap3A_156 = arith.constant 96 : index
    %swap3A_157 = tpu.vector_load %arg9[%swap3A_155, %swap3A_156] {strides = array<i32>} : memref<80x128xi32, #tpu.memory_space<vmem>>, vector<16xi32>,
    tpu.vector_store %arg9[%swap3A_155, %swap3A_156], %broadcast_in_dim3A_153 {strides = array<i32>} : memref<80x128xi32, #tpu.memory_space<vmem>>, vector<16xi32>,
    %broadcast_in_dim3A_158 = arith.constant 650000 : i32
    %broadcast_in_dim3A_159 = vector.broadcast %broadcast_in_dim3A_158 : i32 to vector<16xi32>
    %swap3A_160 = arith.constant 79 : i32
    %swap3A_161 = arith.index_cast %swap3A_160 : i32 to index
    %swap3A_162 = arith.constant 112 : index
    %swap3A_163 = tpu.vector_load %arg9[%swap3A_161, %swap3A_162] {strides = array<i32>} : memref<80x128xi32, #tpu.memory_space<vmem>>, vector<16xi32>,
    tpu.vector_store %arg9[%swap3A_161, %swap3A_162], %broadcast_in_dim3A_159 {strides = array<i32>} : memref<80x128xi32, #tpu.memory_space<vmem>>, vector<16xi32>,
    "tpu.trace_stop"() : () -> ()
    %barrier3A = arith.constant 0 : index
    tpu.barrier barrier_id(%barrier3A)
    "tpu.trace_start"() <{level = 10 : i32, message = "build_scatter"}> : () -> ()
    %scan3A_164 = arith.constant 0 : i32
    %scan3A_165 = arith.constant 0 : i32
    %scan3A_166 = arith.constant 80 : i32
    %scan3A_167 = arith.addi %scan3A_165, %scan3A_166 : i32
    %scan3A_168 = arith.constant 1 : i32
    scf.for %scan3A_1574 = %scan3A_165 to %scan3A_167 step %scan3A_168  : i32 {
      %mul3A_1575 = arith.constant 16 : i32
      %mul3A_1576 = arith.muli %scan3A_1574, %mul3A_1575 : i32
      %get3A = arith.index_cast %mul3A_1576 : i32 to index
      %get3A_1577 = tpu.vector_load %arg7[%get3A] {strides = array<i32>} : memref<10000xi32, #tpu.memory_space<vmem>>, vector<16xi32>,
      %mul3A_1578 = arith.constant 16 : i32
      %mul3A_1579 = arith.muli %scan3A_1574, %mul3A_1578 : i32
      %get3A_1580 = arith.index_cast %mul3A_1579 : i32 to index
      %get3A_1581 = tpu.vector_load %arg8[%get3A_1580] {strides = array<i32>} : memref<10000xi32, #tpu.memory_space<vmem>>, vector<16xi32>,
      %gather3A = tpu.vector_load_idx %arg6[%get3A_1577] : memref<10000xi32, #tpu.memory_space<vmem>>[vector<16xi32>], vector<16xi32>,
      %mul3A_1582 = arith.constant 10000 : i32
      %mul3A_1583 = vector.broadcast %mul3A_1582 : i32 to vector<16xi32>
      %mul3A_1584 = arith.muli %gather3A, %mul3A_1583 : vector<16xi32>
      %add3A_1585 = arith.addi %mul3A_1584, %get3A_1581 : vector<16xi32>
      %jit3A = arith.constant 8 : i32
      %div3A = arith.divsi %scan3A_1574, %jit3A : i32
      %sign3A = arith.constant 0 : i32
      %sign3A_1586 = arith.cmpi sgt, %scan3A_1574, %sign3A : i32
      %sign3A_1587 = arith.extui %sign3A_1586 : i1 to i32
      %sign3A_1588 = arith.constant 0 : i32
      %sign3A_1589 = arith.cmpi slt, %scan3A_1574, %sign3A_1588 : i32
      %sign3A_1590 = arith.extui %sign3A_1589 : i1 to i32
      %sign3A_1591 = arith.subi %sign3A_1587, %sign3A_1590 : i32
      %sign3A_1592 = arith.constant 0 : i32
      %sign3A_1593 = arith.cmpi sgt, %jit3A, %sign3A_1592 : i32
      %sign3A_1594 = arith.extui %sign3A_1593 : i1 to i32
      %sign3A_1595 = arith.constant 0 : i32
      %sign3A_1596 = arith.cmpi slt, %jit3A, %sign3A_1595 : i32
      %sign3A_1597 = arith.extui %sign3A_1596 : i1 to i32
      %sign3A_1598 = arith.subi %sign3A_1594, %sign3A_1597 : i32
      %ne3A = arith.cmpi ne, %sign3A_1591, %sign3A_1598 : i32
      %rem3A = arith.remsi %scan3A_1574, %jit3A : i32
      %ne3A_1599 = arith.constant 0 : i32
      %ne3A_1600 = arith.cmpi ne, %rem3A, %ne3A_1599 : i32
      %and3A = arith.andi %ne3A, %ne3A_1600 : i1
      %sub3A = arith.constant 1 : i32
      %sub3A_1601 = arith.subi %div3A, %sub3A : i32
      %select_n3A = arith.select %and3A, %sub3A_1601, %div3A : i32
      %jit3A_1602 = arith.constant 8 : i32
      %eq3A_1603 = arith.constant 0 : i32
      %eq3A_1604 = arith.cmpi eq, %jit3A_1602, %eq3A_1603 : i32
      %jit3A_1605 = arith.constant 1 : i32
      %select_n3A_1606 = arith.select %eq3A_1604, %jit3A_1605, %jit3A_1602 : i32
      %rem3A_1607 = arith.remsi %scan3A_1574, %select_n3A_1606 : i32
      %ne3A_1608 = arith.constant 0 : i32
      %ne3A_1609 = arith.cmpi ne, %rem3A_1607, %ne3A_1608 : i32
      %lt3A = arith.constant 0 : i32
      %lt3A_1610 = arith.cmpi slt, %rem3A_1607, %lt3A : i32
      %lt3A_1611 = arith.constant 0 : i32
      %lt3A_1612 = arith.cmpi slt, %select_n3A_1606, %lt3A_1611 : i32
      %ne3A_1613 = arith.xori %lt3A_1610, %lt3A_1612 : i1
      %and3A_1614 = arith.andi %ne3A_1613, %ne3A_1609 : i1
      %add3A_1615 = arith.addi %rem3A_1607, %select_n3A_1606 : i32
      %select_n3A_1616 = arith.select %and3A_1614, %add3A_1615, %rem3A_1607 : i32
      %mul3A_1617 = arith.constant 16 : i32
      %mul3A_1618 = arith.muli %select_n3A_1616, %mul3A_1617 : i32
      %swap3A_1619 = arith.index_cast %select_n3A : i32 to index
      %swap3A_1620 = arith.index_cast %mul3A_1618 : i32 to index
      %swap3A_1621 = tpu.vector_load %arg9[%swap3A_1619, %swap3A_1620] {strides = array<i32>} : memref<80x128xi32, #tpu.memory_space<vmem>>, vector<16xi32>,
      tpu.vector_store %arg9[%swap3A_1619, %swap3A_1620], %add3A_1585 {strides = array<i32>} : memref<80x128xi32, #tpu.memory_space<vmem>>, vector<16xi32>,
      %broadcast_in_dim3A_1622 = arith.constant 1.000000e+00 : f32
      %broadcast_in_dim3A_1623 = vector.broadcast %broadcast_in_dim3A_1622 : f32 to vector<16xf32>
      tpu.vector_store_idx %arg12[%get3A_1577], %broadcast_in_dim3A_1623 {add = true} : memref<10240xf32, #tpu.memory_space<vmem>>[vector<16xi32>], vector<16xf32>,
    }
    %scan3A_169 = arith.constant 80 : i32
    %dma_start3A_170 = arith.constant 0 : i32
    %dma_start3A_171 = arith.constant 0 : i32
    %dma_start3A_172 = tpu.memref_slice %arg9[%dma_start3A_170, %dma_start3A_171] : memref<80x128xi32, #tpu.memory_space<vmem>> -> memref<1x128xi32, #tpu.memory_space<vmem>>
    %dma_start3A_173 = tpu.memref_squeeze %dma_start3A_172 : memref<1x128xi32, #tpu.memory_space<vmem>> -> memref<128xi32, #tpu.memory_space<vmem>>
    %dma_start3A_174 = arith.constant 0 : i32
    %dma_start3A_175 = tpu.memref_slice %arg13[%dma_start3A_174] : memref<650240xf32, #tpu.memory_space<vmem_shared>> -> memref<650240xf32, #tpu.memory_space<vmem_shared>>
    tpu.enqueue_indirect_dma source(%arg10 : memref<128xf32, #tpu.memory_space<vmem>>) target(%dma_start3A_175 : memref<650240xf32, #tpu.memory_space<vmem_shared>>) offsets(%dma_start3A_173 : memref<128xi32, #tpu.memory_space<vmem>>) semaphore(%arg16 : memref<!tpu.dma_semaphore, #tpu.memory_space<semaphore_mem>>) {add = true}
    %dma_start3A_176 = arith.constant 1 : i32
    %dma_start3A_177 = arith.constant 0 : i32
    %dma_start3A_178 = tpu.memref_slice %arg9[%dma_start3A_176, %dma_start3A_177] : memref<80x128xi32, #tpu.memory_space<vmem>> -> memref<1x128xi32, #tpu.memory_space<vmem>>
    %dma_start3A_179 = tpu.memref_squeeze %dma_start3A_178 : memref<1x128xi32, #tpu.memory_space<vmem>> -> memref<128xi32, #tpu.memory_space<vmem>>
    %dma_start3A_180 = arith.constant 0 : i32
    %dma_start3A_181 = tpu.memref_slice %arg13[%dma_start3A_180] : memref<650240xf32, #tpu.memory_space<vmem_shared>> -> memref<650240xf32, #tpu.memory_space<vmem_shared>>
    tpu.enqueue_indirect_dma source(%arg10 : memref<128xf32, #tpu.memory_space<vmem>>) target(%dma_start3A_181 : memref<650240xf32, #tpu.memory_space<vmem_shared>>) offsets(%dma_start3A_179 : memref<128xi32, #tpu.memory_space<vmem>>) semaphore(%arg16 : memref<!tpu.dma_semaphore, #tpu.memory_space<semaphore_mem>>) {add = true}
    %dma_start3A_182 = arith.constant 2 : i32
    %dma_start3A_183 = arith.constant 0 : i32
    %dma_start3A_184 = tpu.memref_slice %arg9[%dma_start3A_182, %dma_start3A_183] : memref<80x128xi32, #tpu.memory_space<vmem>> -> memref<1x128xi32, #tpu.memory_space<vmem>>
    %dma_start3A_185 = tpu.memref_squeeze %dma_start3A_184 : memref<1x128xi32, #tpu.memory_space<vmem>> -> memref<128xi32, #tpu.memory_space<vmem>>
    %dma_start3A_186 = arith.constant 0 : i32
    %dma_start3A_187 = tpu.memref_slice %arg13[%dma_start3A_186] : memref<650240xf32, #tpu.memory_space<vmem_shared>> -> memref<650240xf32, #tpu.memory_space<vmem_shared>>
    tpu.enqueue_indirect_dma source(%arg10 : memref<128xf32, #tpu.memory_space<vmem>>) target(%dma_start3A_187 : memref<650240xf32, #tpu.memory_space<vmem_shared>>) offsets(%dma_start3A_185 : memref<128xi32, #tpu.memory_space<vmem>>) semaphore(%arg16 : memref<!tpu.dma_semaphore, #tpu.memory_space<semaphore_mem>>) {add = true}
    %dma_start3A_188 = arith.constant 3 : i32
    %dma_start3A_189 = arith.constant 0 : i32
    %dma_start3A_190 = tpu.memref_slice %arg9[%dma_start3A_188, %dma_start3A_189] : memref<80x128xi32, #tpu.memory_space<vmem>> -> memref<1x128xi32, #tpu.memory_space<vmem>>
    %dma_start3A_191 = tpu.memref_squeeze %dma_start3A_190 : memref<1x128xi32, #tpu.memory_space<vmem>> -> memref<128xi32, #tpu.memory_space<vmem>>
    %dma_start3A_192 = arith.constant 0 : i32
    %dma_start3A_193 = tpu.memref_slice %arg13[%dma_start3A_192] : memref<650240xf32, #tpu.memory_space<vmem_shared>> -> memref<650240xf32, #tpu.memory_space<vmem_shared>>
    tpu.enqueue_indirect_dma source(%arg10 : memref<128xf32, #tpu.memory_space<vmem>>) target(%dma_start3A_193 : memref<650240xf32, #tpu.memory_space<vmem_shared>>) offsets(%dma_start3A_191 : memref<128xi32, #tpu.memory_space<vmem>>) semaphore(%arg16 : memref<!tpu.dma_semaphore, #tpu.memory_space<semaphore_mem>>) {add = true}
    %dma_start3A_194 = arith.constant 4 : i32
    %dma_start3A_195 = arith.constant 0 : i32
    %dma_start3A_196 = tpu.memref_slice %arg9[%dma_start3A_194, %dma_start3A_195] : memref<80x128xi32, #tpu.memory_space<vmem>> -> memref<1x128xi32, #tpu.memory_space<vmem>>
    %dma_start3A_197 = tpu.memref_squeeze %dma_start3A_196 : memref<1x128xi32, #tpu.memory_space<vmem>> -> memref<128xi32, #tpu.memory_space<vmem>>
    %dma_start3A_198 = arith.constant 0 : i32
    %dma_start3A_199 = tpu.memref_slice %arg13[%dma_start3A_198] : memref<650240xf32, #tpu.memory_space<vmem_shared>> -> memref<650240xf32, #tpu.memory_space<vmem_shared>>
    tpu.enqueue_indirect_dma source(%arg10 : memref<128xf32, #tpu.memory_space<vmem>>) target(%dma_start3A_199 : memref<650240xf32, #tpu.memory_space<vmem_shared>>) offsets(%dma_start3A_197 : memref<128xi32, #tpu.memory_space<vmem>>) semaphore(%arg16 : memref<!tpu.dma_semaphore, #tpu.memory_space<semaphore_mem>>) {add = true}
    %dma_start3A_200 = arith.constant 5 : i32
    %dma_start3A_201 = arith.constant 0 : i32
    %dma_start3A_202 = tpu.memref_slice %arg9[%dma_start3A_200, %dma_start3A_201] : memref<80x128xi32, #tpu.memory_space<vmem>> -> memref<1x128xi32, #tpu.memory_space<vmem>>
    %dma_start3A_203 = tpu.memref_squeeze %dma_start3A_202 : memref<1x128xi32, #tpu.memory_space<vmem>> -> memref<128xi32, #tpu.memory_space<vmem>>
    %dma_start3A_204 = arith.constant 0 : i32
    %dma_start3A_205 = tpu.memref_slice %arg13[%dma_start3A_204] : memref<650240xf32, #tpu.memory_space<vmem_shared>> -> memref<650240xf32, #tpu.memory_space<vmem_shared>>
    tpu.enqueue_indirect_dma source(%arg10 : memref<128xf32, #tpu.memory_space<vmem>>) target(%dma_start3A_205 : memref<650240xf32, #tpu.memory_space<vmem_shared>>) offsets(%dma_start3A_203 : memref<128xi32, #tpu.memory_space<vmem>>) semaphore(%arg16 : memref<!tpu.dma_semaphore, #tpu.memory_space<semaphore_mem>>) {add = true}
    %dma_start3A_206 = arith.constant 6 : i32
    %dma_start3A_207 = arith.constant 0 : i32
    %dma_start3A_208 = tpu.memref_slice %arg9[%dma_start3A_206, %dma_start3A_207] : memref<80x128xi32, #tpu.memory_space<vmem>> -> memref<1x128xi32, #tpu.memory_space<vmem>>
    %dma_start3A_209 = tpu.memref_squeeze %dma_start3A_208 : memref<1x128xi32, #tpu.memory_space<vmem>> -> memref<128xi32, #tpu.memory_space<vmem>>
    %dma_start3A_210 = arith.constant 0 : i32
    %dma_start3A_211 = tpu.memref_slice %arg13[%dma_start3A_210] : memref<650240xf32, #tpu.memory_space<vmem_shared>> -> memref<650240xf32, #tpu.memory_space<vmem_shared>>
    tpu.enqueue_indirect_dma source(%arg10 : memref<128xf32, #tpu.memory_space<vmem>>) target(%dma_start3A_211 : memref<650240xf32, #tpu.memory_space<vmem_shared>>) offsets(%dma_start3A_209 : memref<128xi32, #tpu.memory_space<vmem>>) semaphore(%arg16 : memref<!tpu.dma_semaphore, #tpu.memory_space<semaphore_mem>>) {add = true}
    %dma_start3A_212 = arith.constant 7 : i32
    %dma_start3A_213 = arith.constant 0 : i32
    %dma_start3A_214 = tpu.memref_slice %arg9[%dma_start3A_212, %dma_start3A_213] : memref<80x128xi32, #tpu.memory_space<vmem>> -> memref<1x128xi32, #tpu.memory_space<vmem>>
    %dma_start3A_215 = tpu.memref_squeeze %dma_start3A_214 : memref<1x128xi32, #tpu.memory_space<vmem>> -> memref<128xi32, #tpu.memory_space<vmem>>
    %dma_start3A_216 = arith.constant 0 : i32
    %dma_start3A_217 = tpu.memref_slice %arg13[%dma_start3A_216] : memref<650240xf32, #tpu.memory_space<vmem_shared>> -> memref<650240xf32, #tpu.memory_space<vmem_shared>>
    tpu.enqueue_indirect_dma source(%arg10 : memref<128xf32, #tpu.memory_space<vmem>>) target(%dma_start3A_217 : memref<650240xf32, #tpu.memory_space<vmem_shared>>) offsets(%dma_start3A_215 : memref<128xi32, #tpu.memory_space<vmem>>) semaphore(%arg16 : memref<!tpu.dma_semaphore, #tpu.memory_space<semaphore_mem>>) {add = true}
    %dma_start3A_218 = arith.constant 8 : i32
    %dma_start3A_219 = arith.constant 0 : i32
    %dma_start3A_220 = tpu.memref_slice %arg9[%dma_start3A_218, %dma_start3A_219] : memref<80x128xi32, #tpu.memory_space<vmem>> -> memref<1x128xi32, #tpu.memory_space<vmem>>
    %dma_start3A_221 = tpu.memref_squeeze %dma_start3A_220 : memref<1x128xi32, #tpu.memory_space<vmem>> -> memref<128xi32, #tpu.memory_space<vmem>>
    %dma_start3A_222 = arith.constant 0 : i32
    %dma_start3A_223 = tpu.memref_slice %arg13[%dma_start3A_222] : memref<650240xf32, #tpu.memory_space<vmem_shared>> -> memref<650240xf32, #tpu.memory_space<vmem_shared>>
    tpu.enqueue_indirect_dma source(%arg10 : memref<128xf32, #tpu.memory_space<vmem>>) target(%dma_start3A_223 : memref<650240xf32, #tpu.memory_space<vmem_shared>>) offsets(%dma_start3A_221 : memref<128xi32, #tpu.memory_space<vmem>>) semaphore(%arg16 : memref<!tpu.dma_semaphore, #tpu.memory_space<semaphore_mem>>) {add = true}
    %dma_start3A_224 = arith.constant 9 : i32
    %dma_start3A_225 = arith.constant 0 : i32
    %dma_start3A_226 = tpu.memref_slice %arg9[%dma_start3A_224, %dma_start3A_225] : memref<80x128xi32, #tpu.memory_space<vmem>> -> memref<1x128xi32, #tpu.memory_space<vmem>>
    %dma_start3A_227 = tpu.memref_squeeze %dma_start3A_226 : memref<1x128xi32, #tpu.memory_space<vmem>> -> memref<128xi32, #tpu.memory_space<vmem>>
    %dma_start3A_228 = arith.constant 0 : i32
    %dma_start3A_229 = tpu.memref_slice %arg13[%dma_start3A_228] : memref<650240xf32, #tpu.memory_space<vmem_shared>> -> memref<650240xf32, #tpu.memory_space<vmem_shared>>
    tpu.enqueue_indirect_dma source(%arg10 : memref<128xf32, #tpu.memory_space<vmem>>) target(%dma_start3A_229 : memref<650240xf32, #tpu.memory_space<vmem_shared>>) offsets(%dma_start3A_227 : memref<128xi32, #tpu.memory_space<vmem>>) semaphore(%arg16 : memref<!tpu.dma_semaphore, #tpu.memory_space<semaphore_mem>>) {add = true}
    %scan3A_230 = arith.constant 0 : i32
    %scan3A_231 = arith.constant 80 : i32
    %scan3A_232 = arith.constant 80 : i32
    %scan3A_233 = arith.addi %scan3A_231, %scan3A_232 : i32
    %scan3A_234 = arith.constant 1 : i32
    scf.for %scan3A_1574 = %scan3A_231 to %scan3A_233 step %scan3A_234  : i32 {
      %mul3A_1575 = arith.constant 16 : i32
      %mul3A_1576 = arith.muli %scan3A_1574, %mul3A_1575 : i32
      %get3A = arith.index_cast %mul3A_1576 : i32 to index
      %get3A_1577 = tpu.vector_load %arg7[%get3A] {strides = array<i32>} : memref<10000xi32, #tpu.memory_space<vmem>>, vector<16xi32>,
      %mul3A_1578 = arith.constant 16 : i32
      %mul3A_1579 = arith.muli %scan3A_1574, %mul3A_1578 : i32
      %get3A_1580 = arith.index_cast %mul3A_1579 : i32 to index
      %get3A_1581 = tpu.vector_load %arg8[%get3A_1580] {strides = array<i32>} : memref<10000xi32, #tpu.memory_space<vmem>>, vector<16xi32>,
      %gather3A = tpu.vector_load_idx %arg6[%get3A_1577] : memref<10000xi32, #tpu.memory_space<vmem>>[vector<16xi32>], vector<16xi32>,
      %mul3A_1582 = arith.constant 10000 : i32
      %mul3A_1583 = vector.broadcast %mul3A_1582 : i32 to vector<16xi32>
      %mul3A_1584 = arith.muli %gather3A, %mul3A_1583 : vector<16xi32>
      %add3A_1585 = arith.addi %mul3A_1584, %get3A_1581 : vector<16xi32>
      %jit3A = arith.constant 8 : i32
      %div3A = arith.divsi %scan3A_1574, %jit3A : i32
      %sign3A = arith.constant 0 : i32
      %sign3A_1586 = arith.cmpi sgt, %scan3A_1574, %sign3A : i32
      %sign3A_1587 = arith.extui %sign3A_1586 : i1 to i32
      %sign3A_1588 = arith.constant 0 : i32
      %sign3A_1589 = arith.cmpi slt, %scan3A_1574, %sign3A_1588 : i32
      %sign3A_1590 = arith.extui %sign3A_1589 : i1 to i32
      %sign3A_1591 = arith.subi %sign3A_1587, %sign3A_1590 : i32
      %sign3A_1592 = arith.constant 0 : i32
      %sign3A_1593 = arith.cmpi sgt, %jit3A, %sign3A_1592 : i32
      %sign3A_1594 = arith.extui %sign3A_1593 : i1 to i32
      %sign3A_1595 = arith.constant 0 : i32
      %sign3A_1596 = arith.cmpi slt, %jit3A, %sign3A_1595 : i32
      %sign3A_1597 = arith.extui %sign3A_1596 : i1 to i32
      %sign3A_1598 = arith.subi %sign3A_1594, %sign3A_1597 : i32
      %ne3A = arith.cmpi ne, %sign3A_1591, %sign3A_1598 : i32
      %rem3A = arith.remsi %scan3A_1574, %jit3A : i32
      %ne3A_1599 = arith.constant 0 : i32
      %ne3A_1600 = arith.cmpi ne, %rem3A, %ne3A_1599 : i32
      %and3A = arith.andi %ne3A, %ne3A_1600 : i1
      %sub3A = arith.constant 1 : i32
      %sub3A_1601 = arith.subi %div3A, %sub3A : i32
      %select_n3A = arith.select %and3A, %sub3A_1601, %div3A : i32
      %jit3A_1602 = arith.constant 8 : i32
      %eq3A_1603 = arith.constant 0 : i32
      %eq3A_1604 = arith.cmpi eq, %jit3A_1602, %eq3A_1603 : i32
      %jit3A_1605 = arith.constant 1 : i32
      %select_n3A_1606 = arith.select %eq3A_1604, %jit3A_1605, %jit3A_1602 : i32
      %rem3A_1607 = arith.remsi %scan3A_1574, %select_n3A_1606 : i32
      %ne3A_1608 = arith.constant 0 : i32
      %ne3A_1609 = arith.cmpi ne, %rem3A_1607, %ne3A_1608 : i32
      %lt3A = arith.constant 0 : i32
      %lt3A_1610 = arith.cmpi slt, %rem3A_1607, %lt3A : i32
      %lt3A_1611 = arith.constant 0 : i32
      %lt3A_1612 = arith.cmpi slt, %select_n3A_1606, %lt3A_1611 : i32
      %ne3A_1613 = arith.xori %lt3A_1610, %lt3A_1612 : i1
      %and3A_1614 = arith.andi %ne3A_1613, %ne3A_1609 : i1
      %add3A_1615 = arith.addi %rem3A_1607, %select_n3A_1606 : i32
      %select_n3A_1616 = arith.select %and3A_1614, %add3A_1615, %rem3A_1607 : i32
      %mul3A_1617 = arith.constant 16 : i32
      %mul3A_1618 = arith.muli %select_n3A_1616, %mul3A_1617 : i32
      %swap3A_1619 = arith.index_cast %select_n3A : i32 to index
      %swap3A_1620 = arith.index_cast %mul3A_1618 : i32 to index
      %swap3A_1621 = tpu.vector_load %arg9[%swap3A_1619, %swap3A_1620] {strides = array<i32>} : memref<80x128xi32, #tpu.memory_space<vmem>>, vector<16xi32>,
      tpu.vector_store %arg9[%swap3A_1619, %swap3A_1620], %add3A_1585 {strides = array<i32>} : memref<80x128xi32, #tpu.memory_space<vmem>>, vector<16xi32>,
      %broadcast_in_dim3A_1622 = arith.constant 1.000000e+00 : f32
      %broadcast_in_dim3A_1623 = vector.broadcast %broadcast_in_dim3A_1622 : f32 to vector<16xf32>
      tpu.vector_store_idx %arg12[%get3A_1577], %broadcast_in_dim3A_1623 {add = true} : memref<10240xf32, #tpu.memory_space<vmem>>[vector<16xi32>], vector<16xf32>,
    }
    %scan3A_235 = arith.constant 80 : i32
    %dma_start3A_236 = arith.constant 10 : i32
    %dma_start3A_237 = arith.constant 0 : i32
    %dma_start3A_238 = tpu.memref_slice %arg9[%dma_start3A_236, %dma_start3A_237] : memref<80x128xi32, #tpu.memory_space<vmem>> -> memref<1x128xi32, #tpu.memory_space<vmem>>
    %dma_start3A_239 = tpu.memref_squeeze %dma_start3A_238 : memref<1x128xi32, #tpu.memory_space<vmem>> -> memref<128xi32, #tpu.memory_space<vmem>>
    %dma_start3A_240 = arith.constant 0 : i32
    %dma_start3A_241 = tpu.memref_slice %arg13[%dma_start3A_240] : memref<650240xf32, #tpu.memory_space<vmem_shared>> -> memref<650240xf32, #tpu.memory_space<vmem_shared>>
    tpu.enqueue_indirect_dma source(%arg10 : memref<128xf32, #tpu.memory_space<vmem>>) target(%dma_start3A_241 : memref<650240xf32, #tpu.memory_space<vmem_shared>>) offsets(%dma_start3A_239 : memref<128xi32, #tpu.memory_space<vmem>>) semaphore(%arg16 : memref<!tpu.dma_semaphore, #tpu.memory_space<semaphore_mem>>) {add = true}
    %dma_start3A_242 = arith.constant 11 : i32
    %dma_start3A_243 = arith.constant 0 : i32
    %dma_start3A_244 = tpu.memref_slice %arg9[%dma_start3A_242, %dma_start3A_243] : memref<80x128xi32, #tpu.memory_space<vmem>> -> memref<1x128xi32, #tpu.memory_space<vmem>>
    %dma_start3A_245 = tpu.memref_squeeze %dma_start3A_244 : memref<1x128xi32, #tpu.memory_space<vmem>> -> memref<128xi32, #tpu.memory_space<vmem>>
    %dma_start3A_246 = arith.constant 0 : i32
    %dma_start3A_247 = tpu.memref_slice %arg13[%dma_start3A_246] : memref<650240xf32, #tpu.memory_space<vmem_shared>> -> memref<650240xf32, #tpu.memory_space<vmem_shared>>
    tpu.enqueue_indirect_dma source(%arg10 : memref<128xf32, #tpu.memory_space<vmem>>) target(%dma_start3A_247 : memref<650240xf32, #tpu.memory_space<vmem_shared>>) offsets(%dma_start3A_245 : memref<128xi32, #tpu.memory_space<vmem>>) semaphore(%arg16 : memref<!tpu.dma_semaphore, #tpu.memory_space<semaphore_mem>>) {add = true}
    %dma_start3A_248 = arith.constant 12 : i32
    %dma_start3A_249 = arith.constant 0 : i32
    %dma_start3A_250 = tpu.memref_slice %arg9[%dma_start3A_248, %dma_start3A_249] : memref<80x128xi32, #tpu.memory_space<vmem>> -> memref<1x128xi32, #tpu.memory_space<vmem>>
    %dma_start3A_251 = tpu.memref_squeeze %dma_start3A_250 : memref<1x128xi32, #tpu.memory_space<vmem>> -> memref<128xi32, #tpu.memory_space<vmem>>
    %dma_start3A_252 = arith.constant 0 : i32
    %dma_start3A_253 = tpu.memref_slice %arg13[%dma_start3A_252] : memref<650240xf32, #tpu.memory_space<vmem_shared>> -> memref<650240xf32, #tpu.memory_space<vmem_shared>>
    tpu.enqueue_indirect_dma source(%arg10 : memref<128xf32, #tpu.memory_space<vmem>>) target(%dma_start3A_253 : memref<650240xf32, #tpu.memory_space<vmem_shared>>) offsets(%dma_start3A_251 : memref<128xi32, #tpu.memory_space<vmem>>) semaphore(%arg16 : memref<!tpu.dma_semaphore, #tpu.memory_space<semaphore_mem>>) {add = true}
    %dma_start3A_254 = arith.constant 13 : i32
    %dma_start3A_255 = arith.constant 0 : i32
    %dma_start3A_256 = tpu.memref_slice %arg9[%dma_start3A_254, %dma_start3A_255] : memref<80x128xi32, #tpu.memory_space<vmem>> -> memref<1x128xi32, #tpu.memory_space<vmem>>
    %dma_start3A_257 = tpu.memref_squeeze %dma_start3A_256 : memref<1x128xi32, #tpu.memory_space<vmem>> -> memref<128xi32, #tpu.memory_space<vmem>>
    %dma_start3A_258 = arith.constant 0 : i32
    %dma_start3A_259 = tpu.memref_slice %arg13[%dma_start3A_258] : memref<650240xf32, #tpu.memory_space<vmem_shared>> -> memref<650240xf32, #tpu.memory_space<vmem_shared>>
    tpu.enqueue_indirect_dma source(%arg10 : memref<128xf32, #tpu.memory_space<vmem>>) target(%dma_start3A_259 : memref<650240xf32, #tpu.memory_space<vmem_shared>>) offsets(%dma_start3A_257 : memref<128xi32, #tpu.memory_space<vmem>>) semaphore(%arg16 : memref<!tpu.dma_semaphore, #tpu.memory_space<semaphore_mem>>) {add = true}
    %dma_start3A_260 = arith.constant 14 : i32
    %dma_start3A_261 = arith.constant 0 : i32
    %dma_start3A_262 = tpu.memref_slice %arg9[%dma_start3A_260, %dma_start3A_261] : memref<80x128xi32, #tpu.memory_space<vmem>> -> memref<1x128xi32, #tpu.memory_space<vmem>>
    %dma_start3A_263 = tpu.memref_squeeze %dma_start3A_262 : memref<1x128xi32, #tpu.memory_space<vmem>> -> memref<128xi32, #tpu.memory_space<vmem>>
    %dma_start3A_264 = arith.constant 0 : i32
    %dma_start3A_265 = tpu.memref_slice %arg13[%dma_start3A_264] : memref<650240xf32, #tpu.memory_space<vmem_shared>> -> memref<650240xf32, #tpu.memory_space<vmem_shared>>
    tpu.enqueue_indirect_dma source(%arg10 : memref<128xf32, #tpu.memory_space<vmem>>) target(%dma_start3A_265 : memref<650240xf32, #tpu.memory_space<vmem_shared>>) offsets(%dma_start3A_263 : memref<128xi32, #tpu.memory_space<vmem>>) semaphore(%arg16 : memref<!tpu.dma_semaphore, #tpu.memory_space<semaphore_mem>>) {add = true}
    %dma_start3A_266 = arith.constant 15 : i32
    %dma_start3A_267 = arith.constant 0 : i32
    %dma_start3A_268 = tpu.memref_slice %arg9[%dma_start3A_266, %dma_start3A_267] : memref<80x128xi32, #tpu.memory_space<vmem>> -> memref<1x128xi32, #tpu.memory_space<vmem>>
    %dma_start3A_269 = tpu.memref_squeeze %dma_start3A_268 : memref<1x128xi32, #tpu.memory_space<vmem>> -> memref<128xi32, #tpu.memory_space<vmem>>
    %dma_start3A_270 = arith.constant 0 : i32
    %dma_start3A_271 = tpu.memref_slice %arg13[%dma_start3A_270] : memref<650240xf32, #tpu.memory_space<vmem_shared>> -> memref<650240xf32, #tpu.memory_space<vmem_shared>>
    tpu.enqueue_indirect_dma source(%arg10 : memref<128xf32, #tpu.memory_space<vmem>>) target(%dma_start3A_271 : memref<650240xf32, #tpu.memory_space<vmem_shared>>) offsets(%dma_start3A_269 : memref<128xi32, #tpu.memory_space<vmem>>) semaphore(%arg16 : memref<!tpu.dma_semaphore, #tpu.memory_space<semaphore_mem>>) {add = true}
    %dma_start3A_272 = arith.constant 16 : i32
    %dma_start3A_273 = arith.constant 0 : i32
    %dma_start3A_274 = tpu.memref_slice %arg9[%dma_start3A_272, %dma_start3A_273] : memref<80x128xi32, #tpu.memory_space<vmem>> -> memref<1x128xi32, #tpu.memory_space<vmem>>
    %dma_start3A_275 = tpu.memref_squeeze %dma_start3A_274 : memref<1x128xi32, #tpu.memory_space<vmem>> -> memref<128xi32, #tpu.memory_space<vmem>>
    %dma_start3A_276 = arith.constant 0 : i32
    %dma_start3A_277 = tpu.memref_slice %arg13[%dma_start3A_276] : memref<650240xf32, #tpu.memory_space<vmem_shared>> -> memref<650240xf32, #tpu.memory_space<vmem_shared>>
    tpu.enqueue_indirect_dma source(%arg10 : memref<128xf32, #tpu.memory_space<vmem>>) target(%dma_start3A_277 : memref<650240xf32, #tpu.memory_space<vmem_shared>>) offsets(%dma_start3A_275 : memref<128xi32, #tpu.memory_space<vmem>>) semaphore(%arg16 : memref<!tpu.dma_semaphore, #tpu.memory_space<semaphore_mem>>) {add = true}
    %dma_start3A_278 = arith.constant 17 : i32
    %dma_start3A_279 = arith.constant 0 : i32
    %dma_start3A_280 = tpu.memref_slice %arg9[%dma_start3A_278, %dma_start3A_279] : memref<80x128xi32, #tpu.memory_space<vmem>> -> memref<1x128xi32, #tpu.memory_space<vmem>>
    %dma_start3A_281 = tpu.memref_squeeze %dma_start3A_280 : memref<1x128xi32, #tpu.memory_space<vmem>> -> memref<128xi32, #tpu.memory_space<vmem>>
    %dma_start3A_282 = arith.constant 0 : i32
    %dma_start3A_283 = tpu.memref_slice %arg13[%dma_start3A_282] : memref<650240xf32, #tpu.memory_space<vmem_shared>> -> memref<650240xf32, #tpu.memory_space<vmem_shared>>
    tpu.enqueue_indirect_dma source(%arg10 : memref<128xf32, #tpu.memory_space<vmem>>) target(%dma_start3A_283 : memref<650240xf32, #tpu.memory_space<vmem_shared>>) offsets(%dma_start3A_281 : memref<128xi32, #tpu.memory_space<vmem>>) semaphore(%arg16 : memref<!tpu.dma_semaphore, #tpu.memory_space<semaphore_mem>>) {add = true}
    %dma_start3A_284 = arith.constant 18 : i32
    %dma_start3A_285 = arith.constant 0 : i32
    %dma_start3A_286 = tpu.memref_slice %arg9[%dma_start3A_284, %dma_start3A_285] : memref<80x128xi32, #tpu.memory_space<vmem>> -> memref<1x128xi32, #tpu.memory_space<vmem>>
    %dma_start3A_287 = tpu.memref_squeeze %dma_start3A_286 : memref<1x128xi32, #tpu.memory_space<vmem>> -> memref<128xi32, #tpu.memory_space<vmem>>
    %dma_start3A_288 = arith.constant 0 : i32
    %dma_start3A_289 = tpu.memref_slice %arg13[%dma_start3A_288] : memref<650240xf32, #tpu.memory_space<vmem_shared>> -> memref<650240xf32, #tpu.memory_space<vmem_shared>>
    tpu.enqueue_indirect_dma source(%arg10 : memref<128xf32, #tpu.memory_space<vmem>>) target(%dma_start3A_289 : memref<650240xf32, #tpu.memory_space<vmem_shared>>) offsets(%dma_start3A_287 : memref<128xi32, #tpu.memory_space<vmem>>) semaphore(%arg16 : memref<!tpu.dma_semaphore, #tpu.memory_space<semaphore_mem>>) {add = true}
    %dma_start3A_290 = arith.constant 19 : i32
    %dma_start3A_291 = arith.constant 0 : i32
    %dma_start3A_292 = tpu.memref_slice %arg9[%dma_start3A_290, %dma_start3A_291] : memref<80x128xi32, #tpu.memory_space<vmem>> -> memref<1x128xi32, #tpu.memory_space<vmem>>
    %dma_start3A_293 = tpu.memref_squeeze %dma_start3A_292 : memref<1x128xi32, #tpu.memory_space<vmem>> -> memref<128xi32, #tpu.memory_space<vmem>>
    %dma_start3A_294 = arith.constant 0 : i32
    %dma_start3A_295 = tpu.memref_slice %arg13[%dma_start3A_294] : memref<650240xf32, #tpu.memory_space<vmem_shared>> -> memref<650240xf32, #tpu.memory_space<vmem_shared>>
    tpu.enqueue_indirect_dma source(%arg10 : memref<128xf32, #tpu.memory_space<vmem>>) target(%dma_start3A_295 : memref<650240xf32, #tpu.memory_space<vmem_shared>>) offsets(%dma_start3A_293 : memref<128xi32, #tpu.memory_space<vmem>>) semaphore(%arg16 : memref<!tpu.dma_semaphore, #tpu.memory_space<semaphore_mem>>) {add = true}
    %scan3A_296 = arith.constant 0 : i32
    %scan3A_297 = arith.constant 160 : i32
    %scan3A_298 = arith.constant 80 : i32
    %scan3A_299 = arith.addi %scan3A_297, %scan3A_298 : i32
    %scan3A_300 = arith.constant 1 : i32
    scf.for %scan3A_1574 = %scan3A_297 to %scan3A_299 step %scan3A_300  : i32 {
      %mul3A_1575 = arith.constant 16 : i32
      %mul3A_1576 = arith.muli %scan3A_1574, %mul3A_1575 : i32
      %get3A = arith.index_cast %mul3A_1576 : i32 to index
      %get3A_1577 = tpu.vector_load %arg7[%get3A] {strides = array<i32>} : memref<10000xi32, #tpu.memory_space<vmem>>, vector<16xi32>,
      %mul3A_1578 = arith.constant 16 : i32
      %mul3A_1579 = arith.muli %scan3A_1574, %mul3A_1578 : i32
      %get3A_1580 = arith.index_cast %mul3A_1579 : i32 to index
      %get3A_1581 = tpu.vector_load %arg8[%get3A_1580] {strides = array<i32>} : memref<10000xi32, #tpu.memory_space<vmem>>, vector<16xi32>,
      %gather3A = tpu.vector_load_idx %arg6[%get3A_1577] : memref<10000xi32, #tpu.memory_space<vmem>>[vector<16xi32>], vector<16xi32>,
      %mul3A_1582 = arith.constant 10000 : i32
      %mul3A_1583 = vector.broadcast %mul3A_1582 : i32 to vector<16xi32>
      %mul3A_1584 = arith.muli %gather3A, %mul3A_1583 : vector<16xi32>
      %add3A_1585 = arith.addi %mul3A_1584, %get3A_1581 : vector<16xi32>
      %jit3A = arith.constant 8 : i32
      %div3A = arith.divsi %scan3A_1574, %jit3A : i32
      %sign3A = arith.constant 0 : i32
      %sign3A_1586 = arith.cmpi sgt, %scan3A_1574, %sign3A : i32
      %sign3A_1587 = arith.extui %sign3A_1586 : i1 to i32
      %sign3A_1588 = arith.constant 0 : i32
      %sign3A_1589 = arith.cmpi slt, %scan3A_1574, %sign3A_1588 : i32
      %sign3A_1590 = arith.extui %sign3A_1589 : i1 to i32
      %sign3A_1591 = arith.subi %sign3A_1587, %sign3A_1590 : i32
      %sign3A_1592 = arith.constant 0 : i32
      %sign3A_1593 = arith.cmpi sgt, %jit3A, %sign3A_1592 : i32
      %sign3A_1594 = arith.extui %sign3A_1593 : i1 to i32
      %sign3A_1595 = arith.constant 0 : i32
      %sign3A_1596 = arith.cmpi slt, %jit3A, %sign3A_1595 : i32
      %sign3A_1597 = arith.extui %sign3A_1596 : i1 to i32
      %sign3A_1598 = arith.subi %sign3A_1594, %sign3A_1597 : i32
      %ne3A = arith.cmpi ne, %sign3A_1591, %sign3A_1598 : i32
      %rem3A = arith.remsi %scan3A_1574, %jit3A : i32
      %ne3A_1599 = arith.constant 0 : i32
      %ne3A_1600 = arith.cmpi ne, %rem3A, %ne3A_1599 : i32
      %and3A = arith.andi %ne3A, %ne3A_1600 : i1
      %sub3A = arith.constant 1 : i32
      %sub3A_1601 = arith.subi %div3A, %sub3A : i32
      %select_n3A = arith.select %and3A, %sub3A_1601, %div3A : i32
      %jit3A_1602 = arith.constant 8 : i32
      %eq3A_1603 = arith.constant 0 : i32
      %eq3A_1604 = arith.cmpi eq, %jit3A_1602, %eq3A_1603 : i32
      %jit3A_1605 = arith.constant 1 : i32
      %select_n3A_1606 = arith.select %eq3A_1604, %jit3A_1605, %jit3A_1602 : i32
      %rem3A_1607 = arith.remsi %scan3A_1574, %select_n3A_1606 : i32
      %ne3A_1608 = arith.constant 0 : i32
      %ne3A_1609 = arith.cmpi ne, %rem3A_1607, %ne3A_1608 : i32
      %lt3A = arith.constant 0 : i32
      %lt3A_1610 = arith.cmpi slt, %rem3A_1607, %lt3A : i32
      %lt3A_1611 = arith.constant 0 : i32
      %lt3A_1612 = arith.cmpi slt, %select_n3A_1606, %lt3A_1611 : i32
      %ne3A_1613 = arith.xori %lt3A_1610, %lt3A_1612 : i1
      %and3A_1614 = arith.andi %ne3A_1613, %ne3A_1609 : i1
      %add3A_1615 = arith.addi %rem3A_1607, %select_n3A_1606 : i32
      %select_n3A_1616 = arith.select %and3A_1614, %add3A_1615, %rem3A_1607 : i32
      %mul3A_1617 = arith.constant 16 : i32
      %mul3A_1618 = arith.muli %select_n3A_1616, %mul3A_1617 : i32
      %swap3A_1619 = arith.index_cast %select_n3A : i32 to index
      %swap3A_1620 = arith.index_cast %mul3A_1618 : i32 to index
      %swap3A_1621 = tpu.vector_load %arg9[%swap3A_1619, %swap3A_1620] {strides = array<i32>} : memref<80x128xi32, #tpu.memory_space<vmem>>, vector<16xi32>,
      tpu.vector_store %arg9[%swap3A_1619, %swap3A_1620], %add3A_1585 {strides = array<i32>} : memref<80x128xi32, #tpu.memory_space<vmem>>, vector<16xi32>,
      %broadcast_in_dim3A_1622 = arith.constant 1.000000e+00 : f32
      %broadcast_in_dim3A_1623 = vector.broadcast %broadcast_in_dim3A_1622 : f32 to vector<16xf32>
      tpu.vector_store_idx %arg12[%get3A_1577], %broadcast_in_dim3A_1623 {add = true} : memref<10240xf32, #tpu.memory_space<vmem>>[vector<16xi32>], vector<16xf32>,
    }
    %scan3A_301 = arith.constant 80 : i32
    %dma_wait3A_302 = arith.constant 0 : i32
    %dma_wait3A_303 = arith.constant 0 : i32
    %dma_wait3A_304 = tpu.memref_slice %arg9[%dma_wait3A_302, %dma_wait3A_303] : memref<80x128xi32, #tpu.memory_space<vmem>> -> memref<1x128xi32, #tpu.memory_space<vmem>>
    %dma_wait3A_305 = tpu.memref_squeeze %dma_wait3A_304 : memref<1x128xi32, #tpu.memory_space<vmem>> -> memref<128xi32, #tpu.memory_space<vmem>>
    %dma_wait3A_306 = arith.constant 0 : i32
    %dma_wait3A_307 = tpu.memref_slice %arg13[%dma_wait3A_306] : memref<650240xf32, #tpu.memory_space<vmem_shared>> -> memref<650240xf32, #tpu.memory_space<vmem_shared>>
    tpu.wait_indirect_dma semaphore(%arg16 : memref<!tpu.dma_semaphore, #tpu.memory_space<semaphore_mem>>) src(%arg10 : memref<128xf32, #tpu.memory_space<vmem>>) dst(%dma_wait3A_307 : memref<650240xf32, #tpu.memory_space<vmem_shared>>)
    %dma_wait3A_308 = arith.constant 1 : i32
    %dma_wait3A_309 = arith.constant 0 : i32
    %dma_wait3A_310 = tpu.memref_slice %arg9[%dma_wait3A_308, %dma_wait3A_309] : memref<80x128xi32, #tpu.memory_space<vmem>> -> memref<1x128xi32, #tpu.memory_space<vmem>>
    %dma_wait3A_311 = tpu.memref_squeeze %dma_wait3A_310 : memref<1x128xi32, #tpu.memory_space<vmem>> -> memref<128xi32, #tpu.memory_space<vmem>>
    %dma_wait3A_312 = arith.constant 0 : i32
    %dma_wait3A_313 = tpu.memref_slice %arg13[%dma_wait3A_312] : memref<650240xf32, #tpu.memory_space<vmem_shared>> -> memref<650240xf32, #tpu.memory_space<vmem_shared>>
    tpu.wait_indirect_dma semaphore(%arg16 : memref<!tpu.dma_semaphore, #tpu.memory_space<semaphore_mem>>) src(%arg10 : memref<128xf32, #tpu.memory_space<vmem>>) dst(%dma_wait3A_313 : memref<650240xf32, #tpu.memory_space<vmem_shared>>)
    %dma_wait3A_314 = arith.constant 2 : i32
    %dma_wait3A_315 = arith.constant 0 : i32
    %dma_wait3A_316 = tpu.memref_slice %arg9[%dma_wait3A_314, %dma_wait3A_315] : memref<80x128xi32, #tpu.memory_space<vmem>> -> memref<1x128xi32, #tpu.memory_space<vmem>>
    %dma_wait3A_317 = tpu.memref_squeeze %dma_wait3A_316 : memref<1x128xi32, #tpu.memory_space<vmem>> -> memref<128xi32, #tpu.memory_space<vmem>>
    %dma_wait3A_318 = arith.constant 0 : i32
    %dma_wait3A_319 = tpu.memref_slice %arg13[%dma_wait3A_318] : memref<650240xf32, #tpu.memory_space<vmem_shared>> -> memref<650240xf32, #tpu.memory_space<vmem_shared>>
    tpu.wait_indirect_dma semaphore(%arg16 : memref<!tpu.dma_semaphore, #tpu.memory_space<semaphore_mem>>) src(%arg10 : memref<128xf32, #tpu.memory_space<vmem>>) dst(%dma_wait3A_319 : memref<650240xf32, #tpu.memory_space<vmem_shared>>)
    %dma_wait3A_320 = arith.constant 3 : i32
    %dma_wait3A_321 = arith.constant 0 : i32
    %dma_wait3A_322 = tpu.memref_slice %arg9[%dma_wait3A_320, %dma_wait3A_321] : memref<80x128xi32, #tpu.memory_space<vmem>> -> memref<1x128xi32, #tpu.memory_space<vmem>>
    %dma_wait3A_323 = tpu.memref_squeeze %dma_wait3A_322 : memref<1x128xi32, #tpu.memory_space<vmem>> -> memref<128xi32, #tpu.memory_space<vmem>>
    %dma_wait3A_324 = arith.constant 0 : i32
    %dma_wait3A_325 = tpu.memref_slice %arg13[%dma_wait3A_324] : memref<650240xf32, #tpu.memory_space<vmem_shared>> -> memref<650240xf32, #tpu.memory_space<vmem_shared>>
    tpu.wait_indirect_dma semaphore(%arg16 : memref<!tpu.dma_semaphore, #tpu.memory_space<semaphore_mem>>) src(%arg10 : memref<128xf32, #tpu.memory_space<vmem>>) dst(%dma_wait3A_325 : memref<650240xf32, #tpu.memory_space<vmem_shared>>)
    %dma_wait3A_326 = arith.constant 4 : i32
    %dma_wait3A_327 = arith.constant 0 : i32
    %dma_wait3A_328 = tpu.memref_slice %arg9[%dma_wait3A_326, %dma_wait3A_327] : memref<80x128xi32, #tpu.memory_space<vmem>> -> memref<1x128xi32, #tpu.memory_space<vmem>>
    %dma_wait3A_329 = tpu.memref_squeeze %dma_wait3A_328 : memref<1x128xi32, #tpu.memory_space<vmem>> -> memref<128xi32, #tpu.memory_space<vmem>>
    %dma_wait3A_330 = arith.constant 0 : i32
    %dma_wait3A_331 = tpu.memref_slice %arg13[%dma_wait3A_330] : memref<650240xf32, #tpu.memory_space<vmem_shared>> -> memref<650240xf32, #tpu.memory_space<vmem_shared>>
    tpu.wait_indirect_dma semaphore(%arg16 : memref<!tpu.dma_semaphore, #tpu.memory_space<semaphore_mem>>) src(%arg10 : memref<128xf32, #tpu.memory_space<vmem>>) dst(%dma_wait3A_331 : memref<650240xf32, #tpu.memory_space<vmem_shared>>)
    %dma_wait3A_332 = arith.constant 5 : i32
    %dma_wait3A_333 = arith.constant 0 : i32
    %dma_wait3A_334 = tpu.memref_slice %arg9[%dma_wait3A_332, %dma_wait3A_333] : memref<80x128xi32, #tpu.memory_space<vmem>> -> memref<1x128xi32, #tpu.memory_space<vmem>>
    %dma_wait3A_335 = tpu.memref_squeeze %dma_wait3A_334 : memref<1x128xi32, #tpu.memory_space<vmem>> -> memref<128xi32, #tpu.memory_space<vmem>>
    %dma_wait3A_336 = arith.constant 0 : i32
    %dma_wait3A_337 = tpu.memref_slice %arg13[%dma_wait3A_336] : memref<650240xf32, #tpu.memory_space<vmem_shared>> -> memref<650240xf32, #tpu.memory_space<vmem_shared>>
    tpu.wait_indirect_dma semaphore(%arg16 : memref<!tpu.dma_semaphore, #tpu.memory_space<semaphore_mem>>) src(%arg10 : memref<128xf32, #tpu.memory_space<vmem>>) dst(%dma_wait3A_337 : memref<650240xf32, #tpu.memory_space<vmem_shared>>)
    %dma_wait3A_338 = arith.constant 6 : i32
    %dma_wait3A_339 = arith.constant 0 : i32
    %dma_wait3A_340 = tpu.memref_slice %arg9[%dma_wait3A_338, %dma_wait3A_339] : memref<80x128xi32, #tpu.memory_space<vmem>> -> memref<1x128xi32, #tpu.memory_space<vmem>>
    %dma_wait3A_341 = tpu.memref_squeeze %dma_wait3A_340 : memref<1x128xi32, #tpu.memory_space<vmem>> -> memref<128xi32, #tpu.memory_space<vmem>>
    %dma_wait3A_342 = arith.constant 0 : i32
    %dma_wait3A_343 = tpu.memref_slice %arg13[%dma_wait3A_342] : memref<650240xf32, #tpu.memory_space<vmem_shared>> -> memref<650240xf32, #tpu.memory_space<vmem_shared>>
    tpu.wait_indirect_dma semaphore(%arg16 : memref<!tpu.dma_semaphore, #tpu.memory_space<semaphore_mem>>) src(%arg10 : memref<128xf32, #tpu.memory_space<vmem>>) dst(%dma_wait3A_343 : memref<650240xf32, #tpu.memory_space<vmem_shared>>)
    %dma_wait3A_344 = arith.constant 7 : i32
    %dma_wait3A_345 = arith.constant 0 : i32
    %dma_wait3A_346 = tpu.memref_slice %arg9[%dma_wait3A_344, %dma_wait3A_345] : memref<80x128xi32, #tpu.memory_space<vmem>> -> memref<1x128xi32, #tpu.memory_space<vmem>>
    %dma_wait3A_347 = tpu.memref_squeeze %dma_wait3A_346 : memref<1x128xi32, #tpu.memory_space<vmem>> -> memref<128xi32, #tpu.memory_space<vmem>>
    %dma_wait3A_348 = arith.constant 0 : i32
    %dma_wait3A_349 = tpu.memref_slice %arg13[%dma_wait3A_348] : memref<650240xf32, #tpu.memory_space<vmem_shared>> -> memref<650240xf32, #tpu.memory_space<vmem_shared>>
    tpu.wait_indirect_dma semaphore(%arg16 : memref<!tpu.dma_semaphore, #tpu.memory_space<semaphore_mem>>) src(%arg10 : memref<128xf32, #tpu.memory_space<vmem>>) dst(%dma_wait3A_349 : memref<650240xf32, #tpu.memory_space<vmem_shared>>)
    %dma_wait3A_350 = arith.constant 8 : i32
    %dma_wait3A_351 = arith.constant 0 : i32
    %dma_wait3A_352 = tpu.memref_slice %arg9[%dma_wait3A_350, %dma_wait3A_351] : memref<80x128xi32, #tpu.memory_space<vmem>> -> memref<1x128xi32, #tpu.memory_space<vmem>>
    %dma_wait3A_353 = tpu.memref_squeeze %dma_wait3A_352 : memref<1x128xi32, #tpu.memory_space<vmem>> -> memref<128xi32, #tpu.memory_space<vmem>>
    %dma_wait3A_354 = arith.constant 0 : i32
    %dma_wait3A_355 = tpu.memref_slice %arg13[%dma_wait3A_354] : memref<650240xf32, #tpu.memory_space<vmem_shared>> -> memref<650240xf32, #tpu.memory_space<vmem_shared>>
    tpu.wait_indirect_dma semaphore(%arg16 : memref<!tpu.dma_semaphore, #tpu.memory_space<semaphore_mem>>) src(%arg10 : memref<128xf32, #tpu.memory_space<vmem>>) dst(%dma_wait3A_355 : memref<650240xf32, #tpu.memory_space<vmem_shared>>)
    %dma_wait3A_356 = arith.constant 9 : i32
    %dma_wait3A_357 = arith.constant 0 : i32
    %dma_wait3A_358 = tpu.memref_slice %arg9[%dma_wait3A_356, %dma_wait3A_357] : memref<80x128xi32, #tpu.memory_space<vmem>> -> memref<1x128xi32, #tpu.memory_space<vmem>>
    %dma_wait3A_359 = tpu.memref_squeeze %dma_wait3A_358 : memref<1x128xi32, #tpu.memory_space<vmem>> -> memref<128xi32, #tpu.memory_space<vmem>>
    %dma_wait3A_360 = arith.constant 0 : i32
    %dma_wait3A_361 = tpu.memref_slice %arg13[%dma_wait3A_360] : memref<650240xf32, #tpu.memory_space<vmem_shared>> -> memref<650240xf32, #tpu.memory_space<vmem_shared>>
    tpu.wait_indirect_dma semaphore(%arg16 : memref<!tpu.dma_semaphore, #tpu.memory_space<semaphore_mem>>) src(%arg10 : memref<128xf32, #tpu.memory_space<vmem>>) dst(%dma_wait3A_361 : memref<650240xf32, #tpu.memory_space<vmem_shared>>)
    %dma_start3A_362 = arith.constant 20 : i32
    %dma_start3A_363 = arith.constant 0 : i32
    %dma_start3A_364 = tpu.memref_slice %arg9[%dma_start3A_362, %dma_start3A_363] : memref<80x128xi32, #tpu.memory_space<vmem>> -> memref<1x128xi32, #tpu.memory_space<vmem>>
    %dma_start3A_365 = tpu.memref_squeeze %dma_start3A_364 : memref<1x128xi32, #tpu.memory_space<vmem>> -> memref<128xi32, #tpu.memory_space<vmem>>
    %dma_start3A_366 = arith.constant 0 : i32
    %dma_start3A_367 = tpu.memref_slice %arg13[%dma_start3A_366] : memref<650240xf32, #tpu.memory_space<vmem_shared>> -> memref<650240xf32, #tpu.memory_space<vmem_shared>>
    tpu.enqueue_indirect_dma source(%arg10 : memref<128xf32, #tpu.memory_space<vmem>>) target(%dma_start3A_367 : memref<650240xf32, #tpu.memory_space<vmem_shared>>) offsets(%dma_start3A_365 : memref<128xi32, #tpu.memory_space<vmem>>) semaphore(%arg16 : memref<!tpu.dma_semaphore, #tpu.memory_space<semaphore_mem>>) {add = true}
    %dma_start3A_368 = arith.constant 21 : i32
    %dma_start3A_369 = arith.constant 0 : i32
    %dma_start3A_370 = tpu.memref_slice %arg9[%dma_start3A_368, %dma_start3A_369] : memref<80x128xi32, #tpu.memory_space<vmem>> -> memref<1x128xi32, #tpu.memory_space<vmem>>
    %dma_start3A_371 = tpu.memref_squeeze %dma_start3A_370 : memref<1x128xi32, #tpu.memory_space<vmem>> -> memref<128xi32, #tpu.memory_space<vmem>>
    %dma_start3A_372 = arith.constant 0 : i32
    %dma_start3A_373 = tpu.memref_slice %arg13[%dma_start3A_372] : memref<650240xf32, #tpu.memory_space<vmem_shared>> -> memref<650240xf32, #tpu.memory_space<vmem_shared>>
    tpu.enqueue_indirect_dma source(%arg10 : memref<128xf32, #tpu.memory_space<vmem>>) target(%dma_start3A_373 : memref<650240xf32, #tpu.memory_space<vmem_shared>>) offsets(%dma_start3A_371 : memref<128xi32, #tpu.memory_space<vmem>>) semaphore(%arg16 : memref<!tpu.dma_semaphore, #tpu.memory_space<semaphore_mem>>) {add = true}
    %dma_start3A_374 = arith.constant 22 : i32
    %dma_start3A_375 = arith.constant 0 : i32
    %dma_start3A_376 = tpu.memref_slice %arg9[%dma_start3A_374, %dma_start3A_375] : memref<80x128xi32, #tpu.memory_space<vmem>> -> memref<1x128xi32, #tpu.memory_space<vmem>>
    %dma_start3A_377 = tpu.memref_squeeze %dma_start3A_376 : memref<1x128xi32, #tpu.memory_space<vmem>> -> memref<128xi32, #tpu.memory_space<vmem>>
    %dma_start3A_378 = arith.constant 0 : i32
    %dma_start3A_379 = tpu.memref_slice %arg13[%dma_start3A_378] : memref<650240xf32, #tpu.memory_space<vmem_shared>> -> memref<650240xf32, #tpu.memory_space<vmem_shared>>
    tpu.enqueue_indirect_dma source(%arg10 : memref<128xf32, #tpu.memory_space<vmem>>) target(%dma_start3A_379 : memref<650240xf32, #tpu.memory_space<vmem_shared>>) offsets(%dma_start3A_377 : memref<128xi32, #tpu.memory_space<vmem>>) semaphore(%arg16 : memref<!tpu.dma_semaphore, #tpu.memory_space<semaphore_mem>>) {add = true}
    %dma_start3A_380 = arith.constant 23 : i32
    %dma_start3A_381 = arith.constant 0 : i32
    %dma_start3A_382 = tpu.memref_slice %arg9[%dma_start3A_380, %dma_start3A_381] : memref<80x128xi32, #tpu.memory_space<vmem>> -> memref<1x128xi32, #tpu.memory_space<vmem>>
    %dma_start3A_383 = tpu.memref_squeeze %dma_start3A_382 : memref<1x128xi32, #tpu.memory_space<vmem>> -> memref<128xi32, #tpu.memory_space<vmem>>
    %dma_start3A_384 = arith.constant 0 : i32
    %dma_start3A_385 = tpu.memref_slice %arg13[%dma_start3A_384] : memref<650240xf32, #tpu.memory_space<vmem_shared>> -> memref<650240xf32, #tpu.memory_space<vmem_shared>>
    tpu.enqueue_indirect_dma source(%arg10 : memref<128xf32, #tpu.memory_space<vmem>>) target(%dma_start3A_385 : memref<650240xf32, #tpu.memory_space<vmem_shared>>) offsets(%dma_start3A_383 : memref<128xi32, #tpu.memory_space<vmem>>) semaphore(%arg16 : memref<!tpu.dma_semaphore, #tpu.memory_space<semaphore_mem>>) {add = true}
    %dma_start3A_386 = arith.constant 24 : i32
    %dma_start3A_387 = arith.constant 0 : i32
    %dma_start3A_388 = tpu.memref_slice %arg9[%dma_start3A_386, %dma_start3A_387] : memref<80x128xi32, #tpu.memory_space<vmem>> -> memref<1x128xi32, #tpu.memory_space<vmem>>
    %dma_start3A_389 = tpu.memref_squeeze %dma_start3A_388 : memref<1x128xi32, #tpu.memory_space<vmem>> -> memref<128xi32, #tpu.memory_space<vmem>>
    %dma_start3A_390 = arith.constant 0 : i32
    %dma_start3A_391 = tpu.memref_slice %arg13[%dma_start3A_390] : memref<650240xf32, #tpu.memory_space<vmem_shared>> -> memref<650240xf32, #tpu.memory_space<vmem_shared>>
    tpu.enqueue_indirect_dma source(%arg10 : memref<128xf32, #tpu.memory_space<vmem>>) target(%dma_start3A_391 : memref<650240xf32, #tpu.memory_space<vmem_shared>>) offsets(%dma_start3A_389 : memref<128xi32, #tpu.memory_space<vmem>>) semaphore(%arg16 : memref<!tpu.dma_semaphore, #tpu.memory_space<semaphore_mem>>) {add = true}
    %dma_start3A_392 = arith.constant 25 : i32
    %dma_start3A_393 = arith.constant 0 : i32
    %dma_start3A_394 = tpu.memref_slice %arg9[%dma_start3A_392, %dma_start3A_393] : memref<80x128xi32, #tpu.memory_space<vmem>> -> memref<1x128xi32, #tpu.memory_space<vmem>>
    %dma_start3A_395 = tpu.memref_squeeze %dma_start3A_394 : memref<1x128xi32, #tpu.memory_space<vmem>> -> memref<128xi32, #tpu.memory_space<vmem>>
    %dma_start3A_396 = arith.constant 0 : i32
    %dma_start3A_397 = tpu.memref_slice %arg13[%dma_start3A_396] : memref<650240xf32, #tpu.memory_space<vmem_shared>> -> memref<650240xf32, #tpu.memory_space<vmem_shared>>
    tpu.enqueue_indirect_dma source(%arg10 : memref<128xf32, #tpu.memory_space<vmem>>) target(%dma_start3A_397 : memref<650240xf32, #tpu.memory_space<vmem_shared>>) offsets(%dma_start3A_395 : memref<128xi32, #tpu.memory_space<vmem>>) semaphore(%arg16 : memref<!tpu.dma_semaphore, #tpu.memory_space<semaphore_mem>>) {add = true}
    %dma_start3A_398 = arith.constant 26 : i32
    %dma_start3A_399 = arith.constant 0 : i32
    %dma_start3A_400 = tpu.memref_slice %arg9[%dma_start3A_398, %dma_start3A_399] : memref<80x128xi32, #tpu.memory_space<vmem>> -> memref<1x128xi32, #tpu.memory_space<vmem>>
    %dma_start3A_401 = tpu.memref_squeeze %dma_start3A_400 : memref<1x128xi32, #tpu.memory_space<vmem>> -> memref<128xi32, #tpu.memory_space<vmem>>
    %dma_start3A_402 = arith.constant 0 : i32
    %dma_start3A_403 = tpu.memref_slice %arg13[%dma_start3A_402] : memref<650240xf32, #tpu.memory_space<vmem_shared>> -> memref<650240xf32, #tpu.memory_space<vmem_shared>>
    tpu.enqueue_indirect_dma source(%arg10 : memref<128xf32, #tpu.memory_space<vmem>>) target(%dma_start3A_403 : memref<650240xf32, #tpu.memory_space<vmem_shared>>) offsets(%dma_start3A_401 : memref<128xi32, #tpu.memory_space<vmem>>) semaphore(%arg16 : memref<!tpu.dma_semaphore, #tpu.memory_space<semaphore_mem>>) {add = true}
    %dma_start3A_404 = arith.constant 27 : i32
    %dma_start3A_405 = arith.constant 0 : i32
    %dma_start3A_406 = tpu.memref_slice %arg9[%dma_start3A_404, %dma_start3A_405] : memref<80x128xi32, #tpu.memory_space<vmem>> -> memref<1x128xi32, #tpu.memory_space<vmem>>
    %dma_start3A_407 = tpu.memref_squeeze %dma_start3A_406 : memref<1x128xi32, #tpu.memory_space<vmem>> -> memref<128xi32, #tpu.memory_space<vmem>>
    %dma_start3A_408 = arith.constant 0 : i32
    %dma_start3A_409 = tpu.memref_slice %arg13[%dma_start3A_408] : memref<650240xf32, #tpu.memory_space<vmem_shared>> -> memref<650240xf32, #tpu.memory_space<vmem_shared>>
    tpu.enqueue_indirect_dma source(%arg10 : memref<128xf32, #tpu.memory_space<vmem>>) target(%dma_start3A_409 : memref<650240xf32, #tpu.memory_space<vmem_shared>>) offsets(%dma_start3A_407 : memref<128xi32, #tpu.memory_space<vmem>>) semaphore(%arg16 : memref<!tpu.dma_semaphore, #tpu.memory_space<semaphore_mem>>) {add = true}
    %dma_start3A_410 = arith.constant 28 : i32
    %dma_start3A_411 = arith.constant 0 : i32
    %dma_start3A_412 = tpu.memref_slice %arg9[%dma_start3A_410, %dma_start3A_411] : memref<80x128xi32, #tpu.memory_space<vmem>> -> memref<1x128xi32, #tpu.memory_space<vmem>>
    %dma_start3A_413 = tpu.memref_squeeze %dma_start3A_412 : memref<1x128xi32, #tpu.memory_space<vmem>> -> memref<128xi32, #tpu.memory_space<vmem>>
    %dma_start3A_414 = arith.constant 0 : i32
    %dma_start3A_415 = tpu.memref_slice %arg13[%dma_start3A_414] : memref<650240xf32, #tpu.memory_space<vmem_shared>> -> memref<650240xf32, #tpu.memory_space<vmem_shared>>
    tpu.enqueue_indirect_dma source(%arg10 : memref<128xf32, #tpu.memory_space<vmem>>) target(%dma_start3A_415 : memref<650240xf32, #tpu.memory_space<vmem_shared>>) offsets(%dma_start3A_413 : memref<128xi32, #tpu.memory_space<vmem>>) semaphore(%arg16 : memref<!tpu.dma_semaphore, #tpu.memory_space<semaphore_mem>>) {add = true}
    %dma_start3A_416 = arith.constant 29 : i32
    %dma_start3A_417 = arith.constant 0 : i32
    %dma_start3A_418 = tpu.memref_slice %arg9[%dma_start3A_416, %dma_start3A_417] : memref<80x128xi32, #tpu.memory_space<vmem>> -> memref<1x128xi32, #tpu.memory_space<vmem>>
    %dma_start3A_419 = tpu.memref_squeeze %dma_start3A_418 : memref<1x128xi32, #tpu.memory_space<vmem>> -> memref<128xi32, #tpu.memory_space<vmem>>
    %dma_start3A_420 = arith.constant 0 : i32
    %dma_start3A_421 = tpu.memref_slice %arg13[%dma_start3A_420] : memref<650240xf32, #tpu.memory_space<vmem_shared>> -> memref<650240xf32, #tpu.memory_space<vmem_shared>>
    tpu.enqueue_indirect_dma source(%arg10 : memref<128xf32, #tpu.memory_space<vmem>>) target(%dma_start3A_421 : memref<650240xf32, #tpu.memory_space<vmem_shared>>) offsets(%dma_start3A_419 : memref<128xi32, #tpu.memory_space<vmem>>) semaphore(%arg16 : memref<!tpu.dma_semaphore, #tpu.memory_space<semaphore_mem>>) {add = true}
    %scan3A_422 = arith.constant 0 : i32
    %scan3A_423 = arith.constant 240 : i32
    %scan3A_424 = arith.constant 80 : i32
    %scan3A_425 = arith.addi %scan3A_423, %scan3A_424 : i32
    %scan3A_426 = arith.constant 1 : i32
    scf.for %scan3A_1574 = %scan3A_423 to %scan3A_425 step %scan3A_426  : i32 {
      %mul3A_1575 = arith.constant 16 : i32
      %mul3A_1576 = arith.muli %scan3A_1574, %mul3A_1575 : i32
      %get3A = arith.index_cast %mul3A_1576 : i32 to index
      %get3A_1577 = tpu.vector_load %arg7[%get3A] {strides = array<i32>} : memref<10000xi32, #tpu.memory_space<vmem>>, vector<16xi32>,
      %mul3A_1578 = arith.constant 16 : i32
      %mul3A_1579 = arith.muli %scan3A_1574, %mul3A_1578 : i32
      %get3A_1580 = arith.index_cast %mul3A_1579 : i32 to index
      %get3A_1581 = tpu.vector_load %arg8[%get3A_1580] {strides = array<i32>} : memref<10000xi32, #tpu.memory_space<vmem>>, vector<16xi32>,
      %gather3A = tpu.vector_load_idx %arg6[%get3A_1577] : memref<10000xi32, #tpu.memory_space<vmem>>[vector<16xi32>], vector<16xi32>,
      %mul3A_1582 = arith.constant 10000 : i32
      %mul3A_1583 = vector.broadcast %mul3A_1582 : i32 to vector<16xi32>
      %mul3A_1584 = arith.muli %gather3A, %mul3A_1583 : vector<16xi32>
      %add3A_1585 = arith.addi %mul3A_1584, %get3A_1581 : vector<16xi32>
      %jit3A = arith.constant 8 : i32
      %div3A = arith.divsi %scan3A_1574, %jit3A : i32
      %sign3A = arith.constant 0 : i32
      %sign3A_1586 = arith.cmpi sgt, %scan3A_1574, %sign3A : i32
      %sign3A_1587 = arith.extui %sign3A_1586 : i1 to i32
      %sign3A_1588 = arith.constant 0 : i32
      %sign3A_1589 = arith.cmpi slt, %scan3A_1574, %sign3A_1588 : i32
      %sign3A_1590 = arith.extui %sign3A_1589 : i1 to i32
      %sign3A_1591 = arith.subi %sign3A_1587, %sign3A_1590 : i32
      %sign3A_1592 = arith.constant 0 : i32
      %sign3A_1593 = arith.cmpi sgt, %jit3A, %sign3A_1592 : i32
      %sign3A_1594 = arith.extui %sign3A_1593 : i1 to i32
      %sign3A_1595 = arith.constant 0 : i32
      %sign3A_1596 = arith.cmpi slt, %jit3A, %sign3A_1595 : i32
      %sign3A_1597 = arith.extui %sign3A_1596 : i1 to i32
      %sign3A_1598 = arith.subi %sign3A_1594, %sign3A_1597 : i32
      %ne3A = arith.cmpi ne, %sign3A_1591, %sign3A_1598 : i32
      %rem3A = arith.remsi %scan3A_1574, %jit3A : i32
      %ne3A_1599 = arith.constant 0 : i32
      %ne3A_1600 = arith.cmpi ne, %rem3A, %ne3A_1599 : i32
      %and3A = arith.andi %ne3A, %ne3A_1600 : i1
      %sub3A = arith.constant 1 : i32
      %sub3A_1601 = arith.subi %div3A, %sub3A : i32
      %select_n3A = arith.select %and3A, %sub3A_1601, %div3A : i32
      %jit3A_1602 = arith.constant 8 : i32
      %eq3A_1603 = arith.constant 0 : i32
      %eq3A_1604 = arith.cmpi eq, %jit3A_1602, %eq3A_1603 : i32
      %jit3A_1605 = arith.constant 1 : i32
      %select_n3A_1606 = arith.select %eq3A_1604, %jit3A_1605, %jit3A_1602 : i32
      %rem3A_1607 = arith.remsi %scan3A_1574, %select_n3A_1606 : i32
      %ne3A_1608 = arith.constant 0 : i32
      %ne3A_1609 = arith.cmpi ne, %rem3A_1607, %ne3A_1608 : i32
      %lt3A = arith.constant 0 : i32
      %lt3A_1610 = arith.cmpi slt, %rem3A_1607, %lt3A : i32
      %lt3A_1611 = arith.constant 0 : i32
      %lt3A_1612 = arith.cmpi slt, %select_n3A_1606, %lt3A_1611 : i32
      %ne3A_1613 = arith.xori %lt3A_1610, %lt3A_1612 : i1
      %and3A_1614 = arith.andi %ne3A_1613, %ne3A_1609 : i1
      %add3A_1615 = arith.addi %rem3A_1607, %select_n3A_1606 : i32
      %select_n3A_1616 = arith.select %and3A_1614, %add3A_1615, %rem3A_1607 : i32
      %mul3A_1617 = arith.constant 16 : i32
      %mul3A_1618 = arith.muli %select_n3A_1616, %mul3A_1617 : i32
      %swap3A_1619 = arith.index_cast %select_n3A : i32 to index
      %swap3A_1620 = arith.index_cast %mul3A_1618 : i32 to index
      %swap3A_1621 = tpu.vector_load %arg9[%swap3A_1619, %swap3A_1620] {strides = array<i32>} : memref<80x128xi32, #tpu.memory_space<vmem>>, vector<16xi32>,
      tpu.vector_store %arg9[%swap3A_1619, %swap3A_1620], %add3A_1585 {strides = array<i32>} : memref<80x128xi32, #tpu.memory_space<vmem>>, vector<16xi32>,
      %broadcast_in_dim3A_1622 = arith.constant 1.000000e+00 : f32
      %broadcast_in_dim3A_1623 = vector.broadcast %broadcast_in_dim3A_1622 : f32 to vector<16xf32>
      tpu.vector_store_idx %arg12[%get3A_1577], %broadcast_in_dim3A_1623 {add = true} : memref<10240xf32, #tpu.memory_space<vmem>>[vector<16xi32>], vector<16xf32>,
    }
    %scan3A_427 = arith.constant 80 : i32
    %dma_wait3A_428 = arith.constant 10 : i32
    %dma_wait3A_429 = arith.constant 0 : i32
    %dma_wait3A_430 = tpu.memref_slice %arg9[%dma_wait3A_428, %dma_wait3A_429] : memref<80x128xi32, #tpu.memory_space<vmem>> -> memref<1x128xi32, #tpu.memory_space<vmem>>
    %dma_wait3A_431 = tpu.memref_squeeze %dma_wait3A_430 : memref<1x128xi32, #tpu.memory_space<vmem>> -> memref<128xi32, #tpu.memory_space<vmem>>
    %dma_wait3A_432 = arith.constant 0 : i32
    %dma_wait3A_433 = tpu.memref_slice %arg13[%dma_wait3A_432] : memref<650240xf32, #tpu.memory_space<vmem_shared>> -> memref<650240xf32, #tpu.memory_space<vmem_shared>>
    tpu.wait_indirect_dma semaphore(%arg16 : memref<!tpu.dma_semaphore, #tpu.memory_space<semaphore_mem>>) src(%arg10 : memref<128xf32, #tpu.memory_space<vmem>>) dst(%dma_wait3A_433 : memref<650240xf32, #tpu.memory_space<vmem_shared>>)
    %dma_wait3A_434 = arith.constant 11 : i32
    %dma_wait3A_435 = arith.constant 0 : i32
    %dma_wait3A_436 = tpu.memref_slice %arg9[%dma_wait3A_434, %dma_wait3A_435] : memref<80x128xi32, #tpu.memory_space<vmem>> -> memref<1x128xi32, #tpu.memory_space<vmem>>
    %dma_wait3A_437 = tpu.memref_squeeze %dma_wait3A_436 : memref<1x128xi32, #tpu.memory_space<vmem>> -> memref<128xi32, #tpu.memory_space<vmem>>
    %dma_wait3A_438 = arith.constant 0 : i32
    %dma_wait3A_439 = tpu.memref_slice %arg13[%dma_wait3A_438] : memref<650240xf32, #tpu.memory_space<vmem_shared>> -> memref<650240xf32, #tpu.memory_space<vmem_shared>>
    tpu.wait_indirect_dma semaphore(%arg16 : memref<!tpu.dma_semaphore, #tpu.memory_space<semaphore_mem>>) src(%arg10 : memref<128xf32, #tpu.memory_space<vmem>>) dst(%dma_wait3A_439 : memref<650240xf32, #tpu.memory_space<vmem_shared>>)
    %dma_wait3A_440 = arith.constant 12 : i32
    %dma_wait3A_441 = arith.constant 0 : i32
    %dma_wait3A_442 = tpu.memref_slice %arg9[%dma_wait3A_440, %dma_wait3A_441] : memref<80x128xi32, #tpu.memory_space<vmem>> -> memref<1x128xi32, #tpu.memory_space<vmem>>
    %dma_wait3A_443 = tpu.memref_squeeze %dma_wait3A_442 : memref<1x128xi32, #tpu.memory_space<vmem>> -> memref<128xi32, #tpu.memory_space<vmem>>
    %dma_wait3A_444 = arith.constant 0 : i32
    %dma_wait3A_445 = tpu.memref_slice %arg13[%dma_wait3A_444] : memref<650240xf32, #tpu.memory_space<vmem_shared>> -> memref<650240xf32, #tpu.memory_space<vmem_shared>>
    tpu.wait_indirect_dma semaphore(%arg16 : memref<!tpu.dma_semaphore, #tpu.memory_space<semaphore_mem>>) src(%arg10 : memref<128xf32, #tpu.memory_space<vmem>>) dst(%dma_wait3A_445 : memref<650240xf32, #tpu.memory_space<vmem_shared>>)
    %dma_wait3A_446 = arith.constant 13 : i32
    %dma_wait3A_447 = arith.constant 0 : i32
    %dma_wait3A_448 = tpu.memref_slice %arg9[%dma_wait3A_446, %dma_wait3A_447] : memref<80x128xi32, #tpu.memory_space<vmem>> -> memref<1x128xi32, #tpu.memory_space<vmem>>
    %dma_wait3A_449 = tpu.memref_squeeze %dma_wait3A_448 : memref<1x128xi32, #tpu.memory_space<vmem>> -> memref<128xi32, #tpu.memory_space<vmem>>
    %dma_wait3A_450 = arith.constant 0 : i32
    %dma_wait3A_451 = tpu.memref_slice %arg13[%dma_wait3A_450] : memref<650240xf32, #tpu.memory_space<vmem_shared>> -> memref<650240xf32, #tpu.memory_space<vmem_shared>>
    tpu.wait_indirect_dma semaphore(%arg16 : memref<!tpu.dma_semaphore, #tpu.memory_space<semaphore_mem>>) src(%arg10 : memref<128xf32, #tpu.memory_space<vmem>>) dst(%dma_wait3A_451 : memref<650240xf32, #tpu.memory_space<vmem_shared>>)
    %dma_wait3A_452 = arith.constant 14 : i32
    %dma_wait3A_453 = arith.constant 0 : i32
    %dma_wait3A_454 = tpu.memref_slice %arg9[%dma_wait3A_452, %dma_wait3A_453] : memref<80x128xi32, #tpu.memory_space<vmem>> -> memref<1x128xi32, #tpu.memory_space<vmem>>
    %dma_wait3A_455 = tpu.memref_squeeze %dma_wait3A_454 : memref<1x128xi32, #tpu.memory_space<vmem>> -> memref<128xi32, #tpu.memory_space<vmem>>
    %dma_wait3A_456 = arith.constant 0 : i32
    %dma_wait3A_457 = tpu.memref_slice %arg13[%dma_wait3A_456] : memref<650240xf32, #tpu.memory_space<vmem_shared>> -> memref<650240xf32, #tpu.memory_space<vmem_shared>>
    tpu.wait_indirect_dma semaphore(%arg16 : memref<!tpu.dma_semaphore, #tpu.memory_space<semaphore_mem>>) src(%arg10 : memref<128xf32, #tpu.memory_space<vmem>>) dst(%dma_wait3A_457 : memref<650240xf32, #tpu.memory_space<vmem_shared>>)
    %dma_wait3A_458 = arith.constant 15 : i32
    %dma_wait3A_459 = arith.constant 0 : i32
    %dma_wait3A_460 = tpu.memref_slice %arg9[%dma_wait3A_458, %dma_wait3A_459] : memref<80x128xi32, #tpu.memory_space<vmem>> -> memref<1x128xi32, #tpu.memory_space<vmem>>
    %dma_wait3A_461 = tpu.memref_squeeze %dma_wait3A_460 : memref<1x128xi32, #tpu.memory_space<vmem>> -> memref<128xi32, #tpu.memory_space<vmem>>
    %dma_wait3A_462 = arith.constant 0 : i32
    %dma_wait3A_463 = tpu.memref_slice %arg13[%dma_wait3A_462] : memref<650240xf32, #tpu.memory_space<vmem_shared>> -> memref<650240xf32, #tpu.memory_space<vmem_shared>>
    tpu.wait_indirect_dma semaphore(%arg16 : memref<!tpu.dma_semaphore, #tpu.memory_space<semaphore_mem>>) src(%arg10 : memref<128xf32, #tpu.memory_space<vmem>>) dst(%dma_wait3A_463 : memref<650240xf32, #tpu.memory_space<vmem_shared>>)
    %dma_wait3A_464 = arith.constant 16 : i32
    %dma_wait3A_465 = arith.constant 0 : i32
    %dma_wait3A_466 = tpu.memref_slice %arg9[%dma_wait3A_464, %dma_wait3A_465] : memref<80x128xi32, #tpu.memory_space<vmem>> -> memref<1x128xi32, #tpu.memory_space<vmem>>
    %dma_wait3A_467 = tpu.memref_squeeze %dma_wait3A_466 : memref<1x128xi32, #tpu.memory_space<vmem>> -> memref<128xi32, #tpu.memory_space<vmem>>
    %dma_wait3A_468 = arith.constant 0 : i32
    %dma_wait3A_469 = tpu.memref_slice %arg13[%dma_wait3A_468] : memref<650240xf32, #tpu.memory_space<vmem_shared>> -> memref<650240xf32, #tpu.memory_space<vmem_shared>>
    tpu.wait_indirect_dma semaphore(%arg16 : memref<!tpu.dma_semaphore, #tpu.memory_space<semaphore_mem>>) src(%arg10 : memref<128xf32, #tpu.memory_space<vmem>>) dst(%dma_wait3A_469 : memref<650240xf32, #tpu.memory_space<vmem_shared>>)
    %dma_wait3A_470 = arith.constant 17 : i32
    %dma_wait3A_471 = arith.constant 0 : i32
    %dma_wait3A_472 = tpu.memref_slice %arg9[%dma_wait3A_470, %dma_wait3A_471] : memref<80x128xi32, #tpu.memory_space<vmem>> -> memref<1x128xi32, #tpu.memory_space<vmem>>
    %dma_wait3A_473 = tpu.memref_squeeze %dma_wait3A_472 : memref<1x128xi32, #tpu.memory_space<vmem>> -> memref<128xi32, #tpu.memory_space<vmem>>
    %dma_wait3A_474 = arith.constant 0 : i32
    %dma_wait3A_475 = tpu.memref_slice %arg13[%dma_wait3A_474] : memref<650240xf32, #tpu.memory_space<vmem_shared>> -> memref<650240xf32, #tpu.memory_space<vmem_shared>>
    tpu.wait_indirect_dma semaphore(%arg16 : memref<!tpu.dma_semaphore, #tpu.memory_space<semaphore_mem>>) src(%arg10 : memref<128xf32, #tpu.memory_space<vmem>>) dst(%dma_wait3A_475 : memref<650240xf32, #tpu.memory_space<vmem_shared>>)
    %dma_wait3A_476 = arith.constant 18 : i32
    %dma_wait3A_477 = arith.constant 0 : i32
    %dma_wait3A_478 = tpu.memref_slice %arg9[%dma_wait3A_476, %dma_wait3A_477] : memref<80x128xi32, #tpu.memory_space<vmem>> -> memref<1x128xi32, #tpu.memory_space<vmem>>
    %dma_wait3A_479 = tpu.memref_squeeze %dma_wait3A_478 : memref<1x128xi32, #tpu.memory_space<vmem>> -> memref<128xi32, #tpu.memory_space<vmem>>
    %dma_wait3A_480 = arith.constant 0 : i32
    %dma_wait3A_481 = tpu.memref_slice %arg13[%dma_wait3A_480] : memref<650240xf32, #tpu.memory_space<vmem_shared>> -> memref<650240xf32, #tpu.memory_space<vmem_shared>>
    tpu.wait_indirect_dma semaphore(%arg16 : memref<!tpu.dma_semaphore, #tpu.memory_space<semaphore_mem>>) src(%arg10 : memref<128xf32, #tpu.memory_space<vmem>>) dst(%dma_wait3A_481 : memref<650240xf32, #tpu.memory_space<vmem_shared>>)
    %dma_wait3A_482 = arith.constant 19 : i32
    %dma_wait3A_483 = arith.constant 0 : i32
    %dma_wait3A_484 = tpu.memref_slice %arg9[%dma_wait3A_482, %dma_wait3A_483] : memref<80x128xi32, #tpu.memory_space<vmem>> -> memref<1x128xi32, #tpu.memory_space<vmem>>
    %dma_wait3A_485 = tpu.memref_squeeze %dma_wait3A_484 : memref<1x128xi32, #tpu.memory_space<vmem>> -> memref<128xi32, #tpu.memory_space<vmem>>
    %dma_wait3A_486 = arith.constant 0 : i32
    %dma_wait3A_487 = tpu.memref_slice %arg13[%dma_wait3A_486] : memref<650240xf32, #tpu.memory_space<vmem_shared>> -> memref<650240xf32, #tpu.memory_space<vmem_shared>>
    tpu.wait_indirect_dma semaphore(%arg16 : memref<!tpu.dma_semaphore, #tpu.memory_space<semaphore_mem>>) src(%arg10 : memref<128xf32, #tpu.memory_space<vmem>>) dst(%dma_wait3A_487 : memref<650240xf32, #tpu.memory_space<vmem_shared>>)
    %dma_start3A_488 = arith.constant 30 : i32
    %dma_start3A_489 = arith.constant 0 : i32
    %dma_start3A_490 = tpu.memref_slice %arg9[%dma_start3A_488, %dma_start3A_489] : memref<80x128xi32, #tpu.memory_space<vmem>> -> memref<1x128xi32, #tpu.memory_space<vmem>>
    %dma_start3A_491 = tpu.memref_squeeze %dma_start3A_490 : memref<1x128xi32, #tpu.memory_space<vmem>> -> memref<128xi32, #tpu.memory_space<vmem>>
    %dma_start3A_492 = arith.constant 0 : i32
    %dma_start3A_493 = tpu.memref_slice %arg13[%dma_start3A_492] : memref<650240xf32, #tpu.memory_space<vmem_shared>> -> memref<650240xf32, #tpu.memory_space<vmem_shared>>
    tpu.enqueue_indirect_dma source(%arg10 : memref<128xf32, #tpu.memory_space<vmem>>) target(%dma_start3A_493 : memref<650240xf32, #tpu.memory_space<vmem_shared>>) offsets(%dma_start3A_491 : memref<128xi32, #tpu.memory_space<vmem>>) semaphore(%arg16 : memref<!tpu.dma_semaphore, #tpu.memory_space<semaphore_mem>>) {add = true}
    %dma_start3A_494 = arith.constant 31 : i32
    %dma_start3A_495 = arith.constant 0 : i32
    %dma_start3A_496 = tpu.memref_slice %arg9[%dma_start3A_494, %dma_start3A_495] : memref<80x128xi32, #tpu.memory_space<vmem>> -> memref<1x128xi32, #tpu.memory_space<vmem>>
    %dma_start3A_497 = tpu.memref_squeeze %dma_start3A_496 : memref<1x128xi32, #tpu.memory_space<vmem>> -> memref<128xi32, #tpu.memory_space<vmem>>
    %dma_start3A_498 = arith.constant 0 : i32
    %dma_start3A_499 = tpu.memref_slice %arg13[%dma_start3A_498] : memref<650240xf32, #tpu.memory_space<vmem_shared>> -> memref<650240xf32, #tpu.memory_space<vmem_shared>>
    tpu.enqueue_indirect_dma source(%arg10 : memref<128xf32, #tpu.memory_space<vmem>>) target(%dma_start3A_499 : memref<650240xf32, #tpu.memory_space<vmem_shared>>) offsets(%dma_start3A_497 : memref<128xi32, #tpu.memory_space<vmem>>) semaphore(%arg16 : memref<!tpu.dma_semaphore, #tpu.memory_space<semaphore_mem>>) {add = true}
    %dma_start3A_500 = arith.constant 32 : i32
    %dma_start3A_501 = arith.constant 0 : i32
    %dma_start3A_502 = tpu.memref_slice %arg9[%dma_start3A_500, %dma_start3A_501] : memref<80x128xi32, #tpu.memory_space<vmem>> -> memref<1x128xi32, #tpu.memory_space<vmem>>
    %dma_start3A_503 = tpu.memref_squeeze %dma_start3A_502 : memref<1x128xi32, #tpu.memory_space<vmem>> -> memref<128xi32, #tpu.memory_space<vmem>>
    %dma_start3A_504 = arith.constant 0 : i32
    %dma_start3A_505 = tpu.memref_slice %arg13[%dma_start3A_504] : memref<650240xf32, #tpu.memory_space<vmem_shared>> -> memref<650240xf32, #tpu.memory_space<vmem_shared>>
    tpu.enqueue_indirect_dma source(%arg10 : memref<128xf32, #tpu.memory_space<vmem>>) target(%dma_start3A_505 : memref<650240xf32, #tpu.memory_space<vmem_shared>>) offsets(%dma_start3A_503 : memref<128xi32, #tpu.memory_space<vmem>>) semaphore(%arg16 : memref<!tpu.dma_semaphore, #tpu.memory_space<semaphore_mem>>) {add = true}
    %dma_start3A_506 = arith.constant 33 : i32
    %dma_start3A_507 = arith.constant 0 : i32
    %dma_start3A_508 = tpu.memref_slice %arg9[%dma_start3A_506, %dma_start3A_507] : memref<80x128xi32, #tpu.memory_space<vmem>> -> memref<1x128xi32, #tpu.memory_space<vmem>>
    %dma_start3A_509 = tpu.memref_squeeze %dma_start3A_508 : memref<1x128xi32, #tpu.memory_space<vmem>> -> memref<128xi32, #tpu.memory_space<vmem>>
    %dma_start3A_510 = arith.constant 0 : i32
    %dma_start3A_511 = tpu.memref_slice %arg13[%dma_start3A_510] : memref<650240xf32, #tpu.memory_space<vmem_shared>> -> memref<650240xf32, #tpu.memory_space<vmem_shared>>
    tpu.enqueue_indirect_dma source(%arg10 : memref<128xf32, #tpu.memory_space<vmem>>) target(%dma_start3A_511 : memref<650240xf32, #tpu.memory_space<vmem_shared>>) offsets(%dma_start3A_509 : memref<128xi32, #tpu.memory_space<vmem>>) semaphore(%arg16 : memref<!tpu.dma_semaphore, #tpu.memory_space<semaphore_mem>>) {add = true}
    %dma_start3A_512 = arith.constant 34 : i32
    %dma_start3A_513 = arith.constant 0 : i32
    %dma_start3A_514 = tpu.memref_slice %arg9[%dma_start3A_512, %dma_start3A_513] : memref<80x128xi32, #tpu.memory_space<vmem>> -> memref<1x128xi32, #tpu.memory_space<vmem>>
    %dma_start3A_515 = tpu.memref_squeeze %dma_start3A_514 : memref<1x128xi32, #tpu.memory_space<vmem>> -> memref<128xi32, #tpu.memory_space<vmem>>
    %dma_start3A_516 = arith.constant 0 : i32
    %dma_start3A_517 = tpu.memref_slice %arg13[%dma_start3A_516] : memref<650240xf32, #tpu.memory_space<vmem_shared>> -> memref<650240xf32, #tpu.memory_space<vmem_shared>>
    tpu.enqueue_indirect_dma source(%arg10 : memref<128xf32, #tpu.memory_space<vmem>>) target(%dma_start3A_517 : memref<650240xf32, #tpu.memory_space<vmem_shared>>) offsets(%dma_start3A_515 : memref<128xi32, #tpu.memory_space<vmem>>) semaphore(%arg16 : memref<!tpu.dma_semaphore, #tpu.memory_space<semaphore_mem>>) {add = true}
    %dma_start3A_518 = arith.constant 35 : i32
    %dma_start3A_519 = arith.constant 0 : i32
    %dma_start3A_520 = tpu.memref_slice %arg9[%dma_start3A_518, %dma_start3A_519] : memref<80x128xi32, #tpu.memory_space<vmem>> -> memref<1x128xi32, #tpu.memory_space<vmem>>
    %dma_start3A_521 = tpu.memref_squeeze %dma_start3A_520 : memref<1x128xi32, #tpu.memory_space<vmem>> -> memref<128xi32, #tpu.memory_space<vmem>>
    %dma_start3A_522 = arith.constant 0 : i32
    %dma_start3A_523 = tpu.memref_slice %arg13[%dma_start3A_522] : memref<650240xf32, #tpu.memory_space<vmem_shared>> -> memref<650240xf32, #tpu.memory_space<vmem_shared>>
    tpu.enqueue_indirect_dma source(%arg10 : memref<128xf32, #tpu.memory_space<vmem>>) target(%dma_start3A_523 : memref<650240xf32, #tpu.memory_space<vmem_shared>>) offsets(%dma_start3A_521 : memref<128xi32, #tpu.memory_space<vmem>>) semaphore(%arg16 : memref<!tpu.dma_semaphore, #tpu.memory_space<semaphore_mem>>) {add = true}
    %dma_start3A_524 = arith.constant 36 : i32
    %dma_start3A_525 = arith.constant 0 : i32
    %dma_start3A_526 = tpu.memref_slice %arg9[%dma_start3A_524, %dma_start3A_525] : memref<80x128xi32, #tpu.memory_space<vmem>> -> memref<1x128xi32, #tpu.memory_space<vmem>>
    %dma_start3A_527 = tpu.memref_squeeze %dma_start3A_526 : memref<1x128xi32, #tpu.memory_space<vmem>> -> memref<128xi32, #tpu.memory_space<vmem>>
    %dma_start3A_528 = arith.constant 0 : i32
    %dma_start3A_529 = tpu.memref_slice %arg13[%dma_start3A_528] : memref<650240xf32, #tpu.memory_space<vmem_shared>> -> memref<650240xf32, #tpu.memory_space<vmem_shared>>
    tpu.enqueue_indirect_dma source(%arg10 : memref<128xf32, #tpu.memory_space<vmem>>) target(%dma_start3A_529 : memref<650240xf32, #tpu.memory_space<vmem_shared>>) offsets(%dma_start3A_527 : memref<128xi32, #tpu.memory_space<vmem>>) semaphore(%arg16 : memref<!tpu.dma_semaphore, #tpu.memory_space<semaphore_mem>>) {add = true}
    %dma_start3A_530 = arith.constant 37 : i32
    %dma_start3A_531 = arith.constant 0 : i32
    %dma_start3A_532 = tpu.memref_slice %arg9[%dma_start3A_530, %dma_start3A_531] : memref<80x128xi32, #tpu.memory_space<vmem>> -> memref<1x128xi32, #tpu.memory_space<vmem>>
    %dma_start3A_533 = tpu.memref_squeeze %dma_start3A_532 : memref<1x128xi32, #tpu.memory_space<vmem>> -> memref<128xi32, #tpu.memory_space<vmem>>
    %dma_start3A_534 = arith.constant 0 : i32
    %dma_start3A_535 = tpu.memref_slice %arg13[%dma_start3A_534] : memref<650240xf32, #tpu.memory_space<vmem_shared>> -> memref<650240xf32, #tpu.memory_space<vmem_shared>>
    tpu.enqueue_indirect_dma source(%arg10 : memref<128xf32, #tpu.memory_space<vmem>>) target(%dma_start3A_535 : memref<650240xf32, #tpu.memory_space<vmem_shared>>) offsets(%dma_start3A_533 : memref<128xi32, #tpu.memory_space<vmem>>) semaphore(%arg16 : memref<!tpu.dma_semaphore, #tpu.memory_space<semaphore_mem>>) {add = true}
    %dma_start3A_536 = arith.constant 38 : i32
    %dma_start3A_537 = arith.constant 0 : i32
    %dma_start3A_538 = tpu.memref_slice %arg9[%dma_start3A_536, %dma_start3A_537] : memref<80x128xi32, #tpu.memory_space<vmem>> -> memref<1x128xi32, #tpu.memory_space<vmem>>
    %dma_start3A_539 = tpu.memref_squeeze %dma_start3A_538 : memref<1x128xi32, #tpu.memory_space<vmem>> -> memref<128xi32, #tpu.memory_space<vmem>>
    %dma_start3A_540 = arith.constant 0 : i32
    %dma_start3A_541 = tpu.memref_slice %arg13[%dma_start3A_540] : memref<650240xf32, #tpu.memory_space<vmem_shared>> -> memref<650240xf32, #tpu.memory_space<vmem_shared>>
    tpu.enqueue_indirect_dma source(%arg10 : memref<128xf32, #tpu.memory_space<vmem>>) target(%dma_start3A_541 : memref<650240xf32, #tpu.memory_space<vmem_shared>>) offsets(%dma_start3A_539 : memref<128xi32, #tpu.memory_space<vmem>>) semaphore(%arg16 : memref<!tpu.dma_semaphore, #tpu.memory_space<semaphore_mem>>) {add = true}
    %dma_start3A_542 = arith.constant 39 : i32
    %dma_start3A_543 = arith.constant 0 : i32
    %dma_start3A_544 = tpu.memref_slice %arg9[%dma_start3A_542, %dma_start3A_543] : memref<80x128xi32, #tpu.memory_space<vmem>> -> memref<1x128xi32, #tpu.memory_space<vmem>>
    %dma_start3A_545 = tpu.memref_squeeze %dma_start3A_544 : memref<1x128xi32, #tpu.memory_space<vmem>> -> memref<128xi32, #tpu.memory_space<vmem>>
    %dma_start3A_546 = arith.constant 0 : i32
    %dma_start3A_547 = tpu.memref_slice %arg13[%dma_start3A_546] : memref<650240xf32, #tpu.memory_space<vmem_shared>> -> memref<650240xf32, #tpu.memory_space<vmem_shared>>
    tpu.enqueue_indirect_dma source(%arg10 : memref<128xf32, #tpu.memory_space<vmem>>) target(%dma_start3A_547 : memref<650240xf32, #tpu.memory_space<vmem_shared>>) offsets(%dma_start3A_545 : memref<128xi32, #tpu.memory_space<vmem>>) semaphore(%arg16 : memref<!tpu.dma_semaphore, #tpu.memory_space<semaphore_mem>>) {add = true}
    %scan3A_548 = arith.constant 0 : i32
    %scan3A_549 = arith.constant 320 : i32
    %scan3A_550 = arith.constant 80 : i32
    %scan3A_551 = arith.addi %scan3A_549, %scan3A_550 : i32
    %scan3A_552 = arith.constant 1 : i32
    scf.for %scan3A_1574 = %scan3A_549 to %scan3A_551 step %scan3A_552  : i32 {
      %mul3A_1575 = arith.constant 16 : i32
      %mul3A_1576 = arith.muli %scan3A_1574, %mul3A_1575 : i32
      %get3A = arith.index_cast %mul3A_1576 : i32 to index
      %get3A_1577 = tpu.vector_load %arg7[%get3A] {strides = array<i32>} : memref<10000xi32, #tpu.memory_space<vmem>>, vector<16xi32>,
      %mul3A_1578 = arith.constant 16 : i32
      %mul3A_1579 = arith.muli %scan3A_1574, %mul3A_1578 : i32
      %get3A_1580 = arith.index_cast %mul3A_1579 : i32 to index
      %get3A_1581 = tpu.vector_load %arg8[%get3A_1580] {strides = array<i32>} : memref<10000xi32, #tpu.memory_space<vmem>>, vector<16xi32>,
      %gather3A = tpu.vector_load_idx %arg6[%get3A_1577] : memref<10000xi32, #tpu.memory_space<vmem>>[vector<16xi32>], vector<16xi32>,
      %mul3A_1582 = arith.constant 10000 : i32
      %mul3A_1583 = vector.broadcast %mul3A_1582 : i32 to vector<16xi32>
      %mul3A_1584 = arith.muli %gather3A, %mul3A_1583 : vector<16xi32>
      %add3A_1585 = arith.addi %mul3A_1584, %get3A_1581 : vector<16xi32>
      %jit3A = arith.constant 8 : i32
      %div3A = arith.divsi %scan3A_1574, %jit3A : i32
      %sign3A = arith.constant 0 : i32
      %sign3A_1586 = arith.cmpi sgt, %scan3A_1574, %sign3A : i32
      %sign3A_1587 = arith.extui %sign3A_1586 : i1 to i32
      %sign3A_1588 = arith.constant 0 : i32
      %sign3A_1589 = arith.cmpi slt, %scan3A_1574, %sign3A_1588 : i32
      %sign3A_1590 = arith.extui %sign3A_1589 : i1 to i32
      %sign3A_1591 = arith.subi %sign3A_1587, %sign3A_1590 : i32
      %sign3A_1592 = arith.constant 0 : i32
      %sign3A_1593 = arith.cmpi sgt, %jit3A, %sign3A_1592 : i32
      %sign3A_1594 = arith.extui %sign3A_1593 : i1 to i32
      %sign3A_1595 = arith.constant 0 : i32
      %sign3A_1596 = arith.cmpi slt, %jit3A, %sign3A_1595 : i32
      %sign3A_1597 = arith.extui %sign3A_1596 : i1 to i32
      %sign3A_1598 = arith.subi %sign3A_1594, %sign3A_1597 : i32
      %ne3A = arith.cmpi ne, %sign3A_1591, %sign3A_1598 : i32
      %rem3A = arith.remsi %scan3A_1574, %jit3A : i32
      %ne3A_1599 = arith.constant 0 : i32
      %ne3A_1600 = arith.cmpi ne, %rem3A, %ne3A_1599 : i32
      %and3A = arith.andi %ne3A, %ne3A_1600 : i1
      %sub3A = arith.constant 1 : i32
      %sub3A_1601 = arith.subi %div3A, %sub3A : i32
      %select_n3A = arith.select %and3A, %sub3A_1601, %div3A : i32
      %jit3A_1602 = arith.constant 8 : i32
      %eq3A_1603 = arith.constant 0 : i32
      %eq3A_1604 = arith.cmpi eq, %jit3A_1602, %eq3A_1603 : i32
      %jit3A_1605 = arith.constant 1 : i32
      %select_n3A_1606 = arith.select %eq3A_1604, %jit3A_1605, %jit3A_1602 : i32
      %rem3A_1607 = arith.remsi %scan3A_1574, %select_n3A_1606 : i32
      %ne3A_1608 = arith.constant 0 : i32
      %ne3A_1609 = arith.cmpi ne, %rem3A_1607, %ne3A_1608 : i32
      %lt3A = arith.constant 0 : i32
      %lt3A_1610 = arith.cmpi slt, %rem3A_1607, %lt3A : i32
      %lt3A_1611 = arith.constant 0 : i32
      %lt3A_1612 = arith.cmpi slt, %select_n3A_1606, %lt3A_1611 : i32
      %ne3A_1613 = arith.xori %lt3A_1610, %lt3A_1612 : i1
      %and3A_1614 = arith.andi %ne3A_1613, %ne3A_1609 : i1
      %add3A_1615 = arith.addi %rem3A_1607, %select_n3A_1606 : i32
      %select_n3A_1616 = arith.select %and3A_1614, %add3A_1615, %rem3A_1607 : i32
      %mul3A_1617 = arith.constant 16 : i32
      %mul3A_1618 = arith.muli %select_n3A_1616, %mul3A_1617 : i32
      %swap3A_1619 = arith.index_cast %select_n3A : i32 to index
      %swap3A_1620 = arith.index_cast %mul3A_1618 : i32 to index
      %swap3A_1621 = tpu.vector_load %arg9[%swap3A_1619, %swap3A_1620] {strides = array<i32>} : memref<80x128xi32, #tpu.memory_space<vmem>>, vector<16xi32>,
      tpu.vector_store %arg9[%swap3A_1619, %swap3A_1620], %add3A_1585 {strides = array<i32>} : memref<80x128xi32, #tpu.memory_space<vmem>>, vector<16xi32>,
      %broadcast_in_dim3A_1622 = arith.constant 1.000000e+00 : f32
      %broadcast_in_dim3A_1623 = vector.broadcast %broadcast_in_dim3A_1622 : f32 to vector<16xf32>
      tpu.vector_store_idx %arg12[%get3A_1577], %broadcast_in_dim3A_1623 {add = true} : memref<10240xf32, #tpu.memory_space<vmem>>[vector<16xi32>], vector<16xf32>,
    }
    %scan3A_553 = arith.constant 80 : i32
    %dma_wait3A_554 = arith.constant 20 : i32
    %dma_wait3A_555 = arith.constant 0 : i32
    %dma_wait3A_556 = tpu.memref_slice %arg9[%dma_wait3A_554, %dma_wait3A_555] : memref<80x128xi32, #tpu.memory_space<vmem>> -> memref<1x128xi32, #tpu.memory_space<vmem>>
    %dma_wait3A_557 = tpu.memref_squeeze %dma_wait3A_556 : memref<1x128xi32, #tpu.memory_space<vmem>> -> memref<128xi32, #tpu.memory_space<vmem>>
    %dma_wait3A_558 = arith.constant 0 : i32
    %dma_wait3A_559 = tpu.memref_slice %arg13[%dma_wait3A_558] : memref<650240xf32, #tpu.memory_space<vmem_shared>> -> memref<650240xf32, #tpu.memory_space<vmem_shared>>
    tpu.wait_indirect_dma semaphore(%arg16 : memref<!tpu.dma_semaphore, #tpu.memory_space<semaphore_mem>>) src(%arg10 : memref<128xf32, #tpu.memory_space<vmem>>) dst(%dma_wait3A_559 : memref<650240xf32, #tpu.memory_space<vmem_shared>>)
    %dma_wait3A_560 = arith.constant 21 : i32
    %dma_wait3A_561 = arith.constant 0 : i32
    %dma_wait3A_562 = tpu.memref_slice %arg9[%dma_wait3A_560, %dma_wait3A_561] : memref<80x128xi32, #tpu.memory_space<vmem>> -> memref<1x128xi32, #tpu.memory_space<vmem>>
    %dma_wait3A_563 = tpu.memref_squeeze %dma_wait3A_562 : memref<1x128xi32, #tpu.memory_space<vmem>> -> memref<128xi32, #tpu.memory_space<vmem>>
    %dma_wait3A_564 = arith.constant 0 : i32
    %dma_wait3A_565 = tpu.memref_slice %arg13[%dma_wait3A_564] : memref<650240xf32, #tpu.memory_space<vmem_shared>> -> memref<650240xf32, #tpu.memory_space<vmem_shared>>
    tpu.wait_indirect_dma semaphore(%arg16 : memref<!tpu.dma_semaphore, #tpu.memory_space<semaphore_mem>>) src(%arg10 : memref<128xf32, #tpu.memory_space<vmem>>) dst(%dma_wait3A_565 : memref<650240xf32, #tpu.memory_space<vmem_shared>>)
    %dma_wait3A_566 = arith.constant 22 : i32
    %dma_wait3A_567 = arith.constant 0 : i32
    %dma_wait3A_568 = tpu.memref_slice %arg9[%dma_wait3A_566, %dma_wait3A_567] : memref<80x128xi32, #tpu.memory_space<vmem>> -> memref<1x128xi32, #tpu.memory_space<vmem>>
    %dma_wait3A_569 = tpu.memref_squeeze %dma_wait3A_568 : memref<1x128xi32, #tpu.memory_space<vmem>> -> memref<128xi32, #tpu.memory_space<vmem>>
    %dma_wait3A_570 = arith.constant 0 : i32
    %dma_wait3A_571 = tpu.memref_slice %arg13[%dma_wait3A_570] : memref<650240xf32, #tpu.memory_space<vmem_shared>> -> memref<650240xf32, #tpu.memory_space<vmem_shared>>
    tpu.wait_indirect_dma semaphore(%arg16 : memref<!tpu.dma_semaphore, #tpu.memory_space<semaphore_mem>>) src(%arg10 : memref<128xf32, #tpu.memory_space<vmem>>) dst(%dma_wait3A_571 : memref<650240xf32, #tpu.memory_space<vmem_shared>>)
    %dma_wait3A_572 = arith.constant 23 : i32
    %dma_wait3A_573 = arith.constant 0 : i32
    %dma_wait3A_574 = tpu.memref_slice %arg9[%dma_wait3A_572, %dma_wait3A_573] : memref<80x128xi32, #tpu.memory_space<vmem>> -> memref<1x128xi32, #tpu.memory_space<vmem>>
    %dma_wait3A_575 = tpu.memref_squeeze %dma_wait3A_574 : memref<1x128xi32, #tpu.memory_space<vmem>> -> memref<128xi32, #tpu.memory_space<vmem>>
    %dma_wait3A_576 = arith.constant 0 : i32
    %dma_wait3A_577 = tpu.memref_slice %arg13[%dma_wait3A_576] : memref<650240xf32, #tpu.memory_space<vmem_shared>> -> memref<650240xf32, #tpu.memory_space<vmem_shared>>
    tpu.wait_indirect_dma semaphore(%arg16 : memref<!tpu.dma_semaphore, #tpu.memory_space<semaphore_mem>>) src(%arg10 : memref<128xf32, #tpu.memory_space<vmem>>) dst(%dma_wait3A_577 : memref<650240xf32, #tpu.memory_space<vmem_shared>>)
    %dma_wait3A_578 = arith.constant 24 : i32
    %dma_wait3A_579 = arith.constant 0 : i32
    %dma_wait3A_580 = tpu.memref_slice %arg9[%dma_wait3A_578, %dma_wait3A_579] : memref<80x128xi32, #tpu.memory_space<vmem>> -> memref<1x128xi32, #tpu.memory_space<vmem>>
    %dma_wait3A_581 = tpu.memref_squeeze %dma_wait3A_580 : memref<1x128xi32, #tpu.memory_space<vmem>> -> memref<128xi32, #tpu.memory_space<vmem>>
    %dma_wait3A_582 = arith.constant 0 : i32
    %dma_wait3A_583 = tpu.memref_slice %arg13[%dma_wait3A_582] : memref<650240xf32, #tpu.memory_space<vmem_shared>> -> memref<650240xf32, #tpu.memory_space<vmem_shared>>
    tpu.wait_indirect_dma semaphore(%arg16 : memref<!tpu.dma_semaphore, #tpu.memory_space<semaphore_mem>>) src(%arg10 : memref<128xf32, #tpu.memory_space<vmem>>) dst(%dma_wait3A_583 : memref<650240xf32, #tpu.memory_space<vmem_shared>>)
    %dma_wait3A_584 = arith.constant 25 : i32
    %dma_wait3A_585 = arith.constant 0 : i32
    %dma_wait3A_586 = tpu.memref_slice %arg9[%dma_wait3A_584, %dma_wait3A_585] : memref<80x128xi32, #tpu.memory_space<vmem>> -> memref<1x128xi32, #tpu.memory_space<vmem>>
    %dma_wait3A_587 = tpu.memref_squeeze %dma_wait3A_586 : memref<1x128xi32, #tpu.memory_space<vmem>> -> memref<128xi32, #tpu.memory_space<vmem>>
    %dma_wait3A_588 = arith.constant 0 : i32
    %dma_wait3A_589 = tpu.memref_slice %arg13[%dma_wait3A_588] : memref<650240xf32, #tpu.memory_space<vmem_shared>> -> memref<650240xf32, #tpu.memory_space<vmem_shared>>
    tpu.wait_indirect_dma semaphore(%arg16 : memref<!tpu.dma_semaphore, #tpu.memory_space<semaphore_mem>>) src(%arg10 : memref<128xf32, #tpu.memory_space<vmem>>) dst(%dma_wait3A_589 : memref<650240xf32, #tpu.memory_space<vmem_shared>>)
    %dma_wait3A_590 = arith.constant 26 : i32
    %dma_wait3A_591 = arith.constant 0 : i32
    %dma_wait3A_592 = tpu.memref_slice %arg9[%dma_wait3A_590, %dma_wait3A_591] : memref<80x128xi32, #tpu.memory_space<vmem>> -> memref<1x128xi32, #tpu.memory_space<vmem>>
    %dma_wait3A_593 = tpu.memref_squeeze %dma_wait3A_592 : memref<1x128xi32, #tpu.memory_space<vmem>> -> memref<128xi32, #tpu.memory_space<vmem>>
    %dma_wait3A_594 = arith.constant 0 : i32
    %dma_wait3A_595 = tpu.memref_slice %arg13[%dma_wait3A_594] : memref<650240xf32, #tpu.memory_space<vmem_shared>> -> memref<650240xf32, #tpu.memory_space<vmem_shared>>
    tpu.wait_indirect_dma semaphore(%arg16 : memref<!tpu.dma_semaphore, #tpu.memory_space<semaphore_mem>>) src(%arg10 : memref<128xf32, #tpu.memory_space<vmem>>) dst(%dma_wait3A_595 : memref<650240xf32, #tpu.memory_space<vmem_shared>>)
    %dma_wait3A_596 = arith.constant 27 : i32
    %dma_wait3A_597 = arith.constant 0 : i32
    %dma_wait3A_598 = tpu.memref_slice %arg9[%dma_wait3A_596, %dma_wait3A_597] : memref<80x128xi32, #tpu.memory_space<vmem>> -> memref<1x128xi32, #tpu.memory_space<vmem>>
    %dma_wait3A_599 = tpu.memref_squeeze %dma_wait3A_598 : memref<1x128xi32, #tpu.memory_space<vmem>> -> memref<128xi32, #tpu.memory_space<vmem>>
    %dma_wait3A_600 = arith.constant 0 : i32
    %dma_wait3A_601 = tpu.memref_slice %arg13[%dma_wait3A_600] : memref<650240xf32, #tpu.memory_space<vmem_shared>> -> memref<650240xf32, #tpu.memory_space<vmem_shared>>
    tpu.wait_indirect_dma semaphore(%arg16 : memref<!tpu.dma_semaphore, #tpu.memory_space<semaphore_mem>>) src(%arg10 : memref<128xf32, #tpu.memory_space<vmem>>) dst(%dma_wait3A_601 : memref<650240xf32, #tpu.memory_space<vmem_shared>>)
    %dma_wait3A_602 = arith.constant 28 : i32
    %dma_wait3A_603 = arith.constant 0 : i32
    %dma_wait3A_604 = tpu.memref_slice %arg9[%dma_wait3A_602, %dma_wait3A_603] : memref<80x128xi32, #tpu.memory_space<vmem>> -> memref<1x128xi32, #tpu.memory_space<vmem>>
    %dma_wait3A_605 = tpu.memref_squeeze %dma_wait3A_604 : memref<1x128xi32, #tpu.memory_space<vmem>> -> memref<128xi32, #tpu.memory_space<vmem>>
    %dma_wait3A_606 = arith.constant 0 : i32
    %dma_wait3A_607 = tpu.memref_slice %arg13[%dma_wait3A_606] : memref<650240xf32, #tpu.memory_space<vmem_shared>> -> memref<650240xf32, #tpu.memory_space<vmem_shared>>
    tpu.wait_indirect_dma semaphore(%arg16 : memref<!tpu.dma_semaphore, #tpu.memory_space<semaphore_mem>>) src(%arg10 : memref<128xf32, #tpu.memory_space<vmem>>) dst(%dma_wait3A_607 : memref<650240xf32, #tpu.memory_space<vmem_shared>>)
    %dma_wait3A_608 = arith.constant 29 : i32
    %dma_wait3A_609 = arith.constant 0 : i32
    %dma_wait3A_610 = tpu.memref_slice %arg9[%dma_wait3A_608, %dma_wait3A_609] : memref<80x128xi32, #tpu.memory_space<vmem>> -> memref<1x128xi32, #tpu.memory_space<vmem>>
    %dma_wait3A_611 = tpu.memref_squeeze %dma_wait3A_610 : memref<1x128xi32, #tpu.memory_space<vmem>> -> memref<128xi32, #tpu.memory_space<vmem>>
    %dma_wait3A_612 = arith.constant 0 : i32
    %dma_wait3A_613 = tpu.memref_slice %arg13[%dma_wait3A_612] : memref<650240xf32, #tpu.memory_space<vmem_shared>> -> memref<650240xf32, #tpu.memory_space<vmem_shared>>
    tpu.wait_indirect_dma semaphore(%arg16 : memref<!tpu.dma_semaphore, #tpu.memory_space<semaphore_mem>>) src(%arg10 : memref<128xf32, #tpu.memory_space<vmem>>) dst(%dma_wait3A_613 : memref<650240xf32, #tpu.memory_space<vmem_shared>>)
    %dma_start3A_614 = arith.constant 40 : i32
    %dma_start3A_615 = arith.constant 0 : i32
    %dma_start3A_616 = tpu.memref_slice %arg9[%dma_start3A_614, %dma_start3A_615] : memref<80x128xi32, #tpu.memory_space<vmem>> -> memref<1x128xi32, #tpu.memory_space<vmem>>
    %dma_start3A_617 = tpu.memref_squeeze %dma_start3A_616 : memref<1x128xi32, #tpu.memory_space<vmem>> -> memref<128xi32, #tpu.memory_space<vmem>>
    %dma_start3A_618 = arith.constant 0 : i32
    %dma_start3A_619 = tpu.memref_slice %arg13[%dma_start3A_618] : memref<650240xf32, #tpu.memory_space<vmem_shared>> -> memref<650240xf32, #tpu.memory_space<vmem_shared>>
    tpu.enqueue_indirect_dma source(%arg10 : memref<128xf32, #tpu.memory_space<vmem>>) target(%dma_start3A_619 : memref<650240xf32, #tpu.memory_space<vmem_shared>>) offsets(%dma_start3A_617 : memref<128xi32, #tpu.memory_space<vmem>>) semaphore(%arg16 : memref<!tpu.dma_semaphore, #tpu.memory_space<semaphore_mem>>) {add = true}
    %dma_start3A_620 = arith.constant 41 : i32
    %dma_start3A_621 = arith.constant 0 : i32
    %dma_start3A_622 = tpu.memref_slice %arg9[%dma_start3A_620, %dma_start3A_621] : memref<80x128xi32, #tpu.memory_space<vmem>> -> memref<1x128xi32, #tpu.memory_space<vmem>>
    %dma_start3A_623 = tpu.memref_squeeze %dma_start3A_622 : memref<1x128xi32, #tpu.memory_space<vmem>> -> memref<128xi32, #tpu.memory_space<vmem>>
    %dma_start3A_624 = arith.constant 0 : i32
    %dma_start3A_625 = tpu.memref_slice %arg13[%dma_start3A_624] : memref<650240xf32, #tpu.memory_space<vmem_shared>> -> memref<650240xf32, #tpu.memory_space<vmem_shared>>
    tpu.enqueue_indirect_dma source(%arg10 : memref<128xf32, #tpu.memory_space<vmem>>) target(%dma_start3A_625 : memref<650240xf32, #tpu.memory_space<vmem_shared>>) offsets(%dma_start3A_623 : memref<128xi32, #tpu.memory_space<vmem>>) semaphore(%arg16 : memref<!tpu.dma_semaphore, #tpu.memory_space<semaphore_mem>>) {add = true}
    %dma_start3A_626 = arith.constant 42 : i32
    %dma_start3A_627 = arith.constant 0 : i32
    %dma_start3A_628 = tpu.memref_slice %arg9[%dma_start3A_626, %dma_start3A_627] : memref<80x128xi32, #tpu.memory_space<vmem>> -> memref<1x128xi32, #tpu.memory_space<vmem>>
    %dma_start3A_629 = tpu.memref_squeeze %dma_start3A_628 : memref<1x128xi32, #tpu.memory_space<vmem>> -> memref<128xi32, #tpu.memory_space<vmem>>
    %dma_start3A_630 = arith.constant 0 : i32
    %dma_start3A_631 = tpu.memref_slice %arg13[%dma_start3A_630] : memref<650240xf32, #tpu.memory_space<vmem_shared>> -> memref<650240xf32, #tpu.memory_space<vmem_shared>>
    tpu.enqueue_indirect_dma source(%arg10 : memref<128xf32, #tpu.memory_space<vmem>>) target(%dma_start3A_631 : memref<650240xf32, #tpu.memory_space<vmem_shared>>) offsets(%dma_start3A_629 : memref<128xi32, #tpu.memory_space<vmem>>) semaphore(%arg16 : memref<!tpu.dma_semaphore, #tpu.memory_space<semaphore_mem>>) {add = true}
    %dma_start3A_632 = arith.constant 43 : i32
    %dma_start3A_633 = arith.constant 0 : i32
    %dma_start3A_634 = tpu.memref_slice %arg9[%dma_start3A_632, %dma_start3A_633] : memref<80x128xi32, #tpu.memory_space<vmem>> -> memref<1x128xi32, #tpu.memory_space<vmem>>
    %dma_start3A_635 = tpu.memref_squeeze %dma_start3A_634 : memref<1x128xi32, #tpu.memory_space<vmem>> -> memref<128xi32, #tpu.memory_space<vmem>>
    %dma_start3A_636 = arith.constant 0 : i32
    %dma_start3A_637 = tpu.memref_slice %arg13[%dma_start3A_636] : memref<650240xf32, #tpu.memory_space<vmem_shared>> -> memref<650240xf32, #tpu.memory_space<vmem_shared>>
    tpu.enqueue_indirect_dma source(%arg10 : memref<128xf32, #tpu.memory_space<vmem>>) target(%dma_start3A_637 : memref<650240xf32, #tpu.memory_space<vmem_shared>>) offsets(%dma_start3A_635 : memref<128xi32, #tpu.memory_space<vmem>>) semaphore(%arg16 : memref<!tpu.dma_semaphore, #tpu.memory_space<semaphore_mem>>) {add = true}
    %dma_start3A_638 = arith.constant 44 : i32
    %dma_start3A_639 = arith.constant 0 : i32
    %dma_start3A_640 = tpu.memref_slice %arg9[%dma_start3A_638, %dma_start3A_639] : memref<80x128xi32, #tpu.memory_space<vmem>> -> memref<1x128xi32, #tpu.memory_space<vmem>>
    %dma_start3A_641 = tpu.memref_squeeze %dma_start3A_640 : memref<1x128xi32, #tpu.memory_space<vmem>> -> memref<128xi32, #tpu.memory_space<vmem>>
    %dma_start3A_642 = arith.constant 0 : i32
    %dma_start3A_643 = tpu.memref_slice %arg13[%dma_start3A_642] : memref<650240xf32, #tpu.memory_space<vmem_shared>> -> memref<650240xf32, #tpu.memory_space<vmem_shared>>
    tpu.enqueue_indirect_dma source(%arg10 : memref<128xf32, #tpu.memory_space<vmem>>) target(%dma_start3A_643 : memref<650240xf32, #tpu.memory_space<vmem_shared>>) offsets(%dma_start3A_641 : memref<128xi32, #tpu.memory_space<vmem>>) semaphore(%arg16 : memref<!tpu.dma_semaphore, #tpu.memory_space<semaphore_mem>>) {add = true}
    %dma_start3A_644 = arith.constant 45 : i32
    %dma_start3A_645 = arith.constant 0 : i32
    %dma_start3A_646 = tpu.memref_slice %arg9[%dma_start3A_644, %dma_start3A_645] : memref<80x128xi32, #tpu.memory_space<vmem>> -> memref<1x128xi32, #tpu.memory_space<vmem>>
    %dma_start3A_647 = tpu.memref_squeeze %dma_start3A_646 : memref<1x128xi32, #tpu.memory_space<vmem>> -> memref<128xi32, #tpu.memory_space<vmem>>
    %dma_start3A_648 = arith.constant 0 : i32
    %dma_start3A_649 = tpu.memref_slice %arg13[%dma_start3A_648] : memref<650240xf32, #tpu.memory_space<vmem_shared>> -> memref<650240xf32, #tpu.memory_space<vmem_shared>>
    tpu.enqueue_indirect_dma source(%arg10 : memref<128xf32, #tpu.memory_space<vmem>>) target(%dma_start3A_649 : memref<650240xf32, #tpu.memory_space<vmem_shared>>) offsets(%dma_start3A_647 : memref<128xi32, #tpu.memory_space<vmem>>) semaphore(%arg16 : memref<!tpu.dma_semaphore, #tpu.memory_space<semaphore_mem>>) {add = true}
    %dma_start3A_650 = arith.constant 46 : i32
    %dma_start3A_651 = arith.constant 0 : i32
    %dma_start3A_652 = tpu.memref_slice %arg9[%dma_start3A_650, %dma_start3A_651] : memref<80x128xi32, #tpu.memory_space<vmem>> -> memref<1x128xi32, #tpu.memory_space<vmem>>
    %dma_start3A_653 = tpu.memref_squeeze %dma_start3A_652 : memref<1x128xi32, #tpu.memory_space<vmem>> -> memref<128xi32, #tpu.memory_space<vmem>>
    %dma_start3A_654 = arith.constant 0 : i32
    %dma_start3A_655 = tpu.memref_slice %arg13[%dma_start3A_654] : memref<650240xf32, #tpu.memory_space<vmem_shared>> -> memref<650240xf32, #tpu.memory_space<vmem_shared>>
    tpu.enqueue_indirect_dma source(%arg10 : memref<128xf32, #tpu.memory_space<vmem>>) target(%dma_start3A_655 : memref<650240xf32, #tpu.memory_space<vmem_shared>>) offsets(%dma_start3A_653 : memref<128xi32, #tpu.memory_space<vmem>>) semaphore(%arg16 : memref<!tpu.dma_semaphore, #tpu.memory_space<semaphore_mem>>) {add = true}
    %dma_start3A_656 = arith.constant 47 : i32
    %dma_start3A_657 = arith.constant 0 : i32
    %dma_start3A_658 = tpu.memref_slice %arg9[%dma_start3A_656, %dma_start3A_657] : memref<80x128xi32, #tpu.memory_space<vmem>> -> memref<1x128xi32, #tpu.memory_space<vmem>>
    %dma_start3A_659 = tpu.memref_squeeze %dma_start3A_658 : memref<1x128xi32, #tpu.memory_space<vmem>> -> memref<128xi32, #tpu.memory_space<vmem>>
    %dma_start3A_660 = arith.constant 0 : i32
    %dma_start3A_661 = tpu.memref_slice %arg13[%dma_start3A_660] : memref<650240xf32, #tpu.memory_space<vmem_shared>> -> memref<650240xf32, #tpu.memory_space<vmem_shared>>
    tpu.enqueue_indirect_dma source(%arg10 : memref<128xf32, #tpu.memory_space<vmem>>) target(%dma_start3A_661 : memref<650240xf32, #tpu.memory_space<vmem_shared>>) offsets(%dma_start3A_659 : memref<128xi32, #tpu.memory_space<vmem>>) semaphore(%arg16 : memref<!tpu.dma_semaphore, #tpu.memory_space<semaphore_mem>>) {add = true}
    %dma_start3A_662 = arith.constant 48 : i32
    %dma_start3A_663 = arith.constant 0 : i32
    %dma_start3A_664 = tpu.memref_slice %arg9[%dma_start3A_662, %dma_start3A_663] : memref<80x128xi32, #tpu.memory_space<vmem>> -> memref<1x128xi32, #tpu.memory_space<vmem>>
    %dma_start3A_665 = tpu.memref_squeeze %dma_start3A_664 : memref<1x128xi32, #tpu.memory_space<vmem>> -> memref<128xi32, #tpu.memory_space<vmem>>
    %dma_start3A_666 = arith.constant 0 : i32
    %dma_start3A_667 = tpu.memref_slice %arg13[%dma_start3A_666] : memref<650240xf32, #tpu.memory_space<vmem_shared>> -> memref<650240xf32, #tpu.memory_space<vmem_shared>>
    tpu.enqueue_indirect_dma source(%arg10 : memref<128xf32, #tpu.memory_space<vmem>>) target(%dma_start3A_667 : memref<650240xf32, #tpu.memory_space<vmem_shared>>) offsets(%dma_start3A_665 : memref<128xi32, #tpu.memory_space<vmem>>) semaphore(%arg16 : memref<!tpu.dma_semaphore, #tpu.memory_space<semaphore_mem>>) {add = true}
    %dma_start3A_668 = arith.constant 49 : i32
    %dma_start3A_669 = arith.constant 0 : i32
    %dma_start3A_670 = tpu.memref_slice %arg9[%dma_start3A_668, %dma_start3A_669] : memref<80x128xi32, #tpu.memory_space<vmem>> -> memref<1x128xi32, #tpu.memory_space<vmem>>
    %dma_start3A_671 = tpu.memref_squeeze %dma_start3A_670 : memref<1x128xi32, #tpu.memory_space<vmem>> -> memref<128xi32, #tpu.memory_space<vmem>>
    %dma_start3A_672 = arith.constant 0 : i32
    %dma_start3A_673 = tpu.memref_slice %arg13[%dma_start3A_672] : memref<650240xf32, #tpu.memory_space<vmem_shared>> -> memref<650240xf32, #tpu.memory_space<vmem_shared>>
    tpu.enqueue_indirect_dma source(%arg10 : memref<128xf32, #tpu.memory_space<vmem>>) target(%dma_start3A_673 : memref<650240xf32, #tpu.memory_space<vmem_shared>>) offsets(%dma_start3A_671 : memref<128xi32, #tpu.memory_space<vmem>>) semaphore(%arg16 : memref<!tpu.dma_semaphore, #tpu.memory_space<semaphore_mem>>) {add = true}
    %scan3A_674 = arith.constant 0 : i32
    %scan3A_675 = arith.constant 400 : i32
    %scan3A_676 = arith.constant 80 : i32
    %scan3A_677 = arith.addi %scan3A_675, %scan3A_676 : i32
    %scan3A_678 = arith.constant 1 : i32
    scf.for %scan3A_1574 = %scan3A_675 to %scan3A_677 step %scan3A_678  : i32 {
      %mul3A_1575 = arith.constant 16 : i32
      %mul3A_1576 = arith.muli %scan3A_1574, %mul3A_1575 : i32
      %get3A = arith.index_cast %mul3A_1576 : i32 to index
      %get3A_1577 = tpu.vector_load %arg7[%get3A] {strides = array<i32>} : memref<10000xi32, #tpu.memory_space<vmem>>, vector<16xi32>,
      %mul3A_1578 = arith.constant 16 : i32
      %mul3A_1579 = arith.muli %scan3A_1574, %mul3A_1578 : i32
      %get3A_1580 = arith.index_cast %mul3A_1579 : i32 to index
      %get3A_1581 = tpu.vector_load %arg8[%get3A_1580] {strides = array<i32>} : memref<10000xi32, #tpu.memory_space<vmem>>, vector<16xi32>,
      %gather3A = tpu.vector_load_idx %arg6[%get3A_1577] : memref<10000xi32, #tpu.memory_space<vmem>>[vector<16xi32>], vector<16xi32>,
      %mul3A_1582 = arith.constant 10000 : i32
      %mul3A_1583 = vector.broadcast %mul3A_1582 : i32 to vector<16xi32>
      %mul3A_1584 = arith.muli %gather3A, %mul3A_1583 : vector<16xi32>
      %add3A_1585 = arith.addi %mul3A_1584, %get3A_1581 : vector<16xi32>
      %jit3A = arith.constant 8 : i32
      %div3A = arith.divsi %scan3A_1574, %jit3A : i32
      %sign3A = arith.constant 0 : i32
      %sign3A_1586 = arith.cmpi sgt, %scan3A_1574, %sign3A : i32
      %sign3A_1587 = arith.extui %sign3A_1586 : i1 to i32
      %sign3A_1588 = arith.constant 0 : i32
      %sign3A_1589 = arith.cmpi slt, %scan3A_1574, %sign3A_1588 : i32
      %sign3A_1590 = arith.extui %sign3A_1589 : i1 to i32
      %sign3A_1591 = arith.subi %sign3A_1587, %sign3A_1590 : i32
      %sign3A_1592 = arith.constant 0 : i32
      %sign3A_1593 = arith.cmpi sgt, %jit3A, %sign3A_1592 : i32
      %sign3A_1594 = arith.extui %sign3A_1593 : i1 to i32
      %sign3A_1595 = arith.constant 0 : i32
      %sign3A_1596 = arith.cmpi slt, %jit3A, %sign3A_1595 : i32
      %sign3A_1597 = arith.extui %sign3A_1596 : i1 to i32
      %sign3A_1598 = arith.subi %sign3A_1594, %sign3A_1597 : i32
      %ne3A = arith.cmpi ne, %sign3A_1591, %sign3A_1598 : i32
      %rem3A = arith.remsi %scan3A_1574, %jit3A : i32
      %ne3A_1599 = arith.constant 0 : i32
      %ne3A_1600 = arith.cmpi ne, %rem3A, %ne3A_1599 : i32
      %and3A = arith.andi %ne3A, %ne3A_1600 : i1
      %sub3A = arith.constant 1 : i32
      %sub3A_1601 = arith.subi %div3A, %sub3A : i32
      %select_n3A = arith.select %and3A, %sub3A_1601, %div3A : i32
      %jit3A_1602 = arith.constant 8 : i32
      %eq3A_1603 = arith.constant 0 : i32
      %eq3A_1604 = arith.cmpi eq, %jit3A_1602, %eq3A_1603 : i32
      %jit3A_1605 = arith.constant 1 : i32
      %select_n3A_1606 = arith.select %eq3A_1604, %jit3A_1605, %jit3A_1602 : i32
      %rem3A_1607 = arith.remsi %scan3A_1574, %select_n3A_1606 : i32
      %ne3A_1608 = arith.constant 0 : i32
      %ne3A_1609 = arith.cmpi ne, %rem3A_1607, %ne3A_1608 : i32
      %lt3A = arith.constant 0 : i32
      %lt3A_1610 = arith.cmpi slt, %rem3A_1607, %lt3A : i32
      %lt3A_1611 = arith.constant 0 : i32
      %lt3A_1612 = arith.cmpi slt, %select_n3A_1606, %lt3A_1611 : i32
      %ne3A_1613 = arith.xori %lt3A_1610, %lt3A_1612 : i1
      %and3A_1614 = arith.andi %ne3A_1613, %ne3A_1609 : i1
      %add3A_1615 = arith.addi %rem3A_1607, %select_n3A_1606 : i32
      %select_n3A_1616 = arith.select %and3A_1614, %add3A_1615, %rem3A_1607 : i32
      %mul3A_1617 = arith.constant 16 : i32
      %mul3A_1618 = arith.muli %select_n3A_1616, %mul3A_1617 : i32
      %swap3A_1619 = arith.index_cast %select_n3A : i32 to index
      %swap3A_1620 = arith.index_cast %mul3A_1618 : i32 to index
      %swap3A_1621 = tpu.vector_load %arg9[%swap3A_1619, %swap3A_1620] {strides = array<i32>} : memref<80x128xi32, #tpu.memory_space<vmem>>, vector<16xi32>,
      tpu.vector_store %arg9[%swap3A_1619, %swap3A_1620], %add3A_1585 {strides = array<i32>} : memref<80x128xi32, #tpu.memory_space<vmem>>, vector<16xi32>,
      %broadcast_in_dim3A_1622 = arith.constant 1.000000e+00 : f32
      %broadcast_in_dim3A_1623 = vector.broadcast %broadcast_in_dim3A_1622 : f32 to vector<16xf32>
      tpu.vector_store_idx %arg12[%get3A_1577], %broadcast_in_dim3A_1623 {add = true} : memref<10240xf32, #tpu.memory_space<vmem>>[vector<16xi32>], vector<16xf32>,
    }
    %scan3A_679 = arith.constant 80 : i32
    %dma_wait3A_680 = arith.constant 30 : i32
    %dma_wait3A_681 = arith.constant 0 : i32
    %dma_wait3A_682 = tpu.memref_slice %arg9[%dma_wait3A_680, %dma_wait3A_681] : memref<80x128xi32, #tpu.memory_space<vmem>> -> memref<1x128xi32, #tpu.memory_space<vmem>>
    %dma_wait3A_683 = tpu.memref_squeeze %dma_wait3A_682 : memref<1x128xi32, #tpu.memory_space<vmem>> -> memref<128xi32, #tpu.memory_space<vmem>>
    %dma_wait3A_684 = arith.constant 0 : i32
    %dma_wait3A_685 = tpu.memref_slice %arg13[%dma_wait3A_684] : memref<650240xf32, #tpu.memory_space<vmem_shared>> -> memref<650240xf32, #tpu.memory_space<vmem_shared>>
    tpu.wait_indirect_dma semaphore(%arg16 : memref<!tpu.dma_semaphore, #tpu.memory_space<semaphore_mem>>) src(%arg10 : memref<128xf32, #tpu.memory_space<vmem>>) dst(%dma_wait3A_685 : memref<650240xf32, #tpu.memory_space<vmem_shared>>)
    %dma_wait3A_686 = arith.constant 31 : i32
    %dma_wait3A_687 = arith.constant 0 : i32
    %dma_wait3A_688 = tpu.memref_slice %arg9[%dma_wait3A_686, %dma_wait3A_687] : memref<80x128xi32, #tpu.memory_space<vmem>> -> memref<1x128xi32, #tpu.memory_space<vmem>>
    %dma_wait3A_689 = tpu.memref_squeeze %dma_wait3A_688 : memref<1x128xi32, #tpu.memory_space<vmem>> -> memref<128xi32, #tpu.memory_space<vmem>>
    %dma_wait3A_690 = arith.constant 0 : i32
    %dma_wait3A_691 = tpu.memref_slice %arg13[%dma_wait3A_690] : memref<650240xf32, #tpu.memory_space<vmem_shared>> -> memref<650240xf32, #tpu.memory_space<vmem_shared>>
    tpu.wait_indirect_dma semaphore(%arg16 : memref<!tpu.dma_semaphore, #tpu.memory_space<semaphore_mem>>) src(%arg10 : memref<128xf32, #tpu.memory_space<vmem>>) dst(%dma_wait3A_691 : memref<650240xf32, #tpu.memory_space<vmem_shared>>)
    %dma_wait3A_692 = arith.constant 32 : i32
    %dma_wait3A_693 = arith.constant 0 : i32
    %dma_wait3A_694 = tpu.memref_slice %arg9[%dma_wait3A_692, %dma_wait3A_693] : memref<80x128xi32, #tpu.memory_space<vmem>> -> memref<1x128xi32, #tpu.memory_space<vmem>>
    %dma_wait3A_695 = tpu.memref_squeeze %dma_wait3A_694 : memref<1x128xi32, #tpu.memory_space<vmem>> -> memref<128xi32, #tpu.memory_space<vmem>>
    %dma_wait3A_696 = arith.constant 0 : i32
    %dma_wait3A_697 = tpu.memref_slice %arg13[%dma_wait3A_696] : memref<650240xf32, #tpu.memory_space<vmem_shared>> -> memref<650240xf32, #tpu.memory_space<vmem_shared>>
    tpu.wait_indirect_dma semaphore(%arg16 : memref<!tpu.dma_semaphore, #tpu.memory_space<semaphore_mem>>) src(%arg10 : memref<128xf32, #tpu.memory_space<vmem>>) dst(%dma_wait3A_697 : memref<650240xf32, #tpu.memory_space<vmem_shared>>)
    %dma_wait3A_698 = arith.constant 33 : i32
    %dma_wait3A_699 = arith.constant 0 : i32
    %dma_wait3A_700 = tpu.memref_slice %arg9[%dma_wait3A_698, %dma_wait3A_699] : memref<80x128xi32, #tpu.memory_space<vmem>> -> memref<1x128xi32, #tpu.memory_space<vmem>>
    %dma_wait3A_701 = tpu.memref_squeeze %dma_wait3A_700 : memref<1x128xi32, #tpu.memory_space<vmem>> -> memref<128xi32, #tpu.memory_space<vmem>>
    %dma_wait3A_702 = arith.constant 0 : i32
    %dma_wait3A_703 = tpu.memref_slice %arg13[%dma_wait3A_702] : memref<650240xf32, #tpu.memory_space<vmem_shared>> -> memref<650240xf32, #tpu.memory_space<vmem_shared>>
    tpu.wait_indirect_dma semaphore(%arg16 : memref<!tpu.dma_semaphore, #tpu.memory_space<semaphore_mem>>) src(%arg10 : memref<128xf32, #tpu.memory_space<vmem>>) dst(%dma_wait3A_703 : memref<650240xf32, #tpu.memory_space<vmem_shared>>)
    %dma_wait3A_704 = arith.constant 34 : i32
    %dma_wait3A_705 = arith.constant 0 : i32
    %dma_wait3A_706 = tpu.memref_slice %arg9[%dma_wait3A_704, %dma_wait3A_705] : memref<80x128xi32, #tpu.memory_space<vmem>> -> memref<1x128xi32, #tpu.memory_space<vmem>>
    %dma_wait3A_707 = tpu.memref_squeeze %dma_wait3A_706 : memref<1x128xi32, #tpu.memory_space<vmem>> -> memref<128xi32, #tpu.memory_space<vmem>>
    %dma_wait3A_708 = arith.constant 0 : i32
    %dma_wait3A_709 = tpu.memref_slice %arg13[%dma_wait3A_708] : memref<650240xf32, #tpu.memory_space<vmem_shared>> -> memref<650240xf32, #tpu.memory_space<vmem_shared>>
    tpu.wait_indirect_dma semaphore(%arg16 : memref<!tpu.dma_semaphore, #tpu.memory_space<semaphore_mem>>) src(%arg10 : memref<128xf32, #tpu.memory_space<vmem>>) dst(%dma_wait3A_709 : memref<650240xf32, #tpu.memory_space<vmem_shared>>)
    %dma_wait3A_710 = arith.constant 35 : i32
    %dma_wait3A_711 = arith.constant 0 : i32
    %dma_wait3A_712 = tpu.memref_slice %arg9[%dma_wait3A_710, %dma_wait3A_711] : memref<80x128xi32, #tpu.memory_space<vmem>> -> memref<1x128xi32, #tpu.memory_space<vmem>>
    %dma_wait3A_713 = tpu.memref_squeeze %dma_wait3A_712 : memref<1x128xi32, #tpu.memory_space<vmem>> -> memref<128xi32, #tpu.memory_space<vmem>>
    %dma_wait3A_714 = arith.constant 0 : i32
    %dma_wait3A_715 = tpu.memref_slice %arg13[%dma_wait3A_714] : memref<650240xf32, #tpu.memory_space<vmem_shared>> -> memref<650240xf32, #tpu.memory_space<vmem_shared>>
    tpu.wait_indirect_dma semaphore(%arg16 : memref<!tpu.dma_semaphore, #tpu.memory_space<semaphore_mem>>) src(%arg10 : memref<128xf32, #tpu.memory_space<vmem>>) dst(%dma_wait3A_715 : memref<650240xf32, #tpu.memory_space<vmem_shared>>)
    %dma_wait3A_716 = arith.constant 36 : i32
    %dma_wait3A_717 = arith.constant 0 : i32
    %dma_wait3A_718 = tpu.memref_slice %arg9[%dma_wait3A_716, %dma_wait3A_717] : memref<80x128xi32, #tpu.memory_space<vmem>> -> memref<1x128xi32, #tpu.memory_space<vmem>>
    %dma_wait3A_719 = tpu.memref_squeeze %dma_wait3A_718 : memref<1x128xi32, #tpu.memory_space<vmem>> -> memref<128xi32, #tpu.memory_space<vmem>>
    %dma_wait3A_720 = arith.constant 0 : i32
    %dma_wait3A_721 = tpu.memref_slice %arg13[%dma_wait3A_720] : memref<650240xf32, #tpu.memory_space<vmem_shared>> -> memref<650240xf32, #tpu.memory_space<vmem_shared>>
    tpu.wait_indirect_dma semaphore(%arg16 : memref<!tpu.dma_semaphore, #tpu.memory_space<semaphore_mem>>) src(%arg10 : memref<128xf32, #tpu.memory_space<vmem>>) dst(%dma_wait3A_721 : memref<650240xf32, #tpu.memory_space<vmem_shared>>)
    %dma_wait3A_722 = arith.constant 37 : i32
    %dma_wait3A_723 = arith.constant 0 : i32
    %dma_wait3A_724 = tpu.memref_slice %arg9[%dma_wait3A_722, %dma_wait3A_723] : memref<80x128xi32, #tpu.memory_space<vmem>> -> memref<1x128xi32, #tpu.memory_space<vmem>>
    %dma_wait3A_725 = tpu.memref_squeeze %dma_wait3A_724 : memref<1x128xi32, #tpu.memory_space<vmem>> -> memref<128xi32, #tpu.memory_space<vmem>>
    %dma_wait3A_726 = arith.constant 0 : i32
    %dma_wait3A_727 = tpu.memref_slice %arg13[%dma_wait3A_726] : memref<650240xf32, #tpu.memory_space<vmem_shared>> -> memref<650240xf32, #tpu.memory_space<vmem_shared>>
    tpu.wait_indirect_dma semaphore(%arg16 : memref<!tpu.dma_semaphore, #tpu.memory_space<semaphore_mem>>) src(%arg10 : memref<128xf32, #tpu.memory_space<vmem>>) dst(%dma_wait3A_727 : memref<650240xf32, #tpu.memory_space<vmem_shared>>)
    %dma_wait3A_728 = arith.constant 38 : i32
    %dma_wait3A_729 = arith.constant 0 : i32
    %dma_wait3A_730 = tpu.memref_slice %arg9[%dma_wait3A_728, %dma_wait3A_729] : memref<80x128xi32, #tpu.memory_space<vmem>> -> memref<1x128xi32, #tpu.memory_space<vmem>>
    %dma_wait3A_731 = tpu.memref_squeeze %dma_wait3A_730 : memref<1x128xi32, #tpu.memory_space<vmem>> -> memref<128xi32, #tpu.memory_space<vmem>>
    %dma_wait3A_732 = arith.constant 0 : i32
    %dma_wait3A_733 = tpu.memref_slice %arg13[%dma_wait3A_732] : memref<650240xf32, #tpu.memory_space<vmem_shared>> -> memref<650240xf32, #tpu.memory_space<vmem_shared>>
    tpu.wait_indirect_dma semaphore(%arg16 : memref<!tpu.dma_semaphore, #tpu.memory_space<semaphore_mem>>) src(%arg10 : memref<128xf32, #tpu.memory_space<vmem>>) dst(%dma_wait3A_733 : memref<650240xf32, #tpu.memory_space<vmem_shared>>)
    %dma_wait3A_734 = arith.constant 39 : i32
    %dma_wait3A_735 = arith.constant 0 : i32
    %dma_wait3A_736 = tpu.memref_slice %arg9[%dma_wait3A_734, %dma_wait3A_735] : memref<80x128xi32, #tpu.memory_space<vmem>> -> memref<1x128xi32, #tpu.memory_space<vmem>>
    %dma_wait3A_737 = tpu.memref_squeeze %dma_wait3A_736 : memref<1x128xi32, #tpu.memory_space<vmem>> -> memref<128xi32, #tpu.memory_space<vmem>>
    %dma_wait3A_738 = arith.constant 0 : i32
    %dma_wait3A_739 = tpu.memref_slice %arg13[%dma_wait3A_738] : memref<650240xf32, #tpu.memory_space<vmem_shared>> -> memref<650240xf32, #tpu.memory_space<vmem_shared>>
    tpu.wait_indirect_dma semaphore(%arg16 : memref<!tpu.dma_semaphore, #tpu.memory_space<semaphore_mem>>) src(%arg10 : memref<128xf32, #tpu.memory_space<vmem>>) dst(%dma_wait3A_739 : memref<650240xf32, #tpu.memory_space<vmem_shared>>)
    %dma_start3A_740 = arith.constant 50 : i32
    %dma_start3A_741 = arith.constant 0 : i32
    %dma_start3A_742 = tpu.memref_slice %arg9[%dma_start3A_740, %dma_start3A_741] : memref<80x128xi32, #tpu.memory_space<vmem>> -> memref<1x128xi32, #tpu.memory_space<vmem>>
    %dma_start3A_743 = tpu.memref_squeeze %dma_start3A_742 : memref<1x128xi32, #tpu.memory_space<vmem>> -> memref<128xi32, #tpu.memory_space<vmem>>
    %dma_start3A_744 = arith.constant 0 : i32
    %dma_start3A_745 = tpu.memref_slice %arg13[%dma_start3A_744] : memref<650240xf32, #tpu.memory_space<vmem_shared>> -> memref<650240xf32, #tpu.memory_space<vmem_shared>>
    tpu.enqueue_indirect_dma source(%arg10 : memref<128xf32, #tpu.memory_space<vmem>>) target(%dma_start3A_745 : memref<650240xf32, #tpu.memory_space<vmem_shared>>) offsets(%dma_start3A_743 : memref<128xi32, #tpu.memory_space<vmem>>) semaphore(%arg16 : memref<!tpu.dma_semaphore, #tpu.memory_space<semaphore_mem>>) {add = true}
    %dma_start3A_746 = arith.constant 51 : i32
    %dma_start3A_747 = arith.constant 0 : i32
    %dma_start3A_748 = tpu.memref_slice %arg9[%dma_start3A_746, %dma_start3A_747] : memref<80x128xi32, #tpu.memory_space<vmem>> -> memref<1x128xi32, #tpu.memory_space<vmem>>
    %dma_start3A_749 = tpu.memref_squeeze %dma_start3A_748 : memref<1x128xi32, #tpu.memory_space<vmem>> -> memref<128xi32, #tpu.memory_space<vmem>>
    %dma_start3A_750 = arith.constant 0 : i32
    %dma_start3A_751 = tpu.memref_slice %arg13[%dma_start3A_750] : memref<650240xf32, #tpu.memory_space<vmem_shared>> -> memref<650240xf32, #tpu.memory_space<vmem_shared>>
    tpu.enqueue_indirect_dma source(%arg10 : memref<128xf32, #tpu.memory_space<vmem>>) target(%dma_start3A_751 : memref<650240xf32, #tpu.memory_space<vmem_shared>>) offsets(%dma_start3A_749 : memref<128xi32, #tpu.memory_space<vmem>>) semaphore(%arg16 : memref<!tpu.dma_semaphore, #tpu.memory_space<semaphore_mem>>) {add = true}
    %dma_start3A_752 = arith.constant 52 : i32
    %dma_start3A_753 = arith.constant 0 : i32
    %dma_start3A_754 = tpu.memref_slice %arg9[%dma_start3A_752, %dma_start3A_753] : memref<80x128xi32, #tpu.memory_space<vmem>> -> memref<1x128xi32, #tpu.memory_space<vmem>>
    %dma_start3A_755 = tpu.memref_squeeze %dma_start3A_754 : memref<1x128xi32, #tpu.memory_space<vmem>> -> memref<128xi32, #tpu.memory_space<vmem>>
    %dma_start3A_756 = arith.constant 0 : i32
    %dma_start3A_757 = tpu.memref_slice %arg13[%dma_start3A_756] : memref<650240xf32, #tpu.memory_space<vmem_shared>> -> memref<650240xf32, #tpu.memory_space<vmem_shared>>
    tpu.enqueue_indirect_dma source(%arg10 : memref<128xf32, #tpu.memory_space<vmem>>) target(%dma_start3A_757 : memref<650240xf32, #tpu.memory_space<vmem_shared>>) offsets(%dma_start3A_755 : memref<128xi32, #tpu.memory_space<vmem>>) semaphore(%arg16 : memref<!tpu.dma_semaphore, #tpu.memory_space<semaphore_mem>>) {add = true}
    %dma_start3A_758 = arith.constant 53 : i32
    %dma_start3A_759 = arith.constant 0 : i32
    %dma_start3A_760 = tpu.memref_slice %arg9[%dma_start3A_758, %dma_start3A_759] : memref<80x128xi32, #tpu.memory_space<vmem>> -> memref<1x128xi32, #tpu.memory_space<vmem>>
    %dma_start3A_761 = tpu.memref_squeeze %dma_start3A_760 : memref<1x128xi32, #tpu.memory_space<vmem>> -> memref<128xi32, #tpu.memory_space<vmem>>
    %dma_start3A_762 = arith.constant 0 : i32
    %dma_start3A_763 = tpu.memref_slice %arg13[%dma_start3A_762] : memref<650240xf32, #tpu.memory_space<vmem_shared>> -> memref<650240xf32, #tpu.memory_space<vmem_shared>>
    tpu.enqueue_indirect_dma source(%arg10 : memref<128xf32, #tpu.memory_space<vmem>>) target(%dma_start3A_763 : memref<650240xf32, #tpu.memory_space<vmem_shared>>) offsets(%dma_start3A_761 : memref<128xi32, #tpu.memory_space<vmem>>) semaphore(%arg16 : memref<!tpu.dma_semaphore, #tpu.memory_space<semaphore_mem>>) {add = true}
    %dma_start3A_764 = arith.constant 54 : i32
    %dma_start3A_765 = arith.constant 0 : i32
    %dma_start3A_766 = tpu.memref_slice %arg9[%dma_start3A_764, %dma_start3A_765] : memref<80x128xi32, #tpu.memory_space<vmem>> -> memref<1x128xi32, #tpu.memory_space<vmem>>
    %dma_start3A_767 = tpu.memref_squeeze %dma_start3A_766 : memref<1x128xi32, #tpu.memory_space<vmem>> -> memref<128xi32, #tpu.memory_space<vmem>>
    %dma_start3A_768 = arith.constant 0 : i32
    %dma_start3A_769 = tpu.memref_slice %arg13[%dma_start3A_768] : memref<650240xf32, #tpu.memory_space<vmem_shared>> -> memref<650240xf32, #tpu.memory_space<vmem_shared>>
    tpu.enqueue_indirect_dma source(%arg10 : memref<128xf32, #tpu.memory_space<vmem>>) target(%dma_start3A_769 : memref<650240xf32, #tpu.memory_space<vmem_shared>>) offsets(%dma_start3A_767 : memref<128xi32, #tpu.memory_space<vmem>>) semaphore(%arg16 : memref<!tpu.dma_semaphore, #tpu.memory_space<semaphore_mem>>) {add = true}
    %dma_start3A_770 = arith.constant 55 : i32
    %dma_start3A_771 = arith.constant 0 : i32
    %dma_start3A_772 = tpu.memref_slice %arg9[%dma_start3A_770, %dma_start3A_771] : memref<80x128xi32, #tpu.memory_space<vmem>> -> memref<1x128xi32, #tpu.memory_space<vmem>>
    %dma_start3A_773 = tpu.memref_squeeze %dma_start3A_772 : memref<1x128xi32, #tpu.memory_space<vmem>> -> memref<128xi32, #tpu.memory_space<vmem>>
    %dma_start3A_774 = arith.constant 0 : i32
    %dma_start3A_775 = tpu.memref_slice %arg13[%dma_start3A_774] : memref<650240xf32, #tpu.memory_space<vmem_shared>> -> memref<650240xf32, #tpu.memory_space<vmem_shared>>
    tpu.enqueue_indirect_dma source(%arg10 : memref<128xf32, #tpu.memory_space<vmem>>) target(%dma_start3A_775 : memref<650240xf32, #tpu.memory_space<vmem_shared>>) offsets(%dma_start3A_773 : memref<128xi32, #tpu.memory_space<vmem>>) semaphore(%arg16 : memref<!tpu.dma_semaphore, #tpu.memory_space<semaphore_mem>>) {add = true}
    %dma_start3A_776 = arith.constant 56 : i32
    %dma_start3A_777 = arith.constant 0 : i32
    %dma_start3A_778 = tpu.memref_slice %arg9[%dma_start3A_776, %dma_start3A_777] : memref<80x128xi32, #tpu.memory_space<vmem>> -> memref<1x128xi32, #tpu.memory_space<vmem>>
    %dma_start3A_779 = tpu.memref_squeeze %dma_start3A_778 : memref<1x128xi32, #tpu.memory_space<vmem>> -> memref<128xi32, #tpu.memory_space<vmem>>
    %dma_start3A_780 = arith.constant 0 : i32
    %dma_start3A_781 = tpu.memref_slice %arg13[%dma_start3A_780] : memref<650240xf32, #tpu.memory_space<vmem_shared>> -> memref<650240xf32, #tpu.memory_space<vmem_shared>>
    tpu.enqueue_indirect_dma source(%arg10 : memref<128xf32, #tpu.memory_space<vmem>>) target(%dma_start3A_781 : memref<650240xf32, #tpu.memory_space<vmem_shared>>) offsets(%dma_start3A_779 : memref<128xi32, #tpu.memory_space<vmem>>) semaphore(%arg16 : memref<!tpu.dma_semaphore, #tpu.memory_space<semaphore_mem>>) {add = true}
    %dma_start3A_782 = arith.constant 57 : i32
    %dma_start3A_783 = arith.constant 0 : i32
    %dma_start3A_784 = tpu.memref_slice %arg9[%dma_start3A_782, %dma_start3A_783] : memref<80x128xi32, #tpu.memory_space<vmem>> -> memref<1x128xi32, #tpu.memory_space<vmem>>
    %dma_start3A_785 = tpu.memref_squeeze %dma_start3A_784 : memref<1x128xi32, #tpu.memory_space<vmem>> -> memref<128xi32, #tpu.memory_space<vmem>>
    %dma_start3A_786 = arith.constant 0 : i32
    %dma_start3A_787 = tpu.memref_slice %arg13[%dma_start3A_786] : memref<650240xf32, #tpu.memory_space<vmem_shared>> -> memref<650240xf32, #tpu.memory_space<vmem_shared>>
    tpu.enqueue_indirect_dma source(%arg10 : memref<128xf32, #tpu.memory_space<vmem>>) target(%dma_start3A_787 : memref<650240xf32, #tpu.memory_space<vmem_shared>>) offsets(%dma_start3A_785 : memref<128xi32, #tpu.memory_space<vmem>>) semaphore(%arg16 : memref<!tpu.dma_semaphore, #tpu.memory_space<semaphore_mem>>) {add = true}
    %dma_start3A_788 = arith.constant 58 : i32
    %dma_start3A_789 = arith.constant 0 : i32
    %dma_start3A_790 = tpu.memref_slice %arg9[%dma_start3A_788, %dma_start3A_789] : memref<80x128xi32, #tpu.memory_space<vmem>> -> memref<1x128xi32, #tpu.memory_space<vmem>>
    %dma_start3A_791 = tpu.memref_squeeze %dma_start3A_790 : memref<1x128xi32, #tpu.memory_space<vmem>> -> memref<128xi32, #tpu.memory_space<vmem>>
    %dma_start3A_792 = arith.constant 0 : i32
    %dma_start3A_793 = tpu.memref_slice %arg13[%dma_start3A_792] : memref<650240xf32, #tpu.memory_space<vmem_shared>> -> memref<650240xf32, #tpu.memory_space<vmem_shared>>
    tpu.enqueue_indirect_dma source(%arg10 : memref<128xf32, #tpu.memory_space<vmem>>) target(%dma_start3A_793 : memref<650240xf32, #tpu.memory_space<vmem_shared>>) offsets(%dma_start3A_791 : memref<128xi32, #tpu.memory_space<vmem>>) semaphore(%arg16 : memref<!tpu.dma_semaphore, #tpu.memory_space<semaphore_mem>>) {add = true}
    %dma_start3A_794 = arith.constant 59 : i32
    %dma_start3A_795 = arith.constant 0 : i32
    %dma_start3A_796 = tpu.memref_slice %arg9[%dma_start3A_794, %dma_start3A_795] : memref<80x128xi32, #tpu.memory_space<vmem>> -> memref<1x128xi32, #tpu.memory_space<vmem>>
    %dma_start3A_797 = tpu.memref_squeeze %dma_start3A_796 : memref<1x128xi32, #tpu.memory_space<vmem>> -> memref<128xi32, #tpu.memory_space<vmem>>
    %dma_start3A_798 = arith.constant 0 : i32
    %dma_start3A_799 = tpu.memref_slice %arg13[%dma_start3A_798] : memref<650240xf32, #tpu.memory_space<vmem_shared>> -> memref<650240xf32, #tpu.memory_space<vmem_shared>>
    tpu.enqueue_indirect_dma source(%arg10 : memref<128xf32, #tpu.memory_space<vmem>>) target(%dma_start3A_799 : memref<650240xf32, #tpu.memory_space<vmem_shared>>) offsets(%dma_start3A_797 : memref<128xi32, #tpu.memory_space<vmem>>) semaphore(%arg16 : memref<!tpu.dma_semaphore, #tpu.memory_space<semaphore_mem>>) {add = true}
    %scan3A_800 = arith.constant 0 : i32
    %scan3A_801 = arith.constant 480 : i32
    %scan3A_802 = arith.constant 80 : i32
    %scan3A_803 = arith.addi %scan3A_801, %scan3A_802 : i32
    %scan3A_804 = arith.constant 1 : i32
    scf.for %scan3A_1574 = %scan3A_801 to %scan3A_803 step %scan3A_804  : i32 {
      %mul3A_1575 = arith.constant 16 : i32
      %mul3A_1576 = arith.muli %scan3A_1574, %mul3A_1575 : i32
      %get3A = arith.index_cast %mul3A_1576 : i32 to index
      %get3A_1577 = tpu.vector_load %arg7[%get3A] {strides = array<i32>} : memref<10000xi32, #tpu.memory_space<vmem>>, vector<16xi32>,
      %mul3A_1578 = arith.constant 16 : i32
      %mul3A_1579 = arith.muli %scan3A_1574, %mul3A_1578 : i32
      %get3A_1580 = arith.index_cast %mul3A_1579 : i32 to index
      %get3A_1581 = tpu.vector_load %arg8[%get3A_1580] {strides = array<i32>} : memref<10000xi32, #tpu.memory_space<vmem>>, vector<16xi32>,
      %gather3A = tpu.vector_load_idx %arg6[%get3A_1577] : memref<10000xi32, #tpu.memory_space<vmem>>[vector<16xi32>], vector<16xi32>,
      %mul3A_1582 = arith.constant 10000 : i32
      %mul3A_1583 = vector.broadcast %mul3A_1582 : i32 to vector<16xi32>
      %mul3A_1584 = arith.muli %gather3A, %mul3A_1583 : vector<16xi32>
      %add3A_1585 = arith.addi %mul3A_1584, %get3A_1581 : vector<16xi32>
      %jit3A = arith.constant 8 : i32
      %div3A = arith.divsi %scan3A_1574, %jit3A : i32
      %sign3A = arith.constant 0 : i32
      %sign3A_1586 = arith.cmpi sgt, %scan3A_1574, %sign3A : i32
      %sign3A_1587 = arith.extui %sign3A_1586 : i1 to i32
      %sign3A_1588 = arith.constant 0 : i32
      %sign3A_1589 = arith.cmpi slt, %scan3A_1574, %sign3A_1588 : i32
      %sign3A_1590 = arith.extui %sign3A_1589 : i1 to i32
      %sign3A_1591 = arith.subi %sign3A_1587, %sign3A_1590 : i32
      %sign3A_1592 = arith.constant 0 : i32
      %sign3A_1593 = arith.cmpi sgt, %jit3A, %sign3A_1592 : i32
      %sign3A_1594 = arith.extui %sign3A_1593 : i1 to i32
      %sign3A_1595 = arith.constant 0 : i32
      %sign3A_1596 = arith.cmpi slt, %jit3A, %sign3A_1595 : i32
      %sign3A_1597 = arith.extui %sign3A_1596 : i1 to i32
      %sign3A_1598 = arith.subi %sign3A_1594, %sign3A_1597 : i32
      %ne3A = arith.cmpi ne, %sign3A_1591, %sign3A_1598 : i32
      %rem3A = arith.remsi %scan3A_1574, %jit3A : i32
      %ne3A_1599 = arith.constant 0 : i32
      %ne3A_1600 = arith.cmpi ne, %rem3A, %ne3A_1599 : i32
      %and3A = arith.andi %ne3A, %ne3A_1600 : i1
      %sub3A = arith.constant 1 : i32
      %sub3A_1601 = arith.subi %div3A, %sub3A : i32
      %select_n3A = arith.select %and3A, %sub3A_1601, %div3A : i32
      %jit3A_1602 = arith.constant 8 : i32
      %eq3A_1603 = arith.constant 0 : i32
      %eq3A_1604 = arith.cmpi eq, %jit3A_1602, %eq3A_1603 : i32
      %jit3A_1605 = arith.constant 1 : i32
      %select_n3A_1606 = arith.select %eq3A_1604, %jit3A_1605, %jit3A_1602 : i32
      %rem3A_1607 = arith.remsi %scan3A_1574, %select_n3A_1606 : i32
      %ne3A_1608 = arith.constant 0 : i32
      %ne3A_1609 = arith.cmpi ne, %rem3A_1607, %ne3A_1608 : i32
      %lt3A = arith.constant 0 : i32
      %lt3A_1610 = arith.cmpi slt, %rem3A_1607, %lt3A : i32
      %lt3A_1611 = arith.constant 0 : i32
      %lt3A_1612 = arith.cmpi slt, %select_n3A_1606, %lt3A_1611 : i32
      %ne3A_1613 = arith.xori %lt3A_1610, %lt3A_1612 : i1
      %and3A_1614 = arith.andi %ne3A_1613, %ne3A_1609 : i1
      %add3A_1615 = arith.addi %rem3A_1607, %select_n3A_1606 : i32
      %select_n3A_1616 = arith.select %and3A_1614, %add3A_1615, %rem3A_1607 : i32
      %mul3A_1617 = arith.constant 16 : i32
      %mul3A_1618 = arith.muli %select_n3A_1616, %mul3A_1617 : i32
      %swap3A_1619 = arith.index_cast %select_n3A : i32 to index
      %swap3A_1620 = arith.index_cast %mul3A_1618 : i32 to index
      %swap3A_1621 = tpu.vector_load %arg9[%swap3A_1619, %swap3A_1620] {strides = array<i32>} : memref<80x128xi32, #tpu.memory_space<vmem>>, vector<16xi32>,
      tpu.vector_store %arg9[%swap3A_1619, %swap3A_1620], %add3A_1585 {strides = array<i32>} : memref<80x128xi32, #tpu.memory_space<vmem>>, vector<16xi32>,
      %broadcast_in_dim3A_1622 = arith.constant 1.000000e+00 : f32
      %broadcast_in_dim3A_1623 = vector.broadcast %broadcast_in_dim3A_1622 : f32 to vector<16xf32>
      tpu.vector_store_idx %arg12[%get3A_1577], %broadcast_in_dim3A_1623 {add = true} : memref<10240xf32, #tpu.memory_space<vmem>>[vector<16xi32>], vector<16xf32>,
    }
    %scan3A_805 = arith.constant 80 : i32
    %dma_wait3A_806 = arith.constant 40 : i32
    %dma_wait3A_807 = arith.constant 0 : i32
    %dma_wait3A_808 = tpu.memref_slice %arg9[%dma_wait3A_806, %dma_wait3A_807] : memref<80x128xi32, #tpu.memory_space<vmem>> -> memref<1x128xi32, #tpu.memory_space<vmem>>
    %dma_wait3A_809 = tpu.memref_squeeze %dma_wait3A_808 : memref<1x128xi32, #tpu.memory_space<vmem>> -> memref<128xi32, #tpu.memory_space<vmem>>
    %dma_wait3A_810 = arith.constant 0 : i32
    %dma_wait3A_811 = tpu.memref_slice %arg13[%dma_wait3A_810] : memref<650240xf32, #tpu.memory_space<vmem_shared>> -> memref<650240xf32, #tpu.memory_space<vmem_shared>>
    tpu.wait_indirect_dma semaphore(%arg16 : memref<!tpu.dma_semaphore, #tpu.memory_space<semaphore_mem>>) src(%arg10 : memref<128xf32, #tpu.memory_space<vmem>>) dst(%dma_wait3A_811 : memref<650240xf32, #tpu.memory_space<vmem_shared>>)
    %dma_wait3A_812 = arith.constant 41 : i32
    %dma_wait3A_813 = arith.constant 0 : i32
    %dma_wait3A_814 = tpu.memref_slice %arg9[%dma_wait3A_812, %dma_wait3A_813] : memref<80x128xi32, #tpu.memory_space<vmem>> -> memref<1x128xi32, #tpu.memory_space<vmem>>
    %dma_wait3A_815 = tpu.memref_squeeze %dma_wait3A_814 : memref<1x128xi32, #tpu.memory_space<vmem>> -> memref<128xi32, #tpu.memory_space<vmem>>
    %dma_wait3A_816 = arith.constant 0 : i32
    %dma_wait3A_817 = tpu.memref_slice %arg13[%dma_wait3A_816] : memref<650240xf32, #tpu.memory_space<vmem_shared>> -> memref<650240xf32, #tpu.memory_space<vmem_shared>>
    tpu.wait_indirect_dma semaphore(%arg16 : memref<!tpu.dma_semaphore, #tpu.memory_space<semaphore_mem>>) src(%arg10 : memref<128xf32, #tpu.memory_space<vmem>>) dst(%dma_wait3A_817 : memref<650240xf32, #tpu.memory_space<vmem_shared>>)
    %dma_wait3A_818 = arith.constant 42 : i32
    %dma_wait3A_819 = arith.constant 0 : i32
    %dma_wait3A_820 = tpu.memref_slice %arg9[%dma_wait3A_818, %dma_wait3A_819] : memref<80x128xi32, #tpu.memory_space<vmem>> -> memref<1x128xi32, #tpu.memory_space<vmem>>
    %dma_wait3A_821 = tpu.memref_squeeze %dma_wait3A_820 : memref<1x128xi32, #tpu.memory_space<vmem>> -> memref<128xi32, #tpu.memory_space<vmem>>
    %dma_wait3A_822 = arith.constant 0 : i32
    %dma_wait3A_823 = tpu.memref_slice %arg13[%dma_wait3A_822] : memref<650240xf32, #tpu.memory_space<vmem_shared>> -> memref<650240xf32, #tpu.memory_space<vmem_shared>>
    tpu.wait_indirect_dma semaphore(%arg16 : memref<!tpu.dma_semaphore, #tpu.memory_space<semaphore_mem>>) src(%arg10 : memref<128xf32, #tpu.memory_space<vmem>>) dst(%dma_wait3A_823 : memref<650240xf32, #tpu.memory_space<vmem_shared>>)
    %dma_wait3A_824 = arith.constant 43 : i32
    %dma_wait3A_825 = arith.constant 0 : i32
    %dma_wait3A_826 = tpu.memref_slice %arg9[%dma_wait3A_824, %dma_wait3A_825] : memref<80x128xi32, #tpu.memory_space<vmem>> -> memref<1x128xi32, #tpu.memory_space<vmem>>
    %dma_wait3A_827 = tpu.memref_squeeze %dma_wait3A_826 : memref<1x128xi32, #tpu.memory_space<vmem>> -> memref<128xi32, #tpu.memory_space<vmem>>
    %dma_wait3A_828 = arith.constant 0 : i32
    %dma_wait3A_829 = tpu.memref_slice %arg13[%dma_wait3A_828] : memref<650240xf32, #tpu.memory_space<vmem_shared>> -> memref<650240xf32, #tpu.memory_space<vmem_shared>>
    tpu.wait_indirect_dma semaphore(%arg16 : memref<!tpu.dma_semaphore, #tpu.memory_space<semaphore_mem>>) src(%arg10 : memref<128xf32, #tpu.memory_space<vmem>>) dst(%dma_wait3A_829 : memref<650240xf32, #tpu.memory_space<vmem_shared>>)
    %dma_wait3A_830 = arith.constant 44 : i32
    %dma_wait3A_831 = arith.constant 0 : i32
    %dma_wait3A_832 = tpu.memref_slice %arg9[%dma_wait3A_830, %dma_wait3A_831] : memref<80x128xi32, #tpu.memory_space<vmem>> -> memref<1x128xi32, #tpu.memory_space<vmem>>
    %dma_wait3A_833 = tpu.memref_squeeze %dma_wait3A_832 : memref<1x128xi32, #tpu.memory_space<vmem>> -> memref<128xi32, #tpu.memory_space<vmem>>
    %dma_wait3A_834 = arith.constant 0 : i32
    %dma_wait3A_835 = tpu.memref_slice %arg13[%dma_wait3A_834] : memref<650240xf32, #tpu.memory_space<vmem_shared>> -> memref<650240xf32, #tpu.memory_space<vmem_shared>>
    tpu.wait_indirect_dma semaphore(%arg16 : memref<!tpu.dma_semaphore, #tpu.memory_space<semaphore_mem>>) src(%arg10 : memref<128xf32, #tpu.memory_space<vmem>>) dst(%dma_wait3A_835 : memref<650240xf32, #tpu.memory_space<vmem_shared>>)
    %dma_wait3A_836 = arith.constant 45 : i32
    %dma_wait3A_837 = arith.constant 0 : i32
    %dma_wait3A_838 = tpu.memref_slice %arg9[%dma_wait3A_836, %dma_wait3A_837] : memref<80x128xi32, #tpu.memory_space<vmem>> -> memref<1x128xi32, #tpu.memory_space<vmem>>
    %dma_wait3A_839 = tpu.memref_squeeze %dma_wait3A_838 : memref<1x128xi32, #tpu.memory_space<vmem>> -> memref<128xi32, #tpu.memory_space<vmem>>
    %dma_wait3A_840 = arith.constant 0 : i32
    %dma_wait3A_841 = tpu.memref_slice %arg13[%dma_wait3A_840] : memref<650240xf32, #tpu.memory_space<vmem_shared>> -> memref<650240xf32, #tpu.memory_space<vmem_shared>>
    tpu.wait_indirect_dma semaphore(%arg16 : memref<!tpu.dma_semaphore, #tpu.memory_space<semaphore_mem>>) src(%arg10 : memref<128xf32, #tpu.memory_space<vmem>>) dst(%dma_wait3A_841 : memref<650240xf32, #tpu.memory_space<vmem_shared>>)
    %dma_wait3A_842 = arith.constant 46 : i32
    %dma_wait3A_843 = arith.constant 0 : i32
    %dma_wait3A_844 = tpu.memref_slice %arg9[%dma_wait3A_842, %dma_wait3A_843] : memref<80x128xi32, #tpu.memory_space<vmem>> -> memref<1x128xi32, #tpu.memory_space<vmem>>
    %dma_wait3A_845 = tpu.memref_squeeze %dma_wait3A_844 : memref<1x128xi32, #tpu.memory_space<vmem>> -> memref<128xi32, #tpu.memory_space<vmem>>
    %dma_wait3A_846 = arith.constant 0 : i32
    %dma_wait3A_847 = tpu.memref_slice %arg13[%dma_wait3A_846] : memref<650240xf32, #tpu.memory_space<vmem_shared>> -> memref<650240xf32, #tpu.memory_space<vmem_shared>>
    tpu.wait_indirect_dma semaphore(%arg16 : memref<!tpu.dma_semaphore, #tpu.memory_space<semaphore_mem>>) src(%arg10 : memref<128xf32, #tpu.memory_space<vmem>>) dst(%dma_wait3A_847 : memref<650240xf32, #tpu.memory_space<vmem_shared>>)
    %dma_wait3A_848 = arith.constant 47 : i32
    %dma_wait3A_849 = arith.constant 0 : i32
    %dma_wait3A_850 = tpu.memref_slice %arg9[%dma_wait3A_848, %dma_wait3A_849] : memref<80x128xi32, #tpu.memory_space<vmem>> -> memref<1x128xi32, #tpu.memory_space<vmem>>
    %dma_wait3A_851 = tpu.memref_squeeze %dma_wait3A_850 : memref<1x128xi32, #tpu.memory_space<vmem>> -> memref<128xi32, #tpu.memory_space<vmem>>
    %dma_wait3A_852 = arith.constant 0 : i32
    %dma_wait3A_853 = tpu.memref_slice %arg13[%dma_wait3A_852] : memref<650240xf32, #tpu.memory_space<vmem_shared>> -> memref<650240xf32, #tpu.memory_space<vmem_shared>>
    tpu.wait_indirect_dma semaphore(%arg16 : memref<!tpu.dma_semaphore, #tpu.memory_space<semaphore_mem>>) src(%arg10 : memref<128xf32, #tpu.memory_space<vmem>>) dst(%dma_wait3A_853 : memref<650240xf32, #tpu.memory_space<vmem_shared>>)
    %dma_wait3A_854 = arith.constant 48 : i32
    %dma_wait3A_855 = arith.constant 0 : i32
    %dma_wait3A_856 = tpu.memref_slice %arg9[%dma_wait3A_854, %dma_wait3A_855] : memref<80x128xi32, #tpu.memory_space<vmem>> -> memref<1x128xi32, #tpu.memory_space<vmem>>
    %dma_wait3A_857 = tpu.memref_squeeze %dma_wait3A_856 : memref<1x128xi32, #tpu.memory_space<vmem>> -> memref<128xi32, #tpu.memory_space<vmem>>
    %dma_wait3A_858 = arith.constant 0 : i32
    %dma_wait3A_859 = tpu.memref_slice %arg13[%dma_wait3A_858] : memref<650240xf32, #tpu.memory_space<vmem_shared>> -> memref<650240xf32, #tpu.memory_space<vmem_shared>>
    tpu.wait_indirect_dma semaphore(%arg16 : memref<!tpu.dma_semaphore, #tpu.memory_space<semaphore_mem>>) src(%arg10 : memref<128xf32, #tpu.memory_space<vmem>>) dst(%dma_wait3A_859 : memref<650240xf32, #tpu.memory_space<vmem_shared>>)
    %dma_wait3A_860 = arith.constant 49 : i32
    %dma_wait3A_861 = arith.constant 0 : i32
    %dma_wait3A_862 = tpu.memref_slice %arg9[%dma_wait3A_860, %dma_wait3A_861] : memref<80x128xi32, #tpu.memory_space<vmem>> -> memref<1x128xi32, #tpu.memory_space<vmem>>
    %dma_wait3A_863 = tpu.memref_squeeze %dma_wait3A_862 : memref<1x128xi32, #tpu.memory_space<vmem>> -> memref<128xi32, #tpu.memory_space<vmem>>
    %dma_wait3A_864 = arith.constant 0 : i32
    %dma_wait3A_865 = tpu.memref_slice %arg13[%dma_wait3A_864] : memref<650240xf32, #tpu.memory_space<vmem_shared>> -> memref<650240xf32, #tpu.memory_space<vmem_shared>>
    tpu.wait_indirect_dma semaphore(%arg16 : memref<!tpu.dma_semaphore, #tpu.memory_space<semaphore_mem>>) src(%arg10 : memref<128xf32, #tpu.memory_space<vmem>>) dst(%dma_wait3A_865 : memref<650240xf32, #tpu.memory_space<vmem_shared>>)
    %dma_start3A_866 = arith.constant 60 : i32
    %dma_start3A_867 = arith.constant 0 : i32
    %dma_start3A_868 = tpu.memref_slice %arg9[%dma_start3A_866, %dma_start3A_867] : memref<80x128xi32, #tpu.memory_space<vmem>> -> memref<1x128xi32, #tpu.memory_space<vmem>>
    %dma_start3A_869 = tpu.memref_squeeze %dma_start3A_868 : memref<1x128xi32, #tpu.memory_space<vmem>> -> memref<128xi32, #tpu.memory_space<vmem>>
    %dma_start3A_870 = arith.constant 0 : i32
    %dma_start3A_871 = tpu.memref_slice %arg13[%dma_start3A_870] : memref<650240xf32, #tpu.memory_space<vmem_shared>> -> memref<650240xf32, #tpu.memory_space<vmem_shared>>
    tpu.enqueue_indirect_dma source(%arg10 : memref<128xf32, #tpu.memory_space<vmem>>) target(%dma_start3A_871 : memref<650240xf32, #tpu.memory_space<vmem_shared>>) offsets(%dma_start3A_869 : memref<128xi32, #tpu.memory_space<vmem>>) semaphore(%arg16 : memref<!tpu.dma_semaphore, #tpu.memory_space<semaphore_mem>>) {add = true}
    %dma_start3A_872 = arith.constant 61 : i32
    %dma_start3A_873 = arith.constant 0 : i32
    %dma_start3A_874 = tpu.memref_slice %arg9[%dma_start3A_872, %dma_start3A_873] : memref<80x128xi32, #tpu.memory_space<vmem>> -> memref<1x128xi32, #tpu.memory_space<vmem>>
    %dma_start3A_875 = tpu.memref_squeeze %dma_start3A_874 : memref<1x128xi32, #tpu.memory_space<vmem>> -> memref<128xi32, #tpu.memory_space<vmem>>
    %dma_start3A_876 = arith.constant 0 : i32
    %dma_start3A_877 = tpu.memref_slice %arg13[%dma_start3A_876] : memref<650240xf32, #tpu.memory_space<vmem_shared>> -> memref<650240xf32, #tpu.memory_space<vmem_shared>>
    tpu.enqueue_indirect_dma source(%arg10 : memref<128xf32, #tpu.memory_space<vmem>>) target(%dma_start3A_877 : memref<650240xf32, #tpu.memory_space<vmem_shared>>) offsets(%dma_start3A_875 : memref<128xi32, #tpu.memory_space<vmem>>) semaphore(%arg16 : memref<!tpu.dma_semaphore, #tpu.memory_space<semaphore_mem>>) {add = true}
    %dma_start3A_878 = arith.constant 62 : i32
    %dma_start3A_879 = arith.constant 0 : i32
    %dma_start3A_880 = tpu.memref_slice %arg9[%dma_start3A_878, %dma_start3A_879] : memref<80x128xi32, #tpu.memory_space<vmem>> -> memref<1x128xi32, #tpu.memory_space<vmem>>
    %dma_start3A_881 = tpu.memref_squeeze %dma_start3A_880 : memref<1x128xi32, #tpu.memory_space<vmem>> -> memref<128xi32, #tpu.memory_space<vmem>>
    %dma_start3A_882 = arith.constant 0 : i32
    %dma_start3A_883 = tpu.memref_slice %arg13[%dma_start3A_882] : memref<650240xf32, #tpu.memory_space<vmem_shared>> -> memref<650240xf32, #tpu.memory_space<vmem_shared>>
    tpu.enqueue_indirect_dma source(%arg10 : memref<128xf32, #tpu.memory_space<vmem>>) target(%dma_start3A_883 : memref<650240xf32, #tpu.memory_space<vmem_shared>>) offsets(%dma_start3A_881 : memref<128xi32, #tpu.memory_space<vmem>>) semaphore(%arg16 : memref<!tpu.dma_semaphore, #tpu.memory_space<semaphore_mem>>) {add = true}
    %dma_start3A_884 = arith.constant 63 : i32
    %dma_start3A_885 = arith.constant 0 : i32
    %dma_start3A_886 = tpu.memref_slice %arg9[%dma_start3A_884, %dma_start3A_885] : memref<80x128xi32, #tpu.memory_space<vmem>> -> memref<1x128xi32, #tpu.memory_space<vmem>>
    %dma_start3A_887 = tpu.memref_squeeze %dma_start3A_886 : memref<1x128xi32, #tpu.memory_space<vmem>> -> memref<128xi32, #tpu.memory_space<vmem>>
    %dma_start3A_888 = arith.constant 0 : i32
    %dma_start3A_889 = tpu.memref_slice %arg13[%dma_start3A_888] : memref<650240xf32, #tpu.memory_space<vmem_shared>> -> memref<650240xf32, #tpu.memory_space<vmem_shared>>
    tpu.enqueue_indirect_dma source(%arg10 : memref<128xf32, #tpu.memory_space<vmem>>) target(%dma_start3A_889 : memref<650240xf32, #tpu.memory_space<vmem_shared>>) offsets(%dma_start3A_887 : memref<128xi32, #tpu.memory_space<vmem>>) semaphore(%arg16 : memref<!tpu.dma_semaphore, #tpu.memory_space<semaphore_mem>>) {add = true}
    %dma_start3A_890 = arith.constant 64 : i32
    %dma_start3A_891 = arith.constant 0 : i32
    %dma_start3A_892 = tpu.memref_slice %arg9[%dma_start3A_890, %dma_start3A_891] : memref<80x128xi32, #tpu.memory_space<vmem>> -> memref<1x128xi32, #tpu.memory_space<vmem>>
    %dma_start3A_893 = tpu.memref_squeeze %dma_start3A_892 : memref<1x128xi32, #tpu.memory_space<vmem>> -> memref<128xi32, #tpu.memory_space<vmem>>
    %dma_start3A_894 = arith.constant 0 : i32
    %dma_start3A_895 = tpu.memref_slice %arg13[%dma_start3A_894] : memref<650240xf32, #tpu.memory_space<vmem_shared>> -> memref<650240xf32, #tpu.memory_space<vmem_shared>>
    tpu.enqueue_indirect_dma source(%arg10 : memref<128xf32, #tpu.memory_space<vmem>>) target(%dma_start3A_895 : memref<650240xf32, #tpu.memory_space<vmem_shared>>) offsets(%dma_start3A_893 : memref<128xi32, #tpu.memory_space<vmem>>) semaphore(%arg16 : memref<!tpu.dma_semaphore, #tpu.memory_space<semaphore_mem>>) {add = true}
    %dma_start3A_896 = arith.constant 65 : i32
    %dma_start3A_897 = arith.constant 0 : i32
    %dma_start3A_898 = tpu.memref_slice %arg9[%dma_start3A_896, %dma_start3A_897] : memref<80x128xi32, #tpu.memory_space<vmem>> -> memref<1x128xi32, #tpu.memory_space<vmem>>
    %dma_start3A_899 = tpu.memref_squeeze %dma_start3A_898 : memref<1x128xi32, #tpu.memory_space<vmem>> -> memref<128xi32, #tpu.memory_space<vmem>>
    %dma_start3A_900 = arith.constant 0 : i32
    %dma_start3A_901 = tpu.memref_slice %arg13[%dma_start3A_900] : memref<650240xf32, #tpu.memory_space<vmem_shared>> -> memref<650240xf32, #tpu.memory_space<vmem_shared>>
    tpu.enqueue_indirect_dma source(%arg10 : memref<128xf32, #tpu.memory_space<vmem>>) target(%dma_start3A_901 : memref<650240xf32, #tpu.memory_space<vmem_shared>>) offsets(%dma_start3A_899 : memref<128xi32, #tpu.memory_space<vmem>>) semaphore(%arg16 : memref<!tpu.dma_semaphore, #tpu.memory_space<semaphore_mem>>) {add = true}
    %dma_start3A_902 = arith.constant 66 : i32
    %dma_start3A_903 = arith.constant 0 : i32
    %dma_start3A_904 = tpu.memref_slice %arg9[%dma_start3A_902, %dma_start3A_903] : memref<80x128xi32, #tpu.memory_space<vmem>> -> memref<1x128xi32, #tpu.memory_space<vmem>>
    %dma_start3A_905 = tpu.memref_squeeze %dma_start3A_904 : memref<1x128xi32, #tpu.memory_space<vmem>> -> memref<128xi32, #tpu.memory_space<vmem>>
    %dma_start3A_906 = arith.constant 0 : i32
    %dma_start3A_907 = tpu.memref_slice %arg13[%dma_start3A_906] : memref<650240xf32, #tpu.memory_space<vmem_shared>> -> memref<650240xf32, #tpu.memory_space<vmem_shared>>
    tpu.enqueue_indirect_dma source(%arg10 : memref<128xf32, #tpu.memory_space<vmem>>) target(%dma_start3A_907 : memref<650240xf32, #tpu.memory_space<vmem_shared>>) offsets(%dma_start3A_905 : memref<128xi32, #tpu.memory_space<vmem>>) semaphore(%arg16 : memref<!tpu.dma_semaphore, #tpu.memory_space<semaphore_mem>>) {add = true}
    %dma_start3A_908 = arith.constant 67 : i32
    %dma_start3A_909 = arith.constant 0 : i32
    %dma_start3A_910 = tpu.memref_slice %arg9[%dma_start3A_908, %dma_start3A_909] : memref<80x128xi32, #tpu.memory_space<vmem>> -> memref<1x128xi32, #tpu.memory_space<vmem>>
    %dma_start3A_911 = tpu.memref_squeeze %dma_start3A_910 : memref<1x128xi32, #tpu.memory_space<vmem>> -> memref<128xi32, #tpu.memory_space<vmem>>
    %dma_start3A_912 = arith.constant 0 : i32
    %dma_start3A_913 = tpu.memref_slice %arg13[%dma_start3A_912] : memref<650240xf32, #tpu.memory_space<vmem_shared>> -> memref<650240xf32, #tpu.memory_space<vmem_shared>>
    tpu.enqueue_indirect_dma source(%arg10 : memref<128xf32, #tpu.memory_space<vmem>>) target(%dma_start3A_913 : memref<650240xf32, #tpu.memory_space<vmem_shared>>) offsets(%dma_start3A_911 : memref<128xi32, #tpu.memory_space<vmem>>) semaphore(%arg16 : memref<!tpu.dma_semaphore, #tpu.memory_space<semaphore_mem>>) {add = true}
    %dma_start3A_914 = arith.constant 68 : i32
    %dma_start3A_915 = arith.constant 0 : i32
    %dma_start3A_916 = tpu.memref_slice %arg9[%dma_start3A_914, %dma_start3A_915] : memref<80x128xi32, #tpu.memory_space<vmem>> -> memref<1x128xi32, #tpu.memory_space<vmem>>
    %dma_start3A_917 = tpu.memref_squeeze %dma_start3A_916 : memref<1x128xi32, #tpu.memory_space<vmem>> -> memref<128xi32, #tpu.memory_space<vmem>>
    %dma_start3A_918 = arith.constant 0 : i32
    %dma_start3A_919 = tpu.memref_slice %arg13[%dma_start3A_918] : memref<650240xf32, #tpu.memory_space<vmem_shared>> -> memref<650240xf32, #tpu.memory_space<vmem_shared>>
    tpu.enqueue_indirect_dma source(%arg10 : memref<128xf32, #tpu.memory_space<vmem>>) target(%dma_start3A_919 : memref<650240xf32, #tpu.memory_space<vmem_shared>>) offsets(%dma_start3A_917 : memref<128xi32, #tpu.memory_space<vmem>>) semaphore(%arg16 : memref<!tpu.dma_semaphore, #tpu.memory_space<semaphore_mem>>) {add = true}
    %dma_start3A_920 = arith.constant 69 : i32
    %dma_start3A_921 = arith.constant 0 : i32
    %dma_start3A_922 = tpu.memref_slice %arg9[%dma_start3A_920, %dma_start3A_921] : memref<80x128xi32, #tpu.memory_space<vmem>> -> memref<1x128xi32, #tpu.memory_space<vmem>>
    %dma_start3A_923 = tpu.memref_squeeze %dma_start3A_922 : memref<1x128xi32, #tpu.memory_space<vmem>> -> memref<128xi32, #tpu.memory_space<vmem>>
    %dma_start3A_924 = arith.constant 0 : i32
    %dma_start3A_925 = tpu.memref_slice %arg13[%dma_start3A_924] : memref<650240xf32, #tpu.memory_space<vmem_shared>> -> memref<650240xf32, #tpu.memory_space<vmem_shared>>
    tpu.enqueue_indirect_dma source(%arg10 : memref<128xf32, #tpu.memory_space<vmem>>) target(%dma_start3A_925 : memref<650240xf32, #tpu.memory_space<vmem_shared>>) offsets(%dma_start3A_923 : memref<128xi32, #tpu.memory_space<vmem>>) semaphore(%arg16 : memref<!tpu.dma_semaphore, #tpu.memory_space<semaphore_mem>>) {add = true}
    %scan3A_926 = arith.constant 0 : i32
    %scan3A_927 = arith.constant 560 : i32
    %scan3A_928 = arith.constant 65 : i32
    %scan3A_929 = arith.addi %scan3A_927, %scan3A_928 : i32
    %scan3A_930 = arith.constant 1 : i32
    scf.for %scan3A_1574 = %scan3A_927 to %scan3A_929 step %scan3A_930  : i32 {
      %mul3A_1575 = arith.constant 16 : i32
      %mul3A_1576 = arith.muli %scan3A_1574, %mul3A_1575 : i32
      %get3A = arith.index_cast %mul3A_1576 : i32 to index
      %get3A_1577 = tpu.vector_load %arg7[%get3A] {strides = array<i32>} : memref<10000xi32, #tpu.memory_space<vmem>>, vector<16xi32>,
      %mul3A_1578 = arith.constant 16 : i32
      %mul3A_1579 = arith.muli %scan3A_1574, %mul3A_1578 : i32
      %get3A_1580 = arith.index_cast %mul3A_1579 : i32 to index
      %get3A_1581 = tpu.vector_load %arg8[%get3A_1580] {strides = array<i32>} : memref<10000xi32, #tpu.memory_space<vmem>>, vector<16xi32>,
      %gather3A = tpu.vector_load_idx %arg6[%get3A_1577] : memref<10000xi32, #tpu.memory_space<vmem>>[vector<16xi32>], vector<16xi32>,
      %mul3A_1582 = arith.constant 10000 : i32
      %mul3A_1583 = vector.broadcast %mul3A_1582 : i32 to vector<16xi32>
      %mul3A_1584 = arith.muli %gather3A, %mul3A_1583 : vector<16xi32>
      %add3A_1585 = arith.addi %mul3A_1584, %get3A_1581 : vector<16xi32>
      %jit3A = arith.constant 8 : i32
      %div3A = arith.divsi %scan3A_1574, %jit3A : i32
      %sign3A = arith.constant 0 : i32
      %sign3A_1586 = arith.cmpi sgt, %scan3A_1574, %sign3A : i32
      %sign3A_1587 = arith.extui %sign3A_1586 : i1 to i32
      %sign3A_1588 = arith.constant 0 : i32
      %sign3A_1589 = arith.cmpi slt, %scan3A_1574, %sign3A_1588 : i32
      %sign3A_1590 = arith.extui %sign3A_1589 : i1 to i32
      %sign3A_1591 = arith.subi %sign3A_1587, %sign3A_1590 : i32
      %sign3A_1592 = arith.constant 0 : i32
      %sign3A_1593 = arith.cmpi sgt, %jit3A, %sign3A_1592 : i32
      %sign3A_1594 = arith.extui %sign3A_1593 : i1 to i32
      %sign3A_1595 = arith.constant 0 : i32
      %sign3A_1596 = arith.cmpi slt, %jit3A, %sign3A_1595 : i32
      %sign3A_1597 = arith.extui %sign3A_1596 : i1 to i32
      %sign3A_1598 = arith.subi %sign3A_1594, %sign3A_1597 : i32
      %ne3A = arith.cmpi ne, %sign3A_1591, %sign3A_1598 : i32
      %rem3A = arith.remsi %scan3A_1574, %jit3A : i32
      %ne3A_1599 = arith.constant 0 : i32
      %ne3A_1600 = arith.cmpi ne, %rem3A, %ne3A_1599 : i32
      %and3A = arith.andi %ne3A, %ne3A_1600 : i1
      %sub3A = arith.constant 1 : i32
      %sub3A_1601 = arith.subi %div3A, %sub3A : i32
      %select_n3A = arith.select %and3A, %sub3A_1601, %div3A : i32
      %jit3A_1602 = arith.constant 8 : i32
      %eq3A_1603 = arith.constant 0 : i32
      %eq3A_1604 = arith.cmpi eq, %jit3A_1602, %eq3A_1603 : i32
      %jit3A_1605 = arith.constant 1 : i32
      %select_n3A_1606 = arith.select %eq3A_1604, %jit3A_1605, %jit3A_1602 : i32
      %rem3A_1607 = arith.remsi %scan3A_1574, %select_n3A_1606 : i32
      %ne3A_1608 = arith.constant 0 : i32
      %ne3A_1609 = arith.cmpi ne, %rem3A_1607, %ne3A_1608 : i32
      %lt3A = arith.constant 0 : i32
      %lt3A_1610 = arith.cmpi slt, %rem3A_1607, %lt3A : i32
      %lt3A_1611 = arith.constant 0 : i32
      %lt3A_1612 = arith.cmpi slt, %select_n3A_1606, %lt3A_1611 : i32
      %ne3A_1613 = arith.xori %lt3A_1610, %lt3A_1612 : i1
      %and3A_1614 = arith.andi %ne3A_1613, %ne3A_1609 : i1
      %add3A_1615 = arith.addi %rem3A_1607, %select_n3A_1606 : i32
      %select_n3A_1616 = arith.select %and3A_1614, %add3A_1615, %rem3A_1607 : i32
      %mul3A_1617 = arith.constant 16 : i32
      %mul3A_1618 = arith.muli %select_n3A_1616, %mul3A_1617 : i32
      %swap3A_1619 = arith.index_cast %select_n3A : i32 to index
      %swap3A_1620 = arith.index_cast %mul3A_1618 : i32 to index
      %swap3A_1621 = tpu.vector_load %arg9[%swap3A_1619, %swap3A_1620] {strides = array<i32>} : memref<80x128xi32, #tpu.memory_space<vmem>>, vector<16xi32>,
      tpu.vector_store %arg9[%swap3A_1619, %swap3A_1620], %add3A_1585 {strides = array<i32>} : memref<80x128xi32, #tpu.memory_space<vmem>>, vector<16xi32>,
      %broadcast_in_dim3A_1622 = arith.constant 1.000000e+00 : f32
      %broadcast_in_dim3A_1623 = vector.broadcast %broadcast_in_dim3A_1622 : f32 to vector<16xf32>
      tpu.vector_store_idx %arg12[%get3A_1577], %broadcast_in_dim3A_1623 {add = true} : memref<10240xf32, #tpu.memory_space<vmem>>[vector<16xi32>], vector<16xf32>,
    }
    %scan3A_931 = arith.constant 65 : i32
    %dma_wait3A_932 = arith.constant 50 : i32
    %dma_wait3A_933 = arith.constant 0 : i32
    %dma_wait3A_934 = tpu.memref_slice %arg9[%dma_wait3A_932, %dma_wait3A_933] : memref<80x128xi32, #tpu.memory_space<vmem>> -> memref<1x128xi32, #tpu.memory_space<vmem>>
    %dma_wait3A_935 = tpu.memref_squeeze %dma_wait3A_934 : memref<1x128xi32, #tpu.memory_space<vmem>> -> memref<128xi32, #tpu.memory_space<vmem>>
    %dma_wait3A_936 = arith.constant 0 : i32
    %dma_wait3A_937 = tpu.memref_slice %arg13[%dma_wait3A_936] : memref<650240xf32, #tpu.memory_space<vmem_shared>> -> memref<650240xf32, #tpu.memory_space<vmem_shared>>
    tpu.wait_indirect_dma semaphore(%arg16 : memref<!tpu.dma_semaphore, #tpu.memory_space<semaphore_mem>>) src(%arg10 : memref<128xf32, #tpu.memory_space<vmem>>) dst(%dma_wait3A_937 : memref<650240xf32, #tpu.memory_space<vmem_shared>>)
    %dma_wait3A_938 = arith.constant 51 : i32
    %dma_wait3A_939 = arith.constant 0 : i32
    %dma_wait3A_940 = tpu.memref_slice %arg9[%dma_wait3A_938, %dma_wait3A_939] : memref<80x128xi32, #tpu.memory_space<vmem>> -> memref<1x128xi32, #tpu.memory_space<vmem>>
    %dma_wait3A_941 = tpu.memref_squeeze %dma_wait3A_940 : memref<1x128xi32, #tpu.memory_space<vmem>> -> memref<128xi32, #tpu.memory_space<vmem>>
    %dma_wait3A_942 = arith.constant 0 : i32
    %dma_wait3A_943 = tpu.memref_slice %arg13[%dma_wait3A_942] : memref<650240xf32, #tpu.memory_space<vmem_shared>> -> memref<650240xf32, #tpu.memory_space<vmem_shared>>
    tpu.wait_indirect_dma semaphore(%arg16 : memref<!tpu.dma_semaphore, #tpu.memory_space<semaphore_mem>>) src(%arg10 : memref<128xf32, #tpu.memory_space<vmem>>) dst(%dma_wait3A_943 : memref<650240xf32, #tpu.memory_space<vmem_shared>>)
    %dma_wait3A_944 = arith.constant 52 : i32
    %dma_wait3A_945 = arith.constant 0 : i32
    %dma_wait3A_946 = tpu.memref_slice %arg9[%dma_wait3A_944, %dma_wait3A_945] : memref<80x128xi32, #tpu.memory_space<vmem>> -> memref<1x128xi32, #tpu.memory_space<vmem>>
    %dma_wait3A_947 = tpu.memref_squeeze %dma_wait3A_946 : memref<1x128xi32, #tpu.memory_space<vmem>> -> memref<128xi32, #tpu.memory_space<vmem>>
    %dma_wait3A_948 = arith.constant 0 : i32
    %dma_wait3A_949 = tpu.memref_slice %arg13[%dma_wait3A_948] : memref<650240xf32, #tpu.memory_space<vmem_shared>> -> memref<650240xf32, #tpu.memory_space<vmem_shared>>
    tpu.wait_indirect_dma semaphore(%arg16 : memref<!tpu.dma_semaphore, #tpu.memory_space<semaphore_mem>>) src(%arg10 : memref<128xf32, #tpu.memory_space<vmem>>) dst(%dma_wait3A_949 : memref<650240xf32, #tpu.memory_space<vmem_shared>>)
    %dma_wait3A_950 = arith.constant 53 : i32
    %dma_wait3A_951 = arith.constant 0 : i32
    %dma_wait3A_952 = tpu.memref_slice %arg9[%dma_wait3A_950, %dma_wait3A_951] : memref<80x128xi32, #tpu.memory_space<vmem>> -> memref<1x128xi32, #tpu.memory_space<vmem>>
    %dma_wait3A_953 = tpu.memref_squeeze %dma_wait3A_952 : memref<1x128xi32, #tpu.memory_space<vmem>> -> memref<128xi32, #tpu.memory_space<vmem>>
    %dma_wait3A_954 = arith.constant 0 : i32
    %dma_wait3A_955 = tpu.memref_slice %arg13[%dma_wait3A_954] : memref<650240xf32, #tpu.memory_space<vmem_shared>> -> memref<650240xf32, #tpu.memory_space<vmem_shared>>
    tpu.wait_indirect_dma semaphore(%arg16 : memref<!tpu.dma_semaphore, #tpu.memory_space<semaphore_mem>>) src(%arg10 : memref<128xf32, #tpu.memory_space<vmem>>) dst(%dma_wait3A_955 : memref<650240xf32, #tpu.memory_space<vmem_shared>>)
    %dma_wait3A_956 = arith.constant 54 : i32
    %dma_wait3A_957 = arith.constant 0 : i32
    %dma_wait3A_958 = tpu.memref_slice %arg9[%dma_wait3A_956, %dma_wait3A_957] : memref<80x128xi32, #tpu.memory_space<vmem>> -> memref<1x128xi32, #tpu.memory_space<vmem>>
    %dma_wait3A_959 = tpu.memref_squeeze %dma_wait3A_958 : memref<1x128xi32, #tpu.memory_space<vmem>> -> memref<128xi32, #tpu.memory_space<vmem>>
    %dma_wait3A_960 = arith.constant 0 : i32
    %dma_wait3A_961 = tpu.memref_slice %arg13[%dma_wait3A_960] : memref<650240xf32, #tpu.memory_space<vmem_shared>> -> memref<650240xf32, #tpu.memory_space<vmem_shared>>
    tpu.wait_indirect_dma semaphore(%arg16 : memref<!tpu.dma_semaphore, #tpu.memory_space<semaphore_mem>>) src(%arg10 : memref<128xf32, #tpu.memory_space<vmem>>) dst(%dma_wait3A_961 : memref<650240xf32, #tpu.memory_space<vmem_shared>>)
    %dma_wait3A_962 = arith.constant 55 : i32
    %dma_wait3A_963 = arith.constant 0 : i32
    %dma_wait3A_964 = tpu.memref_slice %arg9[%dma_wait3A_962, %dma_wait3A_963] : memref<80x128xi32, #tpu.memory_space<vmem>> -> memref<1x128xi32, #tpu.memory_space<vmem>>
    %dma_wait3A_965 = tpu.memref_squeeze %dma_wait3A_964 : memref<1x128xi32, #tpu.memory_space<vmem>> -> memref<128xi32, #tpu.memory_space<vmem>>
    %dma_wait3A_966 = arith.constant 0 : i32
    %dma_wait3A_967 = tpu.memref_slice %arg13[%dma_wait3A_966] : memref<650240xf32, #tpu.memory_space<vmem_shared>> -> memref<650240xf32, #tpu.memory_space<vmem_shared>>
    tpu.wait_indirect_dma semaphore(%arg16 : memref<!tpu.dma_semaphore, #tpu.memory_space<semaphore_mem>>) src(%arg10 : memref<128xf32, #tpu.memory_space<vmem>>) dst(%dma_wait3A_967 : memref<650240xf32, #tpu.memory_space<vmem_shared>>)
    %dma_wait3A_968 = arith.constant 56 : i32
    %dma_wait3A_969 = arith.constant 0 : i32
    %dma_wait3A_970 = tpu.memref_slice %arg9[%dma_wait3A_968, %dma_wait3A_969] : memref<80x128xi32, #tpu.memory_space<vmem>> -> memref<1x128xi32, #tpu.memory_space<vmem>>
    %dma_wait3A_971 = tpu.memref_squeeze %dma_wait3A_970 : memref<1x128xi32, #tpu.memory_space<vmem>> -> memref<128xi32, #tpu.memory_space<vmem>>
    %dma_wait3A_972 = arith.constant 0 : i32
    %dma_wait3A_973 = tpu.memref_slice %arg13[%dma_wait3A_972] : memref<650240xf32, #tpu.memory_space<vmem_shared>> -> memref<650240xf32, #tpu.memory_space<vmem_shared>>
    tpu.wait_indirect_dma semaphore(%arg16 : memref<!tpu.dma_semaphore, #tpu.memory_space<semaphore_mem>>) src(%arg10 : memref<128xf32, #tpu.memory_space<vmem>>) dst(%dma_wait3A_973 : memref<650240xf32, #tpu.memory_space<vmem_shared>>)
    %dma_wait3A_974 = arith.constant 57 : i32
    %dma_wait3A_975 = arith.constant 0 : i32
    %dma_wait3A_976 = tpu.memref_slice %arg9[%dma_wait3A_974, %dma_wait3A_975] : memref<80x128xi32, #tpu.memory_space<vmem>> -> memref<1x128xi32, #tpu.memory_space<vmem>>
    %dma_wait3A_977 = tpu.memref_squeeze %dma_wait3A_976 : memref<1x128xi32, #tpu.memory_space<vmem>> -> memref<128xi32, #tpu.memory_space<vmem>>
    %dma_wait3A_978 = arith.constant 0 : i32
    %dma_wait3A_979 = tpu.memref_slice %arg13[%dma_wait3A_978] : memref<650240xf32, #tpu.memory_space<vmem_shared>> -> memref<650240xf32, #tpu.memory_space<vmem_shared>>
    tpu.wait_indirect_dma semaphore(%arg16 : memref<!tpu.dma_semaphore, #tpu.memory_space<semaphore_mem>>) src(%arg10 : memref<128xf32, #tpu.memory_space<vmem>>) dst(%dma_wait3A_979 : memref<650240xf32, #tpu.memory_space<vmem_shared>>)
    %dma_wait3A_980 = arith.constant 58 : i32
    %dma_wait3A_981 = arith.constant 0 : i32
    %dma_wait3A_982 = tpu.memref_slice %arg9[%dma_wait3A_980, %dma_wait3A_981] : memref<80x128xi32, #tpu.memory_space<vmem>> -> memref<1x128xi32, #tpu.memory_space<vmem>>
    %dma_wait3A_983 = tpu.memref_squeeze %dma_wait3A_982 : memref<1x128xi32, #tpu.memory_space<vmem>> -> memref<128xi32, #tpu.memory_space<vmem>>
    %dma_wait3A_984 = arith.constant 0 : i32
    %dma_wait3A_985 = tpu.memref_slice %arg13[%dma_wait3A_984] : memref<650240xf32, #tpu.memory_space<vmem_shared>> -> memref<650240xf32, #tpu.memory_space<vmem_shared>>
    tpu.wait_indirect_dma semaphore(%arg16 : memref<!tpu.dma_semaphore, #tpu.memory_space<semaphore_mem>>) src(%arg10 : memref<128xf32, #tpu.memory_space<vmem>>) dst(%dma_wait3A_985 : memref<650240xf32, #tpu.memory_space<vmem_shared>>)
    %dma_wait3A_986 = arith.constant 59 : i32
    %dma_wait3A_987 = arith.constant 0 : i32
    %dma_wait3A_988 = tpu.memref_slice %arg9[%dma_wait3A_986, %dma_wait3A_987] : memref<80x128xi32, #tpu.memory_space<vmem>> -> memref<1x128xi32, #tpu.memory_space<vmem>>
    %dma_wait3A_989 = tpu.memref_squeeze %dma_wait3A_988 : memref<1x128xi32, #tpu.memory_space<vmem>> -> memref<128xi32, #tpu.memory_space<vmem>>
    %dma_wait3A_990 = arith.constant 0 : i32
    %dma_wait3A_991 = tpu.memref_slice %arg13[%dma_wait3A_990] : memref<650240xf32, #tpu.memory_space<vmem_shared>> -> memref<650240xf32, #tpu.memory_space<vmem_shared>>
    tpu.wait_indirect_dma semaphore(%arg16 : memref<!tpu.dma_semaphore, #tpu.memory_space<semaphore_mem>>) src(%arg10 : memref<128xf32, #tpu.memory_space<vmem>>) dst(%dma_wait3A_991 : memref<650240xf32, #tpu.memory_space<vmem_shared>>)
    %dma_start3A_992 = arith.constant 70 : i32
    %dma_start3A_993 = arith.constant 0 : i32
    %dma_start3A_994 = tpu.memref_slice %arg9[%dma_start3A_992, %dma_start3A_993] : memref<80x128xi32, #tpu.memory_space<vmem>> -> memref<1x128xi32, #tpu.memory_space<vmem>>
    %dma_start3A_995 = tpu.memref_squeeze %dma_start3A_994 : memref<1x128xi32, #tpu.memory_space<vmem>> -> memref<128xi32, #tpu.memory_space<vmem>>
    %dma_start3A_996 = arith.constant 0 : i32
    %dma_start3A_997 = tpu.memref_slice %arg13[%dma_start3A_996] : memref<650240xf32, #tpu.memory_space<vmem_shared>> -> memref<650240xf32, #tpu.memory_space<vmem_shared>>
    tpu.enqueue_indirect_dma source(%arg10 : memref<128xf32, #tpu.memory_space<vmem>>) target(%dma_start3A_997 : memref<650240xf32, #tpu.memory_space<vmem_shared>>) offsets(%dma_start3A_995 : memref<128xi32, #tpu.memory_space<vmem>>) semaphore(%arg16 : memref<!tpu.dma_semaphore, #tpu.memory_space<semaphore_mem>>) {add = true}
    %dma_start3A_998 = arith.constant 71 : i32
    %dma_start3A_999 = arith.constant 0 : i32
    %dma_start3A_1000 = tpu.memref_slice %arg9[%dma_start3A_998, %dma_start3A_999] : memref<80x128xi32, #tpu.memory_space<vmem>> -> memref<1x128xi32, #tpu.memory_space<vmem>>
    %dma_start3A_1001 = tpu.memref_squeeze %dma_start3A_1000 : memref<1x128xi32, #tpu.memory_space<vmem>> -> memref<128xi32, #tpu.memory_space<vmem>>
    %dma_start3A_1002 = arith.constant 0 : i32
    %dma_start3A_1003 = tpu.memref_slice %arg13[%dma_start3A_1002] : memref<650240xf32, #tpu.memory_space<vmem_shared>> -> memref<650240xf32, #tpu.memory_space<vmem_shared>>
    tpu.enqueue_indirect_dma source(%arg10 : memref<128xf32, #tpu.memory_space<vmem>>) target(%dma_start3A_1003 : memref<650240xf32, #tpu.memory_space<vmem_shared>>) offsets(%dma_start3A_1001 : memref<128xi32, #tpu.memory_space<vmem>>) semaphore(%arg16 : memref<!tpu.dma_semaphore, #tpu.memory_space<semaphore_mem>>) {add = true}
    %dma_start3A_1004 = arith.constant 72 : i32
    %dma_start3A_1005 = arith.constant 0 : i32
    %dma_start3A_1006 = tpu.memref_slice %arg9[%dma_start3A_1004, %dma_start3A_1005] : memref<80x128xi32, #tpu.memory_space<vmem>> -> memref<1x128xi32, #tpu.memory_space<vmem>>
    %dma_start3A_1007 = tpu.memref_squeeze %dma_start3A_1006 : memref<1x128xi32, #tpu.memory_space<vmem>> -> memref<128xi32, #tpu.memory_space<vmem>>
    %dma_start3A_1008 = arith.constant 0 : i32
    %dma_start3A_1009 = tpu.memref_slice %arg13[%dma_start3A_1008] : memref<650240xf32, #tpu.memory_space<vmem_shared>> -> memref<650240xf32, #tpu.memory_space<vmem_shared>>
    tpu.enqueue_indirect_dma source(%arg10 : memref<128xf32, #tpu.memory_space<vmem>>) target(%dma_start3A_1009 : memref<650240xf32, #tpu.memory_space<vmem_shared>>) offsets(%dma_start3A_1007 : memref<128xi32, #tpu.memory_space<vmem>>) semaphore(%arg16 : memref<!tpu.dma_semaphore, #tpu.memory_space<semaphore_mem>>) {add = true}
    %dma_start3A_1010 = arith.constant 73 : i32
    %dma_start3A_1011 = arith.constant 0 : i32
    %dma_start3A_1012 = tpu.memref_slice %arg9[%dma_start3A_1010, %dma_start3A_1011] : memref<80x128xi32, #tpu.memory_space<vmem>> -> memref<1x128xi32, #tpu.memory_space<vmem>>
    %dma_start3A_1013 = tpu.memref_squeeze %dma_start3A_1012 : memref<1x128xi32, #tpu.memory_space<vmem>> -> memref<128xi32, #tpu.memory_space<vmem>>
    %dma_start3A_1014 = arith.constant 0 : i32
    %dma_start3A_1015 = tpu.memref_slice %arg13[%dma_start3A_1014] : memref<650240xf32, #tpu.memory_space<vmem_shared>> -> memref<650240xf32, #tpu.memory_space<vmem_shared>>
    tpu.enqueue_indirect_dma source(%arg10 : memref<128xf32, #tpu.memory_space<vmem>>) target(%dma_start3A_1015 : memref<650240xf32, #tpu.memory_space<vmem_shared>>) offsets(%dma_start3A_1013 : memref<128xi32, #tpu.memory_space<vmem>>) semaphore(%arg16 : memref<!tpu.dma_semaphore, #tpu.memory_space<semaphore_mem>>) {add = true}
    %dma_start3A_1016 = arith.constant 74 : i32
    %dma_start3A_1017 = arith.constant 0 : i32
    %dma_start3A_1018 = tpu.memref_slice %arg9[%dma_start3A_1016, %dma_start3A_1017] : memref<80x128xi32, #tpu.memory_space<vmem>> -> memref<1x128xi32, #tpu.memory_space<vmem>>
    %dma_start3A_1019 = tpu.memref_squeeze %dma_start3A_1018 : memref<1x128xi32, #tpu.memory_space<vmem>> -> memref<128xi32, #tpu.memory_space<vmem>>
    %dma_start3A_1020 = arith.constant 0 : i32
    %dma_start3A_1021 = tpu.memref_slice %arg13[%dma_start3A_1020] : memref<650240xf32, #tpu.memory_space<vmem_shared>> -> memref<650240xf32, #tpu.memory_space<vmem_shared>>
    tpu.enqueue_indirect_dma source(%arg10 : memref<128xf32, #tpu.memory_space<vmem>>) target(%dma_start3A_1021 : memref<650240xf32, #tpu.memory_space<vmem_shared>>) offsets(%dma_start3A_1019 : memref<128xi32, #tpu.memory_space<vmem>>) semaphore(%arg16 : memref<!tpu.dma_semaphore, #tpu.memory_space<semaphore_mem>>) {add = true}
    %dma_start3A_1022 = arith.constant 75 : i32
    %dma_start3A_1023 = arith.constant 0 : i32
    %dma_start3A_1024 = tpu.memref_slice %arg9[%dma_start3A_1022, %dma_start3A_1023] : memref<80x128xi32, #tpu.memory_space<vmem>> -> memref<1x128xi32, #tpu.memory_space<vmem>>
    %dma_start3A_1025 = tpu.memref_squeeze %dma_start3A_1024 : memref<1x128xi32, #tpu.memory_space<vmem>> -> memref<128xi32, #tpu.memory_space<vmem>>
    %dma_start3A_1026 = arith.constant 0 : i32
    %dma_start3A_1027 = tpu.memref_slice %arg13[%dma_start3A_1026] : memref<650240xf32, #tpu.memory_space<vmem_shared>> -> memref<650240xf32, #tpu.memory_space<vmem_shared>>
    tpu.enqueue_indirect_dma source(%arg10 : memref<128xf32, #tpu.memory_space<vmem>>) target(%dma_start3A_1027 : memref<650240xf32, #tpu.memory_space<vmem_shared>>) offsets(%dma_start3A_1025 : memref<128xi32, #tpu.memory_space<vmem>>) semaphore(%arg16 : memref<!tpu.dma_semaphore, #tpu.memory_space<semaphore_mem>>) {add = true}
    %dma_start3A_1028 = arith.constant 76 : i32
    %dma_start3A_1029 = arith.constant 0 : i32
    %dma_start3A_1030 = tpu.memref_slice %arg9[%dma_start3A_1028, %dma_start3A_1029] : memref<80x128xi32, #tpu.memory_space<vmem>> -> memref<1x128xi32, #tpu.memory_space<vmem>>
    %dma_start3A_1031 = tpu.memref_squeeze %dma_start3A_1030 : memref<1x128xi32, #tpu.memory_space<vmem>> -> memref<128xi32, #tpu.memory_space<vmem>>
    %dma_start3A_1032 = arith.constant 0 : i32
    %dma_start3A_1033 = tpu.memref_slice %arg13[%dma_start3A_1032] : memref<650240xf32, #tpu.memory_space<vmem_shared>> -> memref<650240xf32, #tpu.memory_space<vmem_shared>>
    tpu.enqueue_indirect_dma source(%arg10 : memref<128xf32, #tpu.memory_space<vmem>>) target(%dma_start3A_1033 : memref<650240xf32, #tpu.memory_space<vmem_shared>>) offsets(%dma_start3A_1031 : memref<128xi32, #tpu.memory_space<vmem>>) semaphore(%arg16 : memref<!tpu.dma_semaphore, #tpu.memory_space<semaphore_mem>>) {add = true}
    %dma_start3A_1034 = arith.constant 77 : i32
    %dma_start3A_1035 = arith.constant 0 : i32
    %dma_start3A_1036 = tpu.memref_slice %arg9[%dma_start3A_1034, %dma_start3A_1035] : memref<80x128xi32, #tpu.memory_space<vmem>> -> memref<1x128xi32, #tpu.memory_space<vmem>>
    %dma_start3A_1037 = tpu.memref_squeeze %dma_start3A_1036 : memref<1x128xi32, #tpu.memory_space<vmem>> -> memref<128xi32, #tpu.memory_space<vmem>>
    %dma_start3A_1038 = arith.constant 0 : i32
    %dma_start3A_1039 = tpu.memref_slice %arg13[%dma_start3A_1038] : memref<650240xf32, #tpu.memory_space<vmem_shared>> -> memref<650240xf32, #tpu.memory_space<vmem_shared>>
    tpu.enqueue_indirect_dma source(%arg10 : memref<128xf32, #tpu.memory_space<vmem>>) target(%dma_start3A_1039 : memref<650240xf32, #tpu.memory_space<vmem_shared>>) offsets(%dma_start3A_1037 : memref<128xi32, #tpu.memory_space<vmem>>) semaphore(%arg16 : memref<!tpu.dma_semaphore, #tpu.memory_space<semaphore_mem>>) {add = true}
    %dma_start3A_1040 = arith.constant 78 : i32
    %dma_start3A_1041 = arith.constant 0 : i32
    %dma_start3A_1042 = tpu.memref_slice %arg9[%dma_start3A_1040, %dma_start3A_1041] : memref<80x128xi32, #tpu.memory_space<vmem>> -> memref<1x128xi32, #tpu.memory_space<vmem>>
    %dma_start3A_1043 = tpu.memref_squeeze %dma_start3A_1042 : memref<1x128xi32, #tpu.memory_space<vmem>> -> memref<128xi32, #tpu.memory_space<vmem>>
    %dma_start3A_1044 = arith.constant 0 : i32
    %dma_start3A_1045 = tpu.memref_slice %arg13[%dma_start3A_1044] : memref<650240xf32, #tpu.memory_space<vmem_shared>> -> memref<650240xf32, #tpu.memory_space<vmem_shared>>
    tpu.enqueue_indirect_dma source(%arg10 : memref<128xf32, #tpu.memory_space<vmem>>) target(%dma_start3A_1045 : memref<650240xf32, #tpu.memory_space<vmem_shared>>) offsets(%dma_start3A_1043 : memref<128xi32, #tpu.memory_space<vmem>>) semaphore(%arg16 : memref<!tpu.dma_semaphore, #tpu.memory_space<semaphore_mem>>) {add = true}
    %dma_start3A_1046 = arith.constant 79 : i32
    %dma_start3A_1047 = arith.constant 0 : i32
    %dma_start3A_1048 = tpu.memref_slice %arg9[%dma_start3A_1046, %dma_start3A_1047] : memref<80x128xi32, #tpu.memory_space<vmem>> -> memref<1x128xi32, #tpu.memory_space<vmem>>
    %dma_start3A_1049 = tpu.memref_squeeze %dma_start3A_1048 : memref<1x128xi32, #tpu.memory_space<vmem>> -> memref<128xi32, #tpu.memory_space<vmem>>
    %dma_start3A_1050 = arith.constant 0 : i32
    %dma_start3A_1051 = tpu.memref_slice %arg13[%dma_start3A_1050] : memref<650240xf32, #tpu.memory_space<vmem_shared>> -> memref<650240xf32, #tpu.memory_space<vmem_shared>>
    tpu.enqueue_indirect_dma source(%arg10 : memref<128xf32, #tpu.memory_space<vmem>>) target(%dma_start3A_1051 : memref<650240xf32, #tpu.memory_space<vmem_shared>>) offsets(%dma_start3A_1049 : memref<128xi32, #tpu.memory_space<vmem>>) semaphore(%arg16 : memref<!tpu.dma_semaphore, #tpu.memory_space<semaphore_mem>>) {add = true}
    "tpu.trace_stop"() : () -> ()
    "tpu.trace_start"() <{level = 10 : i32, message = "publish"}> : () -> ()
    "tpu.region"() ({
      %run_scoped3A = tpu.sem_alloc : memref<!tpu.dma_semaphore, #tpu.memory_space<semaphore_mem>>
      %dma_start3A_1574 = arith.constant 0 : i32
      %dma_start3A_1575 = tpu.memref_slice %arg14[%arg1, %dma_start3A_1574] : memref<16x10240xf32, #tpu.memory_space<vmem_shared>> -> memref<1x10240xf32, #tpu.memory_space<vmem_shared>>
      %dma_start3A_1576 = tpu.memref_squeeze %dma_start3A_1575 : memref<1x10240xf32, #tpu.memory_space<vmem_shared>> -> memref<10240xf32, #tpu.memory_space<vmem_shared>>
      %dma_start3A_1577 = arith.constant 0 : i32
      %dma_start3A_1578 = tpu.memref_slice %arg14[%arg1, %dma_start3A_1577] : memref<16x10240xf32, #tpu.memory_space<vmem_shared>> -> memref<1x10240xf32, #tpu.memory_space<vmem_shared>>
      %dma_start3A_1579 = tpu.memref_squeeze %dma_start3A_1578 : memref<1x10240xf32, #tpu.memory_space<vmem_shared>> -> memref<10240xf32, #tpu.memory_space<vmem_shared>>
      tpu.enqueue_dma source(%arg12 : memref<10240xf32, #tpu.memory_space<vmem>>) target(%dma_start3A_1579 : memref<10240xf32, #tpu.memory_space<vmem_shared>>) target_semaphore(%run_scoped3A : memref<!tpu.dma_semaphore, #tpu.memory_space<semaphore_mem>>)
      %dma_wait3A_1580 = arith.constant 0 : i32
      %dma_wait3A_1581 = tpu.memref_slice %arg14[%arg1, %dma_wait3A_1580] : memref<16x10240xf32, #tpu.memory_space<vmem_shared>> -> memref<1x10240xf32, #tpu.memory_space<vmem_shared>>
      %dma_wait3A_1582 = tpu.memref_squeeze %dma_wait3A_1581 : memref<1x10240xf32, #tpu.memory_space<vmem_shared>> -> memref<10240xf32, #tpu.memory_space<vmem_shared>>
      %dma_wait3A_1583 = arith.constant 0 : i32
      %dma_wait3A_1584 = tpu.memref_slice %arg14[%arg1, %dma_wait3A_1583] : memref<16x10240xf32, #tpu.memory_space<vmem_shared>> -> memref<1x10240xf32, #tpu.memory_space<vmem_shared>>
      %dma_wait3A_1585 = tpu.memref_squeeze %dma_wait3A_1584 : memref<1x10240xf32, #tpu.memory_space<vmem_shared>> -> memref<10240xf32, #tpu.memory_space<vmem_shared>>
      tpu.wait_dma2 semaphore(%run_scoped3A : memref<!tpu.dma_semaphore, #tpu.memory_space<semaphore_mem>>) src(%arg12 : memref<10240xf32, #tpu.memory_space<vmem>>) dst(%dma_wait3A_1585 : memref<10240xf32, #tpu.memory_space<vmem_shared>>)
      tpu.yield
    }) : () -> ()
    "tpu.trace_stop"() : () -> ()
    %barrier3A_1052 = arith.constant 0 : index
    tpu.barrier barrier_id(%barrier3A_1052)
    "tpu.trace_start"() <{level = 10 : i32, message = "reduce"}> : () -> ()
    %mul3A_1053 = arith.constant 640 : i32
    %mul3A_1054 = arith.muli %arg1, %mul3A_1053 : i32
    %dma_start3A_1055 = arith.constant 0 : i32
    %dma_start3A_1056 = arith.constant 0 : i32
    %dma_start3A_1057 = tpu.memref_slice %arg12[%dma_start3A_1056] : memref<10240xf32, #tpu.memory_space<vmem>> -> memref<640xf32, #tpu.memory_space<vmem>>
    %dma_start3A_1058 = tpu.memref_slice %arg14[%dma_start3A_1055, %mul3A_1054] : memref<16x10240xf32, #tpu.memory_space<vmem_shared>> -> memref<1x640xf32, #tpu.memory_space<vmem_shared>>
    %dma_start3A_1059 = tpu.memref_squeeze %dma_start3A_1058 : memref<1x640xf32, #tpu.memory_space<vmem_shared>> -> memref<640xf32, #tpu.memory_space<vmem_shared>>
    %dma_start3A_1060 = arith.constant 0 : i32
    %dma_start3A_1061 = tpu.memref_slice %arg12[%dma_start3A_1060] : memref<10240xf32, #tpu.memory_space<vmem>> -> memref<640xf32, #tpu.memory_space<vmem>>
    %dma_start3A_1062 = tpu.memref_slice %arg14[%dma_start3A_1055, %mul3A_1054] : memref<16x10240xf32, #tpu.memory_space<vmem_shared>> -> memref<1x640xf32, #tpu.memory_space<vmem_shared>>
    %dma_start3A_1063 = tpu.memref_squeeze %dma_start3A_1062 : memref<1x640xf32, #tpu.memory_space<vmem_shared>> -> memref<640xf32, #tpu.memory_space<vmem_shared>>
    tpu.enqueue_dma source(%dma_start3A_1063 : memref<640xf32, #tpu.memory_space<vmem_shared>>) target(%dma_start3A_1061 : memref<640xf32, #tpu.memory_space<vmem>>) target_semaphore(%arg17 : memref<!tpu.dma_semaphore, #tpu.memory_space<semaphore_mem>>)
    %mul3A_1064 = arith.constant 640 : i32
    %mul3A_1065 = arith.muli %arg1, %mul3A_1064 : i32
    %dma_start3A_1066 = arith.constant 1 : i32
    %dma_start3A_1067 = arith.constant 640 : i32
    %dma_start3A_1068 = tpu.memref_slice %arg12[%dma_start3A_1067] : memref<10240xf32, #tpu.memory_space<vmem>> -> memref<640xf32, #tpu.memory_space<vmem>>
    %dma_start3A_1069 = tpu.memref_slice %arg14[%dma_start3A_1066, %mul3A_1065] : memref<16x10240xf32, #tpu.memory_space<vmem_shared>> -> memref<1x640xf32, #tpu.memory_space<vmem_shared>>
    %dma_start3A_1070 = tpu.memref_squeeze %dma_start3A_1069 : memref<1x640xf32, #tpu.memory_space<vmem_shared>> -> memref<640xf32, #tpu.memory_space<vmem_shared>>
    %dma_start3A_1071 = arith.constant 640 : i32
    %dma_start3A_1072 = tpu.memref_slice %arg12[%dma_start3A_1071] : memref<10240xf32, #tpu.memory_space<vmem>> -> memref<640xf32, #tpu.memory_space<vmem>>
    %dma_start3A_1073 = tpu.memref_slice %arg14[%dma_start3A_1066, %mul3A_1065] : memref<16x10240xf32, #tpu.memory_space<vmem_shared>> -> memref<1x640xf32, #tpu.memory_space<vmem_shared>>
    %dma_start3A_1074 = tpu.memref_squeeze %dma_start3A_1073 : memref<1x640xf32, #tpu.memory_space<vmem_shared>> -> memref<640xf32, #tpu.memory_space<vmem_shared>>
    tpu.enqueue_dma source(%dma_start3A_1074 : memref<640xf32, #tpu.memory_space<vmem_shared>>) target(%dma_start3A_1072 : memref<640xf32, #tpu.memory_space<vmem>>) target_semaphore(%arg17 : memref<!tpu.dma_semaphore, #tpu.memory_space<semaphore_mem>>)
    %mul3A_1075 = arith.constant 640 : i32
    %mul3A_1076 = arith.muli %arg1, %mul3A_1075 : i32
    %dma_start3A_1077 = arith.constant 2 : i32
    %dma_start3A_1078 = arith.constant 1280 : i32
    %dma_start3A_1079 = tpu.memref_slice %arg12[%dma_start3A_1078] : memref<10240xf32, #tpu.memory_space<vmem>> -> memref<640xf32, #tpu.memory_space<vmem>>
    %dma_start3A_1080 = tpu.memref_slice %arg14[%dma_start3A_1077, %mul3A_1076] : memref<16x10240xf32, #tpu.memory_space<vmem_shared>> -> memref<1x640xf32, #tpu.memory_space<vmem_shared>>
    %dma_start3A_1081 = tpu.memref_squeeze %dma_start3A_1080 : memref<1x640xf32, #tpu.memory_space<vmem_shared>> -> memref<640xf32, #tpu.memory_space<vmem_shared>>
    %dma_start3A_1082 = arith.constant 1280 : i32
    %dma_start3A_1083 = tpu.memref_slice %arg12[%dma_start3A_1082] : memref<10240xf32, #tpu.memory_space<vmem>> -> memref<640xf32, #tpu.memory_space<vmem>>
    %dma_start3A_1084 = tpu.memref_slice %arg14[%dma_start3A_1077, %mul3A_1076] : memref<16x10240xf32, #tpu.memory_space<vmem_shared>> -> memref<1x640xf32, #tpu.memory_space<vmem_shared>>
    %dma_start3A_1085 = tpu.memref_squeeze %dma_start3A_1084 : memref<1x640xf32, #tpu.memory_space<vmem_shared>> -> memref<640xf32, #tpu.memory_space<vmem_shared>>
    tpu.enqueue_dma source(%dma_start3A_1085 : memref<640xf32, #tpu.memory_space<vmem_shared>>) target(%dma_start3A_1083 : memref<640xf32, #tpu.memory_space<vmem>>) target_semaphore(%arg17 : memref<!tpu.dma_semaphore, #tpu.memory_space<semaphore_mem>>)
    %mul3A_1086 = arith.constant 640 : i32
    %mul3A_1087 = arith.muli %arg1, %mul3A_1086 : i32
    %dma_start3A_1088 = arith.constant 3 : i32
    %dma_start3A_1089 = arith.constant 1920 : i32
    %dma_start3A_1090 = tpu.memref_slice %arg12[%dma_start3A_1089] : memref<10240xf32, #tpu.memory_space<vmem>> -> memref<640xf32, #tpu.memory_space<vmem>>
    %dma_start3A_1091 = tpu.memref_slice %arg14[%dma_start3A_1088, %mul3A_1087] : memref<16x10240xf32, #tpu.memory_space<vmem_shared>> -> memref<1x640xf32, #tpu.memory_space<vmem_shared>>
    %dma_start3A_1092 = tpu.memref_squeeze %dma_start3A_1091 : memref<1x640xf32, #tpu.memory_space<vmem_shared>> -> memref<640xf32, #tpu.memory_space<vmem_shared>>
    %dma_start3A_1093 = arith.constant 1920 : i32
    %dma_start3A_1094 = tpu.memref_slice %arg12[%dma_start3A_1093] : memref<10240xf32, #tpu.memory_space<vmem>> -> memref<640xf32, #tpu.memory_space<vmem>>
    %dma_start3A_1095 = tpu.memref_slice %arg14[%dma_start3A_1088, %mul3A_1087] : memref<16x10240xf32, #tpu.memory_space<vmem_shared>> -> memref<1x640xf32, #tpu.memory_space<vmem_shared>>
    %dma_start3A_1096 = tpu.memref_squeeze %dma_start3A_1095 : memref<1x640xf32, #tpu.memory_space<vmem_shared>> -> memref<640xf32, #tpu.memory_space<vmem_shared>>
    tpu.enqueue_dma source(%dma_start3A_1096 : memref<640xf32, #tpu.memory_space<vmem_shared>>) target(%dma_start3A_1094 : memref<640xf32, #tpu.memory_space<vmem>>) target_semaphore(%arg17 : memref<!tpu.dma_semaphore, #tpu.memory_space<semaphore_mem>>)
    %mul3A_1097 = arith.constant 640 : i32
    %mul3A_1098 = arith.muli %arg1, %mul3A_1097 : i32
    %dma_start3A_1099 = arith.constant 4 : i32
    %dma_start3A_1100 = arith.constant 2560 : i32
    %dma_start3A_1101 = tpu.memref_slice %arg12[%dma_start3A_1100] : memref<10240xf32, #tpu.memory_space<vmem>> -> memref<640xf32, #tpu.memory_space<vmem>>
    %dma_start3A_1102 = tpu.memref_slice %arg14[%dma_start3A_1099, %mul3A_1098] : memref<16x10240xf32, #tpu.memory_space<vmem_shared>> -> memref<1x640xf32, #tpu.memory_space<vmem_shared>>
    %dma_start3A_1103 = tpu.memref_squeeze %dma_start3A_1102 : memref<1x640xf32, #tpu.memory_space<vmem_shared>> -> memref<640xf32, #tpu.memory_space<vmem_shared>>
    %dma_start3A_1104 = arith.constant 2560 : i32
    %dma_start3A_1105 = tpu.memref_slice %arg12[%dma_start3A_1104] : memref<10240xf32, #tpu.memory_space<vmem>> -> memref<640xf32, #tpu.memory_space<vmem>>
    %dma_start3A_1106 = tpu.memref_slice %arg14[%dma_start3A_1099, %mul3A_1098] : memref<16x10240xf32, #tpu.memory_space<vmem_shared>> -> memref<1x640xf32, #tpu.memory_space<vmem_shared>>
    %dma_start3A_1107 = tpu.memref_squeeze %dma_start3A_1106 : memref<1x640xf32, #tpu.memory_space<vmem_shared>> -> memref<640xf32, #tpu.memory_space<vmem_shared>>
    tpu.enqueue_dma source(%dma_start3A_1107 : memref<640xf32, #tpu.memory_space<vmem_shared>>) target(%dma_start3A_1105 : memref<640xf32, #tpu.memory_space<vmem>>) target_semaphore(%arg17 : memref<!tpu.dma_semaphore, #tpu.memory_space<semaphore_mem>>)
    %mul3A_1108 = arith.constant 640 : i32
    %mul3A_1109 = arith.muli %arg1, %mul3A_1108 : i32
    %dma_start3A_1110 = arith.constant 5 : i32
    %dma_start3A_1111 = arith.constant 3200 : i32
    %dma_start3A_1112 = tpu.memref_slice %arg12[%dma_start3A_1111] : memref<10240xf32, #tpu.memory_space<vmem>> -> memref<640xf32, #tpu.memory_space<vmem>>
    %dma_start3A_1113 = tpu.memref_slice %arg14[%dma_start3A_1110, %mul3A_1109] : memref<16x10240xf32, #tpu.memory_space<vmem_shared>> -> memref<1x640xf32, #tpu.memory_space<vmem_shared>>
    %dma_start3A_1114 = tpu.memref_squeeze %dma_start3A_1113 : memref<1x640xf32, #tpu.memory_space<vmem_shared>> -> memref<640xf32, #tpu.memory_space<vmem_shared>>
    %dma_start3A_1115 = arith.constant 3200 : i32
    %dma_start3A_1116 = tpu.memref_slice %arg12[%dma_start3A_1115] : memref<10240xf32, #tpu.memory_space<vmem>> -> memref<640xf32, #tpu.memory_space<vmem>>
    %dma_start3A_1117 = tpu.memref_slice %arg14[%dma_start3A_1110, %mul3A_1109] : memref<16x10240xf32, #tpu.memory_space<vmem_shared>> -> memref<1x640xf32, #tpu.memory_space<vmem_shared>>
    %dma_start3A_1118 = tpu.memref_squeeze %dma_start3A_1117 : memref<1x640xf32, #tpu.memory_space<vmem_shared>> -> memref<640xf32, #tpu.memory_space<vmem_shared>>
    tpu.enqueue_dma source(%dma_start3A_1118 : memref<640xf32, #tpu.memory_space<vmem_shared>>) target(%dma_start3A_1116 : memref<640xf32, #tpu.memory_space<vmem>>) target_semaphore(%arg17 : memref<!tpu.dma_semaphore, #tpu.memory_space<semaphore_mem>>)
    %mul3A_1119 = arith.constant 640 : i32
    %mul3A_1120 = arith.muli %arg1, %mul3A_1119 : i32
    %dma_start3A_1121 = arith.constant 6 : i32
    %dma_start3A_1122 = arith.constant 3840 : i32
    %dma_start3A_1123 = tpu.memref_slice %arg12[%dma_start3A_1122] : memref<10240xf32, #tpu.memory_space<vmem>> -> memref<640xf32, #tpu.memory_space<vmem>>
    %dma_start3A_1124 = tpu.memref_slice %arg14[%dma_start3A_1121, %mul3A_1120] : memref<16x10240xf32, #tpu.memory_space<vmem_shared>> -> memref<1x640xf32, #tpu.memory_space<vmem_shared>>
    %dma_start3A_1125 = tpu.memref_squeeze %dma_start3A_1124 : memref<1x640xf32, #tpu.memory_space<vmem_shared>> -> memref<640xf32, #tpu.memory_space<vmem_shared>>
    %dma_start3A_1126 = arith.constant 3840 : i32
    %dma_start3A_1127 = tpu.memref_slice %arg12[%dma_start3A_1126] : memref<10240xf32, #tpu.memory_space<vmem>> -> memref<640xf32, #tpu.memory_space<vmem>>
    %dma_start3A_1128 = tpu.memref_slice %arg14[%dma_start3A_1121, %mul3A_1120] : memref<16x10240xf32, #tpu.memory_space<vmem_shared>> -> memref<1x640xf32, #tpu.memory_space<vmem_shared>>
    %dma_start3A_1129 = tpu.memref_squeeze %dma_start3A_1128 : memref<1x640xf32, #tpu.memory_space<vmem_shared>> -> memref<640xf32, #tpu.memory_space<vmem_shared>>
    tpu.enqueue_dma source(%dma_start3A_1129 : memref<640xf32, #tpu.memory_space<vmem_shared>>) target(%dma_start3A_1127 : memref<640xf32, #tpu.memory_space<vmem>>) target_semaphore(%arg17 : memref<!tpu.dma_semaphore, #tpu.memory_space<semaphore_mem>>)
    %mul3A_1130 = arith.constant 640 : i32
    %mul3A_1131 = arith.muli %arg1, %mul3A_1130 : i32
    %dma_start3A_1132 = arith.constant 7 : i32
    %dma_start3A_1133 = arith.constant 4480 : i32
    %dma_start3A_1134 = tpu.memref_slice %arg12[%dma_start3A_1133] : memref<10240xf32, #tpu.memory_space<vmem>> -> memref<640xf32, #tpu.memory_space<vmem>>
    %dma_start3A_1135 = tpu.memref_slice %arg14[%dma_start3A_1132, %mul3A_1131] : memref<16x10240xf32, #tpu.memory_space<vmem_shared>> -> memref<1x640xf32, #tpu.memory_space<vmem_shared>>
    %dma_start3A_1136 = tpu.memref_squeeze %dma_start3A_1135 : memref<1x640xf32, #tpu.memory_space<vmem_shared>> -> memref<640xf32, #tpu.memory_space<vmem_shared>>
    %dma_start3A_1137 = arith.constant 4480 : i32
    %dma_start3A_1138 = tpu.memref_slice %arg12[%dma_start3A_1137] : memref<10240xf32, #tpu.memory_space<vmem>> -> memref<640xf32, #tpu.memory_space<vmem>>
    %dma_start3A_1139 = tpu.memref_slice %arg14[%dma_start3A_1132, %mul3A_1131] : memref<16x10240xf32, #tpu.memory_space<vmem_shared>> -> memref<1x640xf32, #tpu.memory_space<vmem_shared>>
    %dma_start3A_1140 = tpu.memref_squeeze %dma_start3A_1139 : memref<1x640xf32, #tpu.memory_space<vmem_shared>> -> memref<640xf32, #tpu.memory_space<vmem_shared>>
    tpu.enqueue_dma source(%dma_start3A_1140 : memref<640xf32, #tpu.memory_space<vmem_shared>>) target(%dma_start3A_1138 : memref<640xf32, #tpu.memory_space<vmem>>) target_semaphore(%arg17 : memref<!tpu.dma_semaphore, #tpu.memory_space<semaphore_mem>>)
    %mul3A_1141 = arith.constant 640 : i32
    %mul3A_1142 = arith.muli %arg1, %mul3A_1141 : i32
    %dma_start3A_1143 = arith.constant 8 : i32
    %dma_start3A_1144 = arith.constant 5120 : i32
    %dma_start3A_1145 = tpu.memref_slice %arg12[%dma_start3A_1144] : memref<10240xf32, #tpu.memory_space<vmem>> -> memref<640xf32, #tpu.memory_space<vmem>>
    %dma_start3A_1146 = tpu.memref_slice %arg14[%dma_start3A_1143, %mul3A_1142] : memref<16x10240xf32, #tpu.memory_space<vmem_shared>> -> memref<1x640xf32, #tpu.memory_space<vmem_shared>>
    %dma_start3A_1147 = tpu.memref_squeeze %dma_start3A_1146 : memref<1x640xf32, #tpu.memory_space<vmem_shared>> -> memref<640xf32, #tpu.memory_space<vmem_shared>>
    %dma_start3A_1148 = arith.constant 5120 : i32
    %dma_start3A_1149 = tpu.memref_slice %arg12[%dma_start3A_1148] : memref<10240xf32, #tpu.memory_space<vmem>> -> memref<640xf32, #tpu.memory_space<vmem>>
    %dma_start3A_1150 = tpu.memref_slice %arg14[%dma_start3A_1143, %mul3A_1142] : memref<16x10240xf32, #tpu.memory_space<vmem_shared>> -> memref<1x640xf32, #tpu.memory_space<vmem_shared>>
    %dma_start3A_1151 = tpu.memref_squeeze %dma_start3A_1150 : memref<1x640xf32, #tpu.memory_space<vmem_shared>> -> memref<640xf32, #tpu.memory_space<vmem_shared>>
    tpu.enqueue_dma source(%dma_start3A_1151 : memref<640xf32, #tpu.memory_space<vmem_shared>>) target(%dma_start3A_1149 : memref<640xf32, #tpu.memory_space<vmem>>) target_semaphore(%arg17 : memref<!tpu.dma_semaphore, #tpu.memory_space<semaphore_mem>>)
    %mul3A_1152 = arith.constant 640 : i32
    %mul3A_1153 = arith.muli %arg1, %mul3A_1152 : i32
    %dma_start3A_1154 = arith.constant 9 : i32
    %dma_start3A_1155 = arith.constant 5760 : i32
    %dma_start3A_1156 = tpu.memref_slice %arg12[%dma_start3A_1155] : memref<10240xf32, #tpu.memory_space<vmem>> -> memref<640xf32, #tpu.memory_space<vmem>>
    %dma_start3A_1157 = tpu.memref_slice %arg14[%dma_start3A_1154, %mul3A_1153] : memref<16x10240xf32, #tpu.memory_space<vmem_shared>> -> memref<1x640xf32, #tpu.memory_space<vmem_shared>>
    %dma_start3A_1158 = tpu.memref_squeeze %dma_start3A_1157 : memref<1x640xf32, #tpu.memory_space<vmem_shared>> -> memref<640xf32, #tpu.memory_space<vmem_shared>>
    %dma_start3A_1159 = arith.constant 5760 : i32
    %dma_start3A_1160 = tpu.memref_slice %arg12[%dma_start3A_1159] : memref<10240xf32, #tpu.memory_space<vmem>> -> memref<640xf32, #tpu.memory_space<vmem>>
    %dma_start3A_1161 = tpu.memref_slice %arg14[%dma_start3A_1154, %mul3A_1153] : memref<16x10240xf32, #tpu.memory_space<vmem_shared>> -> memref<1x640xf32, #tpu.memory_space<vmem_shared>>
    %dma_start3A_1162 = tpu.memref_squeeze %dma_start3A_1161 : memref<1x640xf32, #tpu.memory_space<vmem_shared>> -> memref<640xf32, #tpu.memory_space<vmem_shared>>
    tpu.enqueue_dma source(%dma_start3A_1162 : memref<640xf32, #tpu.memory_space<vmem_shared>>) target(%dma_start3A_1160 : memref<640xf32, #tpu.memory_space<vmem>>) target_semaphore(%arg17 : memref<!tpu.dma_semaphore, #tpu.memory_space<semaphore_mem>>)
    %mul3A_1163 = arith.constant 640 : i32
    %mul3A_1164 = arith.muli %arg1, %mul3A_1163 : i32
    %dma_start3A_1165 = arith.constant 10 : i32
    %dma_start3A_1166 = arith.constant 6400 : i32
    %dma_start3A_1167 = tpu.memref_slice %arg12[%dma_start3A_1166] : memref<10240xf32, #tpu.memory_space<vmem>> -> memref<640xf32, #tpu.memory_space<vmem>>
    %dma_start3A_1168 = tpu.memref_slice %arg14[%dma_start3A_1165, %mul3A_1164] : memref<16x10240xf32, #tpu.memory_space<vmem_shared>> -> memref<1x640xf32, #tpu.memory_space<vmem_shared>>
    %dma_start3A_1169 = tpu.memref_squeeze %dma_start3A_1168 : memref<1x640xf32, #tpu.memory_space<vmem_shared>> -> memref<640xf32, #tpu.memory_space<vmem_shared>>
    %dma_start3A_1170 = arith.constant 6400 : i32
    %dma_start3A_1171 = tpu.memref_slice %arg12[%dma_start3A_1170] : memref<10240xf32, #tpu.memory_space<vmem>> -> memref<640xf32, #tpu.memory_space<vmem>>
    %dma_start3A_1172 = tpu.memref_slice %arg14[%dma_start3A_1165, %mul3A_1164] : memref<16x10240xf32, #tpu.memory_space<vmem_shared>> -> memref<1x640xf32, #tpu.memory_space<vmem_shared>>
    %dma_start3A_1173 = tpu.memref_squeeze %dma_start3A_1172 : memref<1x640xf32, #tpu.memory_space<vmem_shared>> -> memref<640xf32, #tpu.memory_space<vmem_shared>>
    tpu.enqueue_dma source(%dma_start3A_1173 : memref<640xf32, #tpu.memory_space<vmem_shared>>) target(%dma_start3A_1171 : memref<640xf32, #tpu.memory_space<vmem>>) target_semaphore(%arg17 : memref<!tpu.dma_semaphore, #tpu.memory_space<semaphore_mem>>)
    %mul3A_1174 = arith.constant 640 : i32
    %mul3A_1175 = arith.muli %arg1, %mul3A_1174 : i32
    %dma_start3A_1176 = arith.constant 11 : i32
    %dma_start3A_1177 = arith.constant 7040 : i32
    %dma_start3A_1178 = tpu.memref_slice %arg12[%dma_start3A_1177] : memref<10240xf32, #tpu.memory_space<vmem>> -> memref<640xf32, #tpu.memory_space<vmem>>
    %dma_start3A_1179 = tpu.memref_slice %arg14[%dma_start3A_1176, %mul3A_1175] : memref<16x10240xf32, #tpu.memory_space<vmem_shared>> -> memref<1x640xf32, #tpu.memory_space<vmem_shared>>
    %dma_start3A_1180 = tpu.memref_squeeze %dma_start3A_1179 : memref<1x640xf32, #tpu.memory_space<vmem_shared>> -> memref<640xf32, #tpu.memory_space<vmem_shared>>
    %dma_start3A_1181 = arith.constant 7040 : i32
    %dma_start3A_1182 = tpu.memref_slice %arg12[%dma_start3A_1181] : memref<10240xf32, #tpu.memory_space<vmem>> -> memref<640xf32, #tpu.memory_space<vmem>>
    %dma_start3A_1183 = tpu.memref_slice %arg14[%dma_start3A_1176, %mul3A_1175] : memref<16x10240xf32, #tpu.memory_space<vmem_shared>> -> memref<1x640xf32, #tpu.memory_space<vmem_shared>>
    %dma_start3A_1184 = tpu.memref_squeeze %dma_start3A_1183 : memref<1x640xf32, #tpu.memory_space<vmem_shared>> -> memref<640xf32, #tpu.memory_space<vmem_shared>>
    tpu.enqueue_dma source(%dma_start3A_1184 : memref<640xf32, #tpu.memory_space<vmem_shared>>) target(%dma_start3A_1182 : memref<640xf32, #tpu.memory_space<vmem>>) target_semaphore(%arg17 : memref<!tpu.dma_semaphore, #tpu.memory_space<semaphore_mem>>)
    %mul3A_1185 = arith.constant 640 : i32
    %mul3A_1186 = arith.muli %arg1, %mul3A_1185 : i32
    %dma_start3A_1187 = arith.constant 12 : i32
    %dma_start3A_1188 = arith.constant 7680 : i32
    %dma_start3A_1189 = tpu.memref_slice %arg12[%dma_start3A_1188] : memref<10240xf32, #tpu.memory_space<vmem>> -> memref<640xf32, #tpu.memory_space<vmem>>
    %dma_start3A_1190 = tpu.memref_slice %arg14[%dma_start3A_1187, %mul3A_1186] : memref<16x10240xf32, #tpu.memory_space<vmem_shared>> -> memref<1x640xf32, #tpu.memory_space<vmem_shared>>
    %dma_start3A_1191 = tpu.memref_squeeze %dma_start3A_1190 : memref<1x640xf32, #tpu.memory_space<vmem_shared>> -> memref<640xf32, #tpu.memory_space<vmem_shared>>
    %dma_start3A_1192 = arith.constant 7680 : i32
    %dma_start3A_1193 = tpu.memref_slice %arg12[%dma_start3A_1192] : memref<10240xf32, #tpu.memory_space<vmem>> -> memref<640xf32, #tpu.memory_space<vmem>>
    %dma_start3A_1194 = tpu.memref_slice %arg14[%dma_start3A_1187, %mul3A_1186] : memref<16x10240xf32, #tpu.memory_space<vmem_shared>> -> memref<1x640xf32, #tpu.memory_space<vmem_shared>>
    %dma_start3A_1195 = tpu.memref_squeeze %dma_start3A_1194 : memref<1x640xf32, #tpu.memory_space<vmem_shared>> -> memref<640xf32, #tpu.memory_space<vmem_shared>>
    tpu.enqueue_dma source(%dma_start3A_1195 : memref<640xf32, #tpu.memory_space<vmem_shared>>) target(%dma_start3A_1193 : memref<640xf32, #tpu.memory_space<vmem>>) target_semaphore(%arg17 : memref<!tpu.dma_semaphore, #tpu.memory_space<semaphore_mem>>)
    %mul3A_1196 = arith.constant 640 : i32
    %mul3A_1197 = arith.muli %arg1, %mul3A_1196 : i32
    %dma_start3A_1198 = arith.constant 13 : i32
    %dma_start3A_1199 = arith.constant 8320 : i32
    %dma_start3A_1200 = tpu.memref_slice %arg12[%dma_start3A_1199] : memref<10240xf32, #tpu.memory_space<vmem>> -> memref<640xf32, #tpu.memory_space<vmem>>
    %dma_start3A_1201 = tpu.memref_slice %arg14[%dma_start3A_1198, %mul3A_1197] : memref<16x10240xf32, #tpu.memory_space<vmem_shared>> -> memref<1x640xf32, #tpu.memory_space<vmem_shared>>
    %dma_start3A_1202 = tpu.memref_squeeze %dma_start3A_1201 : memref<1x640xf32, #tpu.memory_space<vmem_shared>> -> memref<640xf32, #tpu.memory_space<vmem_shared>>
    %dma_start3A_1203 = arith.constant 8320 : i32
    %dma_start3A_1204 = tpu.memref_slice %arg12[%dma_start3A_1203] : memref<10240xf32, #tpu.memory_space<vmem>> -> memref<640xf32, #tpu.memory_space<vmem>>
    %dma_start3A_1205 = tpu.memref_slice %arg14[%dma_start3A_1198, %mul3A_1197] : memref<16x10240xf32, #tpu.memory_space<vmem_shared>> -> memref<1x640xf32, #tpu.memory_space<vmem_shared>>
    %dma_start3A_1206 = tpu.memref_squeeze %dma_start3A_1205 : memref<1x640xf32, #tpu.memory_space<vmem_shared>> -> memref<640xf32, #tpu.memory_space<vmem_shared>>
    tpu.enqueue_dma source(%dma_start3A_1206 : memref<640xf32, #tpu.memory_space<vmem_shared>>) target(%dma_start3A_1204 : memref<640xf32, #tpu.memory_space<vmem>>) target_semaphore(%arg17 : memref<!tpu.dma_semaphore, #tpu.memory_space<semaphore_mem>>)
    %mul3A_1207 = arith.constant 640 : i32
    %mul3A_1208 = arith.muli %arg1, %mul3A_1207 : i32
    %dma_start3A_1209 = arith.constant 14 : i32
    %dma_start3A_1210 = arith.constant 8960 : i32
    %dma_start3A_1211 = tpu.memref_slice %arg12[%dma_start3A_1210] : memref<10240xf32, #tpu.memory_space<vmem>> -> memref<640xf32, #tpu.memory_space<vmem>>
    %dma_start3A_1212 = tpu.memref_slice %arg14[%dma_start3A_1209, %mul3A_1208] : memref<16x10240xf32, #tpu.memory_space<vmem_shared>> -> memref<1x640xf32, #tpu.memory_space<vmem_shared>>
    %dma_start3A_1213 = tpu.memref_squeeze %dma_start3A_1212 : memref<1x640xf32, #tpu.memory_space<vmem_shared>> -> memref<640xf32, #tpu.memory_space<vmem_shared>>
    %dma_start3A_1214 = arith.constant 8960 : i32
    %dma_start3A_1215 = tpu.memref_slice %arg12[%dma_start3A_1214] : memref<10240xf32, #tpu.memory_space<vmem>> -> memref<640xf32, #tpu.memory_space<vmem>>
    %dma_start3A_1216 = tpu.memref_slice %arg14[%dma_start3A_1209, %mul3A_1208] : memref<16x10240xf32, #tpu.memory_space<vmem_shared>> -> memref<1x640xf32, #tpu.memory_space<vmem_shared>>
    %dma_start3A_1217 = tpu.memref_squeeze %dma_start3A_1216 : memref<1x640xf32, #tpu.memory_space<vmem_shared>> -> memref<640xf32, #tpu.memory_space<vmem_shared>>
    tpu.enqueue_dma source(%dma_start3A_1217 : memref<640xf32, #tpu.memory_space<vmem_shared>>) target(%dma_start3A_1215 : memref<640xf32, #tpu.memory_space<vmem>>) target_semaphore(%arg17 : memref<!tpu.dma_semaphore, #tpu.memory_space<semaphore_mem>>)
    %mul3A_1218 = arith.constant 640 : i32
    %mul3A_1219 = arith.muli %arg1, %mul3A_1218 : i32
    %dma_start3A_1220 = arith.constant 15 : i32
    %dma_start3A_1221 = arith.constant 9600 : i32
    %dma_start3A_1222 = tpu.memref_slice %arg12[%dma_start3A_1221] : memref<10240xf32, #tpu.memory_space<vmem>> -> memref<640xf32, #tpu.memory_space<vmem>>
    %dma_start3A_1223 = tpu.memref_slice %arg14[%dma_start3A_1220, %mul3A_1219] : memref<16x10240xf32, #tpu.memory_space<vmem_shared>> -> memref<1x640xf32, #tpu.memory_space<vmem_shared>>
    %dma_start3A_1224 = tpu.memref_squeeze %dma_start3A_1223 : memref<1x640xf32, #tpu.memory_space<vmem_shared>> -> memref<640xf32, #tpu.memory_space<vmem_shared>>
    %dma_start3A_1225 = arith.constant 9600 : i32
    %dma_start3A_1226 = tpu.memref_slice %arg12[%dma_start3A_1225] : memref<10240xf32, #tpu.memory_space<vmem>> -> memref<640xf32, #tpu.memory_space<vmem>>
    %dma_start3A_1227 = tpu.memref_slice %arg14[%dma_start3A_1220, %mul3A_1219] : memref<16x10240xf32, #tpu.memory_space<vmem_shared>> -> memref<1x640xf32, #tpu.memory_space<vmem_shared>>
    %dma_start3A_1228 = tpu.memref_squeeze %dma_start3A_1227 : memref<1x640xf32, #tpu.memory_space<vmem_shared>> -> memref<640xf32, #tpu.memory_space<vmem_shared>>
    tpu.enqueue_dma source(%dma_start3A_1228 : memref<640xf32, #tpu.memory_space<vmem_shared>>) target(%dma_start3A_1226 : memref<640xf32, #tpu.memory_space<vmem>>) target_semaphore(%arg17 : memref<!tpu.dma_semaphore, #tpu.memory_space<semaphore_mem>>)
    %dma_wait3A_1229 = arith.constant 0 : i32
    %dma_wait3A_1230 = arith.constant 0 : i32
    %dma_wait3A_1231 = tpu.memref_slice %arg12[%dma_wait3A_1230] : memref<10240xf32, #tpu.memory_space<vmem>> -> memref<640xf32, #tpu.memory_space<vmem>>
    %dma_wait3A_1232 = tpu.memref_slice %arg14[%dma_wait3A_1229, %mul3A_1054] : memref<16x10240xf32, #tpu.memory_space<vmem_shared>> -> memref<1x640xf32, #tpu.memory_space<vmem_shared>>
    %dma_wait3A_1233 = tpu.memref_squeeze %dma_wait3A_1232 : memref<1x640xf32, #tpu.memory_space<vmem_shared>> -> memref<640xf32, #tpu.memory_space<vmem_shared>>
    %dma_wait3A_1234 = arith.constant 0 : i32
    %dma_wait3A_1235 = tpu.memref_slice %arg12[%dma_wait3A_1234] : memref<10240xf32, #tpu.memory_space<vmem>> -> memref<640xf32, #tpu.memory_space<vmem>>
    %dma_wait3A_1236 = tpu.memref_slice %arg14[%dma_wait3A_1229, %mul3A_1054] : memref<16x10240xf32, #tpu.memory_space<vmem_shared>> -> memref<1x640xf32, #tpu.memory_space<vmem_shared>>
    %dma_wait3A_1237 = tpu.memref_squeeze %dma_wait3A_1236 : memref<1x640xf32, #tpu.memory_space<vmem_shared>> -> memref<640xf32, #tpu.memory_space<vmem_shared>>
    tpu.wait_dma2 semaphore(%arg17 : memref<!tpu.dma_semaphore, #tpu.memory_space<semaphore_mem>>) src(%dma_wait3A_1237 : memref<640xf32, #tpu.memory_space<vmem_shared>>) dst(%dma_wait3A_1235 : memref<640xf32, #tpu.memory_space<vmem>>)
    %dma_wait3A_1238 = arith.constant 1 : i32
    %dma_wait3A_1239 = arith.constant 640 : i32
    %dma_wait3A_1240 = tpu.memref_slice %arg12[%dma_wait3A_1239] : memref<10240xf32, #tpu.memory_space<vmem>> -> memref<640xf32, #tpu.memory_space<vmem>>
    %dma_wait3A_1241 = tpu.memref_slice %arg14[%dma_wait3A_1238, %mul3A_1065] : memref<16x10240xf32, #tpu.memory_space<vmem_shared>> -> memref<1x640xf32, #tpu.memory_space<vmem_shared>>
    %dma_wait3A_1242 = tpu.memref_squeeze %dma_wait3A_1241 : memref<1x640xf32, #tpu.memory_space<vmem_shared>> -> memref<640xf32, #tpu.memory_space<vmem_shared>>
    %dma_wait3A_1243 = arith.constant 640 : i32
    %dma_wait3A_1244 = tpu.memref_slice %arg12[%dma_wait3A_1243] : memref<10240xf32, #tpu.memory_space<vmem>> -> memref<640xf32, #tpu.memory_space<vmem>>
    %dma_wait3A_1245 = tpu.memref_slice %arg14[%dma_wait3A_1238, %mul3A_1065] : memref<16x10240xf32, #tpu.memory_space<vmem_shared>> -> memref<1x640xf32, #tpu.memory_space<vmem_shared>>
    %dma_wait3A_1246 = tpu.memref_squeeze %dma_wait3A_1245 : memref<1x640xf32, #tpu.memory_space<vmem_shared>> -> memref<640xf32, #tpu.memory_space<vmem_shared>>
    tpu.wait_dma2 semaphore(%arg17 : memref<!tpu.dma_semaphore, #tpu.memory_space<semaphore_mem>>) src(%dma_wait3A_1246 : memref<640xf32, #tpu.memory_space<vmem_shared>>) dst(%dma_wait3A_1244 : memref<640xf32, #tpu.memory_space<vmem>>)
    %dma_wait3A_1247 = arith.constant 2 : i32
    %dma_wait3A_1248 = arith.constant 1280 : i32
    %dma_wait3A_1249 = tpu.memref_slice %arg12[%dma_wait3A_1248] : memref<10240xf32, #tpu.memory_space<vmem>> -> memref<640xf32, #tpu.memory_space<vmem>>
    %dma_wait3A_1250 = tpu.memref_slice %arg14[%dma_wait3A_1247, %mul3A_1076] : memref<16x10240xf32, #tpu.memory_space<vmem_shared>> -> memref<1x640xf32, #tpu.memory_space<vmem_shared>>
    %dma_wait3A_1251 = tpu.memref_squeeze %dma_wait3A_1250 : memref<1x640xf32, #tpu.memory_space<vmem_shared>> -> memref<640xf32, #tpu.memory_space<vmem_shared>>
    %dma_wait3A_1252 = arith.constant 1280 : i32
    %dma_wait3A_1253 = tpu.memref_slice %arg12[%dma_wait3A_1252] : memref<10240xf32, #tpu.memory_space<vmem>> -> memref<640xf32, #tpu.memory_space<vmem>>
    %dma_wait3A_1254 = tpu.memref_slice %arg14[%dma_wait3A_1247, %mul3A_1076] : memref<16x10240xf32, #tpu.memory_space<vmem_shared>> -> memref<1x640xf32, #tpu.memory_space<vmem_shared>>
    %dma_wait3A_1255 = tpu.memref_squeeze %dma_wait3A_1254 : memref<1x640xf32, #tpu.memory_space<vmem_shared>> -> memref<640xf32, #tpu.memory_space<vmem_shared>>
    tpu.wait_dma2 semaphore(%arg17 : memref<!tpu.dma_semaphore, #tpu.memory_space<semaphore_mem>>) src(%dma_wait3A_1255 : memref<640xf32, #tpu.memory_space<vmem_shared>>) dst(%dma_wait3A_1253 : memref<640xf32, #tpu.memory_space<vmem>>)
    %dma_wait3A_1256 = arith.constant 3 : i32
    %dma_wait3A_1257 = arith.constant 1920 : i32
    %dma_wait3A_1258 = tpu.memref_slice %arg12[%dma_wait3A_1257] : memref<10240xf32, #tpu.memory_space<vmem>> -> memref<640xf32, #tpu.memory_space<vmem>>
    %dma_wait3A_1259 = tpu.memref_slice %arg14[%dma_wait3A_1256, %mul3A_1087] : memref<16x10240xf32, #tpu.memory_space<vmem_shared>> -> memref<1x640xf32, #tpu.memory_space<vmem_shared>>
    %dma_wait3A_1260 = tpu.memref_squeeze %dma_wait3A_1259 : memref<1x640xf32, #tpu.memory_space<vmem_shared>> -> memref<640xf32, #tpu.memory_space<vmem_shared>>
    %dma_wait3A_1261 = arith.constant 1920 : i32
    %dma_wait3A_1262 = tpu.memref_slice %arg12[%dma_wait3A_1261] : memref<10240xf32, #tpu.memory_space<vmem>> -> memref<640xf32, #tpu.memory_space<vmem>>
    %dma_wait3A_1263 = tpu.memref_slice %arg14[%dma_wait3A_1256, %mul3A_1087] : memref<16x10240xf32, #tpu.memory_space<vmem_shared>> -> memref<1x640xf32, #tpu.memory_space<vmem_shared>>
    %dma_wait3A_1264 = tpu.memref_squeeze %dma_wait3A_1263 : memref<1x640xf32, #tpu.memory_space<vmem_shared>> -> memref<640xf32, #tpu.memory_space<vmem_shared>>
    tpu.wait_dma2 semaphore(%arg17 : memref<!tpu.dma_semaphore, #tpu.memory_space<semaphore_mem>>) src(%dma_wait3A_1264 : memref<640xf32, #tpu.memory_space<vmem_shared>>) dst(%dma_wait3A_1262 : memref<640xf32, #tpu.memory_space<vmem>>)
    %dma_wait3A_1265 = arith.constant 4 : i32
    %dma_wait3A_1266 = arith.constant 2560 : i32
    %dma_wait3A_1267 = tpu.memref_slice %arg12[%dma_wait3A_1266] : memref<10240xf32, #tpu.memory_space<vmem>> -> memref<640xf32, #tpu.memory_space<vmem>>
    %dma_wait3A_1268 = tpu.memref_slice %arg14[%dma_wait3A_1265, %mul3A_1098] : memref<16x10240xf32, #tpu.memory_space<vmem_shared>> -> memref<1x640xf32, #tpu.memory_space<vmem_shared>>
    %dma_wait3A_1269 = tpu.memref_squeeze %dma_wait3A_1268 : memref<1x640xf32, #tpu.memory_space<vmem_shared>> -> memref<640xf32, #tpu.memory_space<vmem_shared>>
    %dma_wait3A_1270 = arith.constant 2560 : i32
    %dma_wait3A_1271 = tpu.memref_slice %arg12[%dma_wait3A_1270] : memref<10240xf32, #tpu.memory_space<vmem>> -> memref<640xf32, #tpu.memory_space<vmem>>
    %dma_wait3A_1272 = tpu.memref_slice %arg14[%dma_wait3A_1265, %mul3A_1098] : memref<16x10240xf32, #tpu.memory_space<vmem_shared>> -> memref<1x640xf32, #tpu.memory_space<vmem_shared>>
    %dma_wait3A_1273 = tpu.memref_squeeze %dma_wait3A_1272 : memref<1x640xf32, #tpu.memory_space<vmem_shared>> -> memref<640xf32, #tpu.memory_space<vmem_shared>>
    tpu.wait_dma2 semaphore(%arg17 : memref<!tpu.dma_semaphore, #tpu.memory_space<semaphore_mem>>) src(%dma_wait3A_1273 : memref<640xf32, #tpu.memory_space<vmem_shared>>) dst(%dma_wait3A_1271 : memref<640xf32, #tpu.memory_space<vmem>>)
    %dma_wait3A_1274 = arith.constant 5 : i32
    %dma_wait3A_1275 = arith.constant 3200 : i32
    %dma_wait3A_1276 = tpu.memref_slice %arg12[%dma_wait3A_1275] : memref<10240xf32, #tpu.memory_space<vmem>> -> memref<640xf32, #tpu.memory_space<vmem>>
    %dma_wait3A_1277 = tpu.memref_slice %arg14[%dma_wait3A_1274, %mul3A_1109] : memref<16x10240xf32, #tpu.memory_space<vmem_shared>> -> memref<1x640xf32, #tpu.memory_space<vmem_shared>>
    %dma_wait3A_1278 = tpu.memref_squeeze %dma_wait3A_1277 : memref<1x640xf32, #tpu.memory_space<vmem_shared>> -> memref<640xf32, #tpu.memory_space<vmem_shared>>
    %dma_wait3A_1279 = arith.constant 3200 : i32
    %dma_wait3A_1280 = tpu.memref_slice %arg12[%dma_wait3A_1279] : memref<10240xf32, #tpu.memory_space<vmem>> -> memref<640xf32, #tpu.memory_space<vmem>>
    %dma_wait3A_1281 = tpu.memref_slice %arg14[%dma_wait3A_1274, %mul3A_1109] : memref<16x10240xf32, #tpu.memory_space<vmem_shared>> -> memref<1x640xf32, #tpu.memory_space<vmem_shared>>
    %dma_wait3A_1282 = tpu.memref_squeeze %dma_wait3A_1281 : memref<1x640xf32, #tpu.memory_space<vmem_shared>> -> memref<640xf32, #tpu.memory_space<vmem_shared>>
    tpu.wait_dma2 semaphore(%arg17 : memref<!tpu.dma_semaphore, #tpu.memory_space<semaphore_mem>>) src(%dma_wait3A_1282 : memref<640xf32, #tpu.memory_space<vmem_shared>>) dst(%dma_wait3A_1280 : memref<640xf32, #tpu.memory_space<vmem>>)
    %dma_wait3A_1283 = arith.constant 6 : i32
    %dma_wait3A_1284 = arith.constant 3840 : i32
    %dma_wait3A_1285 = tpu.memref_slice %arg12[%dma_wait3A_1284] : memref<10240xf32, #tpu.memory_space<vmem>> -> memref<640xf32, #tpu.memory_space<vmem>>
    %dma_wait3A_1286 = tpu.memref_slice %arg14[%dma_wait3A_1283, %mul3A_1120] : memref<16x10240xf32, #tpu.memory_space<vmem_shared>> -> memref<1x640xf32, #tpu.memory_space<vmem_shared>>
    %dma_wait3A_1287 = tpu.memref_squeeze %dma_wait3A_1286 : memref<1x640xf32, #tpu.memory_space<vmem_shared>> -> memref<640xf32, #tpu.memory_space<vmem_shared>>
    %dma_wait3A_1288 = arith.constant 3840 : i32
    %dma_wait3A_1289 = tpu.memref_slice %arg12[%dma_wait3A_1288] : memref<10240xf32, #tpu.memory_space<vmem>> -> memref<640xf32, #tpu.memory_space<vmem>>
    %dma_wait3A_1290 = tpu.memref_slice %arg14[%dma_wait3A_1283, %mul3A_1120] : memref<16x10240xf32, #tpu.memory_space<vmem_shared>> -> memref<1x640xf32, #tpu.memory_space<vmem_shared>>
    %dma_wait3A_1291 = tpu.memref_squeeze %dma_wait3A_1290 : memref<1x640xf32, #tpu.memory_space<vmem_shared>> -> memref<640xf32, #tpu.memory_space<vmem_shared>>
    tpu.wait_dma2 semaphore(%arg17 : memref<!tpu.dma_semaphore, #tpu.memory_space<semaphore_mem>>) src(%dma_wait3A_1291 : memref<640xf32, #tpu.memory_space<vmem_shared>>) dst(%dma_wait3A_1289 : memref<640xf32, #tpu.memory_space<vmem>>)
    %dma_wait3A_1292 = arith.constant 7 : i32
    %dma_wait3A_1293 = arith.constant 4480 : i32
    %dma_wait3A_1294 = tpu.memref_slice %arg12[%dma_wait3A_1293] : memref<10240xf32, #tpu.memory_space<vmem>> -> memref<640xf32, #tpu.memory_space<vmem>>
    %dma_wait3A_1295 = tpu.memref_slice %arg14[%dma_wait3A_1292, %mul3A_1131] : memref<16x10240xf32, #tpu.memory_space<vmem_shared>> -> memref<1x640xf32, #tpu.memory_space<vmem_shared>>
    %dma_wait3A_1296 = tpu.memref_squeeze %dma_wait3A_1295 : memref<1x640xf32, #tpu.memory_space<vmem_shared>> -> memref<640xf32, #tpu.memory_space<vmem_shared>>
    %dma_wait3A_1297 = arith.constant 4480 : i32
    %dma_wait3A_1298 = tpu.memref_slice %arg12[%dma_wait3A_1297] : memref<10240xf32, #tpu.memory_space<vmem>> -> memref<640xf32, #tpu.memory_space<vmem>>
    %dma_wait3A_1299 = tpu.memref_slice %arg14[%dma_wait3A_1292, %mul3A_1131] : memref<16x10240xf32, #tpu.memory_space<vmem_shared>> -> memref<1x640xf32, #tpu.memory_space<vmem_shared>>
    %dma_wait3A_1300 = tpu.memref_squeeze %dma_wait3A_1299 : memref<1x640xf32, #tpu.memory_space<vmem_shared>> -> memref<640xf32, #tpu.memory_space<vmem_shared>>
    tpu.wait_dma2 semaphore(%arg17 : memref<!tpu.dma_semaphore, #tpu.memory_space<semaphore_mem>>) src(%dma_wait3A_1300 : memref<640xf32, #tpu.memory_space<vmem_shared>>) dst(%dma_wait3A_1298 : memref<640xf32, #tpu.memory_space<vmem>>)
    %dma_wait3A_1301 = arith.constant 8 : i32
    %dma_wait3A_1302 = arith.constant 5120 : i32
    %dma_wait3A_1303 = tpu.memref_slice %arg12[%dma_wait3A_1302] : memref<10240xf32, #tpu.memory_space<vmem>> -> memref<640xf32, #tpu.memory_space<vmem>>
    %dma_wait3A_1304 = tpu.memref_slice %arg14[%dma_wait3A_1301, %mul3A_1142] : memref<16x10240xf32, #tpu.memory_space<vmem_shared>> -> memref<1x640xf32, #tpu.memory_space<vmem_shared>>
    %dma_wait3A_1305 = tpu.memref_squeeze %dma_wait3A_1304 : memref<1x640xf32, #tpu.memory_space<vmem_shared>> -> memref<640xf32, #tpu.memory_space<vmem_shared>>
    %dma_wait3A_1306 = arith.constant 5120 : i32
    %dma_wait3A_1307 = tpu.memref_slice %arg12[%dma_wait3A_1306] : memref<10240xf32, #tpu.memory_space<vmem>> -> memref<640xf32, #tpu.memory_space<vmem>>
    %dma_wait3A_1308 = tpu.memref_slice %arg14[%dma_wait3A_1301, %mul3A_1142] : memref<16x10240xf32, #tpu.memory_space<vmem_shared>> -> memref<1x640xf32, #tpu.memory_space<vmem_shared>>
    %dma_wait3A_1309 = tpu.memref_squeeze %dma_wait3A_1308 : memref<1x640xf32, #tpu.memory_space<vmem_shared>> -> memref<640xf32, #tpu.memory_space<vmem_shared>>
    tpu.wait_dma2 semaphore(%arg17 : memref<!tpu.dma_semaphore, #tpu.memory_space<semaphore_mem>>) src(%dma_wait3A_1309 : memref<640xf32, #tpu.memory_space<vmem_shared>>) dst(%dma_wait3A_1307 : memref<640xf32, #tpu.memory_space<vmem>>)
    %dma_wait3A_1310 = arith.constant 9 : i32
    %dma_wait3A_1311 = arith.constant 5760 : i32
    %dma_wait3A_1312 = tpu.memref_slice %arg12[%dma_wait3A_1311] : memref<10240xf32, #tpu.memory_space<vmem>> -> memref<640xf32, #tpu.memory_space<vmem>>
    %dma_wait3A_1313 = tpu.memref_slice %arg14[%dma_wait3A_1310, %mul3A_1153] : memref<16x10240xf32, #tpu.memory_space<vmem_shared>> -> memref<1x640xf32, #tpu.memory_space<vmem_shared>>
    %dma_wait3A_1314 = tpu.memref_squeeze %dma_wait3A_1313 : memref<1x640xf32, #tpu.memory_space<vmem_shared>> -> memref<640xf32, #tpu.memory_space<vmem_shared>>
    %dma_wait3A_1315 = arith.constant 5760 : i32
    %dma_wait3A_1316 = tpu.memref_slice %arg12[%dma_wait3A_1315] : memref<10240xf32, #tpu.memory_space<vmem>> -> memref<640xf32, #tpu.memory_space<vmem>>
    %dma_wait3A_1317 = tpu.memref_slice %arg14[%dma_wait3A_1310, %mul3A_1153] : memref<16x10240xf32, #tpu.memory_space<vmem_shared>> -> memref<1x640xf32, #tpu.memory_space<vmem_shared>>
    %dma_wait3A_1318 = tpu.memref_squeeze %dma_wait3A_1317 : memref<1x640xf32, #tpu.memory_space<vmem_shared>> -> memref<640xf32, #tpu.memory_space<vmem_shared>>
    tpu.wait_dma2 semaphore(%arg17 : memref<!tpu.dma_semaphore, #tpu.memory_space<semaphore_mem>>) src(%dma_wait3A_1318 : memref<640xf32, #tpu.memory_space<vmem_shared>>) dst(%dma_wait3A_1316 : memref<640xf32, #tpu.memory_space<vmem>>)
    %dma_wait3A_1319 = arith.constant 10 : i32
    %dma_wait3A_1320 = arith.constant 6400 : i32
    %dma_wait3A_1321 = tpu.memref_slice %arg12[%dma_wait3A_1320] : memref<10240xf32, #tpu.memory_space<vmem>> -> memref<640xf32, #tpu.memory_space<vmem>>
    %dma_wait3A_1322 = tpu.memref_slice %arg14[%dma_wait3A_1319, %mul3A_1164] : memref<16x10240xf32, #tpu.memory_space<vmem_shared>> -> memref<1x640xf32, #tpu.memory_space<vmem_shared>>
    %dma_wait3A_1323 = tpu.memref_squeeze %dma_wait3A_1322 : memref<1x640xf32, #tpu.memory_space<vmem_shared>> -> memref<640xf32, #tpu.memory_space<vmem_shared>>
    %dma_wait3A_1324 = arith.constant 6400 : i32
    %dma_wait3A_1325 = tpu.memref_slice %arg12[%dma_wait3A_1324] : memref<10240xf32, #tpu.memory_space<vmem>> -> memref<640xf32, #tpu.memory_space<vmem>>
    %dma_wait3A_1326 = tpu.memref_slice %arg14[%dma_wait3A_1319, %mul3A_1164] : memref<16x10240xf32, #tpu.memory_space<vmem_shared>> -> memref<1x640xf32, #tpu.memory_space<vmem_shared>>
    %dma_wait3A_1327 = tpu.memref_squeeze %dma_wait3A_1326 : memref<1x640xf32, #tpu.memory_space<vmem_shared>> -> memref<640xf32, #tpu.memory_space<vmem_shared>>
    tpu.wait_dma2 semaphore(%arg17 : memref<!tpu.dma_semaphore, #tpu.memory_space<semaphore_mem>>) src(%dma_wait3A_1327 : memref<640xf32, #tpu.memory_space<vmem_shared>>) dst(%dma_wait3A_1325 : memref<640xf32, #tpu.memory_space<vmem>>)
    %dma_wait3A_1328 = arith.constant 11 : i32
    %dma_wait3A_1329 = arith.constant 7040 : i32
    %dma_wait3A_1330 = tpu.memref_slice %arg12[%dma_wait3A_1329] : memref<10240xf32, #tpu.memory_space<vmem>> -> memref<640xf32, #tpu.memory_space<vmem>>
    %dma_wait3A_1331 = tpu.memref_slice %arg14[%dma_wait3A_1328, %mul3A_1175] : memref<16x10240xf32, #tpu.memory_space<vmem_shared>> -> memref<1x640xf32, #tpu.memory_space<vmem_shared>>
    %dma_wait3A_1332 = tpu.memref_squeeze %dma_wait3A_1331 : memref<1x640xf32, #tpu.memory_space<vmem_shared>> -> memref<640xf32, #tpu.memory_space<vmem_shared>>
    %dma_wait3A_1333 = arith.constant 7040 : i32
    %dma_wait3A_1334 = tpu.memref_slice %arg12[%dma_wait3A_1333] : memref<10240xf32, #tpu.memory_space<vmem>> -> memref<640xf32, #tpu.memory_space<vmem>>
    %dma_wait3A_1335 = tpu.memref_slice %arg14[%dma_wait3A_1328, %mul3A_1175] : memref<16x10240xf32, #tpu.memory_space<vmem_shared>> -> memref<1x640xf32, #tpu.memory_space<vmem_shared>>
    %dma_wait3A_1336 = tpu.memref_squeeze %dma_wait3A_1335 : memref<1x640xf32, #tpu.memory_space<vmem_shared>> -> memref<640xf32, #tpu.memory_space<vmem_shared>>
    tpu.wait_dma2 semaphore(%arg17 : memref<!tpu.dma_semaphore, #tpu.memory_space<semaphore_mem>>) src(%dma_wait3A_1336 : memref<640xf32, #tpu.memory_space<vmem_shared>>) dst(%dma_wait3A_1334 : memref<640xf32, #tpu.memory_space<vmem>>)
    %dma_wait3A_1337 = arith.constant 12 : i32
    %dma_wait3A_1338 = arith.constant 7680 : i32
    %dma_wait3A_1339 = tpu.memref_slice %arg12[%dma_wait3A_1338] : memref<10240xf32, #tpu.memory_space<vmem>> -> memref<640xf32, #tpu.memory_space<vmem>>
    %dma_wait3A_1340 = tpu.memref_slice %arg14[%dma_wait3A_1337, %mul3A_1186] : memref<16x10240xf32, #tpu.memory_space<vmem_shared>> -> memref<1x640xf32, #tpu.memory_space<vmem_shared>>
    %dma_wait3A_1341 = tpu.memref_squeeze %dma_wait3A_1340 : memref<1x640xf32, #tpu.memory_space<vmem_shared>> -> memref<640xf32, #tpu.memory_space<vmem_shared>>
    %dma_wait3A_1342 = arith.constant 7680 : i32
    %dma_wait3A_1343 = tpu.memref_slice %arg12[%dma_wait3A_1342] : memref<10240xf32, #tpu.memory_space<vmem>> -> memref<640xf32, #tpu.memory_space<vmem>>
    %dma_wait3A_1344 = tpu.memref_slice %arg14[%dma_wait3A_1337, %mul3A_1186] : memref<16x10240xf32, #tpu.memory_space<vmem_shared>> -> memref<1x640xf32, #tpu.memory_space<vmem_shared>>
    %dma_wait3A_1345 = tpu.memref_squeeze %dma_wait3A_1344 : memref<1x640xf32, #tpu.memory_space<vmem_shared>> -> memref<640xf32, #tpu.memory_space<vmem_shared>>
    tpu.wait_dma2 semaphore(%arg17 : memref<!tpu.dma_semaphore, #tpu.memory_space<semaphore_mem>>) src(%dma_wait3A_1345 : memref<640xf32, #tpu.memory_space<vmem_shared>>) dst(%dma_wait3A_1343 : memref<640xf32, #tpu.memory_space<vmem>>)
    %dma_wait3A_1346 = arith.constant 13 : i32
    %dma_wait3A_1347 = arith.constant 8320 : i32
    %dma_wait3A_1348 = tpu.memref_slice %arg12[%dma_wait3A_1347] : memref<10240xf32, #tpu.memory_space<vmem>> -> memref<640xf32, #tpu.memory_space<vmem>>
    %dma_wait3A_1349 = tpu.memref_slice %arg14[%dma_wait3A_1346, %mul3A_1197] : memref<16x10240xf32, #tpu.memory_space<vmem_shared>> -> memref<1x640xf32, #tpu.memory_space<vmem_shared>>
    %dma_wait3A_1350 = tpu.memref_squeeze %dma_wait3A_1349 : memref<1x640xf32, #tpu.memory_space<vmem_shared>> -> memref<640xf32, #tpu.memory_space<vmem_shared>>
    %dma_wait3A_1351 = arith.constant 8320 : i32
    %dma_wait3A_1352 = tpu.memref_slice %arg12[%dma_wait3A_1351] : memref<10240xf32, #tpu.memory_space<vmem>> -> memref<640xf32, #tpu.memory_space<vmem>>
    %dma_wait3A_1353 = tpu.memref_slice %arg14[%dma_wait3A_1346, %mul3A_1197] : memref<16x10240xf32, #tpu.memory_space<vmem_shared>> -> memref<1x640xf32, #tpu.memory_space<vmem_shared>>
    %dma_wait3A_1354 = tpu.memref_squeeze %dma_wait3A_1353 : memref<1x640xf32, #tpu.memory_space<vmem_shared>> -> memref<640xf32, #tpu.memory_space<vmem_shared>>
    tpu.wait_dma2 semaphore(%arg17 : memref<!tpu.dma_semaphore, #tpu.memory_space<semaphore_mem>>) src(%dma_wait3A_1354 : memref<640xf32, #tpu.memory_space<vmem_shared>>) dst(%dma_wait3A_1352 : memref<640xf32, #tpu.memory_space<vmem>>)
    %dma_wait3A_1355 = arith.constant 14 : i32
    %dma_wait3A_1356 = arith.constant 8960 : i32
    %dma_wait3A_1357 = tpu.memref_slice %arg12[%dma_wait3A_1356] : memref<10240xf32, #tpu.memory_space<vmem>> -> memref<640xf32, #tpu.memory_space<vmem>>
    %dma_wait3A_1358 = tpu.memref_slice %arg14[%dma_wait3A_1355, %mul3A_1208] : memref<16x10240xf32, #tpu.memory_space<vmem_shared>> -> memref<1x640xf32, #tpu.memory_space<vmem_shared>>
    %dma_wait3A_1359 = tpu.memref_squeeze %dma_wait3A_1358 : memref<1x640xf32, #tpu.memory_space<vmem_shared>> -> memref<640xf32, #tpu.memory_space<vmem_shared>>
    %dma_wait3A_1360 = arith.constant 8960 : i32
    %dma_wait3A_1361 = tpu.memref_slice %arg12[%dma_wait3A_1360] : memref<10240xf32, #tpu.memory_space<vmem>> -> memref<640xf32, #tpu.memory_space<vmem>>
    %dma_wait3A_1362 = tpu.memref_slice %arg14[%dma_wait3A_1355, %mul3A_1208] : memref<16x10240xf32, #tpu.memory_space<vmem_shared>> -> memref<1x640xf32, #tpu.memory_space<vmem_shared>>
    %dma_wait3A_1363 = tpu.memref_squeeze %dma_wait3A_1362 : memref<1x640xf32, #tpu.memory_space<vmem_shared>> -> memref<640xf32, #tpu.memory_space<vmem_shared>>
    tpu.wait_dma2 semaphore(%arg17 : memref<!tpu.dma_semaphore, #tpu.memory_space<semaphore_mem>>) src(%dma_wait3A_1363 : memref<640xf32, #tpu.memory_space<vmem_shared>>) dst(%dma_wait3A_1361 : memref<640xf32, #tpu.memory_space<vmem>>)
    %dma_wait3A_1364 = arith.constant 15 : i32
    %dma_wait3A_1365 = arith.constant 9600 : i32
    %dma_wait3A_1366 = tpu.memref_slice %arg12[%dma_wait3A_1365] : memref<10240xf32, #tpu.memory_space<vmem>> -> memref<640xf32, #tpu.memory_space<vmem>>
    %dma_wait3A_1367 = tpu.memref_slice %arg14[%dma_wait3A_1364, %mul3A_1219] : memref<16x10240xf32, #tpu.memory_space<vmem_shared>> -> memref<1x640xf32, #tpu.memory_space<vmem_shared>>
    %dma_wait3A_1368 = tpu.memref_squeeze %dma_wait3A_1367 : memref<1x640xf32, #tpu.memory_space<vmem_shared>> -> memref<640xf32, #tpu.memory_space<vmem_shared>>
    %dma_wait3A_1369 = arith.constant 9600 : i32
    %dma_wait3A_1370 = tpu.memref_slice %arg12[%dma_wait3A_1369] : memref<10240xf32, #tpu.memory_space<vmem>> -> memref<640xf32, #tpu.memory_space<vmem>>
    %dma_wait3A_1371 = tpu.memref_slice %arg14[%dma_wait3A_1364, %mul3A_1219] : memref<16x10240xf32, #tpu.memory_space<vmem_shared>> -> memref<1x640xf32, #tpu.memory_space<vmem_shared>>
    %dma_wait3A_1372 = tpu.memref_squeeze %dma_wait3A_1371 : memref<1x640xf32, #tpu.memory_space<vmem_shared>> -> memref<640xf32, #tpu.memory_space<vmem_shared>>
    tpu.wait_dma2 semaphore(%arg17 : memref<!tpu.dma_semaphore, #tpu.memory_space<semaphore_mem>>) src(%dma_wait3A_1372 : memref<640xf32, #tpu.memory_space<vmem_shared>>) dst(%dma_wait3A_1370 : memref<640xf32, #tpu.memory_space<vmem>>)
    %scan3A_1373 = arith.constant 0 : i32
    %scan3A_1374 = arith.constant 0 : i32
    %scan3A_1375 = arith.constant 40 : i32
    %scan3A_1376 = arith.addi %scan3A_1374, %scan3A_1375 : i32
    %scan3A_1377 = arith.constant 1 : i32
    scf.for %scan3A_1574 = %scan3A_1374 to %scan3A_1376 step %scan3A_1377  : i32 {
      %mul3A_1575 = arith.constant 16 : i32
      %mul3A_1576 = arith.muli %scan3A_1574, %mul3A_1575 : i32
      %get3A = arith.index_cast %mul3A_1576 : i32 to index
      %get3A_1577 = tpu.vector_load %arg12[%get3A] {strides = array<i32>} : memref<10240xf32, #tpu.memory_space<vmem>>, vector<16xf32>,
      %mul3A_1578 = arith.constant 16 : i32
      %mul3A_1579 = arith.muli %scan3A_1574, %mul3A_1578 : i32
      %add3A_1580 = arith.constant 640 : i32
      %add3A_1581 = arith.addi %add3A_1580, %mul3A_1579 : i32
      %get3A_1582 = arith.index_cast %add3A_1581 : i32 to index
      %get3A_1583 = tpu.vector_load %arg12[%get3A_1582] {strides = array<i32>} : memref<10240xf32, #tpu.memory_space<vmem>>, vector<16xf32>,
      %add3A_1584 = arith.addf %get3A_1577, %get3A_1583 : vector<16xf32>
      %mul3A_1585 = arith.constant 16 : i32
      %mul3A_1586 = arith.muli %scan3A_1574, %mul3A_1585 : i32
      %add3A_1587 = arith.constant 1280 : i32
      %add3A_1588 = arith.addi %add3A_1587, %mul3A_1586 : i32
      %get3A_1589 = arith.index_cast %add3A_1588 : i32 to index
      %get3A_1590 = tpu.vector_load %arg12[%get3A_1589] {strides = array<i32>} : memref<10240xf32, #tpu.memory_space<vmem>>, vector<16xf32>,
      %add3A_1591 = arith.addf %add3A_1584, %get3A_1590 : vector<16xf32>
      %mul3A_1592 = arith.constant 16 : i32
      %mul3A_1593 = arith.muli %scan3A_1574, %mul3A_1592 : i32
      %add3A_1594 = arith.constant 1920 : i32
      %add3A_1595 = arith.addi %add3A_1594, %mul3A_1593 : i32
      %get3A_1596 = arith.index_cast %add3A_1595 : i32 to index
      %get3A_1597 = tpu.vector_load %arg12[%get3A_1596] {strides = array<i32>} : memref<10240xf32, #tpu.memory_space<vmem>>, vector<16xf32>,
      %add3A_1598 = arith.addf %add3A_1591, %get3A_1597 : vector<16xf32>
      %mul3A_1599 = arith.constant 16 : i32
      %mul3A_1600 = arith.muli %scan3A_1574, %mul3A_1599 : i32
      %add3A_1601 = arith.constant 2560 : i32
      %add3A_1602 = arith.addi %add3A_1601, %mul3A_1600 : i32
      %get3A_1603 = arith.index_cast %add3A_1602 : i32 to index
      %get3A_1604 = tpu.vector_load %arg12[%get3A_1603] {strides = array<i32>} : memref<10240xf32, #tpu.memory_space<vmem>>, vector<16xf32>,
      %add3A_1605 = arith.addf %add3A_1598, %get3A_1604 : vector<16xf32>
      %mul3A_1606 = arith.constant 16 : i32
      %mul3A_1607 = arith.muli %scan3A_1574, %mul3A_1606 : i32
      %add3A_1608 = arith.constant 3200 : i32
      %add3A_1609 = arith.addi %add3A_1608, %mul3A_1607 : i32
      %get3A_1610 = arith.index_cast %add3A_1609 : i32 to index
      %get3A_1611 = tpu.vector_load %arg12[%get3A_1610] {strides = array<i32>} : memref<10240xf32, #tpu.memory_space<vmem>>, vector<16xf32>,
      %add3A_1612 = arith.addf %add3A_1605, %get3A_1611 : vector<16xf32>
      %mul3A_1613 = arith.constant 16 : i32
      %mul3A_1614 = arith.muli %scan3A_1574, %mul3A_1613 : i32
      %add3A_1615 = arith.constant 3840 : i32
      %add3A_1616 = arith.addi %add3A_1615, %mul3A_1614 : i32
      %get3A_1617 = arith.index_cast %add3A_1616 : i32 to index
      %get3A_1618 = tpu.vector_load %arg12[%get3A_1617] {strides = array<i32>} : memref<10240xf32, #tpu.memory_space<vmem>>, vector<16xf32>,
      %add3A_1619 = arith.addf %add3A_1612, %get3A_1618 : vector<16xf32>
      %mul3A_1620 = arith.constant 16 : i32
      %mul3A_1621 = arith.muli %scan3A_1574, %mul3A_1620 : i32
      %add3A_1622 = arith.constant 4480 : i32
      %add3A_1623 = arith.addi %add3A_1622, %mul3A_1621 : i32
      %get3A_1624 = arith.index_cast %add3A_1623 : i32 to index
      %get3A_1625 = tpu.vector_load %arg12[%get3A_1624] {strides = array<i32>} : memref<10240xf32, #tpu.memory_space<vmem>>, vector<16xf32>,
      %add3A_1626 = arith.addf %add3A_1619, %get3A_1625 : vector<16xf32>
      %mul3A_1627 = arith.constant 16 : i32
      %mul3A_1628 = arith.muli %scan3A_1574, %mul3A_1627 : i32
      %add3A_1629 = arith.constant 5120 : i32
      %add3A_1630 = arith.addi %add3A_1629, %mul3A_1628 : i32
      %get3A_1631 = arith.index_cast %add3A_1630 : i32 to index
      %get3A_1632 = tpu.vector_load %arg12[%get3A_1631] {strides = array<i32>} : memref<10240xf32, #tpu.memory_space<vmem>>, vector<16xf32>,
      %add3A_1633 = arith.addf %add3A_1626, %get3A_1632 : vector<16xf32>
      %mul3A_1634 = arith.constant 16 : i32
      %mul3A_1635 = arith.muli %scan3A_1574, %mul3A_1634 : i32
      %add3A_1636 = arith.constant 5760 : i32
      %add3A_1637 = arith.addi %add3A_1636, %mul3A_1635 : i32
      %get3A_1638 = arith.index_cast %add3A_1637 : i32 to index
      %get3A_1639 = tpu.vector_load %arg12[%get3A_1638] {strides = array<i32>} : memref<10240xf32, #tpu.memory_space<vmem>>, vector<16xf32>,
      %add3A_1640 = arith.addf %add3A_1633, %get3A_1639 : vector<16xf32>
      %mul3A_1641 = arith.constant 16 : i32
      %mul3A_1642 = arith.muli %scan3A_1574, %mul3A_1641 : i32
      %add3A_1643 = arith.constant 6400 : i32
      %add3A_1644 = arith.addi %add3A_1643, %mul3A_1642 : i32
      %get3A_1645 = arith.index_cast %add3A_1644 : i32 to index
      %get3A_1646 = tpu.vector_load %arg12[%get3A_1645] {strides = array<i32>} : memref<10240xf32, #tpu.memory_space<vmem>>, vector<16xf32>,
      %add3A_1647 = arith.addf %add3A_1640, %get3A_1646 : vector<16xf32>
      %mul3A_1648 = arith.constant 16 : i32
      %mul3A_1649 = arith.muli %scan3A_1574, %mul3A_1648 : i32
      %add3A_1650 = arith.constant 7040 : i32
      %add3A_1651 = arith.addi %add3A_1650, %mul3A_1649 : i32
      %get3A_1652 = arith.index_cast %add3A_1651 : i32 to index
      %get3A_1653 = tpu.vector_load %arg12[%get3A_1652] {strides = array<i32>} : memref<10240xf32, #tpu.memory_space<vmem>>, vector<16xf32>,
      %add3A_1654 = arith.addf %add3A_1647, %get3A_1653 : vector<16xf32>
      %mul3A_1655 = arith.constant 16 : i32
      %mul3A_1656 = arith.muli %scan3A_1574, %mul3A_1655 : i32
      %add3A_1657 = arith.constant 7680 : i32
      %add3A_1658 = arith.addi %add3A_1657, %mul3A_1656 : i32
      %get3A_1659 = arith.index_cast %add3A_1658 : i32 to index
      %get3A_1660 = tpu.vector_load %arg12[%get3A_1659] {strides = array<i32>} : memref<10240xf32, #tpu.memory_space<vmem>>, vector<16xf32>,
      %add3A_1661 = arith.addf %add3A_1654, %get3A_1660 : vector<16xf32>
      %mul3A_1662 = arith.constant 16 : i32
      %mul3A_1663 = arith.muli %scan3A_1574, %mul3A_1662 : i32
      %add3A_1664 = arith.constant 8320 : i32
      %add3A_1665 = arith.addi %add3A_1664, %mul3A_1663 : i32
      %get3A_1666 = arith.index_cast %add3A_1665 : i32 to index
      %get3A_1667 = tpu.vector_load %arg12[%get3A_1666] {strides = array<i32>} : memref<10240xf32, #tpu.memory_space<vmem>>, vector<16xf32>,
      %add3A_1668 = arith.addf %add3A_1661, %get3A_1667 : vector<16xf32>
      %mul3A_1669 = arith.constant 16 : i32
      %mul3A_1670 = arith.muli %scan3A_1574, %mul3A_1669 : i32
      %add3A_1671 = arith.constant 8960 : i32
      %add3A_1672 = arith.addi %add3A_1671, %mul3A_1670 : i32
      %get3A_1673 = arith.index_cast %add3A_1672 : i32 to index
      %get3A_1674 = tpu.vector_load %arg12[%get3A_1673] {strides = array<i32>} : memref<10240xf32, #tpu.memory_space<vmem>>, vector<16xf32>,
      %add3A_1675 = arith.addf %add3A_1668, %get3A_1674 : vector<16xf32>
      %mul3A_1676 = arith.constant 16 : i32
      %mul3A_1677 = arith.muli %scan3A_1574, %mul3A_1676 : i32
      %add3A_1678 = arith.constant 9600 : i32
      %add3A_1679 = arith.addi %add3A_1678, %mul3A_1677 : i32
      %get3A_1680 = arith.index_cast %add3A_1679 : i32 to index
      %get3A_1681 = tpu.vector_load %arg12[%get3A_1680] {strides = array<i32>} : memref<10240xf32, #tpu.memory_space<vmem>>, vector<16xf32>,
      %add3A_1682 = arith.addf %add3A_1675, %get3A_1681 : vector<16xf32>
      %mul3A_1683 = arith.constant 16 : i32
      %mul3A_1684 = arith.muli %scan3A_1574, %mul3A_1683 : i32
      %swap3A_1685 = arith.index_cast %mul3A_1684 : i32 to index
      %swap3A_1686 = tpu.vector_load %arg11[%swap3A_1685] {strides = array<i32>} : memref<10240xf32, #tpu.memory_space<vmem>>, vector<16xf32>,
      tpu.vector_store %arg11[%swap3A_1685], %add3A_1682 {strides = array<i32>} : memref<10240xf32, #tpu.memory_space<vmem>>, vector<16xf32>,
    }
    %scan3A_1378 = arith.constant 40 : i32
    %mul3A_1379 = arith.constant 640 : i32
    %mul3A_1380 = arith.muli %arg1, %mul3A_1379 : i32
    %add3A_1381 = arith.constant 640000 : i32
    %add3A_1382 = arith.addi %add3A_1381, %mul3A_1380 : i32
    "tpu.region"() ({
      %run_scoped3A = tpu.sem_alloc : memref<!tpu.dma_semaphore, #tpu.memory_space<semaphore_mem>>
      %dma_start3A_1574 = arith.constant 0 : i32
      %dma_start3A_1575 = tpu.memref_slice %arg11[%dma_start3A_1574] : memref<10240xf32, #tpu.memory_space<vmem>> -> memref<640xf32, #tpu.memory_space<vmem>>
      %dma_start3A_1576 = tpu.memref_slice %arg13[%add3A_1382] : memref<650240xf32, #tpu.memory_space<vmem_shared>> -> memref<640xf32, #tpu.memory_space<vmem_shared>>
      %dma_start3A_1577 = tpu.memref_slice %arg13[%add3A_1382] : memref<650240xf32, #tpu.memory_space<vmem_shared>> -> memref<640xf32, #tpu.memory_space<vmem_shared>>
      %dma_start3A_1578 = arith.constant 0 : i32
      %dma_start3A_1579 = tpu.memref_slice %arg11[%dma_start3A_1578] : memref<10240xf32, #tpu.memory_space<vmem>> -> memref<640xf32, #tpu.memory_space<vmem>>
      tpu.enqueue_dma source(%dma_start3A_1579 : memref<640xf32, #tpu.memory_space<vmem>>) target(%dma_start3A_1577 : memref<640xf32, #tpu.memory_space<vmem_shared>>) target_semaphore(%run_scoped3A : memref<!tpu.dma_semaphore, #tpu.memory_space<semaphore_mem>>)
      %dma_wait3A_1580 = arith.constant 0 : i32
      %dma_wait3A_1581 = tpu.memref_slice %arg11[%dma_wait3A_1580] : memref<10240xf32, #tpu.memory_space<vmem>> -> memref<640xf32, #tpu.memory_space<vmem>>
      %dma_wait3A_1582 = tpu.memref_slice %arg13[%add3A_1382] : memref<650240xf32, #tpu.memory_space<vmem_shared>> -> memref<640xf32, #tpu.memory_space<vmem_shared>>
      %dma_wait3A_1583 = tpu.memref_slice %arg13[%add3A_1382] : memref<650240xf32, #tpu.memory_space<vmem_shared>> -> memref<640xf32, #tpu.memory_space<vmem_shared>>
      %dma_wait3A_1584 = arith.constant 0 : i32
      %dma_wait3A_1585 = tpu.memref_slice %arg11[%dma_wait3A_1584] : memref<10240xf32, #tpu.memory_space<vmem>> -> memref<640xf32, #tpu.memory_space<vmem>>
      tpu.wait_dma2 semaphore(%run_scoped3A : memref<!tpu.dma_semaphore, #tpu.memory_space<semaphore_mem>>) src(%dma_wait3A_1585 : memref<640xf32, #tpu.memory_space<vmem>>) dst(%dma_wait3A_1583 : memref<640xf32, #tpu.memory_space<vmem_shared>>)
      tpu.yield
    }) : () -> ()
    %dma_wait3A_1383 = arith.constant 60 : i32
    "tpu.trace_stop"() : () -> ()
    "tpu.trace_start"() <{level = 10 : i32, message = "drain"}> : () -> ()
    %dma_wait3A_1384 = arith.constant 0 : i32
    %dma_wait3A_1385 = tpu.memref_slice %arg9[%dma_wait3A_1383, %dma_wait3A_1384] : memref<80x128xi32, #tpu.memory_space<vmem>> -> memref<1x128xi32, #tpu.memory_space<vmem>>
    %dma_wait3A_1386 = tpu.memref_squeeze %dma_wait3A_1385 : memref<1x128xi32, #tpu.memory_space<vmem>> -> memref<128xi32, #tpu.memory_space<vmem>>
    %dma_wait3A_1387 = arith.constant 0 : i32
    %dma_wait3A_1388 = tpu.memref_slice %arg13[%dma_wait3A_1387] : memref<650240xf32, #tpu.memory_space<vmem_shared>> -> memref<650240xf32, #tpu.memory_space<vmem_shared>>
    tpu.wait_indirect_dma semaphore(%arg16 : memref<!tpu.dma_semaphore, #tpu.memory_space<semaphore_mem>>) src(%arg10 : memref<128xf32, #tpu.memory_space<vmem>>) dst(%dma_wait3A_1388 : memref<650240xf32, #tpu.memory_space<vmem_shared>>)
    %dma_wait3A_1389 = arith.constant 61 : i32
    %dma_wait3A_1390 = arith.constant 0 : i32
    %dma_wait3A_1391 = tpu.memref_slice %arg9[%dma_wait3A_1389, %dma_wait3A_1390] : memref<80x128xi32, #tpu.memory_space<vmem>> -> memref<1x128xi32, #tpu.memory_space<vmem>>
    %dma_wait3A_1392 = tpu.memref_squeeze %dma_wait3A_1391 : memref<1x128xi32, #tpu.memory_space<vmem>> -> memref<128xi32, #tpu.memory_space<vmem>>
    %dma_wait3A_1393 = arith.constant 0 : i32
    %dma_wait3A_1394 = tpu.memref_slice %arg13[%dma_wait3A_1393] : memref<650240xf32, #tpu.memory_space<vmem_shared>> -> memref<650240xf32, #tpu.memory_space<vmem_shared>>
    tpu.wait_indirect_dma semaphore(%arg16 : memref<!tpu.dma_semaphore, #tpu.memory_space<semaphore_mem>>) src(%arg10 : memref<128xf32, #tpu.memory_space<vmem>>) dst(%dma_wait3A_1394 : memref<650240xf32, #tpu.memory_space<vmem_shared>>)
    %dma_wait3A_1395 = arith.constant 62 : i32
    %dma_wait3A_1396 = arith.constant 0 : i32
    %dma_wait3A_1397 = tpu.memref_slice %arg9[%dma_wait3A_1395, %dma_wait3A_1396] : memref<80x128xi32, #tpu.memory_space<vmem>> -> memref<1x128xi32, #tpu.memory_space<vmem>>
    %dma_wait3A_1398 = tpu.memref_squeeze %dma_wait3A_1397 : memref<1x128xi32, #tpu.memory_space<vmem>> -> memref<128xi32, #tpu.memory_space<vmem>>
    %dma_wait3A_1399 = arith.constant 0 : i32
    %dma_wait3A_1400 = tpu.memref_slice %arg13[%dma_wait3A_1399] : memref<650240xf32, #tpu.memory_space<vmem_shared>> -> memref<650240xf32, #tpu.memory_space<vmem_shared>>
    tpu.wait_indirect_dma semaphore(%arg16 : memref<!tpu.dma_semaphore, #tpu.memory_space<semaphore_mem>>) src(%arg10 : memref<128xf32, #tpu.memory_space<vmem>>) dst(%dma_wait3A_1400 : memref<650240xf32, #tpu.memory_space<vmem_shared>>)
    %dma_wait3A_1401 = arith.constant 63 : i32
    %dma_wait3A_1402 = arith.constant 0 : i32
    %dma_wait3A_1403 = tpu.memref_slice %arg9[%dma_wait3A_1401, %dma_wait3A_1402] : memref<80x128xi32, #tpu.memory_space<vmem>> -> memref<1x128xi32, #tpu.memory_space<vmem>>
    %dma_wait3A_1404 = tpu.memref_squeeze %dma_wait3A_1403 : memref<1x128xi32, #tpu.memory_space<vmem>> -> memref<128xi32, #tpu.memory_space<vmem>>
    %dma_wait3A_1405 = arith.constant 0 : i32
    %dma_wait3A_1406 = tpu.memref_slice %arg13[%dma_wait3A_1405] : memref<650240xf32, #tpu.memory_space<vmem_shared>> -> memref<650240xf32, #tpu.memory_space<vmem_shared>>
    tpu.wait_indirect_dma semaphore(%arg16 : memref<!tpu.dma_semaphore, #tpu.memory_space<semaphore_mem>>) src(%arg10 : memref<128xf32, #tpu.memory_space<vmem>>) dst(%dma_wait3A_1406 : memref<650240xf32, #tpu.memory_space<vmem_shared>>)
    %dma_wait3A_1407 = arith.constant 64 : i32
    %dma_wait3A_1408 = arith.constant 0 : i32
    %dma_wait3A_1409 = tpu.memref_slice %arg9[%dma_wait3A_1407, %dma_wait3A_1408] : memref<80x128xi32, #tpu.memory_space<vmem>> -> memref<1x128xi32, #tpu.memory_space<vmem>>
    %dma_wait3A_1410 = tpu.memref_squeeze %dma_wait3A_1409 : memref<1x128xi32, #tpu.memory_space<vmem>> -> memref<128xi32, #tpu.memory_space<vmem>>
    %dma_wait3A_1411 = arith.constant 0 : i32
    %dma_wait3A_1412 = tpu.memref_slice %arg13[%dma_wait3A_1411] : memref<650240xf32, #tpu.memory_space<vmem_shared>> -> memref<650240xf32, #tpu.memory_space<vmem_shared>>
    tpu.wait_indirect_dma semaphore(%arg16 : memref<!tpu.dma_semaphore, #tpu.memory_space<semaphore_mem>>) src(%arg10 : memref<128xf32, #tpu.memory_space<vmem>>) dst(%dma_wait3A_1412 : memref<650240xf32, #tpu.memory_space<vmem_shared>>)
    %dma_wait3A_1413 = arith.constant 65 : i32
    %dma_wait3A_1414 = arith.constant 0 : i32
    %dma_wait3A_1415 = tpu.memref_slice %arg9[%dma_wait3A_1413, %dma_wait3A_1414] : memref<80x128xi32, #tpu.memory_space<vmem>> -> memref<1x128xi32, #tpu.memory_space<vmem>>
    %dma_wait3A_1416 = tpu.memref_squeeze %dma_wait3A_1415 : memref<1x128xi32, #tpu.memory_space<vmem>> -> memref<128xi32, #tpu.memory_space<vmem>>
    %dma_wait3A_1417 = arith.constant 0 : i32
    %dma_wait3A_1418 = tpu.memref_slice %arg13[%dma_wait3A_1417] : memref<650240xf32, #tpu.memory_space<vmem_shared>> -> memref<650240xf32, #tpu.memory_space<vmem_shared>>
    tpu.wait_indirect_dma semaphore(%arg16 : memref<!tpu.dma_semaphore, #tpu.memory_space<semaphore_mem>>) src(%arg10 : memref<128xf32, #tpu.memory_space<vmem>>) dst(%dma_wait3A_1418 : memref<650240xf32, #tpu.memory_space<vmem_shared>>)
    %dma_wait3A_1419 = arith.constant 66 : i32
    %dma_wait3A_1420 = arith.constant 0 : i32
    %dma_wait3A_1421 = tpu.memref_slice %arg9[%dma_wait3A_1419, %dma_wait3A_1420] : memref<80x128xi32, #tpu.memory_space<vmem>> -> memref<1x128xi32, #tpu.memory_space<vmem>>
    %dma_wait3A_1422 = tpu.memref_squeeze %dma_wait3A_1421 : memref<1x128xi32, #tpu.memory_space<vmem>> -> memref<128xi32, #tpu.memory_space<vmem>>
    %dma_wait3A_1423 = arith.constant 0 : i32
    %dma_wait3A_1424 = tpu.memref_slice %arg13[%dma_wait3A_1423] : memref<650240xf32, #tpu.memory_space<vmem_shared>> -> memref<650240xf32, #tpu.memory_space<vmem_shared>>
    tpu.wait_indirect_dma semaphore(%arg16 : memref<!tpu.dma_semaphore, #tpu.memory_space<semaphore_mem>>) src(%arg10 : memref<128xf32, #tpu.memory_space<vmem>>) dst(%dma_wait3A_1424 : memref<650240xf32, #tpu.memory_space<vmem_shared>>)
    %dma_wait3A_1425 = arith.constant 67 : i32
    %dma_wait3A_1426 = arith.constant 0 : i32
    %dma_wait3A_1427 = tpu.memref_slice %arg9[%dma_wait3A_1425, %dma_wait3A_1426] : memref<80x128xi32, #tpu.memory_space<vmem>> -> memref<1x128xi32, #tpu.memory_space<vmem>>
    %dma_wait3A_1428 = tpu.memref_squeeze %dma_wait3A_1427 : memref<1x128xi32, #tpu.memory_space<vmem>> -> memref<128xi32, #tpu.memory_space<vmem>>
    %dma_wait3A_1429 = arith.constant 0 : i32
    %dma_wait3A_1430 = tpu.memref_slice %arg13[%dma_wait3A_1429] : memref<650240xf32, #tpu.memory_space<vmem_shared>> -> memref<650240xf32, #tpu.memory_space<vmem_shared>>
    tpu.wait_indirect_dma semaphore(%arg16 : memref<!tpu.dma_semaphore, #tpu.memory_space<semaphore_mem>>) src(%arg10 : memref<128xf32, #tpu.memory_space<vmem>>) dst(%dma_wait3A_1430 : memref<650240xf32, #tpu.memory_space<vmem_shared>>)
    %dma_wait3A_1431 = arith.constant 68 : i32
    %dma_wait3A_1432 = arith.constant 0 : i32
    %dma_wait3A_1433 = tpu.memref_slice %arg9[%dma_wait3A_1431, %dma_wait3A_1432] : memref<80x128xi32, #tpu.memory_space<vmem>> -> memref<1x128xi32, #tpu.memory_space<vmem>>
    %dma_wait3A_1434 = tpu.memref_squeeze %dma_wait3A_1433 : memref<1x128xi32, #tpu.memory_space<vmem>> -> memref<128xi32, #tpu.memory_space<vmem>>
    %dma_wait3A_1435 = arith.constant 0 : i32
    %dma_wait3A_1436 = tpu.memref_slice %arg13[%dma_wait3A_1435] : memref<650240xf32, #tpu.memory_space<vmem_shared>> -> memref<650240xf32, #tpu.memory_space<vmem_shared>>
    tpu.wait_indirect_dma semaphore(%arg16 : memref<!tpu.dma_semaphore, #tpu.memory_space<semaphore_mem>>) src(%arg10 : memref<128xf32, #tpu.memory_space<vmem>>) dst(%dma_wait3A_1436 : memref<650240xf32, #tpu.memory_space<vmem_shared>>)
    %dma_wait3A_1437 = arith.constant 69 : i32
    %dma_wait3A_1438 = arith.constant 0 : i32
    %dma_wait3A_1439 = tpu.memref_slice %arg9[%dma_wait3A_1437, %dma_wait3A_1438] : memref<80x128xi32, #tpu.memory_space<vmem>> -> memref<1x128xi32, #tpu.memory_space<vmem>>
    %dma_wait3A_1440 = tpu.memref_squeeze %dma_wait3A_1439 : memref<1x128xi32, #tpu.memory_space<vmem>> -> memref<128xi32, #tpu.memory_space<vmem>>
    %dma_wait3A_1441 = arith.constant 0 : i32
    %dma_wait3A_1442 = tpu.memref_slice %arg13[%dma_wait3A_1441] : memref<650240xf32, #tpu.memory_space<vmem_shared>> -> memref<650240xf32, #tpu.memory_space<vmem_shared>>
    tpu.wait_indirect_dma semaphore(%arg16 : memref<!tpu.dma_semaphore, #tpu.memory_space<semaphore_mem>>) src(%arg10 : memref<128xf32, #tpu.memory_space<vmem>>) dst(%dma_wait3A_1442 : memref<650240xf32, #tpu.memory_space<vmem_shared>>)
    %dma_wait3A_1443 = arith.constant 70 : i32
    %dma_wait3A_1444 = arith.constant 0 : i32
    %dma_wait3A_1445 = tpu.memref_slice %arg9[%dma_wait3A_1443, %dma_wait3A_1444] : memref<80x128xi32, #tpu.memory_space<vmem>> -> memref<1x128xi32, #tpu.memory_space<vmem>>
    %dma_wait3A_1446 = tpu.memref_squeeze %dma_wait3A_1445 : memref<1x128xi32, #tpu.memory_space<vmem>> -> memref<128xi32, #tpu.memory_space<vmem>>
    %dma_wait3A_1447 = arith.constant 0 : i32
    %dma_wait3A_1448 = tpu.memref_slice %arg13[%dma_wait3A_1447] : memref<650240xf32, #tpu.memory_space<vmem_shared>> -> memref<650240xf32, #tpu.memory_space<vmem_shared>>
    tpu.wait_indirect_dma semaphore(%arg16 : memref<!tpu.dma_semaphore, #tpu.memory_space<semaphore_mem>>) src(%arg10 : memref<128xf32, #tpu.memory_space<vmem>>) dst(%dma_wait3A_1448 : memref<650240xf32, #tpu.memory_space<vmem_shared>>)
    %dma_wait3A_1449 = arith.constant 71 : i32
    %dma_wait3A_1450 = arith.constant 0 : i32
    %dma_wait3A_1451 = tpu.memref_slice %arg9[%dma_wait3A_1449, %dma_wait3A_1450] : memref<80x128xi32, #tpu.memory_space<vmem>> -> memref<1x128xi32, #tpu.memory_space<vmem>>
    %dma_wait3A_1452 = tpu.memref_squeeze %dma_wait3A_1451 : memref<1x128xi32, #tpu.memory_space<vmem>> -> memref<128xi32, #tpu.memory_space<vmem>>
    %dma_wait3A_1453 = arith.constant 0 : i32
    %dma_wait3A_1454 = tpu.memref_slice %arg13[%dma_wait3A_1453] : memref<650240xf32, #tpu.memory_space<vmem_shared>> -> memref<650240xf32, #tpu.memory_space<vmem_shared>>
    tpu.wait_indirect_dma semaphore(%arg16 : memref<!tpu.dma_semaphore, #tpu.memory_space<semaphore_mem>>) src(%arg10 : memref<128xf32, #tpu.memory_space<vmem>>) dst(%dma_wait3A_1454 : memref<650240xf32, #tpu.memory_space<vmem_shared>>)
    %dma_wait3A_1455 = arith.constant 72 : i32
    %dma_wait3A_1456 = arith.constant 0 : i32
    %dma_wait3A_1457 = tpu.memref_slice %arg9[%dma_wait3A_1455, %dma_wait3A_1456] : memref<80x128xi32, #tpu.memory_space<vmem>> -> memref<1x128xi32, #tpu.memory_space<vmem>>
    %dma_wait3A_1458 = tpu.memref_squeeze %dma_wait3A_1457 : memref<1x128xi32, #tpu.memory_space<vmem>> -> memref<128xi32, #tpu.memory_space<vmem>>
    %dma_wait3A_1459 = arith.constant 0 : i32
    %dma_wait3A_1460 = tpu.memref_slice %arg13[%dma_wait3A_1459] : memref<650240xf32, #tpu.memory_space<vmem_shared>> -> memref<650240xf32, #tpu.memory_space<vmem_shared>>
    tpu.wait_indirect_dma semaphore(%arg16 : memref<!tpu.dma_semaphore, #tpu.memory_space<semaphore_mem>>) src(%arg10 : memref<128xf32, #tpu.memory_space<vmem>>) dst(%dma_wait3A_1460 : memref<650240xf32, #tpu.memory_space<vmem_shared>>)
    %dma_wait3A_1461 = arith.constant 73 : i32
    %dma_wait3A_1462 = arith.constant 0 : i32
    %dma_wait3A_1463 = tpu.memref_slice %arg9[%dma_wait3A_1461, %dma_wait3A_1462] : memref<80x128xi32, #tpu.memory_space<vmem>> -> memref<1x128xi32, #tpu.memory_space<vmem>>
    %dma_wait3A_1464 = tpu.memref_squeeze %dma_wait3A_1463 : memref<1x128xi32, #tpu.memory_space<vmem>> -> memref<128xi32, #tpu.memory_space<vmem>>
    %dma_wait3A_1465 = arith.constant 0 : i32
    %dma_wait3A_1466 = tpu.memref_slice %arg13[%dma_wait3A_1465] : memref<650240xf32, #tpu.memory_space<vmem_shared>> -> memref<650240xf32, #tpu.memory_space<vmem_shared>>
    tpu.wait_indirect_dma semaphore(%arg16 : memref<!tpu.dma_semaphore, #tpu.memory_space<semaphore_mem>>) src(%arg10 : memref<128xf32, #tpu.memory_space<vmem>>) dst(%dma_wait3A_1466 : memref<650240xf32, #tpu.memory_space<vmem_shared>>)
    %dma_wait3A_1467 = arith.constant 74 : i32
    %dma_wait3A_1468 = arith.constant 0 : i32
    %dma_wait3A_1469 = tpu.memref_slice %arg9[%dma_wait3A_1467, %dma_wait3A_1468] : memref<80x128xi32, #tpu.memory_space<vmem>> -> memref<1x128xi32, #tpu.memory_space<vmem>>
    %dma_wait3A_1470 = tpu.memref_squeeze %dma_wait3A_1469 : memref<1x128xi32, #tpu.memory_space<vmem>> -> memref<128xi32, #tpu.memory_space<vmem>>
    %dma_wait3A_1471 = arith.constant 0 : i32
    %dma_wait3A_1472 = tpu.memref_slice %arg13[%dma_wait3A_1471] : memref<650240xf32, #tpu.memory_space<vmem_shared>> -> memref<650240xf32, #tpu.memory_space<vmem_shared>>
    tpu.wait_indirect_dma semaphore(%arg16 : memref<!tpu.dma_semaphore, #tpu.memory_space<semaphore_mem>>) src(%arg10 : memref<128xf32, #tpu.memory_space<vmem>>) dst(%dma_wait3A_1472 : memref<650240xf32, #tpu.memory_space<vmem_shared>>)
    %dma_wait3A_1473 = arith.constant 75 : i32
    %dma_wait3A_1474 = arith.constant 0 : i32
    %dma_wait3A_1475 = tpu.memref_slice %arg9[%dma_wait3A_1473, %dma_wait3A_1474] : memref<80x128xi32, #tpu.memory_space<vmem>> -> memref<1x128xi32, #tpu.memory_space<vmem>>
    %dma_wait3A_1476 = tpu.memref_squeeze %dma_wait3A_1475 : memref<1x128xi32, #tpu.memory_space<vmem>> -> memref<128xi32, #tpu.memory_space<vmem>>
    %dma_wait3A_1477 = arith.constant 0 : i32
    %dma_wait3A_1478 = tpu.memref_slice %arg13[%dma_wait3A_1477] : memref<650240xf32, #tpu.memory_space<vmem_shared>> -> memref<650240xf32, #tpu.memory_space<vmem_shared>>
    tpu.wait_indirect_dma semaphore(%arg16 : memref<!tpu.dma_semaphore, #tpu.memory_space<semaphore_mem>>) src(%arg10 : memref<128xf32, #tpu.memory_space<vmem>>) dst(%dma_wait3A_1478 : memref<650240xf32, #tpu.memory_space<vmem_shared>>)
    %dma_wait3A_1479 = arith.constant 76 : i32
    %dma_wait3A_1480 = arith.constant 0 : i32
    %dma_wait3A_1481 = tpu.memref_slice %arg9[%dma_wait3A_1479, %dma_wait3A_1480] : memref<80x128xi32, #tpu.memory_space<vmem>> -> memref<1x128xi32, #tpu.memory_space<vmem>>
    %dma_wait3A_1482 = tpu.memref_squeeze %dma_wait3A_1481 : memref<1x128xi32, #tpu.memory_space<vmem>> -> memref<128xi32, #tpu.memory_space<vmem>>
    %dma_wait3A_1483 = arith.constant 0 : i32
    %dma_wait3A_1484 = tpu.memref_slice %arg13[%dma_wait3A_1483] : memref<650240xf32, #tpu.memory_space<vmem_shared>> -> memref<650240xf32, #tpu.memory_space<vmem_shared>>
    tpu.wait_indirect_dma semaphore(%arg16 : memref<!tpu.dma_semaphore, #tpu.memory_space<semaphore_mem>>) src(%arg10 : memref<128xf32, #tpu.memory_space<vmem>>) dst(%dma_wait3A_1484 : memref<650240xf32, #tpu.memory_space<vmem_shared>>)
    %dma_wait3A_1485 = arith.constant 77 : i32
    %dma_wait3A_1486 = arith.constant 0 : i32
    %dma_wait3A_1487 = tpu.memref_slice %arg9[%dma_wait3A_1485, %dma_wait3A_1486] : memref<80x128xi32, #tpu.memory_space<vmem>> -> memref<1x128xi32, #tpu.memory_space<vmem>>
    %dma_wait3A_1488 = tpu.memref_squeeze %dma_wait3A_1487 : memref<1x128xi32, #tpu.memory_space<vmem>> -> memref<128xi32, #tpu.memory_space<vmem>>
    %dma_wait3A_1489 = arith.constant 0 : i32
    %dma_wait3A_1490 = tpu.memref_slice %arg13[%dma_wait3A_1489] : memref<650240xf32, #tpu.memory_space<vmem_shared>> -> memref<650240xf32, #tpu.memory_space<vmem_shared>>
    tpu.wait_indirect_dma semaphore(%arg16 : memref<!tpu.dma_semaphore, #tpu.memory_space<semaphore_mem>>) src(%arg10 : memref<128xf32, #tpu.memory_space<vmem>>) dst(%dma_wait3A_1490 : memref<650240xf32, #tpu.memory_space<vmem_shared>>)
    %dma_wait3A_1491 = arith.constant 78 : i32
    %dma_wait3A_1492 = arith.constant 0 : i32
    %dma_wait3A_1493 = tpu.memref_slice %arg9[%dma_wait3A_1491, %dma_wait3A_1492] : memref<80x128xi32, #tpu.memory_space<vmem>> -> memref<1x128xi32, #tpu.memory_space<vmem>>
    %dma_wait3A_1494 = tpu.memref_squeeze %dma_wait3A_1493 : memref<1x128xi32, #tpu.memory_space<vmem>> -> memref<128xi32, #tpu.memory_space<vmem>>
    %dma_wait3A_1495 = arith.constant 0 : i32
    %dma_wait3A_1496 = tpu.memref_slice %arg13[%dma_wait3A_1495] : memref<650240xf32, #tpu.memory_space<vmem_shared>> -> memref<650240xf32, #tpu.memory_space<vmem_shared>>
    tpu.wait_indirect_dma semaphore(%arg16 : memref<!tpu.dma_semaphore, #tpu.memory_space<semaphore_mem>>) src(%arg10 : memref<128xf32, #tpu.memory_space<vmem>>) dst(%dma_wait3A_1496 : memref<650240xf32, #tpu.memory_space<vmem_shared>>)
    %dma_wait3A_1497 = arith.constant 79 : i32
    %dma_wait3A_1498 = arith.constant 0 : i32
    %dma_wait3A_1499 = tpu.memref_slice %arg9[%dma_wait3A_1497, %dma_wait3A_1498] : memref<80x128xi32, #tpu.memory_space<vmem>> -> memref<1x128xi32, #tpu.memory_space<vmem>>
    %dma_wait3A_1500 = tpu.memref_squeeze %dma_wait3A_1499 : memref<1x128xi32, #tpu.memory_space<vmem>> -> memref<128xi32, #tpu.memory_space<vmem>>
    %dma_wait3A_1501 = arith.constant 0 : i32
    %dma_wait3A_1502 = tpu.memref_slice %arg13[%dma_wait3A_1501] : memref<650240xf32, #tpu.memory_space<vmem_shared>> -> memref<650240xf32, #tpu.memory_space<vmem_shared>>
    tpu.wait_indirect_dma semaphore(%arg16 : memref<!tpu.dma_semaphore, #tpu.memory_space<semaphore_mem>>) src(%arg10 : memref<128xf32, #tpu.memory_space<vmem>>) dst(%dma_wait3A_1502 : memref<650240xf32, #tpu.memory_space<vmem_shared>>)
    "tpu.trace_stop"() : () -> ()
    %barrier3A_1503 = arith.constant 0 : index
    tpu.barrier barrier_id(%barrier3A_1503)
    "tpu.trace_start"() <{level = 10 : i32, message = "writeback"}> : () -> ()
    %mul3A_1504 = arith.constant 4 : i32
    %mul3A_1505 = arith.muli %arg1, %mul3A_1504 : i32
    %mul3A_1506 = arith.constant 10000 : i32
    %mul3A_1507 = arith.muli %mul3A_1505, %mul3A_1506 : i32
    "tpu.region"() ({
      %run_scoped3A = tpu.sem_alloc : memref<!tpu.dma_semaphore, #tpu.memory_space<semaphore_mem>>
      %dma_start3A_1574 = arith.constant 0 : i32
      %dma_start3A_1575 = tpu.memref_slice %arg11[%dma_start3A_1574] : memref<10240xf32, #tpu.memory_space<vmem>> -> memref<10000xf32, #tpu.memory_space<vmem>>
      %dma_start3A_1576 = tpu.memref_slice %arg13[%mul3A_1507] : memref<650240xf32, #tpu.memory_space<vmem_shared>> -> memref<10000xf32, #tpu.memory_space<vmem_shared>>
      %dma_start3A_1577 = arith.constant 0 : i32
      %dma_start3A_1578 = tpu.memref_slice %arg11[%dma_start3A_1577] : memref<10240xf32, #tpu.memory_space<vmem>> -> memref<10000xf32, #tpu.memory_space<vmem>>
      %dma_start3A_1579 = tpu.memref_slice %arg13[%mul3A_1507] : memref<650240xf32, #tpu.memory_space<vmem_shared>> -> memref<10000xf32, #tpu.memory_space<vmem_shared>>
      tpu.enqueue_dma source(%dma_start3A_1579 : memref<10000xf32, #tpu.memory_space<vmem_shared>>) target(%dma_start3A_1578 : memref<10000xf32, #tpu.memory_space<vmem>>) target_semaphore(%run_scoped3A : memref<!tpu.dma_semaphore, #tpu.memory_space<semaphore_mem>>)
      %dma_wait3A_1580 = arith.constant 0 : i32
      %dma_wait3A_1581 = tpu.memref_slice %arg11[%dma_wait3A_1580] : memref<10240xf32, #tpu.memory_space<vmem>> -> memref<10000xf32, #tpu.memory_space<vmem>>
      %dma_wait3A_1582 = tpu.memref_slice %arg13[%mul3A_1507] : memref<650240xf32, #tpu.memory_space<vmem_shared>> -> memref<10000xf32, #tpu.memory_space<vmem_shared>>
      %dma_wait3A_1583 = arith.constant 0 : i32
      %dma_wait3A_1584 = tpu.memref_slice %arg11[%dma_wait3A_1583] : memref<10240xf32, #tpu.memory_space<vmem>> -> memref<10000xf32, #tpu.memory_space<vmem>>
      %dma_wait3A_1585 = tpu.memref_slice %arg13[%mul3A_1507] : memref<650240xf32, #tpu.memory_space<vmem_shared>> -> memref<10000xf32, #tpu.memory_space<vmem_shared>>
      tpu.wait_dma2 semaphore(%run_scoped3A : memref<!tpu.dma_semaphore, #tpu.memory_space<semaphore_mem>>) src(%dma_wait3A_1585 : memref<10000xf32, #tpu.memory_space<vmem_shared>>) dst(%dma_wait3A_1584 : memref<10000xf32, #tpu.memory_space<vmem>>)
      tpu.yield
    }) : () -> ()
    %mul3A_1508 = arith.constant 4 : i32
    %mul3A_1509 = arith.muli %arg1, %mul3A_1508 : i32
    %add3A_1510 = arith.constant 0 : i32
    %add3A_1511 = arith.addi %mul3A_1509, %add3A_1510 : i32
    %add3A_1512 = arith.constant 1 : i32
    %add3A_1513 = arith.addi %add3A_1511, %add3A_1512 : i32
    %mul3A_1514 = arith.constant 10000 : i32
    %mul3A_1515 = arith.muli %add3A_1513, %mul3A_1514 : i32
    %dma_start3A_1516 = arith.constant 0 : i32
    %dma_start3A_1517 = tpu.memref_slice %arg12[%dma_start3A_1516] : memref<10240xf32, #tpu.memory_space<vmem>> -> memref<10000xf32, #tpu.memory_space<vmem>>
    %dma_start3A_1518 = tpu.memref_slice %arg13[%mul3A_1515] : memref<650240xf32, #tpu.memory_space<vmem_shared>> -> memref<10000xf32, #tpu.memory_space<vmem_shared>>
    %dma_start3A_1519 = arith.constant 0 : i32
    %dma_start3A_1520 = tpu.memref_slice %arg12[%dma_start3A_1519] : memref<10240xf32, #tpu.memory_space<vmem>> -> memref<10000xf32, #tpu.memory_space<vmem>>
    %dma_start3A_1521 = tpu.memref_slice %arg13[%mul3A_1515] : memref<650240xf32, #tpu.memory_space<vmem_shared>> -> memref<10000xf32, #tpu.memory_space<vmem_shared>>
    tpu.enqueue_dma source(%dma_start3A_1521 : memref<10000xf32, #tpu.memory_space<vmem_shared>>) target(%dma_start3A_1520 : memref<10000xf32, #tpu.memory_space<vmem>>) target_semaphore(%arg18 : memref<!tpu.dma_semaphore, #tpu.memory_space<semaphore_mem>>)
    "tpu.region"() ({
      %run_scoped3A = tpu.sem_alloc : memref<!tpu.dma_semaphore, #tpu.memory_space<semaphore_mem>>
      %dma_start3A_1574 = arith.constant 0 : i32
      %dma_start3A_1575 = tpu.memref_slice %arg4[%arg0, %add3A_1511, %dma_start3A_1574] : memref<2x64x10240xf32, #tpu.memory_space<hbm>> -> memref<1x1x10240xf32, #tpu.memory_space<hbm>>
      %dma_start3A_1576 = tpu.memref_squeeze %dma_start3A_1575 : memref<1x1x10240xf32, #tpu.memory_space<hbm>> -> memref<10240xf32, #tpu.memory_space<hbm>>
      %dma_start3A_1577 = arith.constant 0 : i32
      %dma_start3A_1578 = tpu.memref_slice %arg4[%arg0, %add3A_1511, %dma_start3A_1577] : memref<2x64x10240xf32, #tpu.memory_space<hbm>> -> memref<1x1x10240xf32, #tpu.memory_space<hbm>>
      %dma_start3A_1579 = tpu.memref_squeeze %dma_start3A_1578 : memref<1x1x10240xf32, #tpu.memory_space<hbm>> -> memref<10240xf32, #tpu.memory_space<hbm>>
      tpu.enqueue_dma source(%arg11 : memref<10240xf32, #tpu.memory_space<vmem>>) target(%dma_start3A_1579 : memref<10240xf32, #tpu.memory_space<hbm>>) target_semaphore(%run_scoped3A : memref<!tpu.dma_semaphore, #tpu.memory_space<semaphore_mem>>)
      %dma_wait3A_1580 = arith.constant 0 : i32
      %dma_wait3A_1581 = tpu.memref_slice %arg4[%arg0, %add3A_1511, %dma_wait3A_1580] : memref<2x64x10240xf32, #tpu.memory_space<hbm>> -> memref<1x1x10240xf32, #tpu.memory_space<hbm>>
      %dma_wait3A_1582 = tpu.memref_squeeze %dma_wait3A_1581 : memref<1x1x10240xf32, #tpu.memory_space<hbm>> -> memref<10240xf32, #tpu.memory_space<hbm>>
      %dma_wait3A_1583 = arith.constant 0 : i32
      %dma_wait3A_1584 = tpu.memref_slice %arg4[%arg0, %add3A_1511, %dma_wait3A_1583] : memref<2x64x10240xf32, #tpu.memory_space<hbm>> -> memref<1x1x10240xf32, #tpu.memory_space<hbm>>
      %dma_wait3A_1585 = tpu.memref_squeeze %dma_wait3A_1584 : memref<1x1x10240xf32, #tpu.memory_space<hbm>> -> memref<10240xf32, #tpu.memory_space<hbm>>
      tpu.wait_dma2 semaphore(%run_scoped3A : memref<!tpu.dma_semaphore, #tpu.memory_space<semaphore_mem>>) src(%arg11 : memref<10240xf32, #tpu.memory_space<vmem>>) dst(%dma_wait3A_1585 : memref<10240xf32, #tpu.memory_space<hbm>>)
      tpu.yield
    }) : () -> ()
    %dma_wait3A_1522 = arith.constant 0 : i32
    %dma_wait3A_1523 = tpu.memref_slice %arg12[%dma_wait3A_1522] : memref<10240xf32, #tpu.memory_space<vmem>> -> memref<10000xf32, #tpu.memory_space<vmem>>
    %dma_wait3A_1524 = tpu.memref_slice %arg13[%mul3A_1515] : memref<650240xf32, #tpu.memory_space<vmem_shared>> -> memref<10000xf32, #tpu.memory_space<vmem_shared>>
    %dma_wait3A_1525 = arith.constant 0 : i32
    %dma_wait3A_1526 = tpu.memref_slice %arg12[%dma_wait3A_1525] : memref<10240xf32, #tpu.memory_space<vmem>> -> memref<10000xf32, #tpu.memory_space<vmem>>
    %dma_wait3A_1527 = tpu.memref_slice %arg13[%mul3A_1515] : memref<650240xf32, #tpu.memory_space<vmem_shared>> -> memref<10000xf32, #tpu.memory_space<vmem_shared>>
    tpu.wait_dma2 semaphore(%arg18 : memref<!tpu.dma_semaphore, #tpu.memory_space<semaphore_mem>>) src(%dma_wait3A_1527 : memref<10000xf32, #tpu.memory_space<vmem_shared>>) dst(%dma_wait3A_1526 : memref<10000xf32, #tpu.memory_space<vmem>>)
    %mul3A_1528 = arith.constant 4 : i32
    %mul3A_1529 = arith.muli %arg1, %mul3A_1528 : i32
    %add3A_1530 = arith.constant 1 : i32
    %add3A_1531 = arith.addi %mul3A_1529, %add3A_1530 : i32
    %add3A_1532 = arith.constant 1 : i32
    %add3A_1533 = arith.addi %add3A_1531, %add3A_1532 : i32
    %mul3A_1534 = arith.constant 10000 : i32
    %mul3A_1535 = arith.muli %add3A_1533, %mul3A_1534 : i32
    %dma_start3A_1536 = arith.constant 0 : i32
    %dma_start3A_1537 = tpu.memref_slice %arg11[%dma_start3A_1536] : memref<10240xf32, #tpu.memory_space<vmem>> -> memref<10000xf32, #tpu.memory_space<vmem>>
    %dma_start3A_1538 = tpu.memref_slice %arg13[%mul3A_1535] : memref<650240xf32, #tpu.memory_space<vmem_shared>> -> memref<10000xf32, #tpu.memory_space<vmem_shared>>
    %dma_start3A_1539 = arith.constant 0 : i32
    %dma_start3A_1540 = tpu.memref_slice %arg11[%dma_start3A_1539] : memref<10240xf32, #tpu.memory_space<vmem>> -> memref<10000xf32, #tpu.memory_space<vmem>>
    %dma_start3A_1541 = tpu.memref_slice %arg13[%mul3A_1535] : memref<650240xf32, #tpu.memory_space<vmem_shared>> -> memref<10000xf32, #tpu.memory_space<vmem_shared>>
    tpu.enqueue_dma source(%dma_start3A_1541 : memref<10000xf32, #tpu.memory_space<vmem_shared>>) target(%dma_start3A_1540 : memref<10000xf32, #tpu.memory_space<vmem>>) target_semaphore(%arg18 : memref<!tpu.dma_semaphore, #tpu.memory_space<semaphore_mem>>)
    "tpu.region"() ({
      %run_scoped3A = tpu.sem_alloc : memref<!tpu.dma_semaphore, #tpu.memory_space<semaphore_mem>>
      %dma_start3A_1574 = arith.constant 0 : i32
      %dma_start3A_1575 = tpu.memref_slice %arg4[%arg0, %add3A_1531, %dma_start3A_1574] : memref<2x64x10240xf32, #tpu.memory_space<hbm>> -> memref<1x1x10240xf32, #tpu.memory_space<hbm>>
      %dma_start3A_1576 = tpu.memref_squeeze %dma_start3A_1575 : memref<1x1x10240xf32, #tpu.memory_space<hbm>> -> memref<10240xf32, #tpu.memory_space<hbm>>
      %dma_start3A_1577 = arith.constant 0 : i32
      %dma_start3A_1578 = tpu.memref_slice %arg4[%arg0, %add3A_1531, %dma_start3A_1577] : memref<2x64x10240xf32, #tpu.memory_space<hbm>> -> memref<1x1x10240xf32, #tpu.memory_space<hbm>>
      %dma_start3A_1579 = tpu.memref_squeeze %dma_start3A_1578 : memref<1x1x10240xf32, #tpu.memory_space<hbm>> -> memref<10240xf32, #tpu.memory_space<hbm>>
      tpu.enqueue_dma source(%arg12 : memref<10240xf32, #tpu.memory_space<vmem>>) target(%dma_start3A_1579 : memref<10240xf32, #tpu.memory_space<hbm>>) target_semaphore(%run_scoped3A : memref<!tpu.dma_semaphore, #tpu.memory_space<semaphore_mem>>)
      %dma_wait3A_1580 = arith.constant 0 : i32
      %dma_wait3A_1581 = tpu.memref_slice %arg4[%arg0, %add3A_1531, %dma_wait3A_1580] : memref<2x64x10240xf32, #tpu.memory_space<hbm>> -> memref<1x1x10240xf32, #tpu.memory_space<hbm>>
      %dma_wait3A_1582 = tpu.memref_squeeze %dma_wait3A_1581 : memref<1x1x10240xf32, #tpu.memory_space<hbm>> -> memref<10240xf32, #tpu.memory_space<hbm>>
      %dma_wait3A_1583 = arith.constant 0 : i32
      %dma_wait3A_1584 = tpu.memref_slice %arg4[%arg0, %add3A_1531, %dma_wait3A_1583] : memref<2x64x10240xf32, #tpu.memory_space<hbm>> -> memref<1x1x10240xf32, #tpu.memory_space<hbm>>
      %dma_wait3A_1585 = tpu.memref_squeeze %dma_wait3A_1584 : memref<1x1x10240xf32, #tpu.memory_space<hbm>> -> memref<10240xf32, #tpu.memory_space<hbm>>
      tpu.wait_dma2 semaphore(%run_scoped3A : memref<!tpu.dma_semaphore, #tpu.memory_space<semaphore_mem>>) src(%arg12 : memref<10240xf32, #tpu.memory_space<vmem>>) dst(%dma_wait3A_1585 : memref<10240xf32, #tpu.memory_space<hbm>>)
      tpu.yield
    }) : () -> ()
    %dma_wait3A_1542 = arith.constant 0 : i32
    %dma_wait3A_1543 = tpu.memref_slice %arg11[%dma_wait3A_1542] : memref<10240xf32, #tpu.memory_space<vmem>> -> memref<10000xf32, #tpu.memory_space<vmem>>
    %dma_wait3A_1544 = tpu.memref_slice %arg13[%mul3A_1535] : memref<650240xf32, #tpu.memory_space<vmem_shared>> -> memref<10000xf32, #tpu.memory_space<vmem_shared>>
    %dma_wait3A_1545 = arith.constant 0 : i32
    %dma_wait3A_1546 = tpu.memref_slice %arg11[%dma_wait3A_1545] : memref<10240xf32, #tpu.memory_space<vmem>> -> memref<10000xf32, #tpu.memory_space<vmem>>
    %dma_wait3A_1547 = tpu.memref_slice %arg13[%mul3A_1535] : memref<650240xf32, #tpu.memory_space<vmem_shared>> -> memref<10000xf32, #tpu.memory_space<vmem_shared>>
    tpu.wait_dma2 semaphore(%arg18 : memref<!tpu.dma_semaphore, #tpu.memory_space<semaphore_mem>>) src(%dma_wait3A_1547 : memref<10000xf32, #tpu.memory_space<vmem_shared>>) dst(%dma_wait3A_1546 : memref<10000xf32, #tpu.memory_space<vmem>>)
    %mul3A_1548 = arith.constant 4 : i32
    %mul3A_1549 = arith.muli %arg1, %mul3A_1548 : i32
    %add3A_1550 = arith.constant 2 : i32
    %add3A_1551 = arith.addi %mul3A_1549, %add3A_1550 : i32
    %add3A_1552 = arith.constant 1 : i32
    %add3A_1553 = arith.addi %add3A_1551, %add3A_1552 : i32
    %mul3A_1554 = arith.constant 10000 : i32
    %mul3A_1555 = arith.muli %add3A_1553, %mul3A_1554 : i32
    %dma_start3A_1556 = arith.constant 0 : i32
    %dma_start3A_1557 = tpu.memref_slice %arg12[%dma_start3A_1556] : memref<10240xf32, #tpu.memory_space<vmem>> -> memref<10000xf32, #tpu.memory_space<vmem>>
    %dma_start3A_1558 = tpu.memref_slice %arg13[%mul3A_1555] : memref<650240xf32, #tpu.memory_space<vmem_shared>> -> memref<10000xf32, #tpu.memory_space<vmem_shared>>
    %dma_start3A_1559 = arith.constant 0 : i32
    %dma_start3A_1560 = tpu.memref_slice %arg12[%dma_start3A_1559] : memref<10240xf32, #tpu.memory_space<vmem>> -> memref<10000xf32, #tpu.memory_space<vmem>>
    %dma_start3A_1561 = tpu.memref_slice %arg13[%mul3A_1555] : memref<650240xf32, #tpu.memory_space<vmem_shared>> -> memref<10000xf32, #tpu.memory_space<vmem_shared>>
    tpu.enqueue_dma source(%dma_start3A_1561 : memref<10000xf32, #tpu.memory_space<vmem_shared>>) target(%dma_start3A_1560 : memref<10000xf32, #tpu.memory_space<vmem>>) target_semaphore(%arg18 : memref<!tpu.dma_semaphore, #tpu.memory_space<semaphore_mem>>)
    "tpu.region"() ({
      %run_scoped3A = tpu.sem_alloc : memref<!tpu.dma_semaphore, #tpu.memory_space<semaphore_mem>>
      %dma_start3A_1574 = arith.constant 0 : i32
      %dma_start3A_1575 = tpu.memref_slice %arg4[%arg0, %add3A_1551, %dma_start3A_1574] : memref<2x64x10240xf32, #tpu.memory_space<hbm>> -> memref<1x1x10240xf32, #tpu.memory_space<hbm>>
      %dma_start3A_1576 = tpu.memref_squeeze %dma_start3A_1575 : memref<1x1x10240xf32, #tpu.memory_space<hbm>> -> memref<10240xf32, #tpu.memory_space<hbm>>
      %dma_start3A_1577 = arith.constant 0 : i32
      %dma_start3A_1578 = tpu.memref_slice %arg4[%arg0, %add3A_1551, %dma_start3A_1577] : memref<2x64x10240xf32, #tpu.memory_space<hbm>> -> memref<1x1x10240xf32, #tpu.memory_space<hbm>>
      %dma_start3A_1579 = tpu.memref_squeeze %dma_start3A_1578 : memref<1x1x10240xf32, #tpu.memory_space<hbm>> -> memref<10240xf32, #tpu.memory_space<hbm>>
      tpu.enqueue_dma source(%arg11 : memref<10240xf32, #tpu.memory_space<vmem>>) target(%dma_start3A_1579 : memref<10240xf32, #tpu.memory_space<hbm>>) target_semaphore(%run_scoped3A : memref<!tpu.dma_semaphore, #tpu.memory_space<semaphore_mem>>)
      %dma_wait3A_1580 = arith.constant 0 : i32
      %dma_wait3A_1581 = tpu.memref_slice %arg4[%arg0, %add3A_1551, %dma_wait3A_1580] : memref<2x64x10240xf32, #tpu.memory_space<hbm>> -> memref<1x1x10240xf32, #tpu.memory_space<hbm>>
      %dma_wait3A_1582 = tpu.memref_squeeze %dma_wait3A_1581 : memref<1x1x10240xf32, #tpu.memory_space<hbm>> -> memref<10240xf32, #tpu.memory_space<hbm>>
      %dma_wait3A_1583 = arith.constant 0 : i32
      %dma_wait3A_1584 = tpu.memref_slice %arg4[%arg0, %add3A_1551, %dma_wait3A_1583] : memref<2x64x10240xf32, #tpu.memory_space<hbm>> -> memref<1x1x10240xf32, #tpu.memory_space<hbm>>
      %dma_wait3A_1585 = tpu.memref_squeeze %dma_wait3A_1584 : memref<1x1x10240xf32, #tpu.memory_space<hbm>> -> memref<10240xf32, #tpu.memory_space<hbm>>
      tpu.wait_dma2 semaphore(%run_scoped3A : memref<!tpu.dma_semaphore, #tpu.memory_space<semaphore_mem>>) src(%arg11 : memref<10240xf32, #tpu.memory_space<vmem>>) dst(%dma_wait3A_1585 : memref<10240xf32, #tpu.memory_space<hbm>>)
      tpu.yield
    }) : () -> ()
    %dma_wait3A_1562 = arith.constant 0 : i32
    %dma_wait3A_1563 = tpu.memref_slice %arg12[%dma_wait3A_1562] : memref<10240xf32, #tpu.memory_space<vmem>> -> memref<10000xf32, #tpu.memory_space<vmem>>
    %dma_wait3A_1564 = tpu.memref_slice %arg13[%mul3A_1555] : memref<650240xf32, #tpu.memory_space<vmem_shared>> -> memref<10000xf32, #tpu.memory_space<vmem_shared>>
    %dma_wait3A_1565 = arith.constant 0 : i32
    %dma_wait3A_1566 = tpu.memref_slice %arg12[%dma_wait3A_1565] : memref<10240xf32, #tpu.memory_space<vmem>> -> memref<10000xf32, #tpu.memory_space<vmem>>
    %dma_wait3A_1567 = tpu.memref_slice %arg13[%mul3A_1555] : memref<650240xf32, #tpu.memory_space<vmem_shared>> -> memref<10000xf32, #tpu.memory_space<vmem_shared>>
    tpu.wait_dma2 semaphore(%arg18 : memref<!tpu.dma_semaphore, #tpu.memory_space<semaphore_mem>>) src(%dma_wait3A_1567 : memref<10000xf32, #tpu.memory_space<vmem_shared>>) dst(%dma_wait3A_1566 : memref<10000xf32, #tpu.memory_space<vmem>>)
    %mul3A_1568 = arith.constant 4 : i32
    %mul3A_1569 = arith.muli %arg1, %mul3A_1568 : i32
    %add3A_1570 = arith.constant 3 : i32
    %add3A_1571 = arith.addi %mul3A_1569, %add3A_1570 : i32
    "tpu.region"() ({
      %run_scoped3A = tpu.sem_alloc : memref<!tpu.dma_semaphore, #tpu.memory_space<semaphore_mem>>
      %dma_start3A_1574 = arith.constant 0 : i32
      %dma_start3A_1575 = tpu.memref_slice %arg4[%arg0, %add3A_1571, %dma_start3A_1574] : memref<2x64x10240xf32, #tpu.memory_space<hbm>> -> memref<1x1x10240xf32, #tpu.memory_space<hbm>>
      %dma_start3A_1576 = tpu.memref_squeeze %dma_start3A_1575 : memref<1x1x10240xf32, #tpu.memory_space<hbm>> -> memref<10240xf32, #tpu.memory_space<hbm>>
      %dma_start3A_1577 = arith.constant 0 : i32
      %dma_start3A_1578 = tpu.memref_slice %arg4[%arg0, %add3A_1571, %dma_start3A_1577] : memref<2x64x10240xf32, #tpu.memory_space<hbm>> -> memref<1x1x10240xf32, #tpu.memory_space<hbm>>
      %dma_start3A_1579 = tpu.memref_squeeze %dma_start3A_1578 : memref<1x1x10240xf32, #tpu.memory_space<hbm>> -> memref<10240xf32, #tpu.memory_space<hbm>>
      tpu.enqueue_dma source(%arg12 : memref<10240xf32, #tpu.memory_space<vmem>>) target(%dma_start3A_1579 : memref<10240xf32, #tpu.memory_space<hbm>>) target_semaphore(%run_scoped3A : memref<!tpu.dma_semaphore, #tpu.memory_space<semaphore_mem>>)
      %dma_wait3A_1580 = arith.constant 0 : i32
      %dma_wait3A_1581 = tpu.memref_slice %arg4[%arg0, %add3A_1571, %dma_wait3A_1580] : memref<2x64x10240xf32, #tpu.memory_space<hbm>> -> memref<1x1x10240xf32, #tpu.memory_space<hbm>>
      %dma_wait3A_1582 = tpu.memref_squeeze %dma_wait3A_1581 : memref<1x1x10240xf32, #tpu.memory_space<hbm>> -> memref<10240xf32, #tpu.memory_space<hbm>>
      %dma_wait3A_1583 = arith.constant 0 : i32
      %dma_wait3A_1584 = tpu.memref_slice %arg4[%arg0, %add3A_1571, %dma_wait3A_1583] : memref<2x64x10240xf32, #tpu.memory_space<hbm>> -> memref<1x1x10240xf32, #tpu.memory_space<hbm>>
      %dma_wait3A_1585 = tpu.memref_squeeze %dma_wait3A_1584 : memref<1x1x10240xf32, #tpu.memory_space<hbm>> -> memref<10240xf32, #tpu.memory_space<hbm>>
      tpu.wait_dma2 semaphore(%run_scoped3A : memref<!tpu.dma_semaphore, #tpu.memory_space<semaphore_mem>>) src(%arg12 : memref<10240xf32, #tpu.memory_space<vmem>>) dst(%dma_wait3A_1585 : memref<10240xf32, #tpu.memory_space<hbm>>)
      tpu.yield
    }) : () -> ()
    %eq3A = arith.constant 0 : i32
    %eq3A_1572 = arith.cmpi eq, %arg1, %eq3A : i32
    %convert_element_type3A = arith.extui %eq3A_1572 : i1 to i32
    %cond3A = arith.constant 0 : i32
    %cond3A_1573 = arith.cmpi ne, %convert_element_type3A, %cond3A : i32
    scf.if %cond3A_1573 {
      "tpu.region"() ({
        %run_scoped3A = tpu.sem_alloc : memref<!tpu.dma_semaphore, #tpu.memory_space<semaphore_mem>>
        %dma_start3A_1574 = arith.constant 640000 : i32
        %dma_start3A_1575 = tpu.memref_slice %arg13[%dma_start3A_1574] : memref<650240xf32, #tpu.memory_space<vmem_shared>> -> memref<10240xf32, #tpu.memory_space<vmem_shared>>
        %dma_start3A_1576 = arith.constant 640000 : i32
        %dma_start3A_1577 = tpu.memref_slice %arg13[%dma_start3A_1576] : memref<650240xf32, #tpu.memory_space<vmem_shared>> -> memref<10240xf32, #tpu.memory_space<vmem_shared>>
        tpu.enqueue_dma source(%dma_start3A_1577 : memref<10240xf32, #tpu.memory_space<vmem_shared>>) target(%arg11 : memref<10240xf32, #tpu.memory_space<vmem>>) target_semaphore(%run_scoped3A : memref<!tpu.dma_semaphore, #tpu.memory_space<semaphore_mem>>)
        %dma_wait3A_1578 = arith.constant 640000 : i32
        %dma_wait3A_1579 = tpu.memref_slice %arg13[%dma_wait3A_1578] : memref<650240xf32, #tpu.memory_space<vmem_shared>> -> memref<10240xf32, #tpu.memory_space<vmem_shared>>
        %dma_wait3A_1580 = arith.constant 640000 : i32
        %dma_wait3A_1581 = tpu.memref_slice %arg13[%dma_wait3A_1580] : memref<650240xf32, #tpu.memory_space<vmem_shared>> -> memref<10240xf32, #tpu.memory_space<vmem_shared>>
        tpu.wait_dma2 semaphore(%run_scoped3A : memref<!tpu.dma_semaphore, #tpu.memory_space<semaphore_mem>>) src(%dma_wait3A_1581 : memref<10240xf32, #tpu.memory_space<vmem_shared>>) dst(%arg11 : memref<10240xf32, #tpu.memory_space<vmem>>)
        tpu.yield
      }) : () -> ()
      "tpu.region"() ({
        %run_scoped3A = tpu.sem_alloc : memref<!tpu.dma_semaphore, #tpu.memory_space<semaphore_mem>>
        %dma_start3A_1574 = arith.constant 0 : i32
        %dma_start3A_1575 = tpu.memref_slice %arg5[%arg0, %dma_start3A_1574] : memref<2x10240xf32, #tpu.memory_space<hbm>> -> memref<1x10240xf32, #tpu.memory_space<hbm>>
        %dma_start3A_1576 = tpu.memref_squeeze %dma_start3A_1575 : memref<1x10240xf32, #tpu.memory_space<hbm>> -> memref<10240xf32, #tpu.memory_space<hbm>>
        %dma_start3A_1577 = arith.constant 0 : i32
        %dma_start3A_1578 = tpu.memref_slice %arg5[%arg0, %dma_start3A_1577] : memref<2x10240xf32, #tpu.memory_space<hbm>> -> memref<1x10240xf32, #tpu.memory_space<hbm>>
        %dma_start3A_1579 = tpu.memref_squeeze %dma_start3A_1578 : memref<1x10240xf32, #tpu.memory_space<hbm>> -> memref<10240xf32, #tpu.memory_space<hbm>>
        tpu.enqueue_dma source(%arg11 : memref<10240xf32, #tpu.memory_space<vmem>>) target(%dma_start3A_1579 : memref<10240xf32, #tpu.memory_space<hbm>>) target_semaphore(%run_scoped3A : memref<!tpu.dma_semaphore, #tpu.memory_space<semaphore_mem>>)
        %dma_wait3A_1580 = arith.constant 0 : i32
        %dma_wait3A_1581 = tpu.memref_slice %arg5[%arg0, %dma_wait3A_1580] : memref<2x10240xf32, #tpu.memory_space<hbm>> -> memref<1x10240xf32, #tpu.memory_space<hbm>>
        %dma_wait3A_1582 = tpu.memref_squeeze %dma_wait3A_1581 : memref<1x10240xf32, #tpu.memory_space<hbm>> -> memref<10240xf32, #tpu.memory_space<hbm>>
        %dma_wait3A_1583 = arith.constant 0 : i32
        %dma_wait3A_1584 = tpu.memref_slice %arg5[%arg0, %dma_wait3A_1583] : memref<2x10240xf32, #tpu.memory_space<hbm>> -> memref<1x10240xf32, #tpu.memory_space<hbm>>
        %dma_wait3A_1585 = tpu.memref_squeeze %dma_wait3A_1584 : memref<1x10240xf32, #tpu.memory_space<hbm>> -> memref<10240xf32, #tpu.memory_space<hbm>>
        tpu.wait_dma2 semaphore(%run_scoped3A : memref<!tpu.dma_semaphore, #tpu.memory_space<semaphore_mem>>) src(%arg11 : memref<10240xf32, #tpu.memory_space<vmem>>) dst(%dma_wait3A_1585 : memref<10240xf32, #tpu.memory_space<hbm>>)
        tpu.yield
      }) : () -> ()
    } else {
    }
    "tpu.trace_stop"() : () -> ()
    return
  }
}

module attributes {stable_mosaic.version = 14 : i64} {
  func.func @body(%arg0: memref<2x64x10240xf32, #tpu.memory_space<vmem>>, %arg1: memref<2x10240xf32, #tpu.memory_space<vmem>>, %arg2: memref<1x10000xi32, #tpu.memory_space<vmem>>, %arg3: memref<10000x128xf32, #tpu.memory_space<vmem>>, %arg4: memref<128x256xf32, #tpu.memory_space<vmem>>, %arg5: memref<1x128xf32, #tpu.memory_space<vmem>>, %arg6: memref<128x128xf32, #tpu.memory_space<vmem>>, %arg7: memref<1x128xf32, #tpu.memory_space<vmem>>, %arg8: memref<64x128xf32, #tpu.memory_space<vmem>>) attributes {dimension_semantics = [], scalar_prefetch = 0 : i64, scratch_operands = 0 : i64, tpu.core_type = #tpu.core_type<tc>} {
    %get3A = arith.constant 0 : index
    %get3A_0 = arith.constant 0 : index
    %get3A_1 = arith.constant 0 : index
    %get3A_2 = vector.load %arg0[%get3A, %get3A_0, %get3A_1] : memref<2x64x10240xf32, #tpu.memory_space<vmem>>, vector<1x64x10000xf32>
    %get3A_3 = vector.shape_cast %get3A_2 : vector<1x64x10000xf32> to vector<64x10000xf32>
    %get3A_4 = arith.constant 1 : index
    %get3A_5 = arith.constant 0 : index
    %get3A_6 = arith.constant 0 : index
    %get3A_7 = vector.load %arg0[%get3A_4, %get3A_5, %get3A_6] : memref<2x64x10240xf32, #tpu.memory_space<vmem>>, vector<1x64x10000xf32>
    %get3A_8 = vector.shape_cast %get3A_7 : vector<1x64x10000xf32> to vector<64x10000xf32>
    %add3A = arith.addf %get3A_3, %get3A_8 : vector<64x10000xf32>
    %get3A_9 = arith.constant 0 : index
    %get3A_10 = arith.constant 0 : index
    %get3A_11 = vector.load %arg1[%get3A_9, %get3A_10] : memref<2x10240xf32, #tpu.memory_space<vmem>>, vector<1x10000xf32>
    %get3A_12 = arith.constant 1 : index
    %get3A_13 = arith.constant 0 : index
    %get3A_14 = vector.load %arg1[%get3A_12, %get3A_13] : memref<2x10240xf32, #tpu.memory_space<vmem>>, vector<1x10000xf32>
    %add3A_15 = arith.addf %get3A_11, %get3A_14 : vector<1x10000xf32>
    %iota3A = tpu.iota {dimensions = array<i32: 0>} : vector<64x10000xi32>
    %get3A_16 = arith.constant 0 : index
    %get3A_17 = arith.constant 0 : index
    %get3A_18 = vector.load %arg2[%get3A_16, %get3A_17] : memref<1x10000xi32, #tpu.memory_space<vmem>>, vector<1x10000xi32>
    %eq3A = vector.broadcast %get3A_18 : vector<1x10000xi32> to vector<64x10000xi32>
    %eq3A_19 = arith.cmpi eq, %iota3A, %eq3A : vector<64x10000xi32>
    %jit3A = arith.constant 1.000000e+00 : f32
    %jit3A_20 = arith.constant 0.000000e+00 : f32
    %broadcast_in_dim3A = vector.broadcast %jit3A : f32 to vector<64x10000xf32>
    %broadcast_in_dim3A_21 = vector.broadcast %jit3A_20 : f32 to vector<64x10000xf32>
    %select_n3A = arith.select %eq3A_19, %broadcast_in_dim3A, %broadcast_in_dim3A_21 : vector<64x10000xi1>, vector<64x10000xf32>
    %mul3A = vector.broadcast %add3A_15 : vector<1x10000xf32> to vector<64x10000xf32>
    %mul3A_22 = arith.mulf %select_n3A, %mul3A : vector<64x10000xf32>
    %concatenate3A = tpu.concatenate %mul3A_22, %add3A in 0 : vector<64x10000xf32>, vector<64x10000xf32> -> vector<128x10000xf32>
    %get3A_23 = arith.constant 0 : index
    %get3A_24 = arith.constant 0 : index
    %get3A_25 = vector.load %arg3[%get3A_23, %get3A_24] : memref<10000x128xf32, #tpu.memory_space<vmem>>, vector<10000x128xf32>
    %dot_general3A = arith.constant dense<0.000000e+00> : vector<128x128xf32>
    %dot_general3A_26 = tpu.matmul %concatenate3A, %get3A_25, %dot_general3A {dimension_numbers = #tpu.dot_dimension_numbers<[1], [0], [0], [1], [0, 0, 1, 1], [], []>, transpose_lhs_hint = false} : vector<128x10000xf32>, vector<10000x128xf32>, vector<128x128xf32> -> vector<128x128xf32>
    %reduce_sum3A = arith.constant dense<0.000000e+00> : vector<64xf32>
    %reduce_sum3A_27 = vector.multi_reduction <add>, %add3A, %reduce_sum3A [1] : vector<64x10000xf32> to vector<64xf32>
    %broadcast_in_dim3A_28 = vector.shape_cast %reduce_sum3A_27 : vector<64xf32> to vector<64x1xf32>
    %slice3A = vector.extract_strided_slice %dot_general3A_26 {offsets = [0, 0], sizes = [64, 128], strides = [1, 1]} : vector<128x128xf32> to vector<64x128xf32>
    %slice3A_29 = vector.extract_strided_slice %dot_general3A_26 {offsets = [64, 0], sizes = [64, 128], strides = [1, 1]} : vector<128x128xf32> to vector<64x128xf32>
    %concatenate3A_30 = tpu.concatenate %slice3A, %slice3A_29 in 1 : vector<64x128xf32>, vector<64x128xf32> -> vector<64x256xf32>
    %get3A_31 = arith.constant 0 : index
    %get3A_32 = arith.constant 0 : index
    %get3A_33 = vector.load %arg4[%get3A_31, %get3A_32] : memref<128x256xf32, #tpu.memory_space<vmem>>, vector<128x256xf32>
    %dot_general3A_34 = arith.constant dense<0.000000e+00> : vector<64x128xf32>
    %dot_general3A_35 = tpu.matmul %concatenate3A_30, %get3A_33, %dot_general3A_34 {dimension_numbers = #tpu.dot_dimension_numbers<[1], [1], [0], [0], [0, 0, 1, 0], [], []>, transpose_lhs_hint = false} : vector<64x256xf32>, vector<128x256xf32>, vector<64x128xf32> -> vector<64x128xf32>
    %get3A_36 = arith.constant 0 : index
    %get3A_37 = arith.constant 0 : index
    %get3A_38 = vector.load %arg5[%get3A_36, %get3A_37] : memref<1x128xf32, #tpu.memory_space<vmem>>, vector<1x128xf32>
    %mul3A_39 = vector.broadcast %broadcast_in_dim3A_28 : vector<64x1xf32> to vector<64x128xf32>
    %mul3A_40 = vector.broadcast %get3A_38 : vector<1x128xf32> to vector<64x128xf32>
    %mul3A_41 = arith.mulf %mul3A_39, %mul3A_40 : vector<64x128xf32>
    %add3A_42 = arith.addf %dot_general3A_35, %mul3A_41 : vector<64x128xf32>
    %get3A_43 = arith.constant 0 : index
    %get3A_44 = arith.constant 0 : index
    %get3A_45 = vector.load %arg6[%get3A_43, %get3A_44] : memref<128x128xf32, #tpu.memory_space<vmem>>, vector<128x128xf32>
    %dot_general3A_46 = arith.constant dense<0.000000e+00> : vector<64x128xf32>
    %dot_general3A_47 = tpu.matmul %add3A_42, %get3A_45, %dot_general3A_46 {dimension_numbers = #tpu.dot_dimension_numbers<[1], [1], [0], [0], [0, 0, 1, 0], [], []>, transpose_lhs_hint = false} : vector<64x128xf32>, vector<128x128xf32>, vector<64x128xf32> -> vector<64x128xf32>
    %get3A_48 = arith.constant 0 : index
    %get3A_49 = arith.constant 0 : index
    %get3A_50 = vector.load %arg7[%get3A_48, %get3A_49] : memref<1x128xf32, #tpu.memory_space<vmem>>, vector<1x128xf32>
    %add3A_51 = vector.broadcast %get3A_50 : vector<1x128xf32> to vector<64x128xf32>
    %add3A_52 = arith.addf %dot_general3A_47, %add3A_51 : vector<64x128xf32>
    %swap3A = arith.constant 0 : index
    %swap3A_53 = arith.constant 0 : index
    %swap3A_54 = vector.load %arg8[%swap3A, %swap3A_53] : memref<64x128xf32, #tpu.memory_space<vmem>>, vector<64x128xf32>
    tpu.vector_store %arg8[%swap3A, %swap3A_53], %add3A_52 {strides = array<i32>} : memref<64x128xf32, #tpu.memory_space<vmem>>, vector<64x128xf32>,
    return
  }
}

</mosaic_0001>

<sc_bundles>
// kernel: kernel.4.cloned.1.call-start
scs
__scs_entry_jumppad:
0x0: {  	(pc) =	sbr.rel $0x88, $3  }
0x1: {  	(tag) =	ssettag $0x0;
	lr =	simm.s32 $0x1  }
0x2: {  	[smem:$0x3F9A] =	sst lr;
	_ =	strace $0xD0000000  }
0x3: {  	_ = 	snop  }
0x4: {  	_ = 	snop  }
0x5: {  	_ = 	snop  }
0x6: {  	_ = 	snop  }
0x7: {  	_ = 	snop  }
__scs_overlays_trampoline_lowered:
0x8: {  	[smem:$0x3FA9] =	sst s0  }
0x9: {  	[smem:$0x3FAA] =	sst s1  }
0xa: {  	[smem:$0x3FAB] =	sst s2  }
0xb: {  	[smem:$0x3FAC] =	sst s3  }
0xc: {  	[smem:$0x3FAD] =	sst s4  }
0xd: {  	[smem:$0x3FAE] =	sst s5  }
0xe: {  	[smem:$0x3FAF] =	sst s6  }
0xf: {  	[smem:$0x3FB0] =	sst s7  }
0x10: {  	[smem:$0x3FB1] =	sst s8  }
0x11: {  	[smem:$0x3FB2] =	sst s9;
	s0 =	simm.s32 @!p0 $0x0  }
0x12: {  	s1 =	sld [smem:$0x3F98];
	s0 =	simm.s32 @p0 $0x1  }
0x13: {  	[smem:$0x3FB3] =	sst s0;
	s0 =	simm.s32 @!p1 $0x0  }
0x14: {  	s2 =	sld [smem:$0x3F97];
	s0 =	simm.s32 @p1 $0x1  }
0x15: {  	[smem:$0x3FB4] =	sst s0;
	s0 =	simm.s32 @!p2 $0x0  }
0x16: {  	s3 =	sld [smem:$0x3FDB];
	s0 =	simm.s32 @p2 $0x1  }
0x17: {  	s4 =	simm.s32 $0x1BF5;
	[smem:$0x3FB6] =	sst s0  }
0x18: {  	s0 =	sld [smem:$0x3F99];
	_ =	swait.ge [sflag:s4], $0x0  }
0x19: {  	s7 =	sld [smem:$0x3F9A]  }
0x1a: {  	s8 =	sadd.s32 $0xFFFFE003, lr  }
0x1b: {  	s9 =	sadd.s32 $0xFFFFFEF7, lr;
	s5 =	simm.s32 $0xFFFFFFFF;
	p2 =	slt.u32 s8, $0xFFFFF086  }
0x1c: {  	p1 =	slt.u32 s9, $0xF7A;
	s5 =	simm.s32 @!p2 $0x0  }
0x1d: {  	s5 =	simm.s32 @p1 $0x1;
	p0 =	seq.s32 s7, s2  }
0x1e: {  	s7 =	smul.u32 @!p0 $0xF7A, s2;
	p2 =	seq.s32 @!p0 s5, $0x0  }
0x1f: {  	s9 =	smul.u32 $0xF7A, s1;
	s8 =	simm.s32 @!p0 $0x1BF5;
	p2 =	por !p2, p0  }
0x20: {  	[sflag:s8] =	ssyncset.s32 @!p0 $0xFFFFF086;
	s6 =	sadd.s32 @!p0 s3, s7;
	s7 =	simm.s32 @!p0 $0x108  }
0x21: {  	s3 =	sadd.s32 s3, s9;
	s6 =	sadd.s32 @!p0 $0x88, s6;
	s7 =	simm.s32 @p2 $0x1082  }
0x22: {  	[simem:s7], [sflag:s8] =	dma.local @!p0 [hbm:s6], $0xF7A  }
0x23: {  	s9 =	sor.u32 $0xD0000000, s2;
	s6 =	simm.s32 $0x108;
	_ =	swait.ge @!p0 [sflag:s8], $0x0  }
0x24: {  	s3 =	sadd.s32 $0x88, s3;
	s6 =	simm.s32 @!p1 $0x1082;
	[sflag:s4] =	ssyncset.s32 $0xFFFFF086  }
0x25: {  	[simem:s6], [sflag:s4] =	dma.local [hbm:s3], $0xF7A  }
0x26: {  	[smem:$0x3F9A] =	sst s1;
	(tag) =	ssettag s2;
	_ =	strace s9  }
0x27: {  	s1 =	sld [smem:$0x3FAA]  }
0x28: {  	s2 =	sld [smem:$0x3FAB]  }
0x29: {  	s4 =	sld [smem:$0x3FAD]  }
0x2a: {  	p0 =	seq.s32 s5, $0x0;
	s5 =	sld [smem:$0x3FAE]  }
0x2b: {  	s6 =	sld [smem:$0x3FAF]  }
0x2c: {  	s7 =	sld [smem:$0x3FB0]  }
0x2d: {  	s3 =	simm.s32 $0x108;
	s8 =	sld [smem:$0x3FB1]  }
0x2e: {  	s3 =	simm.s32 @!p0 $0x1082;
	s9 =	sld [smem:$0x3FB2]  }
0x2f: {  	lr =	sadd.s32 s0, s3;
	s0 =	sld [smem:$0x3FA9]  }
0x30: {  	s3 =	sld [smem:$0x3FAC]  }
0x31: {  	[smem:$0x3FB5] =	sst s10  }
0x32: {  	s10 =	sld [smem:$0x3FB3];
	_ =	sdelay $0x3  }
0x33: {  	p0 =	seq.s32 s10, $0x1;
	s10 =	sld [smem:$0x3FB5];
	_ =	sdelay $0x3  }
0x34: {  	[smem:$0x3FB5] =	sst s10  }
0x35: {  	s10 =	sld [smem:$0x3FB4];
	_ =	sdelay $0x3  }
0x36: {  	p1 =	seq.s32 s10, $0x1;
	s10 =	sld [smem:$0x3FB5];
	_ =	sdelay $0x3  }
0x37: {  	[smem:$0x3FB5] =	sst s10  }
0x38: {  	s10 =	sld [smem:$0x3FB6]  }
0x39: {  	_ = 	snop;
	(pc) =	sbr.ind lr, $3  }
0x3a: {  	_ = 	snop  }
0x3b: {  	_ = 	snop  }
0x3c: {  	p2 =	seq.s32 s10, $0x1;
	s10 =	sld [smem:$0x3FB5]  }
0x3d: {  	_ =	shalt  }
0x3e: {  	_ =	shalt  }
0x3f: {  	_ =	shalt  }
0x40: {  	_ =	shalt  }
0x41: {  	_ =	shalt  }
0x42: {  	_ =	shalt  }
0x43: {  	_ =	shalt  }
0x44: {  	_ =	shalt  }
0x45: {  	_ =	shalt  }
0x46: {  	_ =	shalt  }
0x47: {  	_ =	shalt  }
0x48: {  	_ =	shalt  }
0x49: {  	_ =	shalt  }
0x4a: {  	_ =	shalt  }
0x4b: {  	_ =	shalt  }
0x4c: {  	_ =	shalt  }
0x4d: {  	_ =	shalt  }
0x4e: {  	_ =	shalt  }
0x4f: {  	_ =	shalt  }
0x50: {  	_ =	shalt  }
0x51: {  	_ =	shalt  }
0x52: {  	_ =	shalt  }
0x53: {  	_ =	shalt  }
0x54: {  	_ =	shalt  }
0x55: {  	_ =	shalt  }
0x56: {  	_ =	shalt  }
0x57: {  	_ =	shalt  }
0x58: {  	_ =	shalt  }
0x59: {  	_ =	shalt  }
0x5a: {  	_ =	shalt  }
0x5b: {  	_ =	shalt  }
0x5c: {  	_ =	shalt  }
0x5d: {  	_ =	shalt  }
0x5e: {  	_ =	shalt  }
0x5f: {  	_ =	shalt  }
0x60: {  	_ =	shalt  }
0x61: {  	_ =	shalt  }
0x62: {  	_ =	shalt  }
0x63: {  	_ =	shalt  }
0x64: {  	_ =	shalt  }
0x65: {  	_ =	shalt  }
0x66: {  	_ =	shalt  }
0x67: {  	_ =	shalt  }
0x68: {  	_ =	shalt  }
0x69: {  	_ =	shalt  }
0x6a: {  	_ =	shalt  }
0x6b: {  	_ =	shalt  }
0x6c: {  	_ =	shalt  }
0x6d: {  	_ =	shalt  }
0x6e: {  	_ =	shalt  }
0x6f: {  	_ =	shalt  }
0x70: {  	_ =	shalt  }
0x71: {  	_ =	shalt  }
0x72: {  	_ =	shalt  }
0x73: {  	_ =	shalt  }
0x74: {  	_ =	shalt  }
0x75: {  	_ =	shalt  }
0x76: {  	_ =	shalt  }
0x77: {  	_ =	shalt  }
0x78: {  	_ =	shalt  }
0x79: {  	_ =	shalt  }
0x7a: {  	_ =	shalt  }
0x7b: {  	_ =	shalt  }
0x7c: {  	_ =	shalt  }
0x7d: {  	_ =	shalt  }
0x7e: {  	_ =	shalt  }
0x7f: {  	_ =	shalt  }
0x80: {  	_ =	shalt  }
0x81: {  	_ =	shalt  }
0x82: {  	_ =	shalt  }
0x83: {  	_ =	shalt  }
0x84: {  	_ =	shalt  }
0x85: {  	_ =	shalt  }
0x86: {  	_ =	shalt  }
0x87: {  	_ =	shalt  }
.Lfunc_end0:
.L_simem_size_0:
called_computation_lowered:
.L_overlay_start_0:
0x88: {  	s2 =	sld [smem:$0x3FD9]  }
0x89: {  	s3 =	sld [smem:$0x3FFE];
	_ =	sdelay $0x1  }
0x8a: {  	s1 =	srdreg.scid  }
0x8b: {  	s0 =	sand.u32 $0x1, s1  }
0x8c: {  	s17 =	sshll.u32 s0, $0xA;
	s2 =	sadd.s32 s3, s2  }
0x8d: {  	s2 =	sadd.s32 s2, s17  }
0x8e: {  	[smem:$0x3FC1] =	sst s2  }
0x8f: {  	_ = 	snop  }
0x90: {  	s2 =	sld [smem:$0x3FC7];
	(tm) =	ssettm $0x1  }
0x91: {  	s18 =	sld [smem:$0x3FFB];
	_ =	sdelay $0x3  }
0x92: {  	_ =	strace s18  }
0x93: {  	s3 =	sld [smem:$0x3FFC];
	_ =	sdelay $0x3  }
0x94: {  	_ =	strace s3  }
0x95: {  	s3 =	sld [smem:$0x3FFD];
	_ =	sdelay $0x3  }
0x96: {  	_ =	strace s3  }
0x97: {  	_ =	strace $0x8FFFFFFF  }
0x98: {  	s19 =	sld [smem:$0x3FDB];
	_ =	sdelay $0x1  }
0x99: {  	s4 =	simm.s32 $_scs_section_size  }
0x9a: {  	s5 =	simm.s32 $_size__tile_overlayer_lowered;
	s6 =	simm.s32 $_tile_overlayer_lowered  }
0x9b: {  	s22 =	simm.s32 $0x1BFF;
	s21 =	sshll.u32 s6, $0x1;
	s3 =	sadd.s32 s4, s19  }
0x9c: {  	s7 =	simm.s32 $0x0;
	s20 =	sshll.u32 s5, $0x1;
	s5 =	sadd.s32 s21, s3  }
0x9d: {  	[timem:s7], [sflag:s22] =	dma.local [hbm:s5], s20  }
0x9e: {  	_ =	swait.ge [sflag:s22], s20  }
0x9f: {  	s4 =	ssub.s32 $0x0, s20;
	[sflag:s22] =	ssyncset.done $0x0  }
0xa0: {  	[sflag:s22] =	ssyncadd.s32 s4;
	_ =	sdelay $0x1  }
0xa1: {  	s23 =	simm.s32 $0x1B8B  }
0xa2: {  	_ =	swait.ge [sflag:s23], $0x1  }
0xa3: {  	[sflag:s23] =	ssyncset.done $0x0  }
0xa4: {  	s25 =	simm.s32 $0x1B8E;
	s24 =	sld [smem:$0x3FFE];
	[sflag:s23] =	ssyncadd.s32 $0xFFFFFFFF  }
0xa5: {  	s26 =	simm.s32 $execute0_lowered;
	[smem:$0x3FD2] =	sst s25  }
0xa6: {  	s5 =	sshll.u32 s26, $0x1;
	_ =	strace $0x80000046;
	[dreg:$0x1] =	wrdreg $0xFFFFFFFF  }
0xa7: {  	s28 =	simm.s32 $_size_execute0_lowered;
	s3 =	sadd.s32 s3, s5;
	[dreg:$0x0] =	wrdreg $0x0  }
0xa8: {  	s5 =	sshll.u32 s28, $0x1;
	[dreg:$0x2] =	wrdreg s3  }
0xa9: {  	[dreg:$0x3] =	wrdreg s5  }
0xaa: {  	[dreg:$0x4] =	wrdreg $0xC0  }
0xab: {  	_ =	task [dreg:s7], $0x5FFFF  }
0xac: {  	[dreg:$0x1] =	wrdreg $0xFFFFFFFF  }
0xad: {  	[dreg:$0x0] =	wrdreg $0x60  }
0xae: {  	[dreg:$0x2] =	wrdreg s24  }
0xaf: {  	[dreg:$0x3] =	wrdreg s2  }
0xb0: {  	[dreg:$0x4] =	wrdreg $0xEF000  }
0xb1: {  	[dreg:$0x5] =	wrdreg $0x18DC00  }
0xb2: {  	[dreg:$0x6] =	wrdreg $0x9  }
0xb3: {  	_ =	task.clear_ibuf [dreg:s7], $0x7FFFF;
	_ =	strace $0x90000046  }
0xb4: {  	s29 =	simm.s32 $0x9;
	_ =	strace $0x80000051  }
0xb5: {  	_ =	swait.ge [sflag:s29], $0x1  }
0xb6: {  	[sflag:s29] =	ssyncadd.s32 $0xFFFFFFFF  }
0xb7: {  	_ =	strace $0x90000051  }
0xb8: {  	_ =	sfence  }
0xb9: {  	s30 =	sld [smem:$0x0];
	_ =	sdelay $0x2  }
0xba: {  	s31 =	sshll.u32 s1, $0xD;
	s1 =	sshrl.u32 s1, $0x2  }
0xbb: {  	s3 =	sand.u32 $0x4000, s31;
	s1 =	sadd.s32 s1, s30  }
0xbc: {  	s0 =	sor.u32 s3, s0;
	s1 =	sshll.u32 s1, $0x11  }
0xbd: {  	s0 =	sor.u32 s1, s0  }
0xbe: {  	s0 =	sadd.s32 $0x8F2B, s0  }
0xbf: {  	[sflag:s0] =	ssyncadd.remote.s32 $0x1  }
0xc0: {  	_ =	sfence.sel $0xFFFF  }
0xc1: {  	[dreg:$0x0] =	wrdreg $0xFFFFFFFF;
	(pc) =	sbr.abs _section_cstart, $3  }
0xc2: {  	[dreg:$0x1] =	wrdreg $0xFFFFFFFF  }
0xc3: {  	_ =	task.clear_ibuf [dreg:s7], $0x2FFFF;
	_ =	strace $0x9FFFFFFF  }
0xc4: {  	(tm) =	ssettm $0x7FFFFFFF  }
0xc5: {  	_ =	shalt  }
tec
execute0_lowered:
.L_overlay_start_1:
0x0: {  	(tag) =	ssettag $0x1  }
0x1: {  	s1 =	rddreg [dreg:$0x0]  }
0x2: {  	s0 =	srdreg.scid;
	s2 =	rddreg [dreg:$0x2]  }
0x3: {  	s10 =	rddreg [dreg:$0x3];
	s4 =	sand.u32 $0x1, s0  }
0x4: {  	s0 =	stileid.u32;
	s12 =	sadd.s32 $0x15800, s1;
	s5 =	sshll.u32 s4, $0x4  }
0x5: {  	s28 =	ssub.s32 $0x2, s4;
	s7 =	sshll.u32 s0, $0x2;
	s9 =	smul.u32 $0x27100, s0  }
0x6: {  	s15 =	sshllo.u32 s0, $0x2;
	s4 =	smul.u32 $0xA0000, s4;
	s22 =	sshll.u32 s0, $0x9  }
0x7: {  	p0 =	sne.s32 s0, $0x0;
	s3 =	sor.u32 s0, s5;
	s21 =	smul.u32 $0x9C40, s15  }
0x8: {  	s8 =	sshrl.u32 s28, $0x1;
	s13 =	sor.u32 $0x1, s7;
	s6 =	smul.u32 $0x2710, s3  }
0x9: {  	s14 =	sor.u32 $0x2, s7;
	s15 =	sshll.u32 s15, $0x7;
	s11 =	smul.u32 $0x9C40, s13  }
0xa: {  	s3 =	simm.s32 $0x0;
	s17 =	sshrl.u32 s9, $0x2;
	s18 =	smul.u32 $0x9C40, s14  }
0xb: {  	s13 =	sshll.u32 s13, $0x7;
	s14 =	sshll.u32 s14, $0x7;
	s15 =	sand.u32 $0x380, s15  }
0xc: {  	[smem:$0x7FF] =	sst s3;
	s9 =	sshrl.u32 s21, $0x2;
	s13 =	sand.u32 $0x280, s13  }
0xd: {  	s14 =	sand.u32 $0x300, s14;
	s6 =	sshrl.u32 s6, $0x3;
	_ =	strace $0x80000047  }
0xe: {  	s19 =	sshrl.u32 s11, $0x2;
	s20 =	sshrl.u32 s18, $0x2;
	s11 =	sshrl.u32 s0, $0x3  }
0xf: {  	s9 =	sadd.s32 s9, s2;
	s18 =	sshrl.u32 s0, $0x1;
	s6 =	sadd.s32 s6, s1  }
0x10: {  	s1 =	sadd.s32 s5, s1;
	s5 =	ssub.s32 s28, s8;
	s7 =	sadd.s32 s19, s2  }
0x11: {  	s8 =	sadd.s32 s20, s2;
	s11 =	smul.u32 $0x50000, s11;
	s16 =	sadd.s32 $0x1E00, s6  }
0x12: {  	s18 =	smul.u32 $0x14000, s18;
	s6 =	sadd.s32 $0xBA40, s6;
	[dreg:$0x5] =	wrdreg s16  }
0x13: {  	[dreg:$0x6] =	wrdreg s6;
	s6 =	sadd.s32 s17, s2;
	s16 =	sshll.u32 s0, $0x7  }
0x14: {  	s17 =	smul.u32 $0x5000, s0;
	s11 =	sshrl.u32 s11, $0x2;
	s4 =	sadd.s32 s4, s18  }
0x15: {  	s16 =	sand.u32 $0x380, s16;
	s11 =	sadd.s32 s11, s10;
	s13 =	sor.u32 s4, s13  }
0x16: {  	s14 =	sor.u32 s4, s14;
	s17 =	sshrl.u32 s17, $0x2;
	s11 =	sadd.s32 s16, s11  }
0x17: {  	s18 =	sshrl.u32 s13, $0x3;
	s19 =	sshrl.u32 s14, $0x3;
	s13 =	simm.s32 $0xC700  }
0x18: {  	s14 =	simm.s32 $0x1;
	s16 =	simm.s32 $0x9E80;
	[dreg:$0x7] =	wrdreg s11  }
0x19: {  	s11 =	sadd.s32 s17, s10;
	s10 =	sand.u32 $0x200, s22;
	s17 =	smul.u32 $0xA00, s0  }
0x1a: {  	s22 =	sadd.s32 $0x9C400, s2;
	s23 =	sadd.s32 $0x80, s11;
	s24 =	sadd.s32 $0x100, s11  }
0x1b: {  	s25 =	sadd.s32 $0x180, s11;
	s10 =	sor.u32 s10, s4;
	s26 =	sadd.s32 $0x200, s11  }
0x1c: {  	s28 =	sadd.s32 $0x280, s11;
	s4 =	sor.u32 s4, s15;
	[dreg:$0x8] =	wrdreg s23  }
0x1d: {  	s20 =	sadd.s32 $0x300, s11;
	s29 =	sadd.s32 $0x14080, s11;
	[dreg:$0x9] =	wrdreg s24  }
0x1e: {  	s30 =	sadd.s32 $0x14100, s11;
	s31 =	sadd.s32 $0x14180, s11;
	[dreg:$0xa] =	wrdreg s25  }
0x1f: {  	s0 =	sadd.s32 $0x14280, s11;
	s15 =	simm.s32 $0x80;
	[dreg:$0xb] =	wrdreg s26  }
0x20: {  	[dreg:$0xc] =	wrdreg s28;
	s10 =	sshrl.u32 s10, $0x3;
	s4 =	sshrl.u32 s4, $0x3  }
0x21: {  	[dreg:$0x11] =	wrdreg s20;
	s21 =	sshrl.u32 s17, $0x2;
	s24 =	sadd.s32 $0x3D800, s1  }
0x22: {  	s25 =	smax.u32 s5, $0x1;
	s26 =	sadd.s32 $0x380, s11;
	[dreg:$0x13] =	wrdreg s24  }
0x23: {  	s28 =	sadd.s32 $0x14000, s11;
	s1 =	sadd.s32 $0x14200, s11;
	[dreg:$0x14] =	wrdreg s25  }
0x24: {  	s5 =	sadd.s32 $0x14380, s11;
	s17 =	simm.s32 $0x2;
	[dreg:$0x15] =	wrdreg s26  }
0x25: {  	s20 =	simm.s32 $0x4;
	s10 =	sadd.s32 s12, s10;
	[dreg:$0x16] =	wrdreg s28  }
0x26: {  	s4 =	sadd.s32 s12, s4;
	s23 =	sadd.s32 s21, s22;
	[dreg:$0xd] =	wrdreg s10  }
0x27: {  	s21 =	simm.s32 $0x0;
	s10 =	sadd.s32 s12, s18;
	[dreg:$0x10] =	wrdreg s4  }
0x28: {  	[dreg:$0x12] =	wrdreg s23;
	s4 =	sadd.s32 $0x14300, s11;
	s18 =	simm.s32 $0x400  }
0x29: {  	[dreg:$0xe] =	wrdreg s10;
	s10 =	sadd.s32 s12, s19;
	s12 =	simm.s32 $0x5  }
0x2a: {  	v0 =	vimm.f32 $1.000000000e+00;
	v1 =	vimm.f32 $0.0e+00;
	v2 =	vimm.s32 $0x9EB10;
	s19 =	simm.s32 $0x3;
	[dreg:$0xf] =	wrdreg s10;
	s10 =	simm.s32 $0x9F00  }
.LBB2_1:
0x2b: {  	_ =	strace $0x80000048  }
0x2c: {  	s23 =	rddreg [dreg:$0x1]  }
0x2d: {  	[tilespmem:s3], [sflag:$0x1] =	stream.linear.gather [hbm4b:s23+s3], $0x2780, $0x200038;
	[tilespmem:$0x1B5C0] =	vst v63  }
0x2e: {  	s24 =	simm.s32 $0x2780;
	s25 =	rddreg [dreg:$0x5]  }
0x2f: {  	[tilespmem:s24], [sflag:$0x1] =	stream.linear.gather [hbm4b:s25+s3], $0x2710, $0x200038;
	[tilespmem:$0x1B5C0] =	vst v63  }
0x30: {  	s28 =	simm.s32 $0x4F00;
	s26 =	rddreg [dreg:$0x6]  }
0x31: {  	[tilespmem:s28], [sflag:$0x1] =	stream.linear.gather [hbm4b:s26+s3], $0x2710, $0x200038;
	[tilespmem:$0x1B5C0] =	vst v63  }
0x32: {  	_ =	strace $0x90000048  }
0x33: {  	_ =	strace $0x80000049;
	[tilespmem:$0x9E80] =	vst v0  }
0x34: {  	[tilespmem:$0x9E90] =	vst v0  }
0x35: {  	[tilespmem:$0x9EA0] =	vst v0  }
0x36: {  	[tilespmem:$0x9EB0] =	vst v0  }
0x37: {  	[tilespmem:$0x9EC0] =	vst v0  }
0x38: {  	[tilespmem:$0x9ED0] =	vst v0  }
0x39: {  	[tilespmem:$0x9EE0] =	vst v0  }
0x3a: {  	s23 =	simm.s32 $0x40;
	s24 =	simm.s32 $0x0;
	[tilespmem:$0x9EF0] =	vst v0  }
.LBB2_2:
0x3b: {  	p1 =	sne.s32 s23, $0x9C00;
	[tilespmem:s24+$0x9F00] =	vst v1;
	s24 =	smov.u32 s23;
	s23 =	sadd.s32 $0x40, s23  }
.Ltmp0:
0x3c: {  	(pc) =	sbr.rel @p1 .LBB2_2-.Ltmp0, $2  }
0x3d: {  	_ =	sdelay $0x2  }
0x3e: {  	s24 =	sshra.s32 s24, $0x2  }
0x3f: {  	[tilespmem:s24+$0x9F00] =	vst v1  }
0x40: {  	[spmem:s6] =	stream.linear.scatter [tilespmem:s10], [sflag:$0x5], $0x2710, $0x200038;
	[tilespmem:$0x1B5C0] =	vst v63  }
0x41: {  	_ =	swait.ge [sflag:s12], $0x2710  }
0x42: {  	[sflag:s12] =	ssyncset.done $0x0  }
0x43: {  	[sflag:s12] =	ssyncadd.s32 $0xFFFFD8F0  }
0x44: {  	[spmem:s7] =	stream.linear.scatter [tilespmem:s10], [sflag:$0x5], $0x2710, $0x200038;
	[tilespmem:$0x1B5C0] =	vst v63  }
0x45: {  	_ =	swait.ge [sflag:s12], $0x2710  }
0x46: {  	[sflag:s12] =	ssyncset.done $0x0  }
0x47: {  	[sflag:s12] =	ssyncadd.s32 $0xFFFFD8F0  }
0x48: {  	[spmem:s8] =	stream.linear.scatter [tilespmem:s10], [sflag:$0x5], $0x2710, $0x200038;
	[tilespmem:$0x1B5C0] =	vst v63  }
0x49: {  	_ =	swait.ge [sflag:s12], $0x2710  }
0x4a: {  	[sflag:s12] =	ssyncset.done $0x0  }
0x4b: {  	[sflag:s12] =	ssyncadd.s32 $0xFFFFD8F0  }
0x4c: {  	[spmem:s9] =	stream.linear.scatter [tilespmem:s10], [sflag:$0x5], $0x2710, $0x200038;
	[tilespmem:$0x1B5C0] =	vst v63  }
0x4d: {  	_ =	swait.ge [sflag:s12], $0x2710  }
0x4e: {  	[sflag:s12] =	ssyncset.done $0x0  }
0x4f: {  	[sflag:s12] =	ssyncadd.s32 $0xFFFFD8F0  }
0x50: {  	[tilespmem:s13], [sflag:$0x5] =	stream.linear.gather [spmem:s6], $0x2800, $0x200038;
	[tilespmem:$0x1B5C0] =	vst v63  }
0x51: {  	_ =	swait.ge [sflag:s12], $0x2800  }
0x52: {  	[sflag:s12] =	ssyncset.done $0x0  }
0x53: {  	[sflag:s12] =	ssyncadd.s32 $0xFFFFD800  }
0x54: {  	_ =	strace $0x90000049  }
0x55: {  	_ =	strace $0x8000004A  }
0x56: {  	_ =	swait.ge [sflag:s14], $0x2780  }
0x57: {  	[sflag:s14] =	ssyncset.done $0x0  }
0x58: {  	[sflag:s14] =	ssyncadd.s32 $0xFFFFD880  }
0x59: {  	_ =	swait.ge [sflag:s14], $0x2710  }
0x5a: {  	[sflag:s14] =	ssyncset.done $0x0  }
0x5b: {  	[sflag:s14] =	ssyncadd.s32 $0xFFFFD8F0  }
0x5c: {  	_ =	swait.ge [sflag:s14], $0x2710  }
0x5d: {  	[sflag:s14] =	ssyncset.done $0x0  }
0x5e: {  	[sflag:s14] =	ssyncadd.s32 $0xFFFFD8F0  }
0x5f: {  	_ =	strace $0x9000004A  }
0x60: {  	_ =	strace $0x8000004B;
	[tilespmem:$0x9D90] =	vst v2  }
0x61: {  	[tilespmem:$0x9DA0] =	vst v2  }
0x62: {  	[tilespmem:$0x9DB0] =	vst v2  }
0x63: {  	[tilespmem:$0x9DC0] =	vst v2  }
0x64: {  	[tilespmem:$0x9DD0] =	vst v2  }
0x65: {  	[tilespmem:$0x9DE0] =	vst v2  }
0x66: {  	[tilespmem:$0x9DF0] =	vst v2  }
0x67: {  	[tilespmem:$0x9E00] =	vst v2  }
0x68: {  	[tilespmem:$0x9E10] =	vst v2  }
0x69: {  	[tilespmem:$0x9E20] =	vst v2  }
0x6a: {  	[tilespmem:$0x9E30] =	vst v2  }
0x6b: {  	[tilespmem:$0x9E40] =	vst v2  }
0x6c: {  	[tilespmem:$0x9E50] =	vst v2  }
0x6d: {  	[tilespmem:$0x9E60] =	vst v2  }
0x6e: {  	[tilespmem:$0x9E70] =	vst v2  }
0x6f: {  	_ =	strace $0x9000004B  }
0x70: {  	[bflag:$0x0] =	sbarrier.arrive $0xFFFF  }
0x71: {  	s23 =	simm.s32 $0x0;
	_ =	strace $0x8000004C  }
0x72: {  	v3 =	vld [tilespmem:s23+$0x2780];
	_ =	sdelay $0x7  }
0x73: {  	v4 =	vld.idx.msk [tilespmem:v3+s3+$0x0], $0xffff;
	_ =	sdelay $0x1  }
0x74: {  	v5 =	vld [tilespmem:s23+$0x4F00];
	_ =	sdelay $0x1  }
0x75: {  	s23 =	simm.s32 $0x0  }
0x76: {  	s28 =	sand.u32 $0x1E00, s23;
	v4 =	vmul.u32 $0x2710, v4  }
0x77: {  	s25 =	sand.u32 $0x70, s23;
	s24 =	sshrl.u32 s28, $0x2  }
0x78: {  	s24 =	sor.u32 s25, s24;
	v4 =	vadd.s32 v5, v4  }
0x79: {  	[tilespmem:s24+$0x7680] =	vst v4  }
0x7a: {  	s26 =	simm.s32 $0x10;
	[tilespmem:v3+s13+$0x0] =	vst.idx.add.f32.msk $0xffff, v0  }
0x7b: {  	s25 =	simm.s32 $0x80;
	s24 =	simm.s32 $0x40;
	v3 =	vld [tilespmem:s26+$0x2780]  }
.LBB2_4:
0x7c: {  	p1 =	sne.s32 s25, $0x13C0;
	_ =	sdelay $0x6  }
0x7d: {  	v4 =	vld.idx.msk [tilespmem:v3+s3+$0x0], $0xffff;
	_ =	sdelay $0x2  }
0x7e: {  	v5 =	vld [tilespmem:s26+$0x4F00];
	_ =	sdelay $0x2  }
0x7f: {  	s23 =	sadd.s32 $0x10, s23;
	s26 =	sand.u32 $0x1E00, s24;
	s24 =	smov.u32 s25;
	v4 =	vmul.u32 $0x2710, v4  }
.Ltmp1:
0x80: {  	s28 =	sand.u32 $0x70, s23;
	s26 =	sshrl.u32 s26, $0x2;
	(pc) =	sbr.rel @p1 .LBB2_4-.Ltmp1, $4  }
0x81: {  	s26 =	sor.u32 s28, s26;
	v4 =	vadd.s32 v5, v4  }
0x82: {  	[tilespmem:s26+$0x7680] =	vst v4  }
0x83: {  	s26 =	sshra.s32 s25, $0x2;
	[tilespmem:v3+s13+$0x0] =	vst.idx.add.f32.msk $0xffff, v0  }
0x84: {  	s25 =	sadd.s32 $0x40, s25;
	v3 =	vld [tilespmem:s26+$0x2780]  }
0x85: {  	_ =	sdelay $0x7  }
0x86: {  	v4 =	vld.idx.msk [tilespmem:v3+s3+$0x0], $0xffff;
	_ =	sdelay $0x1  }
0x87: {  	v5 =	vld [tilespmem:s26+$0x4F00];
	_ =	sdelay $0x2  }
0x88: {  	s24 =	sand.u32 $0x1E00, s24;
	s23 =	sadd.s32 $0x10, s23;
	v4 =	vmul.u32 $0x2710, v4  }
0x89: {  	s23 =	sand.u32 $0x70, s23;
	s24 =	sshrl.u32 s24, $0x2  }
0x8a: {  	s23 =	sor.u32 s23, s24;
	v4 =	vadd.s32 v5, v4  }
0x8b: {  	[tilespmem:s23+$0x7680] =	vst v4  }
0x8c: {  	s24 =	simm.s32 $0x7680;
	[tilespmem:v3+s13+$0x0] =	vst.idx.add.f32.msk $0xffff, v0  }
0x8d: {  	[spmem:s2] =	stream.indirect.scatter.add.f32 [tilespmem:s16], [sflag:$0x2], $0x1, s24, s15, $0x2000b8;
	[tilespmem:$0x1B5C0] =	vst v63  }
0x8e: {  	s25 =	simm.s32 $0x7700  }
0x8f: {  	[spmem:s2] =	stream.indirect.scatter.add.f32 [tilespmem:s16], [sflag:$0x2], $0x1, s25, s15, $0x2000b8;
	[tilespmem:$0x1B5C0] =	vst v63  }
0x90: {  	s26 =	simm.s32 $0x7780  }
0x91: {  	[spmem:s2] =	stream.indirect.scatter.add.f32 [tilespmem:s16], [sflag:$0x2], $0x1, s26, s15, $0x2000b8;
	[tilespmem:$0x1B5C0] =	vst v63  }
0x92: {  	s28 =	simm.s32 $0x7800  }
0x93: {  	[spmem:s2] =	stream.indirect.scatter.add.f32 [tilespmem:s16], [sflag:$0x2], $0x1, s28, s15, $0x2000b8;
	[tilespmem:$0x1B5C0] =	vst v63  }
0x94: {  	s24 =	simm.s32 $0x7880  }
0x95: {  	[spmem:s2] =	stream.indirect.scatter.add.f32 [tilespmem:s16], [sflag:$0x2], $0x1, s24, s15, $0x2000b8;
	[tilespmem:$0x1B5C0] =	vst v63  }
0x96: {  	s25 =	simm.s32 $0x7900  }
0x97: {  	[spmem:s2] =	stream.indirect.scatter.add.f32 [tilespmem:s16], [sflag:$0x2], $0x1, s25, s15, $0x2000b8;
	[tilespmem:$0x1B5C0] =	vst v63  }
0x98: {  	s26 =	simm.s32 $0x7980  }
0x99: {  	[spmem:s2] =	stream.indirect.scatter.add.f32 [tilespmem:s16], [sflag:$0x2], $0x1, s26, s15, $0x2000b8;
	[tilespmem:$0x1B5C0] =	vst v63  }
0x9a: {  	s28 =	simm.s32 $0x7A00  }
0x9b: {  	[spmem:s2] =	stream.indirect.scatter.add.f32 [tilespmem:s16], [sflag:$0x2], $0x1, s28, s15, $0x2000b8;
	[tilespmem:$0x1B5C0] =	vst v63  }
0x9c: {  	s24 =	simm.s32 $0x7A80  }
0x9d: {  	[spmem:s2] =	stream.indirect.scatter.add.f32 [tilespmem:s16], [sflag:$0x2], $0x1, s24, s15, $0x2000b8;
	[tilespmem:$0x1B5C0] =	vst v63  }
0x9e: {  	s25 =	simm.s32 $0x7B00;
	s26 =	simm.s32 $0x500  }
0x9f: {  	[spmem:s2] =	stream.indirect.scatter.add.f32 [tilespmem:s16], [sflag:$0x2], $0x1, s25, s15, $0x2000b8;
	[tilespmem:$0x1B5C0] =	vst v63  }
0xa0: {  	v3 =	vld [tilespmem:s26+$0x2780];
	_ =	sdelay $0x7  }
0xa1: {  	v4 =	vld.idx.msk [tilespmem:v3+s3+$0x0], $0xffff;
	_ =	sdelay $0x1  }
0xa2: {  	v5 =	vld [tilespmem:s26+$0x4F00];
	_ =	sdelay $0x1  }
0xa3: {  	s28 =	simm.s32 $0x1400  }
0xa4: {  	s23 =	simm.s32 $0x500;
	s24 =	sand.u32 $0x3E00, s28;
	v4 =	vmul.u32 $0x2710, v4  }
0xa5: {  	s24 =	sshrl.u32 s24, $0x2;
	s25 =	sand.u32 $0x70, s23  }
0xa6: {  	s24 =	sor.u32 s25, s24;
	v4 =	vadd.s32 v5, v4  }
0xa7: {  	[tilespmem:s24+$0x7680] =	vst v4  }
0xa8: {  	s26 =	simm.s32 $0x510;
	[tilespmem:v3+s13+$0x0] =	vst.idx.add.f32.msk $0xffff, v0  }
0xa9: {  	s25 =	simm.s32 $0x1480;
	s24 =	simm.s32 $0x1440;
	v3 =	vld [tilespmem:s26+$0x2780]  }
.LBB2_6:
0xaa: {  	p1 =	sne.s32 s25, $0x27C0;
	_ =	sdelay $0x6  }
0xab: {  	v4 =	vld.idx.msk [tilespmem:v3+s3+$0x0], $0xffff;
	_ =	sdelay $0x2  }
0xac: {  	v5 =	vld [tilespmem:s26+$0x4F00];
	_ =	sdelay $0x2  }
0xad: {  	s23 =	sadd.s32 $0x10, s23;
	s26 =	sand.u32 $0x3E00, s24;
	s24 =	smov.u32 s25;
	v4 =	vmul.u32 $0x2710, v4  }
.Ltmp2:
0xae: {  	s28 =	sand.u32 $0x70, s23;
	s26 =	sshrl.u32 s26, $0x2;
	(pc) =	sbr.rel @p1 .LBB2_6-.Ltmp2, $4  }
0xaf: {  	s26 =	sor.u32 s28, s26;
	v4 =	vadd.s32 v5, v4  }
0xb0: {  	[tilespmem:s26+$0x7680] =	vst v4  }
0xb1: {  	s26 =	sshra.s32 s25, $0x2;
	[tilespmem:v3+s13+$0x0] =	vst.idx.add.f32.msk $0xffff, v0  }
0xb2: {  	s25 =	sadd.s32 $0x40, s25;
	v3 =	vld [tilespmem:s26+$0x2780]  }
0xb3: {  	_ =	sdelay $0x7  }
0xb4: {  	v4 =	vld.idx.msk [tilespmem:v3+s3+$0x0], $0xffff;
	_ =	sdelay $0x1  }
0xb5: {  	v5 =	vld [tilespmem:s26+$0x4F00];
	_ =	sdelay $0x2  }
0xb6: {  	s24 =	sand.u32 $0x3E00, s24;
	s23 =	sadd.s32 $0x10, s23;
	v4 =	vmul.u32 $0x2710, v4  }
0xb7: {  	s23 =	sand.u32 $0x70, s23;
	s24 =	sshrl.u32 s24, $0x2  }
0xb8: {  	s23 =	sor.u32 s23, s24;
	v4 =	vadd.s32 v5, v4  }
0xb9: {  	[tilespmem:s23+$0x7680] =	vst v4  }
0xba: {  	s24 =	simm.s32 $0x7B80;
	[tilespmem:v3+s13+$0x0] =	vst.idx.add.f32.msk $0xffff, v0  }
0xbb: {  	[spmem:s2] =	stream.indirect.scatter.add.f32 [tilespmem:s16], [sflag:$0x2], $0x1, s24, s15, $0x2000b8;
	[tilespmem:$0x1B5C0] =	vst v63  }
0xbc: {  	s25 =	simm.s32 $0x7C00  }
0xbd: {  	[spmem:s2] =	stream.indirect.scatter.add.f32 [tilespmem:s16], [sflag:$0x2], $0x1, s25, s15, $0x2000b8;
	[tilespmem:$0x1B5C0] =	vst v63  }
0xbe: {  	s26 =	simm.s32 $0x7C80  }
0xbf: {  	[spmem:s2] =	stream.indirect.scatter.add.f32 [tilespmem:s16], [sflag:$0x2], $0x1, s26, s15, $0x2000b8;
	[tilespmem:$0x1B5C0] =	vst v63  }
0xc0: {  	s28 =	simm.s32 $0x7D00  }
0xc1: {  	[spmem:s2] =	stream.indirect.scatter.add.f32 [tilespmem:s16], [sflag:$0x2], $0x1, s28, s15, $0x2000b8;
	[tilespmem:$0x1B5C0] =	vst v63  }
0xc2: {  	s24 =	simm.s32 $0x7D80  }
0xc3: {  	[spmem:s2] =	stream.indirect.scatter.add.f32 [tilespmem:s16], [sflag:$0x2], $0x1, s24, s15, $0x2000b8;
	[tilespmem:$0x1B5C0] =	vst v63  }
0xc4: {  	s25 =	simm.s32 $0x7E00  }
0xc5: {  	[spmem:s2] =	stream.indirect.scatter.add.f32 [tilespmem:s16], [sflag:$0x2], $0x1, s25, s15, $0x2000b8;
	[tilespmem:$0x1B5C0] =	vst v63  }
0xc6: {  	s26 =	simm.s32 $0x7E80  }
0xc7: {  	[spmem:s2] =	stream.indirect.scatter.add.f32 [tilespmem:s16], [sflag:$0x2], $0x1, s26, s15, $0x2000b8;
	[tilespmem:$0x1B5C0] =	vst v63  }
0xc8: {  	s28 =	simm.s32 $0x7F00  }
0xc9: {  	[spmem:s2] =	stream.indirect.scatter.add.f32 [tilespmem:s16], [sflag:$0x2], $0x1, s28, s15, $0x2000b8;
	[tilespmem:$0x1B5C0] =	vst v63  }
0xca: {  	s24 =	simm.s32 $0x7F80  }
0xcb: {  	[spmem:s2] =	stream.indirect.scatter.add.f32 [tilespmem:s16], [sflag:$0x2], $0x1, s24, s15, $0x2000b8;
	[tilespmem:$0x1B5C0] =	vst v63  }
0xcc: {  	s25 =	simm.s32 $0x8000;
	s26 =	simm.s32 $0xA00  }
0xcd: {  	[spmem:s2] =	stream.indirect.scatter.add.f32 [tilespmem:s16], [sflag:$0x2], $0x1, s25, s15, $0x2000b8;
	[tilespmem:$0x1B5C0] =	vst v63  }
0xce: {  	v3 =	vld [tilespmem:s26+$0x2780];
	_ =	sdelay $0x7  }
0xcf: {  	v4 =	vld.idx.msk [tilespmem:v3+s3+$0x0], $0xffff;
	_ =	sdelay $0x1  }
0xd0: {  	v5 =	vld [tilespmem:s26+$0x4F00];
	_ =	sdelay $0x1  }
0xd1: {  	s28 =	simm.s32 $0x2800  }
0xd2: {  	s23 =	simm.s32 $0xA00;
	s24 =	sand.u32 $0x3E00, s28;
	v4 =	vmul.u32 $0x2710, v4  }
0xd3: {  	s24 =	sshrl.u32 s24, $0x2;
	s25 =	sand.u32 $0x70, s23  }
0xd4: {  	s24 =	sor.u32 s25, s24;
	v4 =	vadd.s32 v5, v4  }
0xd5: {  	[tilespmem:s24+$0x7680] =	vst v4  }
0xd6: {  	s26 =	simm.s32 $0xA10;
	[tilespmem:v3+s13+$0x0] =	vst.idx.add.f32.msk $0xffff, v0  }
0xd7: {  	s25 =	simm.s32 $0x2880;
	s24 =	simm.s32 $0x2840;
	v3 =	vld [tilespmem:s26+$0x2780]  }
.LBB2_8:
0xd8: {  	p1 =	sne.s32 s25, $0x3BC0;
	_ =	sdelay $0x6  }
0xd9: {  	v4 =	vld.idx.msk [tilespmem:v3+s3+$0x0], $0xffff;
	_ =	sdelay $0x2  }
0xda: {  	v5 =	vld [tilespmem:s26+$0x4F00];
	_ =	sdelay $0x2  }
0xdb: {  	s23 =	sadd.s32 $0x10, s23;
	s26 =	sand.u32 $0x3E00, s24;
	s24 =	smov.u32 s25;
	v4 =	vmul.u32 $0x2710, v4  }
.Ltmp3:
0xdc: {  	s28 =	sand.u32 $0x70, s23;
	s26 =	sshrl.u32 s26, $0x2;
	(pc) =	sbr.rel @p1 .LBB2_8-.Ltmp3, $4  }
0xdd: {  	s26 =	sor.u32 s28, s26;
	v4 =	vadd.s32 v5, v4  }
0xde: {  	[tilespmem:s26+$0x7680] =	vst v4  }
0xdf: {  	s26 =	sshra.s32 s25, $0x2;
	[tilespmem:v3+s13+$0x0] =	vst.idx.add.f32.msk $0xffff, v0  }
0xe0: {  	s25 =	sadd.s32 $0x40, s25;
	v3 =	vld [tilespmem:s26+$0x2780]  }
0xe1: {  	_ =	sdelay $0x7  }
0xe2: {  	v4 =	vld.idx.msk [tilespmem:v3+s3+$0x0], $0xffff;
	_ =	sdelay $0x1  }
0xe3: {  	v5 =	vld [tilespmem:s26+$0x4F00];
	_ =	sdelay $0x2  }
0xe4: {  	s24 =	sand.u32 $0x3E00, s24;
	s23 =	sadd.s32 $0x10, s23;
	v4 =	vmul.u32 $0x2710, v4  }
0xe5: {  	s23 =	sand.u32 $0x70, s23;
	s24 =	sshrl.u32 s24, $0x2  }
0xe6: {  	s23 =	sor.u32 s23, s24;
	v4 =	vadd.s32 v5, v4  }
0xe7: {  	[tilespmem:s23+$0x7680] =	vst v4  }
0xe8: {  	[tilespmem:v3+s13+$0x0] =	vst.idx.add.f32.msk $0xffff, v0  }
0xe9: {  	_ =	swait.ge [sflag:s17], $0x80  }
0xea: {  	[sflag:s17] =	ssyncset.done $0x0  }
0xeb: {  	[sflag:s17] =	ssyncadd.s32 $0xFFFFFF80  }
0xec: {  	_ =	swait.ge [sflag:s17], $0x80  }
0xed: {  	[sflag:s17] =	ssyncset.done $0x0  }
0xee: {  	[sflag:s17] =	ssyncadd.s32 $0xFFFFFF80  }
0xef: {  	_ =	swait.ge [sflag:s17], $0x80  }
0xf0: {  	[sflag:s17] =	ssyncset.done $0x0  }
0xf1: {  	[sflag:s17] =	ssyncadd.s32 $0xFFFFFF80  }
0xf2: {  	_ =	swait.ge [sflag:s17], $0x80  }
0xf3: {  	[sflag:s17] =	ssyncset.done $0x0  }
0xf4: {  	[sflag:s17] =	ssyncadd.s32 $0xFFFFFF80  }
0xf5: {  	_ =	swait.ge [sflag:s17], $0x80  }
0xf6: {  	[sflag:s17] =	ssyncset.done $0x0  }
0xf7: {  	[sflag:s17] =	ssyncadd.s32 $0xFFFFFF80  }
0xf8: {  	_ =	swait.ge [sflag:s17], $0x80  }
0xf9: {  	[sflag:s17] =	ssyncset.done $0x0  }
0xfa: {  	[sflag:s17] =	ssyncadd.s32 $0xFFFFFF80  }
0xfb: {  	_ =	swait.ge [sflag:s17], $0x80  }
0xfc: {  	[sflag:s17] =	ssyncset.done $0x0  }
0xfd: {  	[sflag:s17] =	ssyncadd.s32 $0xFFFFFF80  }
0xfe: {  	_ =	swait.ge [sflag:s17], $0x80  }
0xff: {  	[sflag:s17] =	ssyncset.done $0x0  }
0x100: {  	[sflag:s17] =	ssyncadd.s32 $0xFFFFFF80  }
0x101: {  	_ =	swait.ge [sflag:s17], $0x80  }
0x102: {  	[sflag:s17] =	ssyncset.done $0x0  }
0x103: {  	[sflag:s17] =	ssyncadd.s32 $0xFFFFFF80  }
0x104: {  	_ =	swait.ge [sflag:s17], $0x80  }
0x105: {  	[sflag:s17] =	ssyncset.done $0x0  }
0x106: {  	s24 =	simm.s32 $0x8080;
	[sflag:s17] =	ssyncadd.s32 $0xFFFFFF80  }
0x107: {  	[spmem:s2] =	stream.indirect.scatter.add.f32 [tilespmem:s16], [sflag:$0x2], $0x1, s24, s15, $0x2000b8;
	[tilespmem:$0x1B5C0] =	vst v63  }
0x108: {  	s25 =	simm.s32 $0x8100  }
0x109: {  	[spmem:s2] =	stream.indirect.scatter.add.f32 [tilespmem:s16], [sflag:$0x2], $0x1, s25, s15, $0x2000b8;
	[tilespmem:$0x1B5C0] =	vst v63  }
0x10a: {  	s26 =	simm.s32 $0x8180  }
0x10b: {  	[spmem:s2] =	stream.indirect.scatter.add.f32 [tilespmem:s16], [sflag:$0x2], $0x1, s26, s15, $0x2000b8;
	[tilespmem:$0x1B5C0] =	vst v63  }
0x10c: {  	s28 =	simm.s32 $0x8200  }
0x10d: {  	[spmem:s2] =	stream.indirect.scatter.add.f32 [tilespmem:s16], [sflag:$0x2], $0x1, s28, s15, $0x2000b8;
	[tilespmem:$0x1B5C0] =	vst v63  }
0x10e: {  	s24 =	simm.s32 $0x8280  }
0x10f: {  	[spmem:s2] =	stream.indirect.scatter.add.f32 [tilespmem:s16], [sflag:$0x2], $0x1, s24, s15, $0x2000b8;
	[tilespmem:$0x1B5C0] =	vst v63  }
0x110: {  	s25 =	simm.s32 $0x8300  }
0x111: {  	[spmem:s2] =	stream.indirect.scatter.add.f32 [tilespmem:s16], [sflag:$0x2], $0x1, s25, s15, $0x2000b8;
	[tilespmem:$0x1B5C0] =	vst v63  }
0x112: {  	s26 =	simm.s32 $0x8380  }
0x113: {  	[spmem:s2] =	stream.indirect.scatter.add.f32 [tilespmem:s16], [sflag:$0x2], $0x1, s26, s15, $0x2000b8;
	[tilespmem:$0x1B5C0] =	vst v63  }
0x114: {  	s28 =	simm.s32 $0x8400  }
0x115: {  	[spmem:s2] =	stream.indirect.scatter.add.f32 [tilespmem:s16], [sflag:$0x2], $0x1, s28, s15, $0x2000b8;
	[tilespmem:$0x1B5C0] =	vst v63  }
0x116: {  	s24 =	simm.s32 $0x8480  }
0x117: {  	[spmem:s2] =	stream.indirect.scatter.add.f32 [tilespmem:s16], [sflag:$0x2], $0x1, s24, s15, $0x2000b8;
	[tilespmem:$0x1B5C0] =	vst v63  }
0x118: {  	s25 =	simm.s32 $0x8500;
	s26 =	simm.s32 $0xF00  }
0x119: {  	[spmem:s2] =	stream.indirect.scatter.add.f32 [tilespmem:s16], [sflag:$0x2], $0x1, s25, s15, $0x2000b8;
	[tilespmem:$0x1B5C0] =	vst v63  }
0x11a: {  	v3 =	vld [tilespmem:s26+$0x2780];
	_ =	sdelay $0x7  }
0x11b: {  	v4 =	vld.idx.msk [tilespmem:v3+s3+$0x0], $0xffff;
	_ =	sdelay $0x1  }
0x11c: {  	v5 =	vld [tilespmem:s26+$0x4F00];
	_ =	sdelay $0x1  }
0x11d: {  	s28 =	simm.s32 $0x3C00  }
0x11e: {  	s23 =	simm.s32 $0xF00;
	s24 =	sand.u32 $0x7E00, s28;
	v4 =	vmul.u32 $0x2710, v4  }
0x11f: {  	s24 =	sshrl.u32 s24, $0x2;
	s25 =	sand.u32 $0x70, s23  }
0x120: {  	s24 =	sor.u32 s25, s24;
	v4 =	vadd.s32 v5, v4  }
0x121: {  	[tilespmem:s24+$0x7680] =	vst v4  }
0x122: {  	s26 =	simm.s32 $0xF10;
	[tilespmem:v3+s13+$0x0] =	vst.idx.add.f32.msk $0xffff, v0  }
0x123: {  	s25 =	simm.s32 $0x3C80;
	s24 =	simm.s32 $0x3C40;
	v3 =	vld [tilespmem:s26+$0x2780]  }
.LBB2_10:
0x124: {  	p1 =	sne.s32 s25, $0x4FC0;
	_ =	sdelay $0x6  }
0x125: {  	v4 =	vld.idx.msk [tilespmem:v3+s3+$0x0], $0xffff;
	_ =	sdelay $0x2  }
0x126: {  	v5 =	vld [tilespmem:s26+$0x4F00];
	_ =	sdelay $0x2  }
0x127: {  	s23 =	sadd.s32 $0x10, s23;
	s26 =	sand.u32 $0x7E00, s24;
	s24 =	smov.u32 s25;
	v4 =	vmul.u32 $0x2710, v4  }
.Ltmp4:
0x128: {  	s28 =	sand.u32 $0x70, s23;
	s26 =	sshrl.u32 s26, $0x2;
	(pc) =	sbr.rel @p1 .LBB2_10-.Ltmp4, $4  }
0x129: {  	s26 =	sor.u32 s28, s26;
	v4 =	vadd.s32 v5, v4  }
0x12a: {  	[tilespmem:s26+$0x7680] =	vst v4  }
0x12b: {  	s26 =	sshra.s32 s25, $0x2;
	[tilespmem:v3+s13+$0x0] =	vst.idx.add.f32.msk $0xffff, v0  }
0x12c: {  	s25 =	sadd.s32 $0x40, s25;
	v3 =	vld [tilespmem:s26+$0x2780]  }
0x12d: {  	_ =	sdelay $0x7  }
0x12e: {  	v4 =	vld.idx.msk [tilespmem:v3+s3+$0x0], $0xffff;
	_ =	sdelay $0x1  }
0x12f: {  	v5 =	vld [tilespmem:s26+$0x4F00];
	_ =	sdelay $0x2  }
0x130: {  	s24 =	sand.u32 $0x7E00, s24;
	s23 =	sadd.s32 $0x10, s23;
	v4 =	vmul.u32 $0x2710, v4  }
0x131: {  	s23 =	sand.u32 $0x70, s23;
	s24 =	sshrl.u32 s24, $0x2  }
0x132: {  	s23 =	sor.u32 s23, s24;
	v4 =	vadd.s32 v5, v4  }
0x133: {  	[tilespmem:s23+$0x7680] =	vst v4  }
0x134: {  	[tilespmem:v3+s13+$0x0] =	vst.idx.add.f32.msk $0xffff, v0  }
0x135: {  	_ =	swait.ge [sflag:s17], $0x80  }
0x136: {  	[sflag:s17] =	ssyncset.done $0x0  }
0x137: {  	[sflag:s17] =	ssyncadd.s32 $0xFFFFFF80  }
0x138: {  	_ =	swait.ge [sflag:s17], $0x80  }
0x139: {  	[sflag:s17] =	ssyncset.done $0x0  }
0x13a: {  	[sflag:s17] =	ssyncadd.s32 $0xFFFFFF80  }
0x13b: {  	_ =	swait.ge [sflag:s17], $0x80  }
0x13c: {  	[sflag:s17] =	ssyncset.done $0x0  }
0x13d: {  	[sflag:s17] =	ssyncadd.s32 $0xFFFFFF80  }
0x13e: {  	_ =	swait.ge [sflag:s17], $0x80  }
0x13f: {  	[sflag:s17] =	ssyncset.done $0x0  }
0x140: {  	[sflag:s17] =	ssyncadd.s32 $0xFFFFFF80  }
0x141: {  	_ =	swait.ge [sflag:s17], $0x80  }
0x142: {  	[sflag:s17] =	ssyncset.done $0x0  }
0x143: {  	[sflag:s17] =	ssyncadd.s32 $0xFFFFFF80  }
0x144: {  	_ =	swait.ge [sflag:s17], $0x80  }
0x145: {  	[sflag:s17] =	ssyncset.done $0x0  }
0x146: {  	[sflag:s17] =	ssyncadd.s32 $0xFFFFFF80  }
0x147: {  	_ =	swait.ge [sflag:s17], $0x80  }
0x148: {  	[sflag:s17] =	ssyncset.done $0x0  }
0x149: {  	[sflag:s17] =	ssyncadd.s32 $0xFFFFFF80  }
0x14a: {  	_ =	swait.ge [sflag:s17], $0x80  }
0x14b: {  	[sflag:s17] =	ssyncset.done $0x0  }
0x14c: {  	[sflag:s17] =	ssyncadd.s32 $0xFFFFFF80  }
0x14d: {  	_ =	swait.ge [sflag:s17], $0x80  }
0x14e: {  	[sflag:s17] =	ssyncset.done $0x0  }
0x14f: {  	[sflag:s17] =	ssyncadd.s32 $0xFFFFFF80  }
0x150: {  	_ =	swait.ge [sflag:s17], $0x80  }
0x151: {  	[sflag:s17] =	ssyncset.done $0x0  }
0x152: {  	s24 =	simm.s32 $0x8580;
	[sflag:s17] =	ssyncadd.s32 $0xFFFFFF80  }
0x153: {  	[spmem:s2] =	stream.indirect.scatter.add.f32 [tilespmem:s16], [sflag:$0x2], $0x1, s24, s15, $0x2000b8;
	[tilespmem:$0x1B5C0] =	vst v63  }
0x154: {  	s25 =	simm.s32 $0x8600  }
0x155: {  	[spmem:s2] =	stream.indirect.scatter.add.f32 [tilespmem:s16], [sflag:$0x2], $0x1, s25, s15, $0x2000b8;
	[tilespmem:$0x1B5C0] =	vst v63  }
0x156: {  	s26 =	simm.s32 $0x8680  }
0x157: {  	[spmem:s2] =	stream.indirect.scatter.add.f32 [tilespmem:s16], [sflag:$0x2], $0x1, s26, s15, $0x2000b8;
	[tilespmem:$0x1B5C0] =	vst v63  }
0x158: {  	s28 =	simm.s32 $0x8700  }
0x159: {  	[spmem:s2] =	stream.indirect.scatter.add.f32 [tilespmem:s16], [sflag:$0x2], $0x1, s28, s15, $0x2000b8;
	[tilespmem:$0x1B5C0] =	vst v63  }
0x15a: {  	s24 =	simm.s32 $0x8780  }
0x15b: {  	[spmem:s2] =	stream.indirect.scatter.add.f32 [tilespmem:s16], [sflag:$0x2], $0x1, s24, s15, $0x2000b8;
	[tilespmem:$0x1B5C0] =	vst v63  }
0x15c: {  	s25 =	simm.s32 $0x8800  }
0x15d: {  	[spmem:s2] =	stream.indirect.scatter.add.f32 [tilespmem:s16], [sflag:$0x2], $0x1, s25, s15, $0x2000b8;
	[tilespmem:$0x1B5C0] =	vst v63  }
0x15e: {  	s26 =	simm.s32 $0x8880  }
0x15f: {  	[spmem:s2] =	stream.indirect.scatter.add.f32 [tilespmem:s16], [sflag:$0x2], $0x1, s26, s15, $0x2000b8;
	[tilespmem:$0x1B5C0] =	vst v63  }
0x160: {  	s28 =	simm.s32 $0x8900  }
0x161: {  	[spmem:s2] =	stream.indirect.scatter.add.f32 [tilespmem:s16], [sflag:$0x2], $0x1, s28, s15, $0x2000b8;
	[tilespmem:$0x1B5C0] =	vst v63  }
0x162: {  	s24 =	simm.s32 $0x8980  }
0x163: {  	[spmem:s2] =	stream.indirect.scatter.add.f32 [tilespmem:s16], [sflag:$0x2], $0x1, s24, s15, $0x2000b8;
	[tilespmem:$0x1B5C0] =	vst v63  }
0x164: {  	s25 =	simm.s32 $0x8A00;
	s26 =	simm.s32 $0x1400  }
0x165: {  	[spmem:s2] =	stream.indirect.scatter.add.f32 [tilespmem:s16], [sflag:$0x2], $0x1, s25, s15, $0x2000b8;
	[tilespmem:$0x1B5C0] =	vst v63  }
0x166: {  	v3 =	vld [tilespmem:s26+$0x2780];
	_ =	sdelay $0x7  }
0x167: {  	v4 =	vld.idx.msk [tilespmem:v3+s3+$0x0], $0xffff;
	_ =	sdelay $0x1  }
0x168: {  	v5 =	vld [tilespmem:s26+$0x4F00];
	_ =	sdelay $0x1  }
0x169: {  	s28 =	simm.s32 $0x5000  }
0x16a: {  	s23 =	simm.s32 $0x1400;
	s24 =	sand.u32 $0x7E00, s28;
	v4 =	vmul.u32 $0x2710, v4  }
0x16b: {  	s24 =	sshrl.u32 s24, $0x2;
	s25 =	sand.u32 $0x70, s23  }
0x16c: {  	s24 =	sor.u32 s25, s24;
	v4 =	vadd.s32 v5, v4  }
0x16d: {  	[tilespmem:s24+$0x7680] =	vst v4  }
0x16e: {  	s26 =	simm.s32 $0x1410;
	[tilespmem:v3+s13+$0x0] =	vst.idx.add.f32.msk $0xffff, v0  }
0x16f: {  	s25 =	simm.s32 $0x5080;
	s24 =	simm.s32 $0x5040;
	v3 =	vld [tilespmem:s26+$0x2780]  }
.LBB2_12:
0x170: {  	p1 =	sne.s32 s25, $0x63C0;
	_ =	sdelay $0x6  }
0x171: {  	v4 =	vld.idx.msk [tilespmem:v3+s3+$0x0], $0xffff;
	_ =	sdelay $0x2  }
0x172: {  	v5 =	vld [tilespmem:s26+$0x4F00];
	_ =	sdelay $0x2  }
0x173: {  	s23 =	sadd.s32 $0x10, s23;
	s26 =	sand.u32 $0x7E00, s24;
	s24 =	smov.u32 s25;
	v4 =	vmul.u32 $0x2710, v4  }
.Ltmp5:
0x174: {  	s28 =	sand.u32 $0x70, s23;
	s26 =	sshrl.u32 s26, $0x2;
	(pc) =	sbr.rel @p1 .LBB2_12-.Ltmp5, $4  }
0x175: {  	s26 =	sor.u32 s28, s26;
	v4 =	vadd.s32 v5, v4  }
0x176: {  	[tilespmem:s26+$0x7680] =	vst v4  }
0x177: {  	s26 =	sshra.s32 s25, $0x2;
	[tilespmem:v3+s13+$0x0] =	vst.idx.add.f32.msk $0xffff, v0  }
0x178: {  	s25 =	sadd.s32 $0x40, s25;
	v3 =	vld [tilespmem:s26+$0x2780]  }
0x179: {  	_ =	sdelay $0x7  }
0x17a: {  	v4 =	vld.idx.msk [tilespmem:v3+s3+$0x0], $0xffff;
	_ =	sdelay $0x1  }
0x17b: {  	v5 =	vld [tilespmem:s26+$0x4F00];
	_ =	sdelay $0x2  }
0x17c: {  	s24 =	sand.u32 $0x7E00, s24;
	s23 =	sadd.s32 $0x10, s23;
	v4 =	vmul.u32 $0x2710, v4  }
0x17d: {  	s23 =	sand.u32 $0x70, s23;
	s24 =	sshrl.u32 s24, $0x2  }
0x17e: {  	s23 =	sor.u32 s23, s24;
	v4 =	vadd.s32 v5, v4  }
0x17f: {  	[tilespmem:s23+$0x7680] =	vst v4  }
0x180: {  	[tilespmem:v3+s13+$0x0] =	vst.idx.add.f32.msk $0xffff, v0  }
0x181: {  	_ =	swait.ge [sflag:s17], $0x80  }
0x182: {  	[sflag:s17] =	ssyncset.done $0x0  }
0x183: {  	[sflag:s17] =	ssyncadd.s32 $0xFFFFFF80  }
0x184: {  	_ =	swait.ge [sflag:s17], $0x80  }
0x185: {  	[sflag:s17] =	ssyncset.done $0x0  }
0x186: {  	[sflag:s17] =	ssyncadd.s32 $0xFFFFFF80  }
0x187: {  	_ =	swait.ge [sflag:s17], $0x80  }
0x188: {  	[sflag:s17] =	ssyncset.done $0x0  }
0x189: {  	[sflag:s17] =	ssyncadd.s32 $0xFFFFFF80  }
0x18a: {  	_ =	swait.ge [sflag:s17], $0x80  }
0x18b: {  	[sflag:s17] =	ssyncset.done $0x0  }
0x18c: {  	[sflag:s17] =	ssyncadd.s32 $0xFFFFFF80  }
0x18d: {  	_ =	swait.ge [sflag:s17], $0x80  }
0x18e: {  	[sflag:s17] =	ssyncset.done $0x0  }
0x18f: {  	[sflag:s17] =	ssyncadd.s32 $0xFFFFFF80  }
0x190: {  	_ =	swait.ge [sflag:s17], $0x80  }
0x191: {  	[sflag:s17] =	ssyncset.done $0x0  }
0x192: {  	[sflag:s17] =	ssyncadd.s32 $0xFFFFFF80  }
0x193: {  	_ =	swait.ge [sflag:s17], $0x80  }
0x194: {  	[sflag:s17] =	ssyncset.done $0x0  }
0x195: {  	[sflag:s17] =	ssyncadd.s32 $0xFFFFFF80  }
0x196: {  	_ =	swait.ge [sflag:s17], $0x80  }
0x197: {  	[sflag:s17] =	ssyncset.done $0x0  }
0x198: {  	[sflag:s17] =	ssyncadd.s32 $0xFFFFFF80  }
0x199: {  	_ =	swait.ge [sflag:s17], $0x80  }
0x19a: {  	[sflag:s17] =	ssyncset.done $0x0  }
0x19b: {  	[sflag:s17] =	ssyncadd.s32 $0xFFFFFF80  }
0x19c: {  	_ =	swait.ge [sflag:s17], $0x80  }
0x19d: {  	[sflag:s17] =	ssyncset.done $0x0  }
0x19e: {  	s24 =	simm.s32 $0x8A80;
	[sflag:s17] =	ssyncadd.s32 $0xFFFFFF80  }
0x19f: {  	[spmem:s2] =	stream.indirect.scatter.add.f32 [tilespmem:s16], [sflag:$0x2], $0x1, s24, s15, $0x2000b8;
	[tilespmem:$0x1B5C0] =	vst v63  }
0x1a0: {  	s25 =	simm.s32 $0x8B00  }
0x1a1: {  	[spmem:s2] =	stream.indirect.scatter.add.f32 [tilespmem:s16], [sflag:$0x2], $0x1, s25, s15, $0x2000b8;
	[tilespmem:$0x1B5C0] =	vst v63  }
0x1a2: {  	s26 =	simm.s32 $0x8B80  }
0x1a3: {  	[spmem:s2] =	stream.indirect.scatter.add.f32 [tilespmem:s16], [sflag:$0x2], $0x1, s26, s15, $0x2000b8;
	[tilespmem:$0x1B5C0] =	vst v63  }
0x1a4: {  	s28 =	simm.s32 $0x8C00  }
0x1a5: {  	[spmem:s2] =	stream.indirect.scatter.add.f32 [tilespmem:s16], [sflag:$0x2], $0x1, s28, s15, $0x2000b8;
	[tilespmem:$0x1B5C0] =	vst v63  }
0x1a6: {  	s24 =	simm.s32 $0x8C80  }
0x1a7: {  	[spmem:s2] =	stream.indirect.scatter.add.f32 [tilespmem:s16], [sflag:$0x2], $0x1, s24, s15, $0x2000b8;
	[tilespmem:$0x1B5C0] =	vst v63  }
0x1a8: {  	s25 =	simm.s32 $0x8D00  }
0x1a9: {  	[spmem:s2] =	stream.indirect.scatter.add.f32 [tilespmem:s16], [sflag:$0x2], $0x1, s25, s15, $0x2000b8;
	[tilespmem:$0x1B5C0] =	vst v63  }
0x1aa: {  	s26 =	simm.s32 $0x8D80  }
0x1ab: {  	[spmem:s2] =	stream.indirect.scatter.add.f32 [tilespmem:s16], [sflag:$0x2], $0x1, s26, s15, $0x2000b8;
	[tilespmem:$0x1B5C0] =	vst v63  }
0x1ac: {  	s28 =	simm.s32 $0x8E00  }
0x1ad: {  	[spmem:s2] =	stream.indirect.scatter.add.f32 [tilespmem:s16], [sflag:$0x2], $0x1, s28, s15, $0x2000b8;
	[tilespmem:$0x1B5C0] =	vst v63  }
0x1ae: {  	s24 =	simm.s32 $0x8E80  }
0x1af: {  	[spmem:s2] =	stream.indirect.scatter.add.f32 [tilespmem:s16], [sflag:$0x2], $0x1, s24, s15, $0x2000b8;
	[tilespmem:$0x1B5C0] =	vst v63  }
0x1b0: {  	s25 =	simm.s32 $0x8F00;
	s26 =	simm.s32 $0x1900  }
0x1b1: {  	[spmem:s2] =	stream.indirect.scatter.add.f32 [tilespmem:s16], [sflag:$0x2], $0x1, s25, s15, $0x2000b8;
	[tilespmem:$0x1B5C0] =	vst v63  }
0x1b2: {  	v3 =	vld [tilespmem:s26+$0x2780];
	_ =	sdelay $0x7  }
0x1b3: {  	v4 =	vld.idx.msk [tilespmem:v3+s3+$0x0], $0xffff;
	_ =	sdelay $0x1  }
0x1b4: {  	v5 =	vld [tilespmem:s26+$0x4F00];
	_ =	sdelay $0x1  }
0x1b5: {  	s28 =	simm.s32 $0x6400  }
0x1b6: {  	s23 =	simm.s32 $0x1900;
	s24 =	sand.u32 $0x7E00, s28;
	v4 =	vmul.u32 $0x2710, v4  }
0x1b7: {  	s24 =	sshrl.u32 s24, $0x2;
	s25 =	sand.u32 $0x70, s23  }
0x1b8: {  	s24 =	sor.u32 s25, s24;
	v4 =	vadd.s32 v5, v4  }
0x1b9: {  	[tilespmem:s24+$0x7680] =	vst v4  }
0x1ba: {  	s26 =	simm.s32 $0x1910;
	[tilespmem:v3+s13+$0x0] =	vst.idx.add.f32.msk $0xffff, v0  }
0x1bb: {  	s25 =	simm.s32 $0x6480;
	s24 =	simm.s32 $0x6440;
	v3 =	vld [tilespmem:s26+$0x2780]  }
.LBB2_14:
0x1bc: {  	p1 =	sne.s32 s25, $0x77C0;
	_ =	sdelay $0x6  }
0x1bd: {  	v4 =	vld.idx.msk [tilespmem:v3+s3+$0x0], $0xffff;
	_ =	sdelay $0x2  }
0x1be: {  	v5 =	vld [tilespmem:s26+$0x4F00];
	_ =	sdelay $0x2  }
0x1bf: {  	s23 =	sadd.s32 $0x10, s23;
	s26 =	sand.u32 $0x7E00, s24;
	s24 =	smov.u32 s25;
	v4 =	vmul.u32 $0x2710, v4  }
.Ltmp6:
0x1c0: {  	s28 =	sand.u32 $0x70, s23;
	s26 =	sshrl.u32 s26, $0x2;
	(pc) =	sbr.rel @p1 .LBB2_14-.Ltmp6, $4  }
0x1c1: {  	s26 =	sor.u32 s28, s26;
	v4 =	vadd.s32 v5, v4  }
0x1c2: {  	[tilespmem:s26+$0x7680] =	vst v4  }
0x1c3: {  	s26 =	sshra.s32 s25, $0x2;
	[tilespmem:v3+s13+$0x0] =	vst.idx.add.f32.msk $0xffff, v0  }
0x1c4: {  	s25 =	sadd.s32 $0x40, s25;
	v3 =	vld [tilespmem:s26+$0x2780]  }
0x1c5: {  	_ =	sdelay $0x7  }
0x1c6: {  	v4 =	vld.idx.msk [tilespmem:v3+s3+$0x0], $0xffff;
	_ =	sdelay $0x1  }
0x1c7: {  	v5 =	vld [tilespmem:s26+$0x4F00];
	_ =	sdelay $0x2  }
0x1c8: {  	s24 =	sand.u32 $0x7E00, s24;
	s23 =	sadd.s32 $0x10, s23;
	v4 =	vmul.u32 $0x2710, v4  }
0x1c9: {  	s23 =	sand.u32 $0x70, s23;
	s24 =	sshrl.u32 s24, $0x2  }
0x1ca: {  	s23 =	sor.u32 s23, s24;
	v4 =	vadd.s32 v5, v4  }
0x1cb: {  	[tilespmem:s23+$0x7680] =	vst v4  }
0x1cc: {  	[tilespmem:v3+s13+$0x0] =	vst.idx.add.f32.msk $0xffff, v0  }
0x1cd: {  	_ =	swait.ge [sflag:s17], $0x80  }
0x1ce: {  	[sflag:s17] =	ssyncset.done $0x0  }
0x1cf: {  	[sflag:s17] =	ssyncadd.s32 $0xFFFFFF80  }
0x1d0: {  	_ =	swait.ge [sflag:s17], $0x80  }
0x1d1: {  	[sflag:s17] =	ssyncset.done $0x0  }
0x1d2: {  	[sflag:s17] =	ssyncadd.s32 $0xFFFFFF80  }
0x1d3: {  	_ =	swait.ge [sflag:s17], $0x80  }
0x1d4: {  	[sflag:s17] =	ssyncset.done $0x0  }
0x1d5: {  	[sflag:s17] =	ssyncadd.s32 $0xFFFFFF80  }
0x1d6: {  	_ =	swait.ge [sflag:s17], $0x80  }
0x1d7: {  	[sflag:s17] =	ssyncset.done $0x0  }
0x1d8: {  	[sflag:s17] =	ssyncadd.s32 $0xFFFFFF80  }
0x1d9: {  	_ =	swait.ge [sflag:s17], $0x80  }
0x1da: {  	[sflag:s17] =	ssyncset.done $0x0  }
0x1db: {  	[sflag:s17] =	ssyncadd.s32 $0xFFFFFF80  }
0x1dc: {  	_ =	swait.ge [sflag:s17], $0x80  }
0x1dd: {  	[sflag:s17] =	ssyncset.done $0x0  }
0x1de: {  	[sflag:s17] =	ssyncadd.s32 $0xFFFFFF80  }
0x1df: {  	_ =	swait.ge [sflag:s17], $0x80  }
0x1e0: {  	[sflag:s17] =	ssyncset.done $0x0  }
0x1e1: {  	[sflag:s17] =	ssyncadd.s32 $0xFFFFFF80  }
0x1e2: {  	_ =	swait.ge [sflag:s17], $0x80  }
0x1e3: {  	[sflag:s17] =	ssyncset.done $0x0  }
0x1e4: {  	[sflag:s17] =	ssyncadd.s32 $0xFFFFFF80  }
0x1e5: {  	_ =	swait.ge [sflag:s17], $0x80  }
0x1e6: {  	[sflag:s17] =	ssyncset.done $0x0  }
0x1e7: {  	[sflag:s17] =	ssyncadd.s32 $0xFFFFFF80  }
0x1e8: {  	_ =	swait.ge [sflag:s17], $0x80  }
0x1e9: {  	[sflag:s17] =	ssyncset.done $0x0  }
0x1ea: {  	s24 =	simm.s32 $0x8F80;
	[sflag:s17] =	ssyncadd.s32 $0xFFFFFF80  }
0x1eb: {  	[spmem:s2] =	stream.indirect.scatter.add.f32 [tilespmem:s16], [sflag:$0x2], $0x1, s24, s15, $0x2000b8;
	[tilespmem:$0x1B5C0] =	vst v63  }
0x1ec: {  	s25 =	simm.s32 $0x9000  }
0x1ed: {  	[spmem:s2] =	stream.indirect.scatter.add.f32 [tilespmem:s16], [sflag:$0x2], $0x1, s25, s15, $0x2000b8;
	[tilespmem:$0x1B5C0] =	vst v63  }
0x1ee: {  	s26 =	simm.s32 $0x9080  }
0x1ef: {  	[spmem:s2] =	stream.indirect.scatter.add.f32 [tilespmem:s16], [sflag:$0x2], $0x1, s26, s15, $0x2000b8;
	[tilespmem:$0x1B5C0] =	vst v63  }
0x1f0: {  	s28 =	simm.s32 $0x9100  }
0x1f1: {  	[spmem:s2] =	stream.indirect.scatter.add.f32 [tilespmem:s16], [sflag:$0x2], $0x1, s28, s15, $0x2000b8;
	[tilespmem:$0x1B5C0] =	vst v63  }
0x1f2: {  	s24 =	simm.s32 $0x9180  }
0x1f3: {  	[spmem:s2] =	stream.indirect.scatter.add.f32 [tilespmem:s16], [sflag:$0x2], $0x1, s24, s15, $0x2000b8;
	[tilespmem:$0x1B5C0] =	vst v63  }
0x1f4: {  	s25 =	simm.s32 $0x9200  }
0x1f5: {  	[spmem:s2] =	stream.indirect.scatter.add.f32 [tilespmem:s16], [sflag:$0x2], $0x1, s25, s15, $0x2000b8;
	[tilespmem:$0x1B5C0] =	vst v63  }
0x1f6: {  	s26 =	simm.s32 $0x9280  }
0x1f7: {  	[spmem:s2] =	stream.indirect.scatter.add.f32 [tilespmem:s16], [sflag:$0x2], $0x1, s26, s15, $0x2000b8;
	[tilespmem:$0x1B5C0] =	vst v63  }
0x1f8: {  	s28 =	simm.s32 $0x9300  }
0x1f9: {  	[spmem:s2] =	stream.indirect.scatter.add.f32 [tilespmem:s16], [sflag:$0x2], $0x1, s28, s15, $0x2000b8;
	[tilespmem:$0x1B5C0] =	vst v63  }
0x1fa: {  	s24 =	simm.s32 $0x9380  }
0x1fb: {  	[spmem:s2] =	stream.indirect.scatter.add.f32 [tilespmem:s16], [sflag:$0x2], $0x1, s24, s15, $0x2000b8;
	[tilespmem:$0x1B5C0] =	vst v63  }
0x1fc: {  	s25 =	simm.s32 $0x9400;
	s26 =	simm.s32 $0x1E00  }
0x1fd: {  	[spmem:s2] =	stream.indirect.scatter.add.f32 [tilespmem:s16], [sflag:$0x2], $0x1, s25, s15, $0x2000b8;
	[tilespmem:$0x1B5C0] =	vst v63  }
0x1fe: {  	v3 =	vld [tilespmem:s26+$0x2780];
	_ =	sdelay $0x7  }
0x1ff: {  	v4 =	vld.idx.msk [tilespmem:v3+s3+$0x0], $0xffff;
	_ =	sdelay $0x1  }
0x200: {  	v5 =	vld [tilespmem:s26+$0x4F00];
	_ =	sdelay $0x1  }
0x201: {  	s28 =	simm.s32 $0x7800  }
0x202: {  	s23 =	simm.s32 $0x1E00;
	s24 =	sand.u32 $0xFE00, s28;
	v4 =	vmul.u32 $0x2710, v4  }
0x203: {  	s24 =	sshrl.u32 s24, $0x2;
	s25 =	sand.u32 $0x70, s23  }
0x204: {  	s24 =	sor.u32 s25, s24;
	v4 =	vadd.s32 v5, v4  }
0x205: {  	[tilespmem:s24+$0x7680] =	vst v4  }
0x206: {  	s26 =	simm.s32 $0x1E10;
	[tilespmem:v3+s13+$0x0] =	vst.idx.add.f32.msk $0xffff, v0  }
0x207: {  	s25 =	simm.s32 $0x7880;
	s24 =	simm.s32 $0x7840;
	v3 =	vld [tilespmem:s26+$0x2780]  }
.LBB2_16:
0x208: {  	p1 =	sne.s32 s25, $0x8BC0;
	_ =	sdelay $0x6  }
0x209: {  	v4 =	vld.idx.msk [tilespmem:v3+s3+$0x0], $0xffff;
	_ =	sdelay $0x2  }
0x20a: {  	v5 =	vld [tilespmem:s26+$0x4F00];
	_ =	sdelay $0x2  }
0x20b: {  	s23 =	sadd.s32 $0x10, s23;
	s26 =	sand.u32 $0xFE00, s24;
	s24 =	smov.u32 s25;
	v4 =	vmul.u32 $0x2710, v4  }
.Ltmp7:
0x20c: {  	s28 =	sand.u32 $0x70, s23;
	s26 =	sshrl.u32 s26, $0x2;
	(pc) =	sbr.rel @p1 .LBB2_16-.Ltmp7, $4  }
0x20d: {  	s26 =	sor.u32 s28, s26;
	v4 =	vadd.s32 v5, v4  }
0x20e: {  	[tilespmem:s26+$0x7680] =	vst v4  }
0x20f: {  	s26 =	sshra.s32 s25, $0x2;
	[tilespmem:v3+s13+$0x0] =	vst.idx.add.f32.msk $0xffff, v0  }
0x210: {  	s25 =	sadd.s32 $0x40, s25;
	v3 =	vld [tilespmem:s26+$0x2780]  }
0x211: {  	_ =	sdelay $0x7  }
0x212: {  	v4 =	vld.idx.msk [tilespmem:v3+s3+$0x0], $0xffff;
	_ =	sdelay $0x1  }
0x213: {  	v5 =	vld [tilespmem:s26+$0x4F00];
	_ =	sdelay $0x2  }
0x214: {  	s24 =	sand.u32 $0xFE00, s24;
	s23 =	sadd.s32 $0x10, s23;
	v4 =	vmul.u32 $0x2710, v4  }
0x215: {  	s23 =	sand.u32 $0x70, s23;
	s24 =	sshrl.u32 s24, $0x2  }
0x216: {  	s23 =	sor.u32 s23, s24;
	v4 =	vadd.s32 v5, v4  }
0x217: {  	[tilespmem:s23+$0x7680] =	vst v4  }
0x218: {  	[tilespmem:v3+s13+$0x0] =	vst.idx.add.f32.msk $0xffff, v0  }
0x219: {  	_ =	swait.ge [sflag:s17], $0x80  }
0x21a: {  	[sflag:s17] =	ssyncset.done $0x0  }
0x21b: {  	[sflag:s17] =	ssyncadd.s32 $0xFFFFFF80  }
0x21c: {  	_ =	swait.ge [sflag:s17], $0x80  }
0x21d: {  	[sflag:s17] =	ssyncset.done $0x0  }
0x21e: {  	[sflag:s17] =	ssyncadd.s32 $0xFFFFFF80  }
0x21f: {  	_ =	swait.ge [sflag:s17], $0x80  }
0x220: {  	[sflag:s17] =	ssyncset.done $0x0  }
0x221: {  	[sflag:s17] =	ssyncadd.s32 $0xFFFFFF80  }
0x222: {  	_ =	swait.ge [sflag:s17], $0x80  }
0x223: {  	[sflag:s17] =	ssyncset.done $0x0  }
0x224: {  	[sflag:s17] =	ssyncadd.s32 $0xFFFFFF80  }
0x225: {  	_ =	swait.ge [sflag:s17], $0x80  }
0x226: {  	[sflag:s17] =	ssyncset.done $0x0  }
0x227: {  	[sflag:s17] =	ssyncadd.s32 $0xFFFFFF80  }
0x228: {  	_ =	swait.ge [sflag:s17], $0x80  }
0x229: {  	[sflag:s17] =	ssyncset.done $0x0  }
0x22a: {  	[sflag:s17] =	ssyncadd.s32 $0xFFFFFF80  }
0x22b: {  	_ =	swait.ge [sflag:s17], $0x80  }
0x22c: {  	[sflag:s17] =	ssyncset.done $0x0  }
0x22d: {  	[sflag:s17] =	ssyncadd.s32 $0xFFFFFF80  }
0x22e: {  	_ =	swait.ge [sflag:s17], $0x80  }
0x22f: {  	[sflag:s17] =	ssyncset.done $0x0  }
0x230: {  	[sflag:s17] =	ssyncadd.s32 $0xFFFFFF80  }
0x231: {  	_ =	swait.ge [sflag:s17], $0x80  }
0x232: {  	[sflag:s17] =	ssyncset.done $0x0  }
0x233: {  	[sflag:s17] =	ssyncadd.s32 $0xFFFFFF80  }
0x234: {  	_ =	swait.ge [sflag:s17], $0x80  }
0x235: {  	[sflag:s17] =	ssyncset.done $0x0  }
0x236: {  	s24 =	simm.s32 $0x9480;
	[sflag:s17] =	ssyncadd.s32 $0xFFFFFF80  }
0x237: {  	[spmem:s2] =	stream.indirect.scatter.add.f32 [tilespmem:s16], [sflag:$0x2], $0x1, s24, s15, $0x2000b8;
	[tilespmem:$0x1B5C0] =	vst v63  }
0x238: {  	s25 =	simm.s32 $0x9500  }
0x239: {  	[spmem:s2] =	stream.indirect.scatter.add.f32 [tilespmem:s16], [sflag:$0x2], $0x1, s25, s15, $0x2000b8;
	[tilespmem:$0x1B5C0] =	vst v63  }
0x23a: {  	s26 =	simm.s32 $0x9580  }
0x23b: {  	[spmem:s2] =	stream.indirect.scatter.add.f32 [tilespmem:s16], [sflag:$0x2], $0x1, s26, s15, $0x2000b8;
	[tilespmem:$0x1B5C0] =	vst v63  }
0x23c: {  	s28 =	simm.s32 $0x9600  }
0x23d: {  	[spmem:s2] =	stream.indirect.scatter.add.f32 [tilespmem:s16], [sflag:$0x2], $0x1, s28, s15, $0x2000b8;
	[tilespmem:$0x1B5C0] =	vst v63  }
0x23e: {  	s24 =	simm.s32 $0x9680  }
0x23f: {  	[spmem:s2] =	stream.indirect.scatter.add.f32 [tilespmem:s16], [sflag:$0x2], $0x1, s24, s15, $0x2000b8;
	[tilespmem:$0x1B5C0] =	vst v63  }
0x240: {  	s25 =	simm.s32 $0x9700  }
0x241: {  	[spmem:s2] =	stream.indirect.scatter.add.f32 [tilespmem:s16], [sflag:$0x2], $0x1, s25, s15, $0x2000b8;
	[tilespmem:$0x1B5C0] =	vst v63  }
0x242: {  	s26 =	simm.s32 $0x9780  }
0x243: {  	[spmem:s2] =	stream.indirect.scatter.add.f32 [tilespmem:s16], [sflag:$0x2], $0x1, s26, s15, $0x2000b8;
	[tilespmem:$0x1B5C0] =	vst v63  }
0x244: {  	s28 =	simm.s32 $0x9800  }
0x245: {  	[spmem:s2] =	stream.indirect.scatter.add.f32 [tilespmem:s16], [sflag:$0x2], $0x1, s28, s15, $0x2000b8;
	[tilespmem:$0x1B5C0] =	vst v63  }
0x246: {  	s24 =	simm.s32 $0x9880  }
0x247: {  	[spmem:s2] =	stream.indirect.scatter.add.f32 [tilespmem:s16], [sflag:$0x2], $0x1, s24, s15, $0x2000b8;
	[tilespmem:$0x1B5C0] =	vst v63  }
0x248: {  	s25 =	simm.s32 $0x9900;
	s26 =	simm.s32 $0x2300  }
0x249: {  	[spmem:s2] =	stream.indirect.scatter.add.f32 [tilespmem:s16], [sflag:$0x2], $0x1, s25, s15, $0x2000b8;
	[tilespmem:$0x1B5C0] =	vst v63  }
0x24a: {  	v3 =	vld [tilespmem:s26+$0x2780];
	_ =	sdelay $0x7  }
0x24b: {  	v4 =	vld.idx.msk [tilespmem:v3+s3+$0x0], $0xffff;
	_ =	sdelay $0x1  }
0x24c: {  	v5 =	vld [tilespmem:s26+$0x4F00];
	_ =	sdelay $0x1  }
0x24d: {  	s28 =	simm.s32 $0x8C00  }
0x24e: {  	s23 =	simm.s32 $0x2300;
	s24 =	sand.u32 $0xFE00, s28;
	v4 =	vmul.u32 $0x2710, v4  }
0x24f: {  	s24 =	sshrl.u32 s24, $0x2;
	s25 =	sand.u32 $0x70, s23  }
0x250: {  	s24 =	sor.u32 s25, s24;
	v4 =	vadd.s32 v5, v4  }
0x251: {  	[tilespmem:s24+$0x7680] =	vst v4  }
0x252: {  	s26 =	simm.s32 $0x2310;
	[tilespmem:v3+s13+$0x0] =	vst.idx.add.f32.msk $0xffff, v0  }
0x253: {  	s25 =	simm.s32 $0x8C80;
	s24 =	simm.s32 $0x8C40;
	v3 =	vld [tilespmem:s26+$0x2780]  }
.LBB2_18:
0x254: {  	p1 =	sne.s32 s25, $0x9C00;
	_ =	sdelay $0x6  }
0x255: {  	v4 =	vld.idx.msk [tilespmem:v3+s3+$0x0], $0xffff;
	_ =	sdelay $0x2  }
0x256: {  	v5 =	vld [tilespmem:s26+$0x4F00];
	_ =	sdelay $0x2  }
0x257: {  	s23 =	sadd.s32 $0x10, s23;
	s26 =	sand.u32 $0xFE00, s24;
	s24 =	smov.u32 s25;
	v4 =	vmul.u32 $0x2710, v4  }
.Ltmp8:
0x258: {  	s28 =	sand.u32 $0x70, s23;
	s26 =	sshrl.u32 s26, $0x2;
	(pc) =	sbr.rel @p1 .LBB2_18-.Ltmp8, $4  }
0x259: {  	s26 =	sor.u32 s28, s26;
	v4 =	vadd.s32 v5, v4  }
0x25a: {  	[tilespmem:s26+$0x7680] =	vst v4  }
0x25b: {  	s26 =	sshra.s32 s25, $0x2;
	[tilespmem:v3+s13+$0x0] =	vst.idx.add.f32.msk $0xffff, v0  }
0x25c: {  	s25 =	sadd.s32 $0x40, s25;
	v3 =	vld [tilespmem:s26+$0x2780]  }
0x25d: {  	_ =	sdelay $0x7  }
0x25e: {  	v4 =	vld.idx.msk [tilespmem:v3+s3+$0x0], $0xffff;
	_ =	sdelay $0x1  }
0x25f: {  	v5 =	vld [tilespmem:s26+$0x4F00];
	_ =	sdelay $0x2  }
0x260: {  	s24 =	sand.u32 $0xFE00, s24;
	s23 =	sadd.s32 $0x10, s23;
	v4 =	vmul.u32 $0x2710, v4  }
0x261: {  	s23 =	sand.u32 $0x70, s23;
	s24 =	sshrl.u32 s24, $0x2  }
0x262: {  	s23 =	sor.u32 s23, s24;
	v4 =	vadd.s32 v5, v4  }
0x263: {  	[tilespmem:s23+$0x7680] =	vst v4  }
0x264: {  	[tilespmem:v3+s13+$0x0] =	vst.idx.add.f32.msk $0xffff, v0  }
0x265: {  	_ =	swait.ge [sflag:s17], $0x80  }
0x266: {  	[sflag:s17] =	ssyncset.done $0x0  }
0x267: {  	[sflag:s17] =	ssyncadd.s32 $0xFFFFFF80  }
0x268: {  	_ =	swait.ge [sflag:s17], $0x80  }
0x269: {  	[sflag:s17] =	ssyncset.done $0x0  }
0x26a: {  	[sflag:s17] =	ssyncadd.s32 $0xFFFFFF80  }
0x26b: {  	_ =	swait.ge [sflag:s17], $0x80  }
0x26c: {  	[sflag:s17] =	ssyncset.done $0x0  }
0x26d: {  	[sflag:s17] =	ssyncadd.s32 $0xFFFFFF80  }
0x26e: {  	_ =	swait.ge [sflag:s17], $0x80  }
0x26f: {  	[sflag:s17] =	ssyncset.done $0x0  }
0x270: {  	[sflag:s17] =	ssyncadd.s32 $0xFFFFFF80  }
0x271: {  	_ =	swait.ge [sflag:s17], $0x80  }
0x272: {  	[sflag:s17] =	ssyncset.done $0x0  }
0x273: {  	[sflag:s17] =	ssyncadd.s32 $0xFFFFFF80  }
0x274: {  	_ =	swait.ge [sflag:s17], $0x80  }
0x275: {  	[sflag:s17] =	ssyncset.done $0x0  }
0x276: {  	[sflag:s17] =	ssyncadd.s32 $0xFFFFFF80  }
0x277: {  	_ =	swait.ge [sflag:s17], $0x80  }
0x278: {  	[sflag:s17] =	ssyncset.done $0x0  }
0x279: {  	[sflag:s17] =	ssyncadd.s32 $0xFFFFFF80  }
0x27a: {  	_ =	swait.ge [sflag:s17], $0x80  }
0x27b: {  	[sflag:s17] =	ssyncset.done $0x0  }
0x27c: {  	[sflag:s17] =	ssyncadd.s32 $0xFFFFFF80  }
0x27d: {  	_ =	swait.ge [sflag:s17], $0x80  }
0x27e: {  	[sflag:s17] =	ssyncset.done $0x0  }
0x27f: {  	[sflag:s17] =	ssyncadd.s32 $0xFFFFFF80  }
0x280: {  	_ =	swait.ge [sflag:s17], $0x80  }
0x281: {  	[sflag:s17] =	ssyncset.done $0x0  }
0x282: {  	s24 =	simm.s32 $0x9980;
	[sflag:s17] =	ssyncadd.s32 $0xFFFFFF80  }
0x283: {  	[spmem:s2] =	stream.indirect.scatter.add.f32 [tilespmem:s16], [sflag:$0x2], $0x1, s24, s15, $0x2000b8;
	[tilespmem:$0x1B5C0] =	vst v63  }
0x284: {  	s25 =	simm.s32 $0x9A00  }
0x285: {  	[spmem:s2] =	stream.indirect.scatter.add.f32 [tilespmem:s16], [sflag:$0x2], $0x1, s25, s15, $0x2000b8;
	[tilespmem:$0x1B5C0] =	vst v63  }
0x286: {  	s26 =	simm.s32 $0x9A80  }
0x287: {  	[spmem:s2] =	stream.indirect.scatter.add.f32 [tilespmem:s16], [sflag:$0x2], $0x1, s26, s15, $0x2000b8;
	[tilespmem:$0x1B5C0] =	vst v63  }
0x288: {  	s28 =	simm.s32 $0x9B00  }
0x289: {  	[spmem:s2] =	stream.indirect.scatter.add.f32 [tilespmem:s16], [sflag:$0x2], $0x1, s28, s15, $0x2000b8;
	[tilespmem:$0x1B5C0] =	vst v63  }
0x28a: {  	s24 =	simm.s32 $0x9B80  }
0x28b: {  	[spmem:s2] =	stream.indirect.scatter.add.f32 [tilespmem:s16], [sflag:$0x2], $0x1, s24, s15, $0x2000b8;
	[tilespmem:$0x1B5C0] =	vst v63  }
0x28c: {  	s25 =	simm.s32 $0x9C00  }
0x28d: {  	[spmem:s2] =	stream.indirect.scatter.add.f32 [tilespmem:s16], [sflag:$0x2], $0x1, s25, s15, $0x2000b8;
	[tilespmem:$0x1B5C0] =	vst v63  }
0x28e: {  	s26 =	simm.s32 $0x9C80  }
0x28f: {  	[spmem:s2] =	stream.indirect.scatter.add.f32 [tilespmem:s16], [sflag:$0x2], $0x1, s26, s15, $0x2000b8;
	[tilespmem:$0x1B5C0] =	vst v63  }
0x290: {  	s28 =	simm.s32 $0x9D00  }
0x291: {  	[spmem:s2] =	stream.indirect.scatter.add.f32 [tilespmem:s16], [sflag:$0x2], $0x1, s28, s15, $0x2000b8;
	[tilespmem:$0x1B5C0] =	vst v63  }
0x292: {  	s24 =	simm.s32 $0x9D80  }
0x293: {  	[spmem:s2] =	stream.indirect.scatter.add.f32 [tilespmem:s16], [sflag:$0x2], $0x1, s24, s15, $0x2000b8;
	[tilespmem:$0x1B5C0] =	vst v63  }
0x294: {  	s25 =	simm.s32 $0x9E00  }
0x295: {  	[spmem:s2] =	stream.indirect.scatter.add.f32 [tilespmem:s16], [sflag:$0x2], $0x1, s25, s15, $0x2000b8;
	[tilespmem:$0x1B5C0] =	vst v63  }
0x296: {  	_ =	strace $0x9000004C  }
0x297: {  	_ =	strace $0x8000004D  }
0x298: {  	s23 =	simm.s32 $0xC700;
	s26 =	rddreg [dreg:$0x7]  }
0x299: {  	[spmem:s26] =	stream.strided.scatter [tilespmem:s23], [sflag:$0x5], $0x2800, s18, s15, $0x200038;
	[tilespmem:$0x1B5C0] =	vst v63  }
0x29a: {  	_ =	swait.ge [sflag:s12], $0x2800  }
0x29b: {  	[sflag:s12] =	ssyncset.done $0x0  }
0x29c: {  	[sflag:s12] =	ssyncadd.s32 $0xFFFFD800  }
0x29d: {  	_ =	strace $0x9000004D  }
0x29e: {  	[bflag:$0x0] =	sbarrier.arrive $0xFFFF  }
0x29f: {  	_ =	strace $0x8000004E  }
0x2a0: {  	[tilespmem:s23], [sflag:$0x3] =	stream.strided.gather [spmem:s11], $0x280, s18, s15, $0x200038;
	[tilespmem:$0x1B5C0] =	vst v63  }
0x2a1: {  	s25 =	simm.s32 $0xC980;
	s28 =	rddreg [dreg:$0x8]  }
0x2a2: {  	[tilespmem:s25], [sflag:$0x3] =	stream.strided.gather [spmem:s28], $0x280, s18, s15, $0x200038;
	[tilespmem:$0x1B5C0] =	vst v63  }
0x2a3: {  	s26 =	rddreg [dreg:$0x9];
	s28 =	simm.s32 $0xCC00  }
0x2a4: {  	[tilespmem:s28], [sflag:$0x3] =	stream.strided.gather [spmem:s26], $0x280, s18, s15, $0x200038;
	[tilespmem:$0x1B5C0] =	vst v63  }
0x2a5: {  	s26 =	rddreg [dreg:$0xa];
	s28 =	simm.s32 $0xCE80  }
0x2a6: {  	[tilespmem:s28], [sflag:$0x3] =	stream.strided.gather [spmem:s26], $0x280, s18, s15, $0x200038;
	[tilespmem:$0x1B5C0] =	vst v63  }
0x2a7: {  	s26 =	rddreg [dreg:$0xb];
	s28 =	simm.s32 $0xD100  }
0x2a8: {  	[tilespmem:s28], [sflag:$0x3] =	stream.strided.gather [spmem:s26], $0x280, s18, s15, $0x200038;
	[tilespmem:$0x1B5C0] =	vst v63  }
0x2a9: {  	s26 =	rddreg [dreg:$0xc];
	s28 =	simm.s32 $0xD380  }
0x2aa: {  	[tilespmem:s28], [sflag:$0x3] =	stream.strided.gather [spmem:s26], $0x280, s18, s15, $0x200038;
	[tilespmem:$0x1B5C0] =	vst v63  }
0x2ab: {  	s26 =	rddreg [dreg:$0x11];
	s28 =	simm.s32 $0xD600  }
0x2ac: {  	[tilespmem:s28], [sflag:$0x3] =	stream.strided.gather [spmem:s26], $0x280, s18, s15, $0x200038;
	[tilespmem:$0x1B5C0] =	vst v63  }
0x2ad: {  	s26 =	rddreg [dreg:$0x15];
	s28 =	simm.s32 $0xD880  }
0x2ae: {  	[tilespmem:s28], [sflag:$0x3] =	stream.strided.gather [spmem:s26], $0x280, s18, s15, $0x200038;
	[tilespmem:$0x1B5C0] =	vst v63  }
0x2af: {  	s26 =	rddreg [dreg:$0x16];
	s28 =	simm.s32 $0xDB00  }
0x2b0: {  	[tilespmem:s28], [sflag:$0x3] =	stream.strided.gather [spmem:s26], $0x280, s18, s15, $0x200038;
	[tilespmem:$0x1B5C0] =	vst v63  }
0x2b1: {  	s25 =	simm.s32 $0xDD80  }
0x2b2: {  	[tilespmem:s25], [sflag:$0x3] =	stream.strided.gather [spmem:s29], $0x280, s18, s15, $0x200038;
	[tilespmem:$0x1B5C0] =	vst v63  }
0x2b3: {  	s26 =	simm.s32 $0xE000  }
0x2b4: {  	[tilespmem:s26], [sflag:$0x3] =	stream.strided.gather [spmem:s30], $0x280, s18, s15, $0x200038;
	[tilespmem:$0x1B5C0] =	vst v63  }
0x2b5: {  	s28 =	simm.s32 $0xE280  }
0x2b6: {  	[tilespmem:s28], [sflag:$0x3] =	stream.strided.gather [spmem:s31], $0x280, s18, s15, $0x200038;
	[tilespmem:$0x1B5C0] =	vst v63  }
0x2b7: {  	s25 =	simm.s32 $0xE500  }
0x2b8: {  	[tilespmem:s25], [sflag:$0x3] =	stream.strided.gather [spmem:s1], $0x280, s18, s15, $0x200038;
	[tilespmem:$0x1B5C0] =	vst v63  }
0x2b9: {  	s26 =	simm.s32 $0xE780  }
0x2ba: {  	[tilespmem:s26], [sflag:$0x3] =	stream.strided.gather [spmem:s0], $0x280, s18, s15, $0x200038;
	[tilespmem:$0x1B5C0] =	vst v63  }
0x2bb: {  	s28 =	simm.s32 $0xEA00  }
0x2bc: {  	[tilespmem:s28], [sflag:$0x3] =	stream.strided.gather [spmem:s4], $0x280, s18, s15, $0x200038;
	[tilespmem:$0x1B5C0] =	vst v63  }
0x2bd: {  	s25 =	simm.s32 $0xEC80  }
0x2be: {  	[tilespmem:s25], [sflag:$0x3] =	stream.strided.gather [spmem:s5], $0x280, s18, s15, $0x200038;
	[tilespmem:$0x1B5C0] =	vst v63  }
0x2bf: {  	_ =	swait.ge [sflag:s19], $0x280  }
0x2c0: {  	[sflag:s19] =	ssyncset.done $0x0  }
0x2c1: {  	[sflag:s19] =	ssyncadd.s32 $0xFFFFFD80  }
0x2c2: {  	_ =	swait.ge [sflag:s19], $0x280  }
0x2c3: {  	[sflag:s19] =	ssyncset.done $0x0  }
0x2c4: {  	[sflag:s19] =	ssyncadd.s32 $0xFFFFFD80  }
0x2c5: {  	_ =	swait.ge [sflag:s19], $0x280  }
0x2c6: {  	[sflag:s19] =	ssyncset.done $0x0  }
0x2c7: {  	[sflag:s19] =	ssyncadd.s32 $0xFFFFFD80  }
0x2c8: {  	_ =	swait.ge [sflag:s19], $0x280  }
0x2c9: {  	[sflag:s19] =	ssyncset.done $0x0  }
0x2ca: {  	[sflag:s19] =	ssyncadd.s32 $0xFFFFFD80  }
0x2cb: {  	_ =	swait.ge [sflag:s19], $0x280  }
0x2cc: {  	[sflag:s19] =	ssyncset.done $0x0  }
0x2cd: {  	[sflag:s19] =	ssyncadd.s32 $0xFFFFFD80  }
0x2ce: {  	_ =	swait.ge [sflag:s19], $0x280  }
0x2cf: {  	[sflag:s19] =	ssyncset.done $0x0  }
0x2d0: {  	[sflag:s19] =	ssyncadd.s32 $0xFFFFFD80  }
0x2d1: {  	_ =	swait.ge [sflag:s19], $0x280  }
0x2d2: {  	[sflag:s19] =	ssyncset.done $0x0  }
0x2d3: {  	[sflag:s19] =	ssyncadd.s32 $0xFFFFFD80  }
0x2d4: {  	_ =	swait.ge [sflag:s19], $0x280  }
0x2d5: {  	[sflag:s19] =	ssyncset.done $0x0  }
0x2d6: {  	[sflag:s19] =	ssyncadd.s32 $0xFFFFFD80  }
0x2d7: {  	_ =	swait.ge [sflag:s19], $0x280  }
0x2d8: {  	[sflag:s19] =	ssyncset.done $0x0  }
0x2d9: {  	[sflag:s19] =	ssyncadd.s32 $0xFFFFFD80  }
0x2da: {  	_ =	swait.ge [sflag:s19], $0x280  }
0x2db: {  	[sflag:s19] =	ssyncset.done $0x0  }
0x2dc: {  	[sflag:s19] =	ssyncadd.s32 $0xFFFFFD80  }
0x2dd: {  	_ =	swait.ge [sflag:s19], $0x280  }
0x2de: {  	[sflag:s19] =	ssyncset.done $0x0  }
0x2df: {  	[sflag:s19] =	ssyncadd.s32 $0xFFFFFD80  }
0x2e0: {  	_ =	swait.ge [sflag:s19], $0x280  }
0x2e1: {  	[sflag:s19] =	ssyncset.done $0x0  }
0x2e2: {  	[sflag:s19] =	ssyncadd.s32 $0xFFFFFD80  }
0x2e3: {  	_ =	swait.ge [sflag:s19], $0x280  }
0x2e4: {  	[sflag:s19] =	ssyncset.done $0x0  }
0x2e5: {  	[sflag:s19] =	ssyncadd.s32 $0xFFFFFD80  }
0x2e6: {  	_ =	swait.ge [sflag:s19], $0x280  }
0x2e7: {  	[sflag:s19] =	ssyncset.done $0x0  }
0x2e8: {  	[sflag:s19] =	ssyncadd.s32 $0xFFFFFD80  }
0x2e9: {  	_ =	swait.ge [sflag:s19], $0x280  }
0x2ea: {  	[sflag:s19] =	ssyncset.done $0x0  }
0x2eb: {  	[sflag:s19] =	ssyncadd.s32 $0xFFFFFD80  }
0x2ec: {  	_ =	swait.ge [sflag:s19], $0x280  }
0x2ed: {  	s26 =	simm.s32 $0x0;
	[sflag:s19] =	ssyncset.done $0x0  }
0x2ee: {  	s24 =	sand.u32 $0x3F0, s26;
	[sflag:s19] =	ssyncadd.s32 $0xFFFFFD80  }
0x2ef: {  	v3 =	vld [tilespmem:s24+$0xC980]  }
0x2f0: {  	v4 =	vld [tilespmem:s23+$0x0];
	_ =	sdelay $0x1  }
0x2f1: {  	v5 =	vld [tilespmem:s24+$0xCC00];
	_ =	sdelay $0x1  }
0x2f2: {  	v6 =	vld [tilespmem:s24+$0xCE80]  }
0x2f3: {  	v3 =	vadd.f32 v3, v4  }
0x2f4: {  	v4 =	vld [tilespmem:s24+$0xD100]  }
0x2f5: {  	v3 =	vadd.f32 v5, v3  }
0x2f6: {  	v5 =	vld [tilespmem:s24+$0xD380]  }
0x2f7: {  	v3 =	vadd.f32 v6, v3  }
0x2f8: {  	v60 =	vld [tilespmem:s24+$0xD600]  }
0x2f9: {  	v3 =	vadd.f32 v4, v3  }
0x2fa: {  	v4 =	vld [tilespmem:s24+$0xD880]  }
0x2fb: {  	v3 =	vadd.f32 v5, v3  }
0x2fc: {  	v5 =	vld [tilespmem:s24+$0xDB00]  }
0x2fd: {  	v3 =	vadd.f32 v60, v3  }
0x2fe: {  	v61 =	vld [tilespmem:s24+$0xDD80]  }
0x2ff: {  	v3 =	vadd.f32 v4, v3  }
0x300: {  	v4 =	vld [tilespmem:s24+$0xE000]  }
0x301: {  	v3 =	vadd.f32 v5, v3  }
0x302: {  	v5 =	vld [tilespmem:s24+$0xE280]  }
0x303: {  	v3 =	vadd.f32 v61, v3  }
0x304: {  	v62 =	vld [tilespmem:s24+$0xE500]  }
0x305: {  	v3 =	vadd.f32 v4, v3  }
0x306: {  	v4 =	vld [tilespmem:s24+$0xE780]  }
0x307: {  	v3 =	vadd.f32 v5, v3  }
0x308: {  	v5 =	vld [tilespmem:s24+$0xEA00]  }
0x309: {  	v3 =	vadd.f32 v62, v3  }
0x30a: {  	v63 =	vld [tilespmem:s24+$0xEC80]  }
0x30b: {  	v3 =	vadd.f32 v4, v3;
	_ =	sdelay $0x1  }
0x30c: {  	v3 =	vadd.f32 v5, v3;
	_ =	sdelay $0x1  }
0x30d: {  	v3 =	vadd.f32 v63, v3  }
0x30e: {  	s28 =	simm.s32 $0x10;
	s23 =	simm.s32 $0x9F00  }
0x30f: {  	s24 =	sand.u32 $0x3F0, s28;
	[tilespmem:s23+$0x0] =	vst v3  }
0x310: {  	s26 =	simm.s32 $0x20;
	s25 =	simm.s32 $0xC710;
	v3 =	vld [tilespmem:s24+$0xC980]  }
.LBB2_20:
0x311: {  	p1 =	sne.s32 s26, $0x270;
	v4 =	vld [tilespmem:s25+$0x0];
	_ =	sdelay $0x1  }
0x312: {  	v5 =	vld [tilespmem:s24+$0xCC00];
	_ =	sdelay $0x1  }
0x313: {  	v6 =	vld [tilespmem:s24+$0xCE80]  }
0x314: {  	v3 =	vadd.f32 v3, v4  }
0x315: {  	v4 =	vld [tilespmem:s24+$0xD100]  }
0x316: {  	v3 =	vadd.f32 v5, v3  }
0x317: {  	v5 =	vld [tilespmem:s24+$0xD380]  }
0x318: {  	v3 =	vadd.f32 v6, v3  }
0x319: {  	v6 =	vld [tilespmem:s24+$0xD600]  }
0x31a: {  	v3 =	vadd.f32 v4, v3  }
0x31b: {  	v4 =	vld [tilespmem:s24+$0xD880]  }
0x31c: {  	v3 =	vadd.f32 v5, v3  }
0x31d: {  	v5 =	vld [tilespmem:s24+$0xDB00]  }
0x31e: {  	v3 =	vadd.f32 v6, v3  }
0x31f: {  	v6 =	vld [tilespmem:s24+$0xDD80]  }
0x320: {  	v3 =	vadd.f32 v4, v3  }
0x321: {  	v4 =	vld [tilespmem:s24+$0xE000]  }
0x322: {  	v3 =	vadd.f32 v5, v3  }
0x323: {  	v5 =	vld [tilespmem:s24+$0xE280]  }
0x324: {  	v3 =	vadd.f32 v6, v3  }
0x325: {  	v6 =	vld [tilespmem:s24+$0xE500]  }
0x326: {  	v3 =	vadd.f32 v4, v3  }
0x327: {  	v4 =	vld [tilespmem:s24+$0xE780]  }
0x328: {  	v3 =	vadd.f32 v5, v3  }
0x329: {  	v5 =	vld [tilespmem:s24+$0xEA00]  }
0x32a: {  	v3 =	vadd.f32 v6, v3  }
0x32b: {  	v6 =	vld [tilespmem:s24+$0xEC80]  }
0x32c: {  	v3 =	vadd.f32 v4, v3;
	_ =	sdelay $0x1  }
0x32d: {  	v3 =	vadd.f32 v5, v3  }
.Ltmp9:
0x32e: {  	(pc) =	sbr.rel @p1 .LBB2_20-.Ltmp9, $4  }
0x32f: {  	v3 =	vadd.f32 v6, v3  }
0x330: {  	s23 =	sadd.s32 $0x10, s23  }
0x331: {  	s24 =	sand.u32 $0x3F0, s26;
	[tilespmem:s23+$0x0] =	vst v3  }
0x332: {  	s25 =	sadd.s32 $0x10, s25;
	s26 =	sadd.s32 $0x10, s26;
	v3 =	vld [tilespmem:s24+$0xC980]  }
0x333: {  	v4 =	vld [tilespmem:s25+$0x0];
	_ =	sdelay $0x1  }
0x334: {  	v5 =	vld [tilespmem:s24+$0xCC00];
	_ =	sdelay $0x1  }
0x335: {  	v6 =	vld [tilespmem:s24+$0xCE80]  }
0x336: {  	v3 =	vadd.f32 v3, v4  }
0x337: {  	v52 =	vld [tilespmem:s24+$0xD100]  }
0x338: {  	v3 =	vadd.f32 v5, v3  }
0x339: {  	v53 =	vld [tilespmem:s24+$0xD380]  }
0x33a: {  	v3 =	vadd.f32 v6, v3  }
0x33b: {  	v54 =	vld [tilespmem:s24+$0xD600]  }
0x33c: {  	v3 =	vadd.f32 v52, v3  }
0x33d: {  	v55 =	vld [tilespmem:s24+$0xD880]  }
0x33e: {  	v3 =	vadd.f32 v53, v3  }
0x33f: {  	v56 =	vld [tilespmem:s24+$0xDB00]  }
0x340: {  	v3 =	vadd.f32 v54, v3  }
0x341: {  	v57 =	vld [tilespmem:s24+$0xDD80]  }
0x342: {  	v3 =	vadd.f32 v55, v3  }
0x343: {  	v58 =	vld [tilespmem:s24+$0xE000]  }
0x344: {  	v3 =	vadd.f32 v56, v3  }
0x345: {  	v59 =	vld [tilespmem:s24+$0xE280]  }
0x346: {  	v3 =	vadd.f32 v57, v3  }
0x347: {  	v60 =	vld [tilespmem:s24+$0xE500]  }
0x348: {  	v3 =	vadd.f32 v58, v3  }
0x349: {  	v61 =	vld [tilespmem:s24+$0xE780]  }
0x34a: {  	v3 =	vadd.f32 v59, v3  }
0x34b: {  	v62 =	vld [tilespmem:s24+$0xEA00]  }
0x34c: {  	v3 =	vadd.f32 v60, v3  }
0x34d: {  	v63 =	vld [tilespmem:s24+$0xEC80]  }
0x34e: {  	v3 =	vadd.f32 v61, v3;
	_ =	sdelay $0x1  }
0x34f: {  	v3 =	vadd.f32 v62, v3;
	_ =	sdelay $0x1  }
0x350: {  	v3 =	vadd.f32 v63, v3  }
0x351: {  	s23 =	sadd.s32 $0x10, s23  }
0x352: {  	s26 =	rddreg [dreg:$0x12];
	[tilespmem:s23+$0x0] =	vst v3  }
0x353: {  	[spmem:s26] =	stream.linear.scatter [tilespmem:s10], [sflag:$0x5], $0x280, $0x200038;
	[tilespmem:$0x1B5C0] =	vst v63  }
0x354: {  	_ =	swait.ge [sflag:s12], $0x280  }
0x355: {  	[sflag:s12] =	ssyncset.done $0x0  }
0x356: {  	[sflag:s12] =	ssyncadd.s32 $0xFFFFFD80  }
0x357: {  	_ =	strace $0x9000004E  }
0x358: {  	_ =	strace $0x8000004F  }
0x359: {  	_ =	swait.ge [sflag:s17], $0x80  }
0x35a: {  	[sflag:s17] =	ssyncset.done $0x0  }
0x35b: {  	[sflag:s17] =	ssyncadd.s32 $0xFFFFFF80  }
0x35c: {  	_ =	swait.ge [sflag:s17], $0x80  }
0x35d: {  	[sflag:s17] =	ssyncset.done $0x0  }
0x35e: {  	[sflag:s17] =	ssyncadd.s32 $0xFFFFFF80  }
0x35f: {  	_ =	swait.ge [sflag:s17], $0x80  }
0x360: {  	[sflag:s17] =	ssyncset.done $0x0  }
0x361: {  	[sflag:s17] =	ssyncadd.s32 $0xFFFFFF80  }
0x362: {  	_ =	swait.ge [sflag:s17], $0x80  }
0x363: {  	[sflag:s17] =	ssyncset.done $0x0  }
0x364: {  	[sflag:s17] =	ssyncadd.s32 $0xFFFFFF80  }
0x365: {  	_ =	swait.ge [sflag:s17], $0x80  }
0x366: {  	[sflag:s17] =	ssyncset.done $0x0  }
0x367: {  	[sflag:s17] =	ssyncadd.s32 $0xFFFFFF80  }
0x368: {  	_ =	swait.ge [sflag:s17], $0x80  }
0x369: {  	[sflag:s17] =	ssyncset.done $0x0  }
0x36a: {  	[sflag:s17] =	ssyncadd.s32 $0xFFFFFF80  }
0x36b: {  	_ =	swait.ge [sflag:s17], $0x80  }
0x36c: {  	[sflag:s17] =	ssyncset.done $0x0  }
0x36d: {  	[sflag:s17] =	ssyncadd.s32 $0xFFFFFF80  }
0x36e: {  	_ =	swait.ge [sflag:s17], $0x80  }
0x36f: {  	[sflag:s17] =	ssyncset.done $0x0  }
0x370: {  	[sflag:s17] =	ssyncadd.s32 $0xFFFFFF80  }
0x371: {  	_ =	swait.ge [sflag:s17], $0x80  }
0x372: {  	[sflag:s17] =	ssyncset.done $0x0  }
0x373: {  	[sflag:s17] =	ssyncadd.s32 $0xFFFFFF80  }
0x374: {  	_ =	swait.ge [sflag:s17], $0x80  }
0x375: {  	[sflag:s17] =	ssyncset.done $0x0  }
0x376: {  	[sflag:s17] =	ssyncadd.s32 $0xFFFFFF80  }
0x377: {  	_ =	swait.ge [sflag:s17], $0x80  }
0x378: {  	[sflag:s17] =	ssyncset.done $0x0  }
0x379: {  	[sflag:s17] =	ssyncadd.s32 $0xFFFFFF80  }
0x37a: {  	_ =	swait.ge [sflag:s17], $0x80  }
0x37b: {  	[sflag:s17] =	ssyncset.done $0x0  }
0x37c: {  	[sflag:s17] =	ssyncadd.s32 $0xFFFFFF80  }
0x37d: {  	_ =	swait.ge [sflag:s17], $0x80  }
0x37e: {  	[sflag:s17] =	ssyncset.done $0x0  }
0x37f: {  	[sflag:s17] =	ssyncadd.s32 $0xFFFFFF80  }
0x380: {  	_ =	swait.ge [sflag:s17], $0x80  }
0x381: {  	[sflag:s17] =	ssyncset.done $0x0  }
0x382: {  	[sflag:s17] =	ssyncadd.s32 $0xFFFFFF80  }
0x383: {  	_ =	swait.ge [sflag:s17], $0x80  }
0x384: {  	[sflag:s17] =	ssyncset.done $0x0  }
0x385: {  	[sflag:s17] =	ssyncadd.s32 $0xFFFFFF80  }
0x386: {  	_ =	swait.ge [sflag:s17], $0x80  }
0x387: {  	[sflag:s17] =	ssyncset.done $0x0  }
0x388: {  	[sflag:s17] =	ssyncadd.s32 $0xFFFFFF80  }
0x389: {  	_ =	swait.ge [sflag:s17], $0x80  }
0x38a: {  	[sflag:s17] =	ssyncset.done $0x0  }
0x38b: {  	[sflag:s17] =	ssyncadd.s32 $0xFFFFFF80  }
0x38c: {  	_ =	swait.ge [sflag:s17], $0x80  }
0x38d: {  	[sflag:s17] =	ssyncset.done $0x0  }
0x38e: {  	[sflag:s17] =	ssyncadd.s32 $0xFFFFFF80  }
0x38f: {  	_ =	swait.ge [sflag:s17], $0x80  }
0x390: {  	[sflag:s17] =	ssyncset.done $0x0  }
0x391: {  	[sflag:s17] =	ssyncadd.s32 $0xFFFFFF80  }
0x392: {  	_ =	swait.ge [sflag:s17], $0x80  }
0x393: {  	[sflag:s17] =	ssyncset.done $0x0  }
0x394: {  	[sflag:s17] =	ssyncadd.s32 $0xFFFFFF80  }
0x395: {  	_ =	strace $0x9000004F  }
0x396: {  	[bflag:$0x0] =	sbarrier.arrive $0xFFFF  }
0x397: {  	_ =	strace $0x80000050  }
0x398: {  	[tilespmem:s10], [sflag:$0x5] =	stream.linear.gather [spmem:s6], $0x2710, $0x200038;
	[tilespmem:$0x1B5C0] =	vst v63  }
0x399: {  	_ =	swait.ge [sflag:s12], $0x2710  }
0x39a: {  	[sflag:s12] =	ssyncset.done $0x0  }
0x39b: {  	[sflag:s12] =	ssyncadd.s32 $0xFFFFD8F0  }
0x39c: {  	[tilespmem:s13], [sflag:$0x4] =	stream.linear.gather [spmem:s7], $0x2710, $0x200038;
	[tilespmem:$0x1B5C0] =	vst v63  }
0x39d: {  	s28 =	rddreg [dreg:$0xd]  }
0x39e: {  	[hbm4b:s28+s15] =	stream.strided.scatter [tilespmem:s10], [sflag:$0x5], $0x2800, s18, s15, $0x200038;
	[tilespmem:$0x1B5C0] =	vst v63  }
0x39f: {  	_ =	swait.ge [sflag:s12], $0x2800  }
0x3a0: {  	[sflag:s12] =	ssyncset.done $0x0  }
0x3a1: {  	[sflag:s12] =	ssyncadd.s32 $0xFFFFD800  }
0x3a2: {  	_ =	swait.ge [sflag:s20], $0x2710  }
0x3a3: {  	[sflag:s20] =	ssyncset.done $0x0  }
0x3a4: {  	[sflag:s20] =	ssyncadd.s32 $0xFFFFD8F0  }
0x3a5: {  	[tilespmem:s10], [sflag:$0x4] =	stream.linear.gather [spmem:s8], $0x2710, $0x200038;
	[tilespmem:$0x1B5C0] =	vst v63  }
0x3a6: {  	s24 =	rddreg [dreg:$0xe]  }
0x3a7: {  	[hbm4b:s24+s15] =	stream.strided.scatter [tilespmem:s13], [sflag:$0x5], $0x2800, s18, s15, $0x200038;
	[tilespmem:$0x1B5C0] =	vst v63  }
0x3a8: {  	_ =	swait.ge [sflag:s12], $0x2800  }
0x3a9: {  	[sflag:s12] =	ssyncset.done $0x0  }
0x3aa: {  	[sflag:s12] =	ssyncadd.s32 $0xFFFFD800  }
0x3ab: {  	_ =	swait.ge [sflag:s20], $0x2710  }
0x3ac: {  	[sflag:s20] =	ssyncset.done $0x0  }
0x3ad: {  	[sflag:s20] =	ssyncadd.s32 $0xFFFFD8F0  }
0x3ae: {  	[tilespmem:s13], [sflag:$0x4] =	stream.linear.gather [spmem:s9], $0x2710, $0x200038;
	[tilespmem:$0x1B5C0] =	vst v63  }
0x3af: {  	s25 =	rddreg [dreg:$0xf]  }
0x3b0: {  	[hbm4b:s25+s15] =	stream.strided.scatter [tilespmem:s10], [sflag:$0x5], $0x2800, s18, s15, $0x200038;
	[tilespmem:$0x1B5C0] =	vst v63  }
0x3b1: {  	_ =	swait.ge [sflag:s12], $0x2800  }
0x3b2: {  	[sflag:s12] =	ssyncset.done $0x0  }
0x3b3: {  	[sflag:s12] =	ssyncadd.s32 $0xFFFFD800  }
0x3b4: {  	_ =	swait.ge [sflag:s20], $0x2710  }
0x3b5: {  	[sflag:s20] =	ssyncset.done $0x0  }
0x3b6: {  	s26 =	rddreg [dreg:$0x10];
	[sflag:s20] =	ssyncadd.s32 $0xFFFFD8F0  }
0x3b7: {  	[hbm4b:s26+s15] =	stream.strided.scatter [tilespmem:s13], [sflag:$0x5], $0x2800, s18, s15, $0x200038;
	[tilespmem:$0x1B5C0] =	vst v63  }
0x3b8: {  	_ =	swait.ge [sflag:s12], $0x2800  }
0x3b9: {  	[sflag:s12] =	ssyncset.done $0x0  }
0x3ba: {  	s23 =	simm.s32 @!p0 $0x9F00;
	s24 =	simm.s32 @!p0 $0x5;
	[sflag:s12] =	ssyncadd.s32 $0xFFFFD800  }
0x3bb: {  	[tilespmem:s23], [sflag:$0x5] =	stream.linear.gather @!p0 [spmem:s22], $0x2800, $0x200038;
	[tilespmem:$0x1B5C0] =	vst v63  }
0x3bc: {  	_ =	swait.ge @!p0 [sflag:s24], $0x2800  }
0x3bd: {  	s25 =	simm.s32 @!p0 $0x80;
	[sflag:s24] =	ssyncset.done @!p0 $0x0  }
0x3be: {  	s26 =	simm.s32 @!p0 $0x100;
	s28 =	rddreg [dreg:$0x13];
	[sflag:s24] =	ssyncadd.s32 @!p0 $0xFFFFD800  }
0x3bf: {  	[hbm4b:s28+s25] =	stream.strided.scatter @!p0 [tilespmem:s23], [sflag:$0x5], $0x2800, s26, s25, $0x200038;
	[tilespmem:$0x1B5C0] =	vst v63  }
0x3c0: {  	_ =	swait.ge @!p0 [sflag:s24], $0x2800  }
0x3c1: {  	s21 =	sadd.s32 $0x1, s21;
	s28 =	rddreg [dreg:$0x14]  }
0x3c2: {  	p1 =	sne.s32 s21, s28  }
.Ltmp10:
0x3c3: {  	_ = 	snop;
	(pc) =	sbr.rel @p1 .LBB2_1-.Ltmp10, $4  }
0x3c4: {  	_ = 	snop  }
0x3c5: {  	[sflag:s24] =	ssyncset.done @!p0 $0x0  }
0x3c6: {  	[sflag:s24] =	ssyncadd.s32 @!p0 $0xFFFFD800  }
0x3c7: {  	_ =	strace $0x90000050  }
0x3c8: {  	_ =	sfence.sel $0x180000  }
0x3c9: {  	[bflag:$0x0] =	sbarrier.arrive $0xFFFF  }
0x3ca: {  	_ =	strace $0x90000047  }
0x3cb: {  	[bflag:$0x2] =	sbarrier.arrive $0xFFFF  }
0x3cc: {  	s0 =	rddreg [dreg:$0x4]  }
0x3cd: {  	s0 =	sadd.s32 @!p0 $0x100000, s0  }
0x3ce: {  	[sflag:s0] =	ssyncadd.tile.s32 @!p0 $0x1;
	_ =	shalt  }
.Lfunc_end2:
_tile_overlayer_lowered:
.L_overlay_start_2:
0x3cf: {  	(tag) =	ssettag $0x2  }
0x3d0: {  	s0 =	rddreg [dreg:$0x0];
	s2 =	stileid.u32  }
0x3d1: {  	s1 =	rddreg [dreg:$0x1];
	p0 =	sne.s32 s2, $0x0  }
0x3d2: {  	s3 =	rddreg [dreg:$0x2];
	[bflag:$0x3] =	sbarrier.arrive $0xFFFF;
	s2 =	simm.s32 @!p0 $0x1C05  }
0x3d3: {  	[timem:s3], [sflag:s2] =	dma.local @!p0 [hbm:s0], s1  }
0x3d4: {  	s0 =	simm.s32 @!p0 $0x5  }
0x3d5: {  	_ =	swait.ge @!p0 [sflag:s0], s1  }
0x3d6: {  	s1 =	ssub.s32 @!p0 $0x0, s1;
	[sflag:s0] =	ssyncset.done @!p0 $0x0  }
0x3d7: {  	[sflag:s0] =	ssyncadd.s32 @!p0 s1  }
0x3d8: {  	[bflag:$0x3] =	sbarrier.arrive $0xFFFF  }
0x3d9: {  	_ =	shalt  }

</sc_bundles>
